<compile_context>
chip_gen: v7x
topology: tpu7x:2x2x1
jax: 0.10.2.dev20260603
libtpu: 0.0.44.dev20260713+nightly
codegen_flags: <defaults>
</compile_context>

<pallas_src>
import functools

import jax
import jax.numpy as jnp
from jax import lax
from jax.experimental import pallas as pl
from jax.experimental.pallas import tpu as pltpu
from jax.experimental.pallas import tpu_sc as plsc

N = 10000
E = 160000
D = 128
NET = 3

NC = 2
NS = 16
NW = NC * NS

CH = 125
NCHUNK = E // CH
CT = NCHUNK // NW

NPAD = 10112
ROWS_PER_TILE = NPAD // NS

NSLOT = 10240
PACK_N = NSLOT // NS
EPAD = 163840
ECT = EPAD // NW

BT = 1000
GRID = N // BT

_mesh = plsc.VectorSubcoreMesh(core_axis_name="c", subcore_axis_name="s")



@functools.partial(
    pl.kernel,
    mesh=_mesh,
    out_type=jax.ShapeDtypeStruct((NC * NSLOT * D,), jnp.float32),
    scratch_types=[
        pltpu.VMEM((ECT,), jnp.int32),
        pltpu.VMEM((ECT,), jnp.float32),
        pltpu.VMEM((PACK_N,), jnp.float32),
        pltpu.VMEM((PACK_N,), jnp.int32),
        pltpu.VMEM_SHARED((NSLOT,), jnp.float32),
        pltpu.VMEM_SHARED((NSLOT,), jnp.float32),
        pltpu.VMEM_SHARED((NSLOT,), jnp.float32),
        pltpu.VMEM_SHARED((NSLOT,), jnp.float32),
        pltpu.VMEM_SHARED((NSLOT,), jnp.float32),
        pltpu.VMEM_SHARED((NSLOT,), jnp.float32),
        pltpu.VMEM_SHARED((NSLOT * D,), jnp.float32),
    ],
)
def _sc_degrees(ei0_h, ei1_h, ei2_h, pidx_h, ones_h, zeros_h, out_h,
                idx_v, ones_v, cstage_v, pidx_v,
                dg0, dg1, dg2, dg3, dg4, dg5, pack_sh):
    c = lax.axis_index("c")
    s = lax.axis_index("s")
    eis = (ei0_h, ei1_h, ei2_h)
    degs = (dg0, dg1, dg2, dg3, dg4, dg5)
    w0 = (c * NS + s) * CT
    z0 = s * PACK_N
    pltpu.sync_copy(ones_h, ones_v)
    for d6 in range(2 * NET):
        pltpu.sync_copy(zeros_h.at[pl.ds(z0, PACK_N)],
                        degs[d6].at[pl.ds(z0, PACK_N)])
    plsc.subcore_barrier()
    e0 = (c * NS + s) * ECT
    for d6 in range(2 * NET):
        e, dr = divmod(d6, 2)
        pltpu.sync_copy(eis[e].at[dr, 0, pl.ds(e0, ECT)], idx_v)
        pltpu.sync_copy(ones_v, degs[d6].at[idx_v], add=True)
    plsc.subcore_barrier()
    for d6 in range(2 * NET):
        pltpu.sync_copy(degs[d6].at[pl.ds(z0, PACK_N)], cstage_v)
        pltpu.sync_copy(pidx_h.at[d6, 0, pl.ds(z0, PACK_N)], pidx_v)
        pltpu.sync_copy(cstage_v, pack_sh.at[pidx_v])
    plsc.subcore_barrier()
    r1 = s * PACK_N * D
    pltpu.sync_copy(pack_sh.at[pl.ds(r1, PACK_N * D)],
                    out_h.at[pl.ds(c * NSLOT * D + r1, PACK_N * D)])


@functools.partial(
    pl.kernel,
    mesh=_mesh,
    out_type=jax.ShapeDtypeStruct((NET, NC, NPAD, D), jnp.float32),
    scratch_types=[
        pltpu.VMEM((CT, CH), jnp.int32),
        pltpu.VMEM((CT, CH), jnp.int32),
        pltpu.VMEM((CH, D), jnp.float32),
        pltpu.VMEM((CH, D), jnp.float32),
        pltpu.VMEM_SHARED((NPAD, D), jnp.float32),
        pltpu.SemaphoreType.DMA,
        pltpu.SemaphoreType.DMA,
    ],
)
def _sc_agg(tab0_h, tab1_h, tab2_h, ei0_h, ei1_h, ei2_h, zeros_h, out_h,
            idxs_v, idxd_v, rows0_v, rows1_v, agg_sh, sem0, sem1):
    c = lax.axis_index("c")
    s = lax.axis_index("s")
    w0 = (c * NS + s) * CT
    r0 = s * ROWS_PER_TILE
    tabs = (tab0_h, tab1_h, tab2_h)
    eis = (ei0_h, ei1_h, ei2_h)
    for e in range(NET):
        tab_h = tabs[e]
        pltpu.sync_copy(eis[e].at[0, pl.ds(w0, CT)], idxs_v)
        pltpu.sync_copy(eis[e].at[1, pl.ds(w0, CT)], idxd_v)
        pltpu.sync_copy(zeros_h.at[pl.ds(r0, ROWS_PER_TILE)],
                        agg_sh.at[pl.ds(r0, ROWS_PER_TILE)])
        plsc.subcore_barrier()
        b = 0
        pltpu.async_copy(tab_h.at[idxs_v.at[b]], rows0_v, sem0)
        pltpu.async_copy(tab_h.at[idxs_v.at[b + 1]], rows1_v, sem1)

        def step(t2, carry):
            t = b + 2 * t2
            pltpu.make_async_copy(tab_h.at[idxs_v.at[t]], rows0_v, sem0).wait()
            pltpu.sync_copy(rows0_v, agg_sh.at[idxd_v.at[t]], add=True)
            pltpu.async_copy(tab_h.at[idxs_v.at[t + 2]], rows0_v, sem0)
            pltpu.make_async_copy(
                tab_h.at[idxs_v.at[t + 1]], rows1_v, sem1).wait()
            pltpu.sync_copy(rows1_v, agg_sh.at[idxd_v.at[t + 1]], add=True)
            pltpu.async_copy(tab_h.at[idxs_v.at[t + 3]], rows1_v, sem1)
            return carry

        lax.fori_loop(0, CT // 2 - 1, step, None)
        t = b + CT - 2
        pltpu.make_async_copy(tab_h.at[idxs_v.at[t]], rows0_v, sem0).wait()
        pltpu.sync_copy(rows0_v, agg_sh.at[idxd_v.at[t]], add=True)
        pltpu.make_async_copy(tab_h.at[idxs_v.at[t + 1]], rows1_v, sem1).wait()
        pltpu.sync_copy(rows1_v, agg_sh.at[idxd_v.at[t + 1]], add=True)
        plsc.subcore_barrier()
        pltpu.sync_copy(agg_sh.at[pl.ds(r0, ROWS_PER_TILE)],
                        out_h.at[e, c, pl.ds(r0, ROWS_PER_TILE)])



def _rs_block(degw):
    return lax.rsqrt(jnp.maximum(degw[0] + degw[1], 1.0))


def _prep_body(x_ref, degw_ref, t0_ref, t1_ref, t2_ref):
    rs = _rs_block(degw_ref[...])
    x = x_ref[...]
    for e, tref in enumerate((t0_ref, t1_ref, t2_ref)):
        tref[...] = x * rs[:, 2 * e:2 * e + 1]


def _prep(x, degw):
    return pl.pallas_call(
        _prep_body,
        grid=(GRID,),
        in_specs=[
            pl.BlockSpec((BT, D), lambda b: (b, 0)),
            pl.BlockSpec((NC, BT, D), lambda b: (0, b, 0)),
        ],
        out_specs=[pl.BlockSpec((BT, D), lambda b: (b, 0))] * NET,
        out_shape=[jax.ShapeDtypeStruct((N, D), jnp.float32)] * NET,
    )(x, degw)


def _layer_a_body(aggs_ref, degw_ref, w3_ref, bsum_ref,
                  fcw_ref, fcb_ref, u_ref, sums_ref):
    b = pl.program_id(0)
    rs = _rs_block(degw_ref[...])
    tot = bsum_ref[...] + jnp.zeros((BT, D), jnp.float32)
    for e in range(NET):
        p = (aggs_ref[e, 0] + aggs_ref[e, 1]) * rs[:, 2 * e + 1:2 * e + 2]
        tot = tot + jnp.dot(p, w3_ref[e], preferred_element_type=jnp.float32)
    u = jnp.dot(tot, fcw_ref[...], preferred_element_type=jnp.float32)
    u = jnp.maximum(u + fcb_ref[...], 0.0)
    u_ref[...] = u

    @pl.when(b == 0)
    def _():
        sums_ref[...] = jnp.zeros_like(sums_ref)

    sums_ref[0:1] = sums_ref[0:1] + jnp.sum(u, axis=0, keepdims=True)
    sums_ref[1:2] = sums_ref[1:2] + jnp.sum(u * u, axis=0, keepdims=True)


def _layer_a(aggs, degw, w3, bsum, fcw, fcb):
    return pl.pallas_call(
        _layer_a_body,
        grid=(GRID,),
        in_specs=[
            pl.BlockSpec((NET, NC, BT, D), lambda b: (0, 0, b, 0)),
            pl.BlockSpec((NC, BT, D), lambda b: (0, b, 0)),
            pl.BlockSpec((NET, D, D), lambda b: (0, 0, 0)),
            pl.BlockSpec((1, D), lambda b: (0, 0)),
            pl.BlockSpec((D, D), lambda b: (0, 0)),
            pl.BlockSpec((1, D), lambda b: (0, 0)),
        ],
        out_specs=[
            pl.BlockSpec((BT, D), lambda b: (b, 0)),
            pl.BlockSpec((2, D), lambda b: (0, 0)),
        ],
        out_shape=[
            jax.ShapeDtypeStruct((N, D), jnp.float32),
            jax.ShapeDtypeStruct((2, D), jnp.float32),
        ],
    )(aggs, degw, w3, bsum, fcw, fcb)


def _norm(u_ref, sums_ref, gb_ref):
    mean = sums_ref[0:1] / N
    var = sums_ref[1:2] / N - mean * mean
    inv = lax.rsqrt(var + 1e-5)
    return (u_ref[...] - mean) * (inv * gb_ref[0:1]) + gb_ref[1:2]


def _layer_b_mid_body(u_ref, sums_ref, gb_ref, degw_ref,
                      t0_ref, t1_ref, t2_ref):
    hn = _norm(u_ref, sums_ref, gb_ref)
    rs = _rs_block(degw_ref[...])
    for e, tref in enumerate((t0_ref, t1_ref, t2_ref)):
        tref[...] = hn * rs[:, 2 * e:2 * e + 1]


def _layer_b_mid(u, sums, gb, degw):
    return pl.pallas_call(
        _layer_b_mid_body,
        grid=(GRID,),
        in_specs=[
            pl.BlockSpec((BT, D), lambda b: (b, 0)),
            pl.BlockSpec((2, D), lambda b: (0, 0)),
            pl.BlockSpec((2, D), lambda b: (0, 0)),
            pl.BlockSpec((NC, BT, D), lambda b: (0, b, 0)),
        ],
        out_specs=[pl.BlockSpec((BT, D), lambda b: (b, 0))] * NET,
        out_shape=[jax.ShapeDtypeStruct((N, D), jnp.float32)] * NET,
    )(u, sums, gb, degw)


def _layer_b_fin_body(u_ref, sums_ref, gb_ref, h_ref):
    h_ref[...] = _norm(u_ref, sums_ref, gb_ref)


def _layer_b_fin(u, sums, gb):
    return pl.pallas_call(
        _layer_b_fin_body,
        grid=(GRID,),
        in_specs=[
            pl.BlockSpec((BT, D), lambda b: (b, 0)),
            pl.BlockSpec((2, D), lambda b: (0, 0)),
            pl.BlockSpec((2, D), lambda b: (0, 0)),
        ],
        out_specs=pl.BlockSpec((BT, D), lambda b: (b, 0)),
        out_shape=jax.ShapeDtypeStruct((N, D), jnp.float32),
    )(u, sums, gb)



def kernel(x, params, edge_index_residue, edge_index_seq, edge_index_knn):
    eis = [ei.astype(jnp.int32) for ei in
           (edge_index_residue, edge_index_seq, edge_index_knn)]
    eic = [ei.reshape(2, NCHUNK, CH) for ei in eis]

    ones_h = jnp.ones((ECT,), jnp.float32)
    zeros_deg = jnp.zeros((NSLOT,), jnp.float32)
    pidx = ((jnp.arange(NSLOT, dtype=jnp.int32) * D)[None, :]
            + jnp.arange(2 * NET, dtype=jnp.int32)[:, None]
            ).reshape(2 * NET, 1, NSLOT)
    zeros_agg = jnp.zeros((NPAD, D), jnp.float32)

    pad = jnp.full((2, EPAD - E), N, jnp.int32)
    eif = [jnp.concatenate([ei, pad], axis=1).reshape(2, 1, EPAD)
           for ei in eis]
    degw = _sc_degrees(eif[0], eif[1], eif[2], pidx, ones_h,
                       zeros_deg).reshape(NC, NSLOT, D)
    tabs = _prep(x, degw)

    h = None
    for l, p in enumerate(params):
        w3 = jnp.stack([p['W_residue'], p['W_seq'], p['W_knn']])
        bsum = (p['b_residue'] + p['b_seq'] + p['b_knn']).reshape(1, D)
        fcb = p['fcb'].reshape(1, D)
        gb = jnp.stack([p['gamma'], p['beta']])
        aggs = _sc_agg(tabs[0], tabs[1], tabs[2],
                       eic[0], eic[1], eic[2], zeros_agg)
        u, sums = _layer_a(aggs, degw, w3, bsum, p['fcW'], fcb)
        if l + 1 < len(params):
            tabs = _layer_b_mid(u, sums, gb, degw)
        else:
            h = _layer_b_fin(u, sums, gb)
    return h

# --- scband reference (transcript-rebuilt; emitter-appended) ---
"""Pipeline reference for scband-gnnencoder-8581344657809 (READ-ONLY COPY).

The authoritative reference and input builder live on the scoring server;
editing this copy changes nothing except your own understanding.
"""

import jax, jax.numpy as jnp
import numpy as np

N = 10000
E = 160000
DIN = 128
DH = 128
L = 2
ETYPES = ('residue', 'seq', 'knn')


def setup_inputs(seed: int = 0) -> dict:
    key = jax.random.key(seed)
    ks = jax.random.split(key, 20)
    x = jax.random.normal(ks[0], (N, DIN), dtype=jnp.float32)
    ei_res = jax.random.randint(ks[1], (2, E), 0, N, dtype=jnp.int64)
    ei_seq = jax.random.randint(ks[2], (2, E), 0, N, dtype=jnp.int64)
    ei_knn = jax.random.randint(ks[3], (2, E), 0, N, dtype=jnp.int64)
    params = []
    i = 4
    for l in range(L):
        din = DIN if l == 0 else DH
        layer = {}
        for et in ETYPES:
            layer['W_' + et] = jax.random.normal(ks[i], (din, DH), dtype=jnp.float32) * (1.0 / np.sqrt(din)); i += 1
            layer['b_' + et] = jnp.zeros((DH,), dtype=jnp.float32)
        layer['fcW'] = jax.random.normal(ks[i], (DH, DH), dtype=jnp.float32) * (1.0 / np.sqrt(DH)); i += 1
        layer['fcb'] = jnp.zeros((DH,), dtype=jnp.float32)
        layer['gamma'] = jnp.ones((DH,), dtype=jnp.float32)
        layer['beta'] = jnp.zeros((DH,), dtype=jnp.float32)
        params.append(layer)
    return {'x': x, 'params': params, 'edge_index_residue': ei_res,
            'edge_index_seq': ei_seq, 'edge_index_knn': ei_knn}


def _graph_conv(x, W, b, ei, n):
    # DGL GraphConv with norm='both': D_out^{-1/2} then A^T scatter-add then D_in^{-1/2}
    src, dst = ei[0], ei[1]
    deg_out = jnp.clip(jnp.bincount(src, length=n), 1).astype(x.dtype)
    deg_in = jnp.clip(jnp.bincount(dst, length=n), 1).astype(x.dtype)
    h = x * (deg_out ** -0.5)[:, None]
    h = h @ W
    agg = jax.ops.segment_sum(h[src], dst, num_segments=n)
    return agg * (deg_in ** -0.5)[:, None] + b


def reference(x, params, edge_index_residue, edge_index_seq, edge_index_knn):
    eis = {'residue': edge_index_residue, 'seq': edge_index_seq, 'knn': edge_index_knn}
    n = x.shape[0]
    h = x
    for l, p in enumerate(params):
        # HeteroGraphConv with aggregate='sum'
        out = jnp.zeros((n, p['fcW'].shape[0]), dtype=h.dtype)
        for et in ETYPES:
            out = out + _graph_conv(h, p['W_' + et], p['b_' + et], eis[et], n)
        h = out @ p['fcW'] + p['fcb']
        h = jax.nn.relu(h)
        mean = jnp.mean(h, axis=0)
        var = jnp.var(h, axis=0)
        h = (h - mean) / jnp.sqrt(var + 1e-5) * p['gamma'] + p['beta']
        # dropout omitted (eval-mode / deterministic reference)
    return h

if __name__ == "__main__":
    import jax
    _d = setup_inputs()
    print(jax.jit(kernel)(*tuple(_d.values())))

</pallas_src>

<mosaic_0001>
#map = affine_map<(d0, d1) -> (0, 0)>
#map1 = affine_map<(d0, d1) -> (0, 0, 0)>
#map2 = affine_map<(d0, d1) -> (0, 0, 0, 0)>
module attributes {stable_mosaic.version = 14 : i64} {
  func.func @_sc_agg(%arg0: i32, %arg1: i32, %arg2: memref<10000x128xf32, #tpu.memory_space<hbm>>, %arg3: memref<10000x128xf32, #tpu.memory_space<hbm>>, %arg4: memref<10000x128xf32, #tpu.memory_space<hbm>>, %arg5: memref<2x1280x125xi32, #tpu.memory_space<hbm>>, %arg6: memref<2x1280x125xi32, #tpu.memory_space<hbm>>, %arg7: memref<2x1280x125xi32, #tpu.memory_space<hbm>>, %arg8: memref<10112x128xf32, #tpu.memory_space<hbm>>, %arg9: memref<3x2x10112x128xf32, #tpu.memory_space<hbm>>, %arg10: memref<40x125xi32, #tpu.memory_space<vmem>>, %arg11: memref<40x125xi32, #tpu.memory_space<vmem>>, %arg12: memref<125x128xf32, #tpu.memory_space<vmem>>, %arg13: memref<125x128xf32, #tpu.memory_space<vmem>>, %arg14: memref<10112x128xf32, #tpu.memory_space<vmem_shared>>, %arg15: memref<!tpu.dma_semaphore, #tpu.memory_space<semaphore_mem>>, %arg16: memref<!tpu.dma_semaphore, #tpu.memory_space<semaphore_mem>>) attributes {dimension_semantics = [#tpu.dimension_semantics<core_parallel>, #tpu.dimension_semantics<subcore_parallel>], iteration_bounds = array<i64: 2, 16>, scalar_prefetch = 0 : i64, scratch_operands = 7 : i64, tpu.core_type = #tpu.core_type<sc_vector_subcore>, window_params = [{transform_indices = #map}, {transform_indices = #map}, {transform_indices = #map}, {transform_indices = #map1}, {transform_indices = #map1}, {transform_indices = #map1}, {transform_indices = #map}, {transform_indices = #map2}]} {
    %mul3A = arith.constant 16 : i32
    %mul3A_0 = arith.muli %arg0, %mul3A : i32
    %add3A = arith.addi %mul3A_0, %arg1 : i32
    %mul3A_1 = arith.constant 40 : i32
    %mul3A_2 = arith.muli %add3A, %mul3A_1 : i32
    %mul3A_3 = arith.constant 632 : i32
    %mul3A_4 = arith.muli %arg1, %mul3A_3 : i32
    %run_scoped3A = arith.constant 0 : i32
    "tpu.region"() ({
      %run_scoped3A_120 = tpu.sem_alloc : memref<!tpu.dma_semaphore, #tpu.memory_space<semaphore_mem>>
      %dma_start3A_121 = arith.constant 0 : i32
      %dma_start3A_122 = tpu.memref_slice %arg5[%run_scoped3A, %mul3A_2, %dma_start3A_121] : memref<2x1280x125xi32, #tpu.memory_space<hbm>> -> memref<1x40x125xi32, #tpu.memory_space<hbm>>
      %dma_start3A_123 = tpu.memref_squeeze %dma_start3A_122 : memref<1x40x125xi32, #tpu.memory_space<hbm>> -> memref<40x125xi32, #tpu.memory_space<hbm>>
      %dma_start3A_124 = arith.constant 0 : i32
      %dma_start3A_125 = tpu.memref_slice %arg5[%run_scoped3A, %mul3A_2, %dma_start3A_124] : memref<2x1280x125xi32, #tpu.memory_space<hbm>> -> memref<1x40x125xi32, #tpu.memory_space<hbm>>
      %dma_start3A_126 = tpu.memref_squeeze %dma_start3A_125 : memref<1x40x125xi32, #tpu.memory_space<hbm>> -> memref<40x125xi32, #tpu.memory_space<hbm>>
      tpu.enqueue_dma source(%dma_start3A_126 : memref<40x125xi32, #tpu.memory_space<hbm>>) target(%arg10 : memref<40x125xi32, #tpu.memory_space<vmem>>) target_semaphore(%run_scoped3A_120 : memref<!tpu.dma_semaphore, #tpu.memory_space<semaphore_mem>>)
      %dma_wait3A_127 = arith.constant 0 : i32
      %dma_wait3A_128 = tpu.memref_slice %arg5[%run_scoped3A, %mul3A_2, %dma_wait3A_127] : memref<2x1280x125xi32, #tpu.memory_space<hbm>> -> memref<1x40x125xi32, #tpu.memory_space<hbm>>
      %dma_wait3A_129 = tpu.memref_squeeze %dma_wait3A_128 : memref<1x40x125xi32, #tpu.memory_space<hbm>> -> memref<40x125xi32, #tpu.memory_space<hbm>>
      %dma_wait3A_130 = arith.constant 0 : i32
      %dma_wait3A_131 = tpu.memref_slice %arg5[%run_scoped3A, %mul3A_2, %dma_wait3A_130] : memref<2x1280x125xi32, #tpu.memory_space<hbm>> -> memref<1x40x125xi32, #tpu.memory_space<hbm>>
      %dma_wait3A_132 = tpu.memref_squeeze %dma_wait3A_131 : memref<1x40x125xi32, #tpu.memory_space<hbm>> -> memref<40x125xi32, #tpu.memory_space<hbm>>
      tpu.wait_dma2 semaphore(%run_scoped3A_120 : memref<!tpu.dma_semaphore, #tpu.memory_space<semaphore_mem>>) src(%dma_wait3A_132 : memref<40x125xi32, #tpu.memory_space<hbm>>) dst(%arg10 : memref<40x125xi32, #tpu.memory_space<vmem>>)
      tpu.yield
    }) : () -> ()
    %run_scoped3A_5 = arith.constant 1 : i32
    "tpu.region"() ({
      %run_scoped3A_120 = tpu.sem_alloc : memref<!tpu.dma_semaphore, #tpu.memory_space<semaphore_mem>>
      %dma_start3A_121 = arith.constant 0 : i32
      %dma_start3A_122 = tpu.memref_slice %arg5[%run_scoped3A_5, %mul3A_2, %dma_start3A_121] : memref<2x1280x125xi32, #tpu.memory_space<hbm>> -> memref<1x40x125xi32, #tpu.memory_space<hbm>>
      %dma_start3A_123 = tpu.memref_squeeze %dma_start3A_122 : memref<1x40x125xi32, #tpu.memory_space<hbm>> -> memref<40x125xi32, #tpu.memory_space<hbm>>
      %dma_start3A_124 = arith.constant 0 : i32
      %dma_start3A_125 = tpu.memref_slice %arg5[%run_scoped3A_5, %mul3A_2, %dma_start3A_124] : memref<2x1280x125xi32, #tpu.memory_space<hbm>> -> memref<1x40x125xi32, #tpu.memory_space<hbm>>
      %dma_start3A_126 = tpu.memref_squeeze %dma_start3A_125 : memref<1x40x125xi32, #tpu.memory_space<hbm>> -> memref<40x125xi32, #tpu.memory_space<hbm>>
      tpu.enqueue_dma source(%dma_start3A_126 : memref<40x125xi32, #tpu.memory_space<hbm>>) target(%arg11 : memref<40x125xi32, #tpu.memory_space<vmem>>) target_semaphore(%run_scoped3A_120 : memref<!tpu.dma_semaphore, #tpu.memory_space<semaphore_mem>>)
      %dma_wait3A_127 = arith.constant 0 : i32
      %dma_wait3A_128 = tpu.memref_slice %arg5[%run_scoped3A_5, %mul3A_2, %dma_wait3A_127] : memref<2x1280x125xi32, #tpu.memory_space<hbm>> -> memref<1x40x125xi32, #tpu.memory_space<hbm>>
      %dma_wait3A_129 = tpu.memref_squeeze %dma_wait3A_128 : memref<1x40x125xi32, #tpu.memory_space<hbm>> -> memref<40x125xi32, #tpu.memory_space<hbm>>
      %dma_wait3A_130 = arith.constant 0 : i32
      %dma_wait3A_131 = tpu.memref_slice %arg5[%run_scoped3A_5, %mul3A_2, %dma_wait3A_130] : memref<2x1280x125xi32, #tpu.memory_space<hbm>> -> memref<1x40x125xi32, #tpu.memory_space<hbm>>
      %dma_wait3A_132 = tpu.memref_squeeze %dma_wait3A_131 : memref<1x40x125xi32, #tpu.memory_space<hbm>> -> memref<40x125xi32, #tpu.memory_space<hbm>>
      tpu.wait_dma2 semaphore(%run_scoped3A_120 : memref<!tpu.dma_semaphore, #tpu.memory_space<semaphore_mem>>) src(%dma_wait3A_132 : memref<40x125xi32, #tpu.memory_space<hbm>>) dst(%arg11 : memref<40x125xi32, #tpu.memory_space<vmem>>)
      tpu.yield
    }) : () -> ()
    "tpu.region"() ({
      %run_scoped3A_120 = tpu.sem_alloc : memref<!tpu.dma_semaphore, #tpu.memory_space<semaphore_mem>>
      %dma_start3A_121 = arith.constant 0 : i32
      %dma_start3A_122 = tpu.memref_slice %arg14[%mul3A_4, %dma_start3A_121] : memref<10112x128xf32, #tpu.memory_space<vmem_shared>> -> memref<632x128xf32, #tpu.memory_space<vmem_shared>>
      %dma_start3A_123 = arith.constant 0 : i32
      %dma_start3A_124 = tpu.memref_slice %arg8[%mul3A_4, %dma_start3A_123] : memref<10112x128xf32, #tpu.memory_space<hbm>> -> memref<632x128xf32, #tpu.memory_space<hbm>>
      tpu.enqueue_dma source(%dma_start3A_124 : memref<632x128xf32, #tpu.memory_space<hbm>>) target(%dma_start3A_122 : memref<632x128xf32, #tpu.memory_space<vmem_shared>>) target_semaphore(%run_scoped3A_120 : memref<!tpu.dma_semaphore, #tpu.memory_space<semaphore_mem>>)
      %dma_wait3A_125 = arith.constant 0 : i32
      %dma_wait3A_126 = tpu.memref_slice %arg14[%mul3A_4, %dma_wait3A_125] : memref<10112x128xf32, #tpu.memory_space<vmem_shared>> -> memref<632x128xf32, #tpu.memory_space<vmem_shared>>
      %dma_wait3A_127 = arith.constant 0 : i32
      %dma_wait3A_128 = tpu.memref_slice %arg8[%mul3A_4, %dma_wait3A_127] : memref<10112x128xf32, #tpu.memory_space<hbm>> -> memref<632x128xf32, #tpu.memory_space<hbm>>
      tpu.wait_dma2 semaphore(%run_scoped3A_120 : memref<!tpu.dma_semaphore, #tpu.memory_space<semaphore_mem>>) src(%dma_wait3A_128 : memref<632x128xf32, #tpu.memory_space<hbm>>) dst(%dma_wait3A_126 : memref<632x128xf32, #tpu.memory_space<vmem_shared>>)
      tpu.yield
    }) : () -> ()
    %barrier3A = arith.constant 0 : index
    tpu.barrier barrier_id(%barrier3A)
    %dma_start3A = arith.constant 0 : i32
    %dma_start3A_6 = arith.constant 0 : i32
    %dma_start3A_7 = tpu.memref_slice %arg10[%dma_start3A, %dma_start3A_6] : memref<40x125xi32, #tpu.memory_space<vmem>> -> memref<1x125xi32, #tpu.memory_space<vmem>>
    %dma_start3A_8 = tpu.memref_squeeze %dma_start3A_7 : memref<1x125xi32, #tpu.memory_space<vmem>> -> memref<125xi32, #tpu.memory_space<vmem>>
    %dma_start3A_9 = arith.constant 0 : i32
    %dma_start3A_10 = arith.constant 0 : i32
    %dma_start3A_11 = tpu.memref_slice %arg2[%dma_start3A_9, %dma_start3A_10] : memref<10000x128xf32, #tpu.memory_space<hbm>> -> memref<10000x128xf32, #tpu.memory_space<hbm>>
    tpu.enqueue_indirect_dma source(%dma_start3A_11 : memref<10000x128xf32, #tpu.memory_space<hbm>>) target(%arg12 : memref<125x128xf32, #tpu.memory_space<vmem>>) offsets(%dma_start3A_8 : memref<125xi32, #tpu.memory_space<vmem>>) semaphore(%arg15 : memref<!tpu.dma_semaphore, #tpu.memory_space<semaphore_mem>>)
    %dma_start3A_12 = arith.constant 1 : i32
    %dma_start3A_13 = arith.constant 0 : i32
    %dma_start3A_14 = tpu.memref_slice %arg10[%dma_start3A_12, %dma_start3A_13] : memref<40x125xi32, #tpu.memory_space<vmem>> -> memref<1x125xi32, #tpu.memory_space<vmem>>
    %dma_start3A_15 = tpu.memref_squeeze %dma_start3A_14 : memref<1x125xi32, #tpu.memory_space<vmem>> -> memref<125xi32, #tpu.memory_space<vmem>>
    %dma_start3A_16 = arith.constant 0 : i32
    %dma_start3A_17 = arith.constant 0 : i32
    %dma_start3A_18 = tpu.memref_slice %arg2[%dma_start3A_16, %dma_start3A_17] : memref<10000x128xf32, #tpu.memory_space<hbm>> -> memref<10000x128xf32, #tpu.memory_space<hbm>>
    tpu.enqueue_indirect_dma source(%dma_start3A_18 : memref<10000x128xf32, #tpu.memory_space<hbm>>) target(%arg13 : memref<125x128xf32, #tpu.memory_space<vmem>>) offsets(%dma_start3A_15 : memref<125xi32, #tpu.memory_space<vmem>>) semaphore(%arg16 : memref<!tpu.dma_semaphore, #tpu.memory_space<semaphore_mem>>)
    %scan3A = arith.constant 0 : i32
    %scan3A_19 = arith.constant 19 : i32
    %scan3A_20 = arith.addi %scan3A, %scan3A_19 : i32
    %scan3A_21 = arith.constant 1 : i32
    scf.for %scan3A_120 = %scan3A to %scan3A_20 step %scan3A_21  : i32 {
      %mul3A_121 = arith.constant 2 : i32
      %mul3A_122 = arith.muli %mul3A_121, %scan3A_120 : i32
      %add3A_123 = arith.constant 0 : i32
      %add3A_124 = arith.addi %add3A_123, %mul3A_122 : i32
      %dma_wait3A_125 = arith.constant 0 : i32
      %dma_wait3A_126 = tpu.memref_slice %arg10[%add3A_124, %dma_wait3A_125] : memref<40x125xi32, #tpu.memory_space<vmem>> -> memref<1x125xi32, #tpu.memory_space<vmem>>
      %dma_wait3A_127 = tpu.memref_squeeze %dma_wait3A_126 : memref<1x125xi32, #tpu.memory_space<vmem>> -> memref<125xi32, #tpu.memory_space<vmem>>
      %dma_wait3A_128 = arith.constant 0 : i32
      %dma_wait3A_129 = arith.constant 0 : i32
      %dma_wait3A_130 = tpu.memref_slice %arg2[%dma_wait3A_128, %dma_wait3A_129] : memref<10000x128xf32, #tpu.memory_space<hbm>> -> memref<10000x128xf32, #tpu.memory_space<hbm>>
      tpu.wait_indirect_dma semaphore(%arg15 : memref<!tpu.dma_semaphore, #tpu.memory_space<semaphore_mem>>) src(%dma_wait3A_130 : memref<10000x128xf32, #tpu.memory_space<hbm>>) dst(%arg12 : memref<125x128xf32, #tpu.memory_space<vmem>>)
      "tpu.region"() ({
        %run_scoped3A_157 = tpu.sem_alloc : memref<!tpu.dma_semaphore, #tpu.memory_space<semaphore_mem>>
        %dma_start3A_158 = arith.constant 0 : i32
        %dma_start3A_159 = tpu.memref_slice %arg11[%add3A_124, %dma_start3A_158] : memref<40x125xi32, #tpu.memory_space<vmem>> -> memref<1x125xi32, #tpu.memory_space<vmem>>
        %dma_start3A_160 = tpu.memref_squeeze %dma_start3A_159 : memref<1x125xi32, #tpu.memory_space<vmem>> -> memref<125xi32, #tpu.memory_space<vmem>>
        %dma_start3A_161 = arith.constant 0 : i32
        %dma_start3A_162 = arith.constant 0 : i32
        %dma_start3A_163 = tpu.memref_slice %arg14[%dma_start3A_161, %dma_start3A_162] : memref<10112x128xf32, #tpu.memory_space<vmem_shared>> -> memref<10112x128xf32, #tpu.memory_space<vmem_shared>>
        tpu.enqueue_indirect_dma source(%arg12 : memref<125x128xf32, #tpu.memory_space<vmem>>) target(%dma_start3A_163 : memref<10112x128xf32, #tpu.memory_space<vmem_shared>>) offsets(%dma_start3A_160 : memref<125xi32, #tpu.memory_space<vmem>>) semaphore(%run_scoped3A_157 : memref<!tpu.dma_semaphore, #tpu.memory_space<semaphore_mem>>) {add = true}
        %dma_wait3A_164 = arith.constant 0 : i32
        %dma_wait3A_165 = tpu.memref_slice %arg11[%add3A_124, %dma_wait3A_164] : memref<40x125xi32, #tpu.memory_space<vmem>> -> memref<1x125xi32, #tpu.memory_space<vmem>>
        %dma_wait3A_166 = tpu.memref_squeeze %dma_wait3A_165 : memref<1x125xi32, #tpu.memory_space<vmem>> -> memref<125xi32, #tpu.memory_space<vmem>>
        %dma_wait3A_167 = arith.constant 0 : i32
        %dma_wait3A_168 = arith.constant 0 : i32
        %dma_wait3A_169 = tpu.memref_slice %arg14[%dma_wait3A_167, %dma_wait3A_168] : memref<10112x128xf32, #tpu.memory_space<vmem_shared>> -> memref<10112x128xf32, #tpu.memory_space<vmem_shared>>
        tpu.wait_indirect_dma semaphore(%run_scoped3A_157 : memref<!tpu.dma_semaphore, #tpu.memory_space<semaphore_mem>>) src(%arg12 : memref<125x128xf32, #tpu.memory_space<vmem>>) dst(%dma_wait3A_169 : memref<10112x128xf32, #tpu.memory_space<vmem_shared>>)
        tpu.yield
      }) : () -> ()
      %add3A_131 = arith.constant 2 : i32
      %add3A_132 = arith.addi %add3A_124, %add3A_131 : i32
      %dma_start3A_133 = arith.constant 0 : i32
      %dma_start3A_134 = tpu.memref_slice %arg10[%add3A_132, %dma_start3A_133] : memref<40x125xi32, #tpu.memory_space<vmem>> -> memref<1x125xi32, #tpu.memory_space<vmem>>
      %dma_start3A_135 = tpu.memref_squeeze %dma_start3A_134 : memref<1x125xi32, #tpu.memory_space<vmem>> -> memref<125xi32, #tpu.memory_space<vmem>>
      %dma_start3A_136 = arith.constant 0 : i32
      %dma_start3A_137 = arith.constant 0 : i32
      %dma_start3A_138 = tpu.memref_slice %arg2[%dma_start3A_136, %dma_start3A_137] : memref<10000x128xf32, #tpu.memory_space<hbm>> -> memref<10000x128xf32, #tpu.memory_space<hbm>>
      tpu.enqueue_indirect_dma source(%dma_start3A_138 : memref<10000x128xf32, #tpu.memory_space<hbm>>) target(%arg12 : memref<125x128xf32, #tpu.memory_space<vmem>>) offsets(%dma_start3A_135 : memref<125xi32, #tpu.memory_space<vmem>>) semaphore(%arg15 : memref<!tpu.dma_semaphore, #tpu.memory_space<semaphore_mem>>)
      %add3A_139 = arith.constant 1 : i32
      %add3A_140 = arith.addi %add3A_124, %add3A_139 : i32
      %dma_wait3A_141 = arith.constant 0 : i32
      %dma_wait3A_142 = tpu.memref_slice %arg10[%add3A_140, %dma_wait3A_141] : memref<40x125xi32, #tpu.memory_space<vmem>> -> memref<1x125xi32, #tpu.memory_space<vmem>>
      %dma_wait3A_143 = tpu.memref_squeeze %dma_wait3A_142 : memref<1x125xi32, #tpu.memory_space<vmem>> -> memref<125xi32, #tpu.memory_space<vmem>>
      %dma_wait3A_144 = arith.constant 0 : i32
      %dma_wait3A_145 = arith.constant 0 : i32
      %dma_wait3A_146 = tpu.memref_slice %arg2[%dma_wait3A_144, %dma_wait3A_145] : memref<10000x128xf32, #tpu.memory_space<hbm>> -> memref<10000x128xf32, #tpu.memory_space<hbm>>
      tpu.wait_indirect_dma semaphore(%arg16 : memref<!tpu.dma_semaphore, #tpu.memory_space<semaphore_mem>>) src(%dma_wait3A_146 : memref<10000x128xf32, #tpu.memory_space<hbm>>) dst(%arg13 : memref<125x128xf32, #tpu.memory_space<vmem>>)
      %add3A_147 = arith.constant 1 : i32
      %add3A_148 = arith.addi %add3A_124, %add3A_147 : i32
      "tpu.region"() ({
        %run_scoped3A_157 = tpu.sem_alloc : memref<!tpu.dma_semaphore, #tpu.memory_space<semaphore_mem>>
        %dma_start3A_158 = arith.constant 0 : i32
        %dma_start3A_159 = tpu.memref_slice %arg11[%add3A_148, %dma_start3A_158] : memref<40x125xi32, #tpu.memory_space<vmem>> -> memref<1x125xi32, #tpu.memory_space<vmem>>
        %dma_start3A_160 = tpu.memref_squeeze %dma_start3A_159 : memref<1x125xi32, #tpu.memory_space<vmem>> -> memref<125xi32, #tpu.memory_space<vmem>>
        %dma_start3A_161 = arith.constant 0 : i32
        %dma_start3A_162 = arith.constant 0 : i32
        %dma_start3A_163 = tpu.memref_slice %arg14[%dma_start3A_161, %dma_start3A_162] : memref<10112x128xf32, #tpu.memory_space<vmem_shared>> -> memref<10112x128xf32, #tpu.memory_space<vmem_shared>>
        tpu.enqueue_indirect_dma source(%arg13 : memref<125x128xf32, #tpu.memory_space<vmem>>) target(%dma_start3A_163 : memref<10112x128xf32, #tpu.memory_space<vmem_shared>>) offsets(%dma_start3A_160 : memref<125xi32, #tpu.memory_space<vmem>>) semaphore(%run_scoped3A_157 : memref<!tpu.dma_semaphore, #tpu.memory_space<semaphore_mem>>) {add = true}
        %dma_wait3A_164 = arith.constant 0 : i32
        %dma_wait3A_165 = tpu.memref_slice %arg11[%add3A_148, %dma_wait3A_164] : memref<40x125xi32, #tpu.memory_space<vmem>> -> memref<1x125xi32, #tpu.memory_space<vmem>>
        %dma_wait3A_166 = tpu.memref_squeeze %dma_wait3A_165 : memref<1x125xi32, #tpu.memory_space<vmem>> -> memref<125xi32, #tpu.memory_space<vmem>>
        %dma_wait3A_167 = arith.constant 0 : i32
        %dma_wait3A_168 = arith.constant 0 : i32
        %dma_wait3A_169 = tpu.memref_slice %arg14[%dma_wait3A_167, %dma_wait3A_168] : memref<10112x128xf32, #tpu.memory_space<vmem_shared>> -> memref<10112x128xf32, #tpu.memory_space<vmem_shared>>
        tpu.wait_indirect_dma semaphore(%run_scoped3A_157 : memref<!tpu.dma_semaphore, #tpu.memory_space<semaphore_mem>>) src(%arg13 : memref<125x128xf32, #tpu.memory_space<vmem>>) dst(%dma_wait3A_169 : memref<10112x128xf32, #tpu.memory_space<vmem_shared>>)
        tpu.yield
      }) : () -> ()
      %add3A_149 = arith.constant 3 : i32
      %add3A_150 = arith.addi %add3A_124, %add3A_149 : i32
      %dma_start3A_151 = arith.constant 0 : i32
      %dma_start3A_152 = tpu.memref_slice %arg10[%add3A_150, %dma_start3A_151] : memref<40x125xi32, #tpu.memory_space<vmem>> -> memref<1x125xi32, #tpu.memory_space<vmem>>
      %dma_start3A_153 = tpu.memref_squeeze %dma_start3A_152 : memref<1x125xi32, #tpu.memory_space<vmem>> -> memref<125xi32, #tpu.memory_space<vmem>>
      %dma_start3A_154 = arith.constant 0 : i32
      %dma_start3A_155 = arith.constant 0 : i32
      %dma_start3A_156 = tpu.memref_slice %arg2[%dma_start3A_154, %dma_start3A_155] : memref<10000x128xf32, #tpu.memory_space<hbm>> -> memref<10000x128xf32, #tpu.memory_space<hbm>>
      tpu.enqueue_indirect_dma source(%dma_start3A_156 : memref<10000x128xf32, #tpu.memory_space<hbm>>) target(%arg13 : memref<125x128xf32, #tpu.memory_space<vmem>>) offsets(%dma_start3A_153 : memref<125xi32, #tpu.memory_space<vmem>>) semaphore(%arg16 : memref<!tpu.dma_semaphore, #tpu.memory_space<semaphore_mem>>)
    }
    %scan3A_22 = arith.constant 19 : i32
    %dma_wait3A = arith.constant 38 : i32
    %dma_wait3A_23 = arith.constant 0 : i32
    %dma_wait3A_24 = tpu.memref_slice %arg10[%dma_wait3A, %dma_wait3A_23] : memref<40x125xi32, #tpu.memory_space<vmem>> -> memref<1x125xi32, #tpu.memory_space<vmem>>
    %dma_wait3A_25 = tpu.memref_squeeze %dma_wait3A_24 : memref<1x125xi32, #tpu.memory_space<vmem>> -> memref<125xi32, #tpu.memory_space<vmem>>
    %dma_wait3A_26 = arith.constant 0 : i32
    %dma_wait3A_27 = arith.constant 0 : i32
    %dma_wait3A_28 = tpu.memref_slice %arg2[%dma_wait3A_26, %dma_wait3A_27] : memref<10000x128xf32, #tpu.memory_space<hbm>> -> memref<10000x128xf32, #tpu.memory_space<hbm>>
    tpu.wait_indirect_dma semaphore(%arg15 : memref<!tpu.dma_semaphore, #tpu.memory_space<semaphore_mem>>) src(%dma_wait3A_28 : memref<10000x128xf32, #tpu.memory_space<hbm>>) dst(%arg12 : memref<125x128xf32, #tpu.memory_space<vmem>>)
    %run_scoped3A_29 = arith.constant 38 : i32
    "tpu.region"() ({
      %run_scoped3A_120 = tpu.sem_alloc : memref<!tpu.dma_semaphore, #tpu.memory_space<semaphore_mem>>
      %dma_start3A_121 = arith.constant 0 : i32
      %dma_start3A_122 = tpu.memref_slice %arg11[%run_scoped3A_29, %dma_start3A_121] : memref<40x125xi32, #tpu.memory_space<vmem>> -> memref<1x125xi32, #tpu.memory_space<vmem>>
      %dma_start3A_123 = tpu.memref_squeeze %dma_start3A_122 : memref<1x125xi32, #tpu.memory_space<vmem>> -> memref<125xi32, #tpu.memory_space<vmem>>
      %dma_start3A_124 = arith.constant 0 : i32
      %dma_start3A_125 = arith.constant 0 : i32
      %dma_start3A_126 = tpu.memref_slice %arg14[%dma_start3A_124, %dma_start3A_125] : memref<10112x128xf32, #tpu.memory_space<vmem_shared>> -> memref<10112x128xf32, #tpu.memory_space<vmem_shared>>
      tpu.enqueue_indirect_dma source(%arg12 : memref<125x128xf32, #tpu.memory_space<vmem>>) target(%dma_start3A_126 : memref<10112x128xf32, #tpu.memory_space<vmem_shared>>) offsets(%dma_start3A_123 : memref<125xi32, #tpu.memory_space<vmem>>) semaphore(%run_scoped3A_120 : memref<!tpu.dma_semaphore, #tpu.memory_space<semaphore_mem>>) {add = true}
      %dma_wait3A_127 = arith.constant 0 : i32
      %dma_wait3A_128 = tpu.memref_slice %arg11[%run_scoped3A_29, %dma_wait3A_127] : memref<40x125xi32, #tpu.memory_space<vmem>> -> memref<1x125xi32, #tpu.memory_space<vmem>>
      %dma_wait3A_129 = tpu.memref_squeeze %dma_wait3A_128 : memref<1x125xi32, #tpu.memory_space<vmem>> -> memref<125xi32, #tpu.memory_space<vmem>>
      %dma_wait3A_130 = arith.constant 0 : i32
      %dma_wait3A_131 = arith.constant 0 : i32
      %dma_wait3A_132 = tpu.memref_slice %arg14[%dma_wait3A_130, %dma_wait3A_131] : memref<10112x128xf32, #tpu.memory_space<vmem_shared>> -> memref<10112x128xf32, #tpu.memory_space<vmem_shared>>
      tpu.wait_indirect_dma semaphore(%run_scoped3A_120 : memref<!tpu.dma_semaphore, #tpu.memory_space<semaphore_mem>>) src(%arg12 : memref<125x128xf32, #tpu.memory_space<vmem>>) dst(%dma_wait3A_132 : memref<10112x128xf32, #tpu.memory_space<vmem_shared>>)
      tpu.yield
    }) : () -> ()
    %dma_wait3A_30 = arith.constant 39 : i32
    %dma_wait3A_31 = arith.constant 0 : i32
    %dma_wait3A_32 = tpu.memref_slice %arg10[%dma_wait3A_30, %dma_wait3A_31] : memref<40x125xi32, #tpu.memory_space<vmem>> -> memref<1x125xi32, #tpu.memory_space<vmem>>
    %dma_wait3A_33 = tpu.memref_squeeze %dma_wait3A_32 : memref<1x125xi32, #tpu.memory_space<vmem>> -> memref<125xi32, #tpu.memory_space<vmem>>
    %dma_wait3A_34 = arith.constant 0 : i32
    %dma_wait3A_35 = arith.constant 0 : i32
    %dma_wait3A_36 = tpu.memref_slice %arg2[%dma_wait3A_34, %dma_wait3A_35] : memref<10000x128xf32, #tpu.memory_space<hbm>> -> memref<10000x128xf32, #tpu.memory_space<hbm>>
    tpu.wait_indirect_dma semaphore(%arg16 : memref<!tpu.dma_semaphore, #tpu.memory_space<semaphore_mem>>) src(%dma_wait3A_36 : memref<10000x128xf32, #tpu.memory_space<hbm>>) dst(%arg13 : memref<125x128xf32, #tpu.memory_space<vmem>>)
    %run_scoped3A_37 = arith.constant 39 : i32
    "tpu.region"() ({
      %run_scoped3A_120 = tpu.sem_alloc : memref<!tpu.dma_semaphore, #tpu.memory_space<semaphore_mem>>
      %dma_start3A_121 = arith.constant 0 : i32
      %dma_start3A_122 = tpu.memref_slice %arg11[%run_scoped3A_37, %dma_start3A_121] : memref<40x125xi32, #tpu.memory_space<vmem>> -> memref<1x125xi32, #tpu.memory_space<vmem>>
      %dma_start3A_123 = tpu.memref_squeeze %dma_start3A_122 : memref<1x125xi32, #tpu.memory_space<vmem>> -> memref<125xi32, #tpu.memory_space<vmem>>
      %dma_start3A_124 = arith.constant 0 : i32
      %dma_start3A_125 = arith.constant 0 : i32
      %dma_start3A_126 = tpu.memref_slice %arg14[%dma_start3A_124, %dma_start3A_125] : memref<10112x128xf32, #tpu.memory_space<vmem_shared>> -> memref<10112x128xf32, #tpu.memory_space<vmem_shared>>
      tpu.enqueue_indirect_dma source(%arg13 : memref<125x128xf32, #tpu.memory_space<vmem>>) target(%dma_start3A_126 : memref<10112x128xf32, #tpu.memory_space<vmem_shared>>) offsets(%dma_start3A_123 : memref<125xi32, #tpu.memory_space<vmem>>) semaphore(%run_scoped3A_120 : memref<!tpu.dma_semaphore, #tpu.memory_space<semaphore_mem>>) {add = true}
      %dma_wait3A_127 = arith.constant 0 : i32
      %dma_wait3A_128 = tpu.memref_slice %arg11[%run_scoped3A_37, %dma_wait3A_127] : memref<40x125xi32, #tpu.memory_space<vmem>> -> memref<1x125xi32, #tpu.memory_space<vmem>>
      %dma_wait3A_129 = tpu.memref_squeeze %dma_wait3A_128 : memref<1x125xi32, #tpu.memory_space<vmem>> -> memref<125xi32, #tpu.memory_space<vmem>>
      %dma_wait3A_130 = arith.constant 0 : i32
      %dma_wait3A_131 = arith.constant 0 : i32
      %dma_wait3A_132 = tpu.memref_slice %arg14[%dma_wait3A_130, %dma_wait3A_131] : memref<10112x128xf32, #tpu.memory_space<vmem_shared>> -> memref<10112x128xf32, #tpu.memory_space<vmem_shared>>
      tpu.wait_indirect_dma semaphore(%run_scoped3A_120 : memref<!tpu.dma_semaphore, #tpu.memory_space<semaphore_mem>>) src(%arg13 : memref<125x128xf32, #tpu.memory_space<vmem>>) dst(%dma_wait3A_132 : memref<10112x128xf32, #tpu.memory_space<vmem_shared>>)
      tpu.yield
    }) : () -> ()
    %barrier3A_38 = arith.constant 0 : index
    tpu.barrier barrier_id(%barrier3A_38)
    %run_scoped3A_39 = arith.constant 0 : i32
    "tpu.region"() ({
      %run_scoped3A_120 = tpu.sem_alloc : memref<!tpu.dma_semaphore, #tpu.memory_space<semaphore_mem>>
      %dma_start3A_121 = arith.constant 0 : i32
      %dma_start3A_122 = tpu.memref_slice %arg9[%run_scoped3A_39, %arg0, %mul3A_4, %dma_start3A_121] : memref<3x2x10112x128xf32, #tpu.memory_space<hbm>> -> memref<1x1x632x128xf32, #tpu.memory_space<hbm>>
      %dma_start3A_123 = tpu.memref_squeeze %dma_start3A_122 : memref<1x1x632x128xf32, #tpu.memory_space<hbm>> -> memref<632x128xf32, #tpu.memory_space<hbm>>
      %dma_start3A_124 = arith.constant 0 : i32
      %dma_start3A_125 = tpu.memref_slice %arg14[%mul3A_4, %dma_start3A_124] : memref<10112x128xf32, #tpu.memory_space<vmem_shared>> -> memref<632x128xf32, #tpu.memory_space<vmem_shared>>
      tpu.enqueue_dma source(%dma_start3A_125 : memref<632x128xf32, #tpu.memory_space<vmem_shared>>) target(%dma_start3A_123 : memref<632x128xf32, #tpu.memory_space<hbm>>) target_semaphore(%run_scoped3A_120 : memref<!tpu.dma_semaphore, #tpu.memory_space<semaphore_mem>>)
      %dma_wait3A_126 = arith.constant 0 : i32
      %dma_wait3A_127 = tpu.memref_slice %arg9[%run_scoped3A_39, %arg0, %mul3A_4, %dma_wait3A_126] : memref<3x2x10112x128xf32, #tpu.memory_space<hbm>> -> memref<1x1x632x128xf32, #tpu.memory_space<hbm>>
      %dma_wait3A_128 = tpu.memref_squeeze %dma_wait3A_127 : memref<1x1x632x128xf32, #tpu.memory_space<hbm>> -> memref<632x128xf32, #tpu.memory_space<hbm>>
      %dma_wait3A_129 = arith.constant 0 : i32
      %dma_wait3A_130 = tpu.memref_slice %arg14[%mul3A_4, %dma_wait3A_129] : memref<10112x128xf32, #tpu.memory_space<vmem_shared>> -> memref<632x128xf32, #tpu.memory_space<vmem_shared>>
      tpu.wait_dma2 semaphore(%run_scoped3A_120 : memref<!tpu.dma_semaphore, #tpu.memory_space<semaphore_mem>>) src(%dma_wait3A_130 : memref<632x128xf32, #tpu.memory_space<vmem_shared>>) dst(%dma_wait3A_128 : memref<632x128xf32, #tpu.memory_space<hbm>>)
      tpu.yield
    }) : () -> ()
    %run_scoped3A_40 = arith.constant 0 : i32
    "tpu.region"() ({
      %run_scoped3A_120 = tpu.sem_alloc : memref<!tpu.dma_semaphore, #tpu.memory_space<semaphore_mem>>
      %dma_start3A_121 = arith.constant 0 : i32
      %dma_start3A_122 = tpu.memref_slice %arg6[%run_scoped3A_40, %mul3A_2, %dma_start3A_121] : memref<2x1280x125xi32, #tpu.memory_space<hbm>> -> memref<1x40x125xi32, #tpu.memory_space<hbm>>
      %dma_start3A_123 = tpu.memref_squeeze %dma_start3A_122 : memref<1x40x125xi32, #tpu.memory_space<hbm>> -> memref<40x125xi32, #tpu.memory_space<hbm>>
      %dma_start3A_124 = arith.constant 0 : i32
      %dma_start3A_125 = tpu.memref_slice %arg6[%run_scoped3A_40, %mul3A_2, %dma_start3A_124] : memref<2x1280x125xi32, #tpu.memory_space<hbm>> -> memref<1x40x125xi32, #tpu.memory_space<hbm>>
      %dma_start3A_126 = tpu.memref_squeeze %dma_start3A_125 : memref<1x40x125xi32, #tpu.memory_space<hbm>> -> memref<40x125xi32, #tpu.memory_space<hbm>>
      tpu.enqueue_dma source(%dma_start3A_126 : memref<40x125xi32, #tpu.memory_space<hbm>>) target(%arg10 : memref<40x125xi32, #tpu.memory_space<vmem>>) target_semaphore(%run_scoped3A_120 : memref<!tpu.dma_semaphore, #tpu.memory_space<semaphore_mem>>)
      %dma_wait3A_127 = arith.constant 0 : i32
      %dma_wait3A_128 = tpu.memref_slice %arg6[%run_scoped3A_40, %mul3A_2, %dma_wait3A_127] : memref<2x1280x125xi32, #tpu.memory_space<hbm>> -> memref<1x40x125xi32, #tpu.memory_space<hbm>>
      %dma_wait3A_129 = tpu.memref_squeeze %dma_wait3A_128 : memref<1x40x125xi32, #tpu.memory_space<hbm>> -> memref<40x125xi32, #tpu.memory_space<hbm>>
      %dma_wait3A_130 = arith.constant 0 : i32
      %dma_wait3A_131 = tpu.memref_slice %arg6[%run_scoped3A_40, %mul3A_2, %dma_wait3A_130] : memref<2x1280x125xi32, #tpu.memory_space<hbm>> -> memref<1x40x125xi32, #tpu.memory_space<hbm>>
      %dma_wait3A_132 = tpu.memref_squeeze %dma_wait3A_131 : memref<1x40x125xi32, #tpu.memory_space<hbm>> -> memref<40x125xi32, #tpu.memory_space<hbm>>
      tpu.wait_dma2 semaphore(%run_scoped3A_120 : memref<!tpu.dma_semaphore, #tpu.memory_space<semaphore_mem>>) src(%dma_wait3A_132 : memref<40x125xi32, #tpu.memory_space<hbm>>) dst(%arg10 : memref<40x125xi32, #tpu.memory_space<vmem>>)
      tpu.yield
    }) : () -> ()
    %run_scoped3A_41 = arith.constant 1 : i32
    "tpu.region"() ({
      %run_scoped3A_120 = tpu.sem_alloc : memref<!tpu.dma_semaphore, #tpu.memory_space<semaphore_mem>>
      %dma_start3A_121 = arith.constant 0 : i32
      %dma_start3A_122 = tpu.memref_slice %arg6[%run_scoped3A_41, %mul3A_2, %dma_start3A_121] : memref<2x1280x125xi32, #tpu.memory_space<hbm>> -> memref<1x40x125xi32, #tpu.memory_space<hbm>>
      %dma_start3A_123 = tpu.memref_squeeze %dma_start3A_122 : memref<1x40x125xi32, #tpu.memory_space<hbm>> -> memref<40x125xi32, #tpu.memory_space<hbm>>
      %dma_start3A_124 = arith.constant 0 : i32
      %dma_start3A_125 = tpu.memref_slice %arg6[%run_scoped3A_41, %mul3A_2, %dma_start3A_124] : memref<2x1280x125xi32, #tpu.memory_space<hbm>> -> memref<1x40x125xi32, #tpu.memory_space<hbm>>
      %dma_start3A_126 = tpu.memref_squeeze %dma_start3A_125 : memref<1x40x125xi32, #tpu.memory_space<hbm>> -> memref<40x125xi32, #tpu.memory_space<hbm>>
      tpu.enqueue_dma source(%dma_start3A_126 : memref<40x125xi32, #tpu.memory_space<hbm>>) target(%arg11 : memref<40x125xi32, #tpu.memory_space<vmem>>) target_semaphore(%run_scoped3A_120 : memref<!tpu.dma_semaphore, #tpu.memory_space<semaphore_mem>>)
      %dma_wait3A_127 = arith.constant 0 : i32
      %dma_wait3A_128 = tpu.memref_slice %arg6[%run_scoped3A_41, %mul3A_2, %dma_wait3A_127] : memref<2x1280x125xi32, #tpu.memory_space<hbm>> -> memref<1x40x125xi32, #tpu.memory_space<hbm>>
      %dma_wait3A_129 = tpu.memref_squeeze %dma_wait3A_128 : memref<1x40x125xi32, #tpu.memory_space<hbm>> -> memref<40x125xi32, #tpu.memory_space<hbm>>
      %dma_wait3A_130 = arith.constant 0 : i32
      %dma_wait3A_131 = tpu.memref_slice %arg6[%run_scoped3A_41, %mul3A_2, %dma_wait3A_130] : memref<2x1280x125xi32, #tpu.memory_space<hbm>> -> memref<1x40x125xi32, #tpu.memory_space<hbm>>
      %dma_wait3A_132 = tpu.memref_squeeze %dma_wait3A_131 : memref<1x40x125xi32, #tpu.memory_space<hbm>> -> memref<40x125xi32, #tpu.memory_space<hbm>>
      tpu.wait_dma2 semaphore(%run_scoped3A_120 : memref<!tpu.dma_semaphore, #tpu.memory_space<semaphore_mem>>) src(%dma_wait3A_132 : memref<40x125xi32, #tpu.memory_space<hbm>>) dst(%arg11 : memref<40x125xi32, #tpu.memory_space<vmem>>)
      tpu.yield
    }) : () -> ()
    "tpu.region"() ({
      %run_scoped3A_120 = tpu.sem_alloc : memref<!tpu.dma_semaphore, #tpu.memory_space<semaphore_mem>>
      %dma_start3A_121 = arith.constant 0 : i32
      %dma_start3A_122 = tpu.memref_slice %arg14[%mul3A_4, %dma_start3A_121] : memref<10112x128xf32, #tpu.memory_space<vmem_shared>> -> memref<632x128xf32, #tpu.memory_space<vmem_shared>>
      %dma_start3A_123 = arith.constant 0 : i32
      %dma_start3A_124 = tpu.memref_slice %arg8[%mul3A_4, %dma_start3A_123] : memref<10112x128xf32, #tpu.memory_space<hbm>> -> memref<632x128xf32, #tpu.memory_space<hbm>>
      tpu.enqueue_dma source(%dma_start3A_124 : memref<632x128xf32, #tpu.memory_space<hbm>>) target(%dma_start3A_122 : memref<632x128xf32, #tpu.memory_space<vmem_shared>>) target_semaphore(%run_scoped3A_120 : memref<!tpu.dma_semaphore, #tpu.memory_space<semaphore_mem>>)
      %dma_wait3A_125 = arith.constant 0 : i32
      %dma_wait3A_126 = tpu.memref_slice %arg14[%mul3A_4, %dma_wait3A_125] : memref<10112x128xf32, #tpu.memory_space<vmem_shared>> -> memref<632x128xf32, #tpu.memory_space<vmem_shared>>
      %dma_wait3A_127 = arith.constant 0 : i32
      %dma_wait3A_128 = tpu.memref_slice %arg8[%mul3A_4, %dma_wait3A_127] : memref<10112x128xf32, #tpu.memory_space<hbm>> -> memref<632x128xf32, #tpu.memory_space<hbm>>
      tpu.wait_dma2 semaphore(%run_scoped3A_120 : memref<!tpu.dma_semaphore, #tpu.memory_space<semaphore_mem>>) src(%dma_wait3A_128 : memref<632x128xf32, #tpu.memory_space<hbm>>) dst(%dma_wait3A_126 : memref<632x128xf32, #tpu.memory_space<vmem_shared>>)
      tpu.yield
    }) : () -> ()
    %barrier3A_42 = arith.constant 0 : index
    tpu.barrier barrier_id(%barrier3A_42)
    %dma_start3A_43 = arith.constant 0 : i32
    %dma_start3A_44 = arith.constant 0 : i32
    %dma_start3A_45 = tpu.memref_slice %arg10[%dma_start3A_43, %dma_start3A_44] : memref<40x125xi32, #tpu.memory_space<vmem>> -> memref<1x125xi32, #tpu.memory_space<vmem>>
    %dma_start3A_46 = tpu.memref_squeeze %dma_start3A_45 : memref<1x125xi32, #tpu.memory_space<vmem>> -> memref<125xi32, #tpu.memory_space<vmem>>
    %dma_start3A_47 = arith.constant 0 : i32
    %dma_start3A_48 = arith.constant 0 : i32
    %dma_start3A_49 = tpu.memref_slice %arg3[%dma_start3A_47, %dma_start3A_48] : memref<10000x128xf32, #tpu.memory_space<hbm>> -> memref<10000x128xf32, #tpu.memory_space<hbm>>
    tpu.enqueue_indirect_dma source(%dma_start3A_49 : memref<10000x128xf32, #tpu.memory_space<hbm>>) target(%arg12 : memref<125x128xf32, #tpu.memory_space<vmem>>) offsets(%dma_start3A_46 : memref<125xi32, #tpu.memory_space<vmem>>) semaphore(%arg15 : memref<!tpu.dma_semaphore, #tpu.memory_space<semaphore_mem>>)
    %dma_start3A_50 = arith.constant 1 : i32
    %dma_start3A_51 = arith.constant 0 : i32
    %dma_start3A_52 = tpu.memref_slice %arg10[%dma_start3A_50, %dma_start3A_51] : memref<40x125xi32, #tpu.memory_space<vmem>> -> memref<1x125xi32, #tpu.memory_space<vmem>>
    %dma_start3A_53 = tpu.memref_squeeze %dma_start3A_52 : memref<1x125xi32, #tpu.memory_space<vmem>> -> memref<125xi32, #tpu.memory_space<vmem>>
    %dma_start3A_54 = arith.constant 0 : i32
    %dma_start3A_55 = arith.constant 0 : i32
    %dma_start3A_56 = tpu.memref_slice %arg3[%dma_start3A_54, %dma_start3A_55] : memref<10000x128xf32, #tpu.memory_space<hbm>> -> memref<10000x128xf32, #tpu.memory_space<hbm>>
    tpu.enqueue_indirect_dma source(%dma_start3A_56 : memref<10000x128xf32, #tpu.memory_space<hbm>>) target(%arg13 : memref<125x128xf32, #tpu.memory_space<vmem>>) offsets(%dma_start3A_53 : memref<125xi32, #tpu.memory_space<vmem>>) semaphore(%arg16 : memref<!tpu.dma_semaphore, #tpu.memory_space<semaphore_mem>>)
    %scan3A_57 = arith.constant 0 : i32
    %scan3A_58 = arith.constant 19 : i32
    %scan3A_59 = arith.addi %scan3A_57, %scan3A_58 : i32
    %scan3A_60 = arith.constant 1 : i32
    scf.for %scan3A_120 = %scan3A_57 to %scan3A_59 step %scan3A_60  : i32 {
      %mul3A_121 = arith.constant 2 : i32
      %mul3A_122 = arith.muli %mul3A_121, %scan3A_120 : i32
      %add3A_123 = arith.constant 0 : i32
      %add3A_124 = arith.addi %add3A_123, %mul3A_122 : i32
      %dma_wait3A_125 = arith.constant 0 : i32
      %dma_wait3A_126 = tpu.memref_slice %arg10[%add3A_124, %dma_wait3A_125] : memref<40x125xi32, #tpu.memory_space<vmem>> -> memref<1x125xi32, #tpu.memory_space<vmem>>
      %dma_wait3A_127 = tpu.memref_squeeze %dma_wait3A_126 : memref<1x125xi32, #tpu.memory_space<vmem>> -> memref<125xi32, #tpu.memory_space<vmem>>
      %dma_wait3A_128 = arith.constant 0 : i32
      %dma_wait3A_129 = arith.constant 0 : i32
      %dma_wait3A_130 = tpu.memref_slice %arg3[%dma_wait3A_128, %dma_wait3A_129] : memref<10000x128xf32, #tpu.memory_space<hbm>> -> memref<10000x128xf32, #tpu.memory_space<hbm>>
      tpu.wait_indirect_dma semaphore(%arg15 : memref<!tpu.dma_semaphore, #tpu.memory_space<semaphore_mem>>) src(%dma_wait3A_130 : memref<10000x128xf32, #tpu.memory_space<hbm>>) dst(%arg12 : memref<125x128xf32, #tpu.memory_space<vmem>>)
      "tpu.region"() ({
        %run_scoped3A_157 = tpu.sem_alloc : memref<!tpu.dma_semaphore, #tpu.memory_space<semaphore_mem>>
        %dma_start3A_158 = arith.constant 0 : i32
        %dma_start3A_159 = tpu.memref_slice %arg11[%add3A_124, %dma_start3A_158] : memref<40x125xi32, #tpu.memory_space<vmem>> -> memref<1x125xi32, #tpu.memory_space<vmem>>
        %dma_start3A_160 = tpu.memref_squeeze %dma_start3A_159 : memref<1x125xi32, #tpu.memory_space<vmem>> -> memref<125xi32, #tpu.memory_space<vmem>>
        %dma_start3A_161 = arith.constant 0 : i32
        %dma_start3A_162 = arith.constant 0 : i32
        %dma_start3A_163 = tpu.memref_slice %arg14[%dma_start3A_161, %dma_start3A_162] : memref<10112x128xf32, #tpu.memory_space<vmem_shared>> -> memref<10112x128xf32, #tpu.memory_space<vmem_shared>>
        tpu.enqueue_indirect_dma source(%arg12 : memref<125x128xf32, #tpu.memory_space<vmem>>) target(%dma_start3A_163 : memref<10112x128xf32, #tpu.memory_space<vmem_shared>>) offsets(%dma_start3A_160 : memref<125xi32, #tpu.memory_space<vmem>>) semaphore(%run_scoped3A_157 : memref<!tpu.dma_semaphore, #tpu.memory_space<semaphore_mem>>) {add = true}
        %dma_wait3A_164 = arith.constant 0 : i32
        %dma_wait3A_165 = tpu.memref_slice %arg11[%add3A_124, %dma_wait3A_164] : memref<40x125xi32, #tpu.memory_space<vmem>> -> memref<1x125xi32, #tpu.memory_space<vmem>>
        %dma_wait3A_166 = tpu.memref_squeeze %dma_wait3A_165 : memref<1x125xi32, #tpu.memory_space<vmem>> -> memref<125xi32, #tpu.memory_space<vmem>>
        %dma_wait3A_167 = arith.constant 0 : i32
        %dma_wait3A_168 = arith.constant 0 : i32
        %dma_wait3A_169 = tpu.memref_slice %arg14[%dma_wait3A_167, %dma_wait3A_168] : memref<10112x128xf32, #tpu.memory_space<vmem_shared>> -> memref<10112x128xf32, #tpu.memory_space<vmem_shared>>
        tpu.wait_indirect_dma semaphore(%run_scoped3A_157 : memref<!tpu.dma_semaphore, #tpu.memory_space<semaphore_mem>>) src(%arg12 : memref<125x128xf32, #tpu.memory_space<vmem>>) dst(%dma_wait3A_169 : memref<10112x128xf32, #tpu.memory_space<vmem_shared>>)
        tpu.yield
      }) : () -> ()
      %add3A_131 = arith.constant 2 : i32
      %add3A_132 = arith.addi %add3A_124, %add3A_131 : i32
      %dma_start3A_133 = arith.constant 0 : i32
      %dma_start3A_134 = tpu.memref_slice %arg10[%add3A_132, %dma_start3A_133] : memref<40x125xi32, #tpu.memory_space<vmem>> -> memref<1x125xi32, #tpu.memory_space<vmem>>
      %dma_start3A_135 = tpu.memref_squeeze %dma_start3A_134 : memref<1x125xi32, #tpu.memory_space<vmem>> -> memref<125xi32, #tpu.memory_space<vmem>>
      %dma_start3A_136 = arith.constant 0 : i32
      %dma_start3A_137 = arith.constant 0 : i32
      %dma_start3A_138 = tpu.memref_slice %arg3[%dma_start3A_136, %dma_start3A_137] : memref<10000x128xf32, #tpu.memory_space<hbm>> -> memref<10000x128xf32, #tpu.memory_space<hbm>>
      tpu.enqueue_indirect_dma source(%dma_start3A_138 : memref<10000x128xf32, #tpu.memory_space<hbm>>) target(%arg12 : memref<125x128xf32, #tpu.memory_space<vmem>>) offsets(%dma_start3A_135 : memref<125xi32, #tpu.memory_space<vmem>>) semaphore(%arg15 : memref<!tpu.dma_semaphore, #tpu.memory_space<semaphore_mem>>)
      %add3A_139 = arith.constant 1 : i32
      %add3A_140 = arith.addi %add3A_124, %add3A_139 : i32
      %dma_wait3A_141 = arith.constant 0 : i32
      %dma_wait3A_142 = tpu.memref_slice %arg10[%add3A_140, %dma_wait3A_141] : memref<40x125xi32, #tpu.memory_space<vmem>> -> memref<1x125xi32, #tpu.memory_space<vmem>>
      %dma_wait3A_143 = tpu.memref_squeeze %dma_wait3A_142 : memref<1x125xi32, #tpu.memory_space<vmem>> -> memref<125xi32, #tpu.memory_space<vmem>>
      %dma_wait3A_144 = arith.constant 0 : i32
      %dma_wait3A_145 = arith.constant 0 : i32
      %dma_wait3A_146 = tpu.memref_slice %arg3[%dma_wait3A_144, %dma_wait3A_145] : memref<10000x128xf32, #tpu.memory_space<hbm>> -> memref<10000x128xf32, #tpu.memory_space<hbm>>
      tpu.wait_indirect_dma semaphore(%arg16 : memref<!tpu.dma_semaphore, #tpu.memory_space<semaphore_mem>>) src(%dma_wait3A_146 : memref<10000x128xf32, #tpu.memory_space<hbm>>) dst(%arg13 : memref<125x128xf32, #tpu.memory_space<vmem>>)
      %add3A_147 = arith.constant 1 : i32
      %add3A_148 = arith.addi %add3A_124, %add3A_147 : i32
      "tpu.region"() ({
        %run_scoped3A_157 = tpu.sem_alloc : memref<!tpu.dma_semaphore, #tpu.memory_space<semaphore_mem>>
        %dma_start3A_158 = arith.constant 0 : i32
        %dma_start3A_159 = tpu.memref_slice %arg11[%add3A_148, %dma_start3A_158] : memref<40x125xi32, #tpu.memory_space<vmem>> -> memref<1x125xi32, #tpu.memory_space<vmem>>
        %dma_start3A_160 = tpu.memref_squeeze %dma_start3A_159 : memref<1x125xi32, #tpu.memory_space<vmem>> -> memref<125xi32, #tpu.memory_space<vmem>>
        %dma_start3A_161 = arith.constant 0 : i32
        %dma_start3A_162 = arith.constant 0 : i32
        %dma_start3A_163 = tpu.memref_slice %arg14[%dma_start3A_161, %dma_start3A_162] : memref<10112x128xf32, #tpu.memory_space<vmem_shared>> -> memref<10112x128xf32, #tpu.memory_space<vmem_shared>>
        tpu.enqueue_indirect_dma source(%arg13 : memref<125x128xf32, #tpu.memory_space<vmem>>) target(%dma_start3A_163 : memref<10112x128xf32, #tpu.memory_space<vmem_shared>>) offsets(%dma_start3A_160 : memref<125xi32, #tpu.memory_space<vmem>>) semaphore(%run_scoped3A_157 : memref<!tpu.dma_semaphore, #tpu.memory_space<semaphore_mem>>) {add = true}
        %dma_wait3A_164 = arith.constant 0 : i32
        %dma_wait3A_165 = tpu.memref_slice %arg11[%add3A_148, %dma_wait3A_164] : memref<40x125xi32, #tpu.memory_space<vmem>> -> memref<1x125xi32, #tpu.memory_space<vmem>>
        %dma_wait3A_166 = tpu.memref_squeeze %dma_wait3A_165 : memref<1x125xi32, #tpu.memory_space<vmem>> -> memref<125xi32, #tpu.memory_space<vmem>>
        %dma_wait3A_167 = arith.constant 0 : i32
        %dma_wait3A_168 = arith.constant 0 : i32
        %dma_wait3A_169 = tpu.memref_slice %arg14[%dma_wait3A_167, %dma_wait3A_168] : memref<10112x128xf32, #tpu.memory_space<vmem_shared>> -> memref<10112x128xf32, #tpu.memory_space<vmem_shared>>
        tpu.wait_indirect_dma semaphore(%run_scoped3A_157 : memref<!tpu.dma_semaphore, #tpu.memory_space<semaphore_mem>>) src(%arg13 : memref<125x128xf32, #tpu.memory_space<vmem>>) dst(%dma_wait3A_169 : memref<10112x128xf32, #tpu.memory_space<vmem_shared>>)
        tpu.yield
      }) : () -> ()
      %add3A_149 = arith.constant 3 : i32
      %add3A_150 = arith.addi %add3A_124, %add3A_149 : i32
      %dma_start3A_151 = arith.constant 0 : i32
      %dma_start3A_152 = tpu.memref_slice %arg10[%add3A_150, %dma_start3A_151] : memref<40x125xi32, #tpu.memory_space<vmem>> -> memref<1x125xi32, #tpu.memory_space<vmem>>
      %dma_start3A_153 = tpu.memref_squeeze %dma_start3A_152 : memref<1x125xi32, #tpu.memory_space<vmem>> -> memref<125xi32, #tpu.memory_space<vmem>>
      %dma_start3A_154 = arith.constant 0 : i32
      %dma_start3A_155 = arith.constant 0 : i32
      %dma_start3A_156 = tpu.memref_slice %arg3[%dma_start3A_154, %dma_start3A_155] : memref<10000x128xf32, #tpu.memory_space<hbm>> -> memref<10000x128xf32, #tpu.memory_space<hbm>>
      tpu.enqueue_indirect_dma source(%dma_start3A_156 : memref<10000x128xf32, #tpu.memory_space<hbm>>) target(%arg13 : memref<125x128xf32, #tpu.memory_space<vmem>>) offsets(%dma_start3A_153 : memref<125xi32, #tpu.memory_space<vmem>>) semaphore(%arg16 : memref<!tpu.dma_semaphore, #tpu.memory_space<semaphore_mem>>)
    }
    %scan3A_61 = arith.constant 19 : i32
    %dma_wait3A_62 = arith.constant 38 : i32
    %dma_wait3A_63 = arith.constant 0 : i32
    %dma_wait3A_64 = tpu.memref_slice %arg10[%dma_wait3A_62, %dma_wait3A_63] : memref<40x125xi32, #tpu.memory_space<vmem>> -> memref<1x125xi32, #tpu.memory_space<vmem>>
    %dma_wait3A_65 = tpu.memref_squeeze %dma_wait3A_64 : memref<1x125xi32, #tpu.memory_space<vmem>> -> memref<125xi32, #tpu.memory_space<vmem>>
    %dma_wait3A_66 = arith.constant 0 : i32
    %dma_wait3A_67 = arith.constant 0 : i32
    %dma_wait3A_68 = tpu.memref_slice %arg3[%dma_wait3A_66, %dma_wait3A_67] : memref<10000x128xf32, #tpu.memory_space<hbm>> -> memref<10000x128xf32, #tpu.memory_space<hbm>>
    tpu.wait_indirect_dma semaphore(%arg15 : memref<!tpu.dma_semaphore, #tpu.memory_space<semaphore_mem>>) src(%dma_wait3A_68 : memref<10000x128xf32, #tpu.memory_space<hbm>>) dst(%arg12 : memref<125x128xf32, #tpu.memory_space<vmem>>)
    %run_scoped3A_69 = arith.constant 38 : i32
    "tpu.region"() ({
      %run_scoped3A_120 = tpu.sem_alloc : memref<!tpu.dma_semaphore, #tpu.memory_space<semaphore_mem>>
      %dma_start3A_121 = arith.constant 0 : i32
      %dma_start3A_122 = tpu.memref_slice %arg11[%run_scoped3A_69, %dma_start3A_121] : memref<40x125xi32, #tpu.memory_space<vmem>> -> memref<1x125xi32, #tpu.memory_space<vmem>>
      %dma_start3A_123 = tpu.memref_squeeze %dma_start3A_122 : memref<1x125xi32, #tpu.memory_space<vmem>> -> memref<125xi32, #tpu.memory_space<vmem>>
      %dma_start3A_124 = arith.constant 0 : i32
      %dma_start3A_125 = arith.constant 0 : i32
      %dma_start3A_126 = tpu.memref_slice %arg14[%dma_start3A_124, %dma_start3A_125] : memref<10112x128xf32, #tpu.memory_space<vmem_shared>> -> memref<10112x128xf32, #tpu.memory_space<vmem_shared>>
      tpu.enqueue_indirect_dma source(%arg12 : memref<125x128xf32, #tpu.memory_space<vmem>>) target(%dma_start3A_126 : memref<10112x128xf32, #tpu.memory_space<vmem_shared>>) offsets(%dma_start3A_123 : memref<125xi32, #tpu.memory_space<vmem>>) semaphore(%run_scoped3A_120 : memref<!tpu.dma_semaphore, #tpu.memory_space<semaphore_mem>>) {add = true}
      %dma_wait3A_127 = arith.constant 0 : i32
      %dma_wait3A_128 = tpu.memref_slice %arg11[%run_scoped3A_69, %dma_wait3A_127] : memref<40x125xi32, #tpu.memory_space<vmem>> -> memref<1x125xi32, #tpu.memory_space<vmem>>
      %dma_wait3A_129 = tpu.memref_squeeze %dma_wait3A_128 : memref<1x125xi32, #tpu.memory_space<vmem>> -> memref<125xi32, #tpu.memory_space<vmem>>
      %dma_wait3A_130 = arith.constant 0 : i32
      %dma_wait3A_131 = arith.constant 0 : i32
      %dma_wait3A_132 = tpu.memref_slice %arg14[%dma_wait3A_130, %dma_wait3A_131] : memref<10112x128xf32, #tpu.memory_space<vmem_shared>> -> memref<10112x128xf32, #tpu.memory_space<vmem_shared>>
      tpu.wait_indirect_dma semaphore(%run_scoped3A_120 : memref<!tpu.dma_semaphore, #tpu.memory_space<semaphore_mem>>) src(%arg12 : memref<125x128xf32, #tpu.memory_space<vmem>>) dst(%dma_wait3A_132 : memref<10112x128xf32, #tpu.memory_space<vmem_shared>>)
      tpu.yield
    }) : () -> ()
    %dma_wait3A_70 = arith.constant 39 : i32
    %dma_wait3A_71 = arith.constant 0 : i32
    %dma_wait3A_72 = tpu.memref_slice %arg10[%dma_wait3A_70, %dma_wait3A_71] : memref<40x125xi32, #tpu.memory_space<vmem>> -> memref<1x125xi32, #tpu.memory_space<vmem>>
    %dma_wait3A_73 = tpu.memref_squeeze %dma_wait3A_72 : memref<1x125xi32, #tpu.memory_space<vmem>> -> memref<125xi32, #tpu.memory_space<vmem>>
    %dma_wait3A_74 = arith.constant 0 : i32
    %dma_wait3A_75 = arith.constant 0 : i32
    %dma_wait3A_76 = tpu.memref_slice %arg3[%dma_wait3A_74, %dma_wait3A_75] : memref<10000x128xf32, #tpu.memory_space<hbm>> -> memref<10000x128xf32, #tpu.memory_space<hbm>>
    tpu.wait_indirect_dma semaphore(%arg16 : memref<!tpu.dma_semaphore, #tpu.memory_space<semaphore_mem>>) src(%dma_wait3A_76 : memref<10000x128xf32, #tpu.memory_space<hbm>>) dst(%arg13 : memref<125x128xf32, #tpu.memory_space<vmem>>)
    %run_scoped3A_77 = arith.constant 39 : i32
    "tpu.region"() ({
      %run_scoped3A_120 = tpu.sem_alloc : memref<!tpu.dma_semaphore, #tpu.memory_space<semaphore_mem>>
      %dma_start3A_121 = arith.constant 0 : i32
      %dma_start3A_122 = tpu.memref_slice %arg11[%run_scoped3A_77, %dma_start3A_121] : memref<40x125xi32, #tpu.memory_space<vmem>> -> memref<1x125xi32, #tpu.memory_space<vmem>>
      %dma_start3A_123 = tpu.memref_squeeze %dma_start3A_122 : memref<1x125xi32, #tpu.memory_space<vmem>> -> memref<125xi32, #tpu.memory_space<vmem>>
      %dma_start3A_124 = arith.constant 0 : i32
      %dma_start3A_125 = arith.constant 0 : i32
      %dma_start3A_126 = tpu.memref_slice %arg14[%dma_start3A_124, %dma_start3A_125] : memref<10112x128xf32, #tpu.memory_space<vmem_shared>> -> memref<10112x128xf32, #tpu.memory_space<vmem_shared>>
      tpu.enqueue_indirect_dma source(%arg13 : memref<125x128xf32, #tpu.memory_space<vmem>>) target(%dma_start3A_126 : memref<10112x128xf32, #tpu.memory_space<vmem_shared>>) offsets(%dma_start3A_123 : memref<125xi32, #tpu.memory_space<vmem>>) semaphore(%run_scoped3A_120 : memref<!tpu.dma_semaphore, #tpu.memory_space<semaphore_mem>>) {add = true}
      %dma_wait3A_127 = arith.constant 0 : i32
      %dma_wait3A_128 = tpu.memref_slice %arg11[%run_scoped3A_77, %dma_wait3A_127] : memref<40x125xi32, #tpu.memory_space<vmem>> -> memref<1x125xi32, #tpu.memory_space<vmem>>
      %dma_wait3A_129 = tpu.memref_squeeze %dma_wait3A_128 : memref<1x125xi32, #tpu.memory_space<vmem>> -> memref<125xi32, #tpu.memory_space<vmem>>
      %dma_wait3A_130 = arith.constant 0 : i32
      %dma_wait3A_131 = arith.constant 0 : i32
      %dma_wait3A_132 = tpu.memref_slice %arg14[%dma_wait3A_130, %dma_wait3A_131] : memref<10112x128xf32, #tpu.memory_space<vmem_shared>> -> memref<10112x128xf32, #tpu.memory_space<vmem_shared>>
      tpu.wait_indirect_dma semaphore(%run_scoped3A_120 : memref<!tpu.dma_semaphore, #tpu.memory_space<semaphore_mem>>) src(%arg13 : memref<125x128xf32, #tpu.memory_space<vmem>>) dst(%dma_wait3A_132 : memref<10112x128xf32, #tpu.memory_space<vmem_shared>>)
      tpu.yield
    }) : () -> ()
    %barrier3A_78 = arith.constant 0 : index
    tpu.barrier barrier_id(%barrier3A_78)
    %run_scoped3A_79 = arith.constant 1 : i32
    "tpu.region"() ({
      %run_scoped3A_120 = tpu.sem_alloc : memref<!tpu.dma_semaphore, #tpu.memory_space<semaphore_mem>>
      %dma_start3A_121 = arith.constant 0 : i32
      %dma_start3A_122 = tpu.memref_slice %arg9[%run_scoped3A_79, %arg0, %mul3A_4, %dma_start3A_121] : memref<3x2x10112x128xf32, #tpu.memory_space<hbm>> -> memref<1x1x632x128xf32, #tpu.memory_space<hbm>>
      %dma_start3A_123 = tpu.memref_squeeze %dma_start3A_122 : memref<1x1x632x128xf32, #tpu.memory_space<hbm>> -> memref<632x128xf32, #tpu.memory_space<hbm>>
      %dma_start3A_124 = arith.constant 0 : i32
      %dma_start3A_125 = tpu.memref_slice %arg14[%mul3A_4, %dma_start3A_124] : memref<10112x128xf32, #tpu.memory_space<vmem_shared>> -> memref<632x128xf32, #tpu.memory_space<vmem_shared>>
      tpu.enqueue_dma source(%dma_start3A_125 : memref<632x128xf32, #tpu.memory_space<vmem_shared>>) target(%dma_start3A_123 : memref<632x128xf32, #tpu.memory_space<hbm>>) target_semaphore(%run_scoped3A_120 : memref<!tpu.dma_semaphore, #tpu.memory_space<semaphore_mem>>)
      %dma_wait3A_126 = arith.constant 0 : i32
      %dma_wait3A_127 = tpu.memref_slice %arg9[%run_scoped3A_79, %arg0, %mul3A_4, %dma_wait3A_126] : memref<3x2x10112x128xf32, #tpu.memory_space<hbm>> -> memref<1x1x632x128xf32, #tpu.memory_space<hbm>>
      %dma_wait3A_128 = tpu.memref_squeeze %dma_wait3A_127 : memref<1x1x632x128xf32, #tpu.memory_space<hbm>> -> memref<632x128xf32, #tpu.memory_space<hbm>>
      %dma_wait3A_129 = arith.constant 0 : i32
      %dma_wait3A_130 = tpu.memref_slice %arg14[%mul3A_4, %dma_wait3A_129] : memref<10112x128xf32, #tpu.memory_space<vmem_shared>> -> memref<632x128xf32, #tpu.memory_space<vmem_shared>>
      tpu.wait_dma2 semaphore(%run_scoped3A_120 : memref<!tpu.dma_semaphore, #tpu.memory_space<semaphore_mem>>) src(%dma_wait3A_130 : memref<632x128xf32, #tpu.memory_space<vmem_shared>>) dst(%dma_wait3A_128 : memref<632x128xf32, #tpu.memory_space<hbm>>)
      tpu.yield
    }) : () -> ()
    %run_scoped3A_80 = arith.constant 0 : i32
    "tpu.region"() ({
      %run_scoped3A_120 = tpu.sem_alloc : memref<!tpu.dma_semaphore, #tpu.memory_space<semaphore_mem>>
      %dma_start3A_121 = arith.constant 0 : i32
      %dma_start3A_122 = tpu.memref_slice %arg7[%run_scoped3A_80, %mul3A_2, %dma_start3A_121] : memref<2x1280x125xi32, #tpu.memory_space<hbm>> -> memref<1x40x125xi32, #tpu.memory_space<hbm>>
      %dma_start3A_123 = tpu.memref_squeeze %dma_start3A_122 : memref<1x40x125xi32, #tpu.memory_space<hbm>> -> memref<40x125xi32, #tpu.memory_space<hbm>>
      %dma_start3A_124 = arith.constant 0 : i32
      %dma_start3A_125 = tpu.memref_slice %arg7[%run_scoped3A_80, %mul3A_2, %dma_start3A_124] : memref<2x1280x125xi32, #tpu.memory_space<hbm>> -> memref<1x40x125xi32, #tpu.memory_space<hbm>>
      %dma_start3A_126 = tpu.memref_squeeze %dma_start3A_125 : memref<1x40x125xi32, #tpu.memory_space<hbm>> -> memref<40x125xi32, #tpu.memory_space<hbm>>
      tpu.enqueue_dma source(%dma_start3A_126 : memref<40x125xi32, #tpu.memory_space<hbm>>) target(%arg10 : memref<40x125xi32, #tpu.memory_space<vmem>>) target_semaphore(%run_scoped3A_120 : memref<!tpu.dma_semaphore, #tpu.memory_space<semaphore_mem>>)
      %dma_wait3A_127 = arith.constant 0 : i32
      %dma_wait3A_128 = tpu.memref_slice %arg7[%run_scoped3A_80, %mul3A_2, %dma_wait3A_127] : memref<2x1280x125xi32, #tpu.memory_space<hbm>> -> memref<1x40x125xi32, #tpu.memory_space<hbm>>
      %dma_wait3A_129 = tpu.memref_squeeze %dma_wait3A_128 : memref<1x40x125xi32, #tpu.memory_space<hbm>> -> memref<40x125xi32, #tpu.memory_space<hbm>>
      %dma_wait3A_130 = arith.constant 0 : i32
      %dma_wait3A_131 = tpu.memref_slice %arg7[%run_scoped3A_80, %mul3A_2, %dma_wait3A_130] : memref<2x1280x125xi32, #tpu.memory_space<hbm>> -> memref<1x40x125xi32, #tpu.memory_space<hbm>>
      %dma_wait3A_132 = tpu.memref_squeeze %dma_wait3A_131 : memref<1x40x125xi32, #tpu.memory_space<hbm>> -> memref<40x125xi32, #tpu.memory_space<hbm>>
      tpu.wait_dma2 semaphore(%run_scoped3A_120 : memref<!tpu.dma_semaphore, #tpu.memory_space<semaphore_mem>>) src(%dma_wait3A_132 : memref<40x125xi32, #tpu.memory_space<hbm>>) dst(%arg10 : memref<40x125xi32, #tpu.memory_space<vmem>>)
      tpu.yield
    }) : () -> ()
    %run_scoped3A_81 = arith.constant 1 : i32
    "tpu.region"() ({
      %run_scoped3A_120 = tpu.sem_alloc : memref<!tpu.dma_semaphore, #tpu.memory_space<semaphore_mem>>
      %dma_start3A_121 = arith.constant 0 : i32
      %dma_start3A_122 = tpu.memref_slice %arg7[%run_scoped3A_81, %mul3A_2, %dma_start3A_121] : memref<2x1280x125xi32, #tpu.memory_space<hbm>> -> memref<1x40x125xi32, #tpu.memory_space<hbm>>
      %dma_start3A_123 = tpu.memref_squeeze %dma_start3A_122 : memref<1x40x125xi32, #tpu.memory_space<hbm>> -> memref<40x125xi32, #tpu.memory_space<hbm>>
      %dma_start3A_124 = arith.constant 0 : i32
      %dma_start3A_125 = tpu.memref_slice %arg7[%run_scoped3A_81, %mul3A_2, %dma_start3A_124] : memref<2x1280x125xi32, #tpu.memory_space<hbm>> -> memref<1x40x125xi32, #tpu.memory_space<hbm>>
      %dma_start3A_126 = tpu.memref_squeeze %dma_start3A_125 : memref<1x40x125xi32, #tpu.memory_space<hbm>> -> memref<40x125xi32, #tpu.memory_space<hbm>>
      tpu.enqueue_dma source(%dma_start3A_126 : memref<40x125xi32, #tpu.memory_space<hbm>>) target(%arg11 : memref<40x125xi32, #tpu.memory_space<vmem>>) target_semaphore(%run_scoped3A_120 : memref<!tpu.dma_semaphore, #tpu.memory_space<semaphore_mem>>)
      %dma_wait3A_127 = arith.constant 0 : i32
      %dma_wait3A_128 = tpu.memref_slice %arg7[%run_scoped3A_81, %mul3A_2, %dma_wait3A_127] : memref<2x1280x125xi32, #tpu.memory_space<hbm>> -> memref<1x40x125xi32, #tpu.memory_space<hbm>>
      %dma_wait3A_129 = tpu.memref_squeeze %dma_wait3A_128 : memref<1x40x125xi32, #tpu.memory_space<hbm>> -> memref<40x125xi32, #tpu.memory_space<hbm>>
      %dma_wait3A_130 = arith.constant 0 : i32
      %dma_wait3A_131 = tpu.memref_slice %arg7[%run_scoped3A_81, %mul3A_2, %dma_wait3A_130] : memref<2x1280x125xi32, #tpu.memory_space<hbm>> -> memref<1x40x125xi32, #tpu.memory_space<hbm>>
      %dma_wait3A_132 = tpu.memref_squeeze %dma_wait3A_131 : memref<1x40x125xi32, #tpu.memory_space<hbm>> -> memref<40x125xi32, #tpu.memory_space<hbm>>
      tpu.wait_dma2 semaphore(%run_scoped3A_120 : memref<!tpu.dma_semaphore, #tpu.memory_space<semaphore_mem>>) src(%dma_wait3A_132 : memref<40x125xi32, #tpu.memory_space<hbm>>) dst(%arg11 : memref<40x125xi32, #tpu.memory_space<vmem>>)
      tpu.yield
    }) : () -> ()
    "tpu.region"() ({
      %run_scoped3A_120 = tpu.sem_alloc : memref<!tpu.dma_semaphore, #tpu.memory_space<semaphore_mem>>
      %dma_start3A_121 = arith.constant 0 : i32
      %dma_start3A_122 = tpu.memref_slice %arg14[%mul3A_4, %dma_start3A_121] : memref<10112x128xf32, #tpu.memory_space<vmem_shared>> -> memref<632x128xf32, #tpu.memory_space<vmem_shared>>
      %dma_start3A_123 = arith.constant 0 : i32
      %dma_start3A_124 = tpu.memref_slice %arg8[%mul3A_4, %dma_start3A_123] : memref<10112x128xf32, #tpu.memory_space<hbm>> -> memref<632x128xf32, #tpu.memory_space<hbm>>
      tpu.enqueue_dma source(%dma_start3A_124 : memref<632x128xf32, #tpu.memory_space<hbm>>) target(%dma_start3A_122 : memref<632x128xf32, #tpu.memory_space<vmem_shared>>) target_semaphore(%run_scoped3A_120 : memref<!tpu.dma_semaphore, #tpu.memory_space<semaphore_mem>>)
      %dma_wait3A_125 = arith.constant 0 : i32
      %dma_wait3A_126 = tpu.memref_slice %arg14[%mul3A_4, %dma_wait3A_125] : memref<10112x128xf32, #tpu.memory_space<vmem_shared>> -> memref<632x128xf32, #tpu.memory_space<vmem_shared>>
      %dma_wait3A_127 = arith.constant 0 : i32
      %dma_wait3A_128 = tpu.memref_slice %arg8[%mul3A_4, %dma_wait3A_127] : memref<10112x128xf32, #tpu.memory_space<hbm>> -> memref<632x128xf32, #tpu.memory_space<hbm>>
      tpu.wait_dma2 semaphore(%run_scoped3A_120 : memref<!tpu.dma_semaphore, #tpu.memory_space<semaphore_mem>>) src(%dma_wait3A_128 : memref<632x128xf32, #tpu.memory_space<hbm>>) dst(%dma_wait3A_126 : memref<632x128xf32, #tpu.memory_space<vmem_shared>>)
      tpu.yield
    }) : () -> ()
    %barrier3A_82 = arith.constant 0 : index
    tpu.barrier barrier_id(%barrier3A_82)
    %dma_start3A_83 = arith.constant 0 : i32
    %dma_start3A_84 = arith.constant 0 : i32
    %dma_start3A_85 = tpu.memref_slice %arg10[%dma_start3A_83, %dma_start3A_84] : memref<40x125xi32, #tpu.memory_space<vmem>> -> memref<1x125xi32, #tpu.memory_space<vmem>>
    %dma_start3A_86 = tpu.memref_squeeze %dma_start3A_85 : memref<1x125xi32, #tpu.memory_space<vmem>> -> memref<125xi32, #tpu.memory_space<vmem>>
    %dma_start3A_87 = arith.constant 0 : i32
    %dma_start3A_88 = arith.constant 0 : i32
    %dma_start3A_89 = tpu.memref_slice %arg4[%dma_start3A_87, %dma_start3A_88] : memref<10000x128xf32, #tpu.memory_space<hbm>> -> memref<10000x128xf32, #tpu.memory_space<hbm>>
    tpu.enqueue_indirect_dma source(%dma_start3A_89 : memref<10000x128xf32, #tpu.memory_space<hbm>>) target(%arg12 : memref<125x128xf32, #tpu.memory_space<vmem>>) offsets(%dma_start3A_86 : memref<125xi32, #tpu.memory_space<vmem>>) semaphore(%arg15 : memref<!tpu.dma_semaphore, #tpu.memory_space<semaphore_mem>>)
    %dma_start3A_90 = arith.constant 1 : i32
    %dma_start3A_91 = arith.constant 0 : i32
    %dma_start3A_92 = tpu.memref_slice %arg10[%dma_start3A_90, %dma_start3A_91] : memref<40x125xi32, #tpu.memory_space<vmem>> -> memref<1x125xi32, #tpu.memory_space<vmem>>
    %dma_start3A_93 = tpu.memref_squeeze %dma_start3A_92 : memref<1x125xi32, #tpu.memory_space<vmem>> -> memref<125xi32, #tpu.memory_space<vmem>>
    %dma_start3A_94 = arith.constant 0 : i32
    %dma_start3A_95 = arith.constant 0 : i32
    %dma_start3A_96 = tpu.memref_slice %arg4[%dma_start3A_94, %dma_start3A_95] : memref<10000x128xf32, #tpu.memory_space<hbm>> -> memref<10000x128xf32, #tpu.memory_space<hbm>>
    tpu.enqueue_indirect_dma source(%dma_start3A_96 : memref<10000x128xf32, #tpu.memory_space<hbm>>) target(%arg13 : memref<125x128xf32, #tpu.memory_space<vmem>>) offsets(%dma_start3A_93 : memref<125xi32, #tpu.memory_space<vmem>>) semaphore(%arg16 : memref<!tpu.dma_semaphore, #tpu.memory_space<semaphore_mem>>)
    %scan3A_97 = arith.constant 0 : i32
    %scan3A_98 = arith.constant 19 : i32
    %scan3A_99 = arith.addi %scan3A_97, %scan3A_98 : i32
    %scan3A_100 = arith.constant 1 : i32
    scf.for %scan3A_120 = %scan3A_97 to %scan3A_99 step %scan3A_100  : i32 {
      %mul3A_121 = arith.constant 2 : i32
      %mul3A_122 = arith.muli %mul3A_121, %scan3A_120 : i32
      %add3A_123 = arith.constant 0 : i32
      %add3A_124 = arith.addi %add3A_123, %mul3A_122 : i32
      %dma_wait3A_125 = arith.constant 0 : i32
      %dma_wait3A_126 = tpu.memref_slice %arg10[%add3A_124, %dma_wait3A_125] : memref<40x125xi32, #tpu.memory_space<vmem>> -> memref<1x125xi32, #tpu.memory_space<vmem>>
      %dma_wait3A_127 = tpu.memref_squeeze %dma_wait3A_126 : memref<1x125xi32, #tpu.memory_space<vmem>> -> memref<125xi32, #tpu.memory_space<vmem>>
      %dma_wait3A_128 = arith.constant 0 : i32
      %dma_wait3A_129 = arith.constant 0 : i32
      %dma_wait3A_130 = tpu.memref_slice %arg4[%dma_wait3A_128, %dma_wait3A_129] : memref<10000x128xf32, #tpu.memory_space<hbm>> -> memref<10000x128xf32, #tpu.memory_space<hbm>>
      tpu.wait_indirect_dma semaphore(%arg15 : memref<!tpu.dma_semaphore, #tpu.memory_space<semaphore_mem>>) src(%dma_wait3A_130 : memref<10000x128xf32, #tpu.memory_space<hbm>>) dst(%arg12 : memref<125x128xf32, #tpu.memory_space<vmem>>)
      "tpu.region"() ({
        %run_scoped3A_157 = tpu.sem_alloc : memref<!tpu.dma_semaphore, #tpu.memory_space<semaphore_mem>>
        %dma_start3A_158 = arith.constant 0 : i32
        %dma_start3A_159 = tpu.memref_slice %arg11[%add3A_124, %dma_start3A_158] : memref<40x125xi32, #tpu.memory_space<vmem>> -> memref<1x125xi32, #tpu.memory_space<vmem>>
        %dma_start3A_160 = tpu.memref_squeeze %dma_start3A_159 : memref<1x125xi32, #tpu.memory_space<vmem>> -> memref<125xi32, #tpu.memory_space<vmem>>
        %dma_start3A_161 = arith.constant 0 : i32
        %dma_start3A_162 = arith.constant 0 : i32
        %dma_start3A_163 = tpu.memref_slice %arg14[%dma_start3A_161, %dma_start3A_162] : memref<10112x128xf32, #tpu.memory_space<vmem_shared>> -> memref<10112x128xf32, #tpu.memory_space<vmem_shared>>
        tpu.enqueue_indirect_dma source(%arg12 : memref<125x128xf32, #tpu.memory_space<vmem>>) target(%dma_start3A_163 : memref<10112x128xf32, #tpu.memory_space<vmem_shared>>) offsets(%dma_start3A_160 : memref<125xi32, #tpu.memory_space<vmem>>) semaphore(%run_scoped3A_157 : memref<!tpu.dma_semaphore, #tpu.memory_space<semaphore_mem>>) {add = true}
        %dma_wait3A_164 = arith.constant 0 : i32
        %dma_wait3A_165 = tpu.memref_slice %arg11[%add3A_124, %dma_wait3A_164] : memref<40x125xi32, #tpu.memory_space<vmem>> -> memref<1x125xi32, #tpu.memory_space<vmem>>
        %dma_wait3A_166 = tpu.memref_squeeze %dma_wait3A_165 : memref<1x125xi32, #tpu.memory_space<vmem>> -> memref<125xi32, #tpu.memory_space<vmem>>
        %dma_wait3A_167 = arith.constant 0 : i32
        %dma_wait3A_168 = arith.constant 0 : i32
        %dma_wait3A_169 = tpu.memref_slice %arg14[%dma_wait3A_167, %dma_wait3A_168] : memref<10112x128xf32, #tpu.memory_space<vmem_shared>> -> memref<10112x128xf32, #tpu.memory_space<vmem_shared>>
        tpu.wait_indirect_dma semaphore(%run_scoped3A_157 : memref<!tpu.dma_semaphore, #tpu.memory_space<semaphore_mem>>) src(%arg12 : memref<125x128xf32, #tpu.memory_space<vmem>>) dst(%dma_wait3A_169 : memref<10112x128xf32, #tpu.memory_space<vmem_shared>>)
        tpu.yield
      }) : () -> ()
      %add3A_131 = arith.constant 2 : i32
      %add3A_132 = arith.addi %add3A_124, %add3A_131 : i32
      %dma_start3A_133 = arith.constant 0 : i32
      %dma_start3A_134 = tpu.memref_slice %arg10[%add3A_132, %dma_start3A_133] : memref<40x125xi32, #tpu.memory_space<vmem>> -> memref<1x125xi32, #tpu.memory_space<vmem>>
      %dma_start3A_135 = tpu.memref_squeeze %dma_start3A_134 : memref<1x125xi32, #tpu.memory_space<vmem>> -> memref<125xi32, #tpu.memory_space<vmem>>
      %dma_start3A_136 = arith.constant 0 : i32
      %dma_start3A_137 = arith.constant 0 : i32
      %dma_start3A_138 = tpu.memref_slice %arg4[%dma_start3A_136, %dma_start3A_137] : memref<10000x128xf32, #tpu.memory_space<hbm>> -> memref<10000x128xf32, #tpu.memory_space<hbm>>
      tpu.enqueue_indirect_dma source(%dma_start3A_138 : memref<10000x128xf32, #tpu.memory_space<hbm>>) target(%arg12 : memref<125x128xf32, #tpu.memory_space<vmem>>) offsets(%dma_start3A_135 : memref<125xi32, #tpu.memory_space<vmem>>) semaphore(%arg15 : memref<!tpu.dma_semaphore, #tpu.memory_space<semaphore_mem>>)
      %add3A_139 = arith.constant 1 : i32
      %add3A_140 = arith.addi %add3A_124, %add3A_139 : i32
      %dma_wait3A_141 = arith.constant 0 : i32
      %dma_wait3A_142 = tpu.memref_slice %arg10[%add3A_140, %dma_wait3A_141] : memref<40x125xi32, #tpu.memory_space<vmem>> -> memref<1x125xi32, #tpu.memory_space<vmem>>
      %dma_wait3A_143 = tpu.memref_squeeze %dma_wait3A_142 : memref<1x125xi32, #tpu.memory_space<vmem>> -> memref<125xi32, #tpu.memory_space<vmem>>
      %dma_wait3A_144 = arith.constant 0 : i32
      %dma_wait3A_145 = arith.constant 0 : i32
      %dma_wait3A_146 = tpu.memref_slice %arg4[%dma_wait3A_144, %dma_wait3A_145] : memref<10000x128xf32, #tpu.memory_space<hbm>> -> memref<10000x128xf32, #tpu.memory_space<hbm>>
      tpu.wait_indirect_dma semaphore(%arg16 : memref<!tpu.dma_semaphore, #tpu.memory_space<semaphore_mem>>) src(%dma_wait3A_146 : memref<10000x128xf32, #tpu.memory_space<hbm>>) dst(%arg13 : memref<125x128xf32, #tpu.memory_space<vmem>>)
      %add3A_147 = arith.constant 1 : i32
      %add3A_148 = arith.addi %add3A_124, %add3A_147 : i32
      "tpu.region"() ({
        %run_scoped3A_157 = tpu.sem_alloc : memref<!tpu.dma_semaphore, #tpu.memory_space<semaphore_mem>>
        %dma_start3A_158 = arith.constant 0 : i32
        %dma_start3A_159 = tpu.memref_slice %arg11[%add3A_148, %dma_start3A_158] : memref<40x125xi32, #tpu.memory_space<vmem>> -> memref<1x125xi32, #tpu.memory_space<vmem>>
        %dma_start3A_160 = tpu.memref_squeeze %dma_start3A_159 : memref<1x125xi32, #tpu.memory_space<vmem>> -> memref<125xi32, #tpu.memory_space<vmem>>
        %dma_start3A_161 = arith.constant 0 : i32
        %dma_start3A_162 = arith.constant 0 : i32
        %dma_start3A_163 = tpu.memref_slice %arg14[%dma_start3A_161, %dma_start3A_162] : memref<10112x128xf32, #tpu.memory_space<vmem_shared>> -> memref<10112x128xf32, #tpu.memory_space<vmem_shared>>
        tpu.enqueue_indirect_dma source(%arg13 : memref<125x128xf32, #tpu.memory_space<vmem>>) target(%dma_start3A_163 : memref<10112x128xf32, #tpu.memory_space<vmem_shared>>) offsets(%dma_start3A_160 : memref<125xi32, #tpu.memory_space<vmem>>) semaphore(%run_scoped3A_157 : memref<!tpu.dma_semaphore, #tpu.memory_space<semaphore_mem>>) {add = true}
        %dma_wait3A_164 = arith.constant 0 : i32
        %dma_wait3A_165 = tpu.memref_slice %arg11[%add3A_148, %dma_wait3A_164] : memref<40x125xi32, #tpu.memory_space<vmem>> -> memref<1x125xi32, #tpu.memory_space<vmem>>
        %dma_wait3A_166 = tpu.memref_squeeze %dma_wait3A_165 : memref<1x125xi32, #tpu.memory_space<vmem>> -> memref<125xi32, #tpu.memory_space<vmem>>
        %dma_wait3A_167 = arith.constant 0 : i32
        %dma_wait3A_168 = arith.constant 0 : i32
        %dma_wait3A_169 = tpu.memref_slice %arg14[%dma_wait3A_167, %dma_wait3A_168] : memref<10112x128xf32, #tpu.memory_space<vmem_shared>> -> memref<10112x128xf32, #tpu.memory_space<vmem_shared>>
        tpu.wait_indirect_dma semaphore(%run_scoped3A_157 : memref<!tpu.dma_semaphore, #tpu.memory_space<semaphore_mem>>) src(%arg13 : memref<125x128xf32, #tpu.memory_space<vmem>>) dst(%dma_wait3A_169 : memref<10112x128xf32, #tpu.memory_space<vmem_shared>>)
        tpu.yield
      }) : () -> ()
      %add3A_149 = arith.constant 3 : i32
      %add3A_150 = arith.addi %add3A_124, %add3A_149 : i32
      %dma_start3A_151 = arith.constant 0 : i32
      %dma_start3A_152 = tpu.memref_slice %arg10[%add3A_150, %dma_start3A_151] : memref<40x125xi32, #tpu.memory_space<vmem>> -> memref<1x125xi32, #tpu.memory_space<vmem>>
      %dma_start3A_153 = tpu.memref_squeeze %dma_start3A_152 : memref<1x125xi32, #tpu.memory_space<vmem>> -> memref<125xi32, #tpu.memory_space<vmem>>
      %dma_start3A_154 = arith.constant 0 : i32
      %dma_start3A_155 = arith.constant 0 : i32
      %dma_start3A_156 = tpu.memref_slice %arg4[%dma_start3A_154, %dma_start3A_155] : memref<10000x128xf32, #tpu.memory_space<hbm>> -> memref<10000x128xf32, #tpu.memory_space<hbm>>
      tpu.enqueue_indirect_dma source(%dma_start3A_156 : memref<10000x128xf32, #tpu.memory_space<hbm>>) target(%arg13 : memref<125x128xf32, #tpu.memory_space<vmem>>) offsets(%dma_start3A_153 : memref<125xi32, #tpu.memory_space<vmem>>) semaphore(%arg16 : memref<!tpu.dma_semaphore, #tpu.memory_space<semaphore_mem>>)
    }
    %scan3A_101 = arith.constant 19 : i32
    %dma_wait3A_102 = arith.constant 38 : i32
    %dma_wait3A_103 = arith.constant 0 : i32
    %dma_wait3A_104 = tpu.memref_slice %arg10[%dma_wait3A_102, %dma_wait3A_103] : memref<40x125xi32, #tpu.memory_space<vmem>> -> memref<1x125xi32, #tpu.memory_space<vmem>>
    %dma_wait3A_105 = tpu.memref_squeeze %dma_wait3A_104 : memref<1x125xi32, #tpu.memory_space<vmem>> -> memref<125xi32, #tpu.memory_space<vmem>>
    %dma_wait3A_106 = arith.constant 0 : i32
    %dma_wait3A_107 = arith.constant 0 : i32
    %dma_wait3A_108 = tpu.memref_slice %arg4[%dma_wait3A_106, %dma_wait3A_107] : memref<10000x128xf32, #tpu.memory_space<hbm>> -> memref<10000x128xf32, #tpu.memory_space<hbm>>
    tpu.wait_indirect_dma semaphore(%arg15 : memref<!tpu.dma_semaphore, #tpu.memory_space<semaphore_mem>>) src(%dma_wait3A_108 : memref<10000x128xf32, #tpu.memory_space<hbm>>) dst(%arg12 : memref<125x128xf32, #tpu.memory_space<vmem>>)
    %run_scoped3A_109 = arith.constant 38 : i32
    "tpu.region"() ({
      %run_scoped3A_120 = tpu.sem_alloc : memref<!tpu.dma_semaphore, #tpu.memory_space<semaphore_mem>>
      %dma_start3A_121 = arith.constant 0 : i32
      %dma_start3A_122 = tpu.memref_slice %arg11[%run_scoped3A_109, %dma_start3A_121] : memref<40x125xi32, #tpu.memory_space<vmem>> -> memref<1x125xi32, #tpu.memory_space<vmem>>
      %dma_start3A_123 = tpu.memref_squeeze %dma_start3A_122 : memref<1x125xi32, #tpu.memory_space<vmem>> -> memref<125xi32, #tpu.memory_space<vmem>>
      %dma_start3A_124 = arith.constant 0 : i32
      %dma_start3A_125 = arith.constant 0 : i32
      %dma_start3A_126 = tpu.memref_slice %arg14[%dma_start3A_124, %dma_start3A_125] : memref<10112x128xf32, #tpu.memory_space<vmem_shared>> -> memref<10112x128xf32, #tpu.memory_space<vmem_shared>>
      tpu.enqueue_indirect_dma source(%arg12 : memref<125x128xf32, #tpu.memory_space<vmem>>) target(%dma_start3A_126 : memref<10112x128xf32, #tpu.memory_space<vmem_shared>>) offsets(%dma_start3A_123 : memref<125xi32, #tpu.memory_space<vmem>>) semaphore(%run_scoped3A_120 : memref<!tpu.dma_semaphore, #tpu.memory_space<semaphore_mem>>) {add = true}
      %dma_wait3A_127 = arith.constant 0 : i32
      %dma_wait3A_128 = tpu.memref_slice %arg11[%run_scoped3A_109, %dma_wait3A_127] : memref<40x125xi32, #tpu.memory_space<vmem>> -> memref<1x125xi32, #tpu.memory_space<vmem>>
      %dma_wait3A_129 = tpu.memref_squeeze %dma_wait3A_128 : memref<1x125xi32, #tpu.memory_space<vmem>> -> memref<125xi32, #tpu.memory_space<vmem>>
      %dma_wait3A_130 = arith.constant 0 : i32
      %dma_wait3A_131 = arith.constant 0 : i32
      %dma_wait3A_132 = tpu.memref_slice %arg14[%dma_wait3A_130, %dma_wait3A_131] : memref<10112x128xf32, #tpu.memory_space<vmem_shared>> -> memref<10112x128xf32, #tpu.memory_space<vmem_shared>>
      tpu.wait_indirect_dma semaphore(%run_scoped3A_120 : memref<!tpu.dma_semaphore, #tpu.memory_space<semaphore_mem>>) src(%arg12 : memref<125x128xf32, #tpu.memory_space<vmem>>) dst(%dma_wait3A_132 : memref<10112x128xf32, #tpu.memory_space<vmem_shared>>)
      tpu.yield
    }) : () -> ()
    %dma_wait3A_110 = arith.constant 39 : i32
    %dma_wait3A_111 = arith.constant 0 : i32
    %dma_wait3A_112 = tpu.memref_slice %arg10[%dma_wait3A_110, %dma_wait3A_111] : memref<40x125xi32, #tpu.memory_space<vmem>> -> memref<1x125xi32, #tpu.memory_space<vmem>>
    %dma_wait3A_113 = tpu.memref_squeeze %dma_wait3A_112 : memref<1x125xi32, #tpu.memory_space<vmem>> -> memref<125xi32, #tpu.memory_space<vmem>>
    %dma_wait3A_114 = arith.constant 0 : i32
    %dma_wait3A_115 = arith.constant 0 : i32
    %dma_wait3A_116 = tpu.memref_slice %arg4[%dma_wait3A_114, %dma_wait3A_115] : memref<10000x128xf32, #tpu.memory_space<hbm>> -> memref<10000x128xf32, #tpu.memory_space<hbm>>
    tpu.wait_indirect_dma semaphore(%arg16 : memref<!tpu.dma_semaphore, #tpu.memory_space<semaphore_mem>>) src(%dma_wait3A_116 : memref<10000x128xf32, #tpu.memory_space<hbm>>) dst(%arg13 : memref<125x128xf32, #tpu.memory_space<vmem>>)
    %run_scoped3A_117 = arith.constant 39 : i32
    "tpu.region"() ({
      %run_scoped3A_120 = tpu.sem_alloc : memref<!tpu.dma_semaphore, #tpu.memory_space<semaphore_mem>>
      %dma_start3A_121 = arith.constant 0 : i32
      %dma_start3A_122 = tpu.memref_slice %arg11[%run_scoped3A_117, %dma_start3A_121] : memref<40x125xi32, #tpu.memory_space<vmem>> -> memref<1x125xi32, #tpu.memory_space<vmem>>
      %dma_start3A_123 = tpu.memref_squeeze %dma_start3A_122 : memref<1x125xi32, #tpu.memory_space<vmem>> -> memref<125xi32, #tpu.memory_space<vmem>>
      %dma_start3A_124 = arith.constant 0 : i32
      %dma_start3A_125 = arith.constant 0 : i32
      %dma_start3A_126 = tpu.memref_slice %arg14[%dma_start3A_124, %dma_start3A_125] : memref<10112x128xf32, #tpu.memory_space<vmem_shared>> -> memref<10112x128xf32, #tpu.memory_space<vmem_shared>>
      tpu.enqueue_indirect_dma source(%arg13 : memref<125x128xf32, #tpu.memory_space<vmem>>) target(%dma_start3A_126 : memref<10112x128xf32, #tpu.memory_space<vmem_shared>>) offsets(%dma_start3A_123 : memref<125xi32, #tpu.memory_space<vmem>>) semaphore(%run_scoped3A_120 : memref<!tpu.dma_semaphore, #tpu.memory_space<semaphore_mem>>) {add = true}
      %dma_wait3A_127 = arith.constant 0 : i32
      %dma_wait3A_128 = tpu.memref_slice %arg11[%run_scoped3A_117, %dma_wait3A_127] : memref<40x125xi32, #tpu.memory_space<vmem>> -> memref<1x125xi32, #tpu.memory_space<vmem>>
      %dma_wait3A_129 = tpu.memref_squeeze %dma_wait3A_128 : memref<1x125xi32, #tpu.memory_space<vmem>> -> memref<125xi32, #tpu.memory_space<vmem>>
      %dma_wait3A_130 = arith.constant 0 : i32
      %dma_wait3A_131 = arith.constant 0 : i32
      %dma_wait3A_132 = tpu.memref_slice %arg14[%dma_wait3A_130, %dma_wait3A_131] : memref<10112x128xf32, #tpu.memory_space<vmem_shared>> -> memref<10112x128xf32, #tpu.memory_space<vmem_shared>>
      tpu.wait_indirect_dma semaphore(%run_scoped3A_120 : memref<!tpu.dma_semaphore, #tpu.memory_space<semaphore_mem>>) src(%arg13 : memref<125x128xf32, #tpu.memory_space<vmem>>) dst(%dma_wait3A_132 : memref<10112x128xf32, #tpu.memory_space<vmem_shared>>)
      tpu.yield
    }) : () -> ()
    %barrier3A_118 = arith.constant 0 : index
    tpu.barrier barrier_id(%barrier3A_118)
    %run_scoped3A_119 = arith.constant 2 : i32
    "tpu.region"() ({
      %run_scoped3A_120 = tpu.sem_alloc : memref<!tpu.dma_semaphore, #tpu.memory_space<semaphore_mem>>
      %dma_start3A_121 = arith.constant 0 : i32
      %dma_start3A_122 = tpu.memref_slice %arg9[%run_scoped3A_119, %arg0, %mul3A_4, %dma_start3A_121] : memref<3x2x10112x128xf32, #tpu.memory_space<hbm>> -> memref<1x1x632x128xf32, #tpu.memory_space<hbm>>
      %dma_start3A_123 = tpu.memref_squeeze %dma_start3A_122 : memref<1x1x632x128xf32, #tpu.memory_space<hbm>> -> memref<632x128xf32, #tpu.memory_space<hbm>>
      %dma_start3A_124 = arith.constant 0 : i32
      %dma_start3A_125 = tpu.memref_slice %arg14[%mul3A_4, %dma_start3A_124] : memref<10112x128xf32, #tpu.memory_space<vmem_shared>> -> memref<632x128xf32, #tpu.memory_space<vmem_shared>>
      tpu.enqueue_dma source(%dma_start3A_125 : memref<632x128xf32, #tpu.memory_space<vmem_shared>>) target(%dma_start3A_123 : memref<632x128xf32, #tpu.memory_space<hbm>>) target_semaphore(%run_scoped3A_120 : memref<!tpu.dma_semaphore, #tpu.memory_space<semaphore_mem>>)
      %dma_wait3A_126 = arith.constant 0 : i32
      %dma_wait3A_127 = tpu.memref_slice %arg9[%run_scoped3A_119, %arg0, %mul3A_4, %dma_wait3A_126] : memref<3x2x10112x128xf32, #tpu.memory_space<hbm>> -> memref<1x1x632x128xf32, #tpu.memory_space<hbm>>
      %dma_wait3A_128 = tpu.memref_squeeze %dma_wait3A_127 : memref<1x1x632x128xf32, #tpu.memory_space<hbm>> -> memref<632x128xf32, #tpu.memory_space<hbm>>
      %dma_wait3A_129 = arith.constant 0 : i32
      %dma_wait3A_130 = tpu.memref_slice %arg14[%mul3A_4, %dma_wait3A_129] : memref<10112x128xf32, #tpu.memory_space<vmem_shared>> -> memref<632x128xf32, #tpu.memory_space<vmem_shared>>
      tpu.wait_dma2 semaphore(%run_scoped3A_120 : memref<!tpu.dma_semaphore, #tpu.memory_space<semaphore_mem>>) src(%dma_wait3A_130 : memref<632x128xf32, #tpu.memory_space<vmem_shared>>) dst(%dma_wait3A_128 : memref<632x128xf32, #tpu.memory_space<hbm>>)
      tpu.yield
    }) : () -> ()
    return
  }
}

#map = affine_map<(d0, d1) -> (0, 0, 0)>
#map1 = affine_map<(d0, d1) -> (0)>
module attributes {stable_mosaic.version = 14 : i64} {
  func.func @_sc_degrees(%arg0: i32, %arg1: i32, %arg2: memref<2x1x163840xi32, #tpu.memory_space<hbm>>, %arg3: memref<2x1x163840xi32, #tpu.memory_space<hbm>>, %arg4: memref<2x1x163840xi32, #tpu.memory_space<hbm>>, %arg5: memref<6x1x10240xi32, #tpu.memory_space<hbm>>, %arg6: memref<5120xf32, #tpu.memory_space<hbm>>, %arg7: memref<10240xf32, #tpu.memory_space<hbm>>, %arg8: memref<2621440xf32, #tpu.memory_space<hbm>>, %arg9: memref<5120xi32, #tpu.memory_space<vmem>>, %arg10: memref<5120xf32, #tpu.memory_space<vmem>>, %arg11: memref<640xf32, #tpu.memory_space<vmem>>, %arg12: memref<640xi32, #tpu.memory_space<vmem>>, %arg13: memref<10240xf32, #tpu.memory_space<vmem_shared>>, %arg14: memref<10240xf32, #tpu.memory_space<vmem_shared>>, %arg15: memref<10240xf32, #tpu.memory_space<vmem_shared>>, %arg16: memref<10240xf32, #tpu.memory_space<vmem_shared>>, %arg17: memref<10240xf32, #tpu.memory_space<vmem_shared>>, %arg18: memref<10240xf32, #tpu.memory_space<vmem_shared>>, %arg19: memref<1310720xf32, #tpu.memory_space<vmem_shared>>) attributes {dimension_semantics = [#tpu.dimension_semantics<core_parallel>, #tpu.dimension_semantics<subcore_parallel>], iteration_bounds = array<i64: 2, 16>, scalar_prefetch = 0 : i64, scratch_operands = 11 : i64, tpu.core_type = #tpu.core_type<sc_vector_subcore>, window_params = [{transform_indices = #map}, {transform_indices = #map}, {transform_indices = #map}, {transform_indices = #map}, {transform_indices = #map1}, {transform_indices = #map1}, {transform_indices = #map1}]} {
    %mul3A = arith.constant 16 : i32
    %mul3A_0 = arith.muli %arg0, %mul3A : i32
    %add3A = arith.addi %mul3A_0, %arg1 : i32
    %mul3A_1 = arith.constant 40 : i32
    %mul3A_2 = arith.muli %add3A, %mul3A_1 : i32
    %mul3A_3 = arith.constant 640 : i32
    %mul3A_4 = arith.muli %arg1, %mul3A_3 : i32
    "tpu.region"() ({
      %run_scoped3A_44 = tpu.sem_alloc : memref<!tpu.dma_semaphore, #tpu.memory_space<semaphore_mem>>
      tpu.enqueue_dma source(%arg6 : memref<5120xf32, #tpu.memory_space<hbm>>) target(%arg10 : memref<5120xf32, #tpu.memory_space<vmem>>) target_semaphore(%run_scoped3A_44 : memref<!tpu.dma_semaphore, #tpu.memory_space<semaphore_mem>>)
      tpu.wait_dma2 semaphore(%run_scoped3A_44 : memref<!tpu.dma_semaphore, #tpu.memory_space<semaphore_mem>>) src(%arg6 : memref<5120xf32, #tpu.memory_space<hbm>>) dst(%arg10 : memref<5120xf32, #tpu.memory_space<vmem>>)
      tpu.yield
    }) : () -> ()
    "tpu.region"() ({
      %run_scoped3A_44 = tpu.sem_alloc : memref<!tpu.dma_semaphore, #tpu.memory_space<semaphore_mem>>
      %dma_start3A = tpu.memref_slice %arg13[%mul3A_4] : memref<10240xf32, #tpu.memory_space<vmem_shared>> -> memref<640xf32, #tpu.memory_space<vmem_shared>>
      %dma_start3A_45 = tpu.memref_slice %arg7[%mul3A_4] : memref<10240xf32, #tpu.memory_space<hbm>> -> memref<640xf32, #tpu.memory_space<hbm>>
      tpu.enqueue_dma source(%dma_start3A_45 : memref<640xf32, #tpu.memory_space<hbm>>) target(%dma_start3A : memref<640xf32, #tpu.memory_space<vmem_shared>>) target_semaphore(%run_scoped3A_44 : memref<!tpu.dma_semaphore, #tpu.memory_space<semaphore_mem>>)
      %dma_wait3A = tpu.memref_slice %arg13[%mul3A_4] : memref<10240xf32, #tpu.memory_space<vmem_shared>> -> memref<640xf32, #tpu.memory_space<vmem_shared>>
      %dma_wait3A_46 = tpu.memref_slice %arg7[%mul3A_4] : memref<10240xf32, #tpu.memory_space<hbm>> -> memref<640xf32, #tpu.memory_space<hbm>>
      tpu.wait_dma2 semaphore(%run_scoped3A_44 : memref<!tpu.dma_semaphore, #tpu.memory_space<semaphore_mem>>) src(%dma_wait3A_46 : memref<640xf32, #tpu.memory_space<hbm>>) dst(%dma_wait3A : memref<640xf32, #tpu.memory_space<vmem_shared>>)
      tpu.yield
    }) : () -> ()
    "tpu.region"() ({
      %run_scoped3A_44 = tpu.sem_alloc : memref<!tpu.dma_semaphore, #tpu.memory_space<semaphore_mem>>
      %dma_start3A = tpu.memref_slice %arg14[%mul3A_4] : memref<10240xf32, #tpu.memory_space<vmem_shared>> -> memref<640xf32, #tpu.memory_space<vmem_shared>>
      %dma_start3A_45 = tpu.memref_slice %arg7[%mul3A_4] : memref<10240xf32, #tpu.memory_space<hbm>> -> memref<640xf32, #tpu.memory_space<hbm>>
      tpu.enqueue_dma source(%dma_start3A_45 : memref<640xf32, #tpu.memory_space<hbm>>) target(%dma_start3A : memref<640xf32, #tpu.memory_space<vmem_shared>>) target_semaphore(%run_scoped3A_44 : memref<!tpu.dma_semaphore, #tpu.memory_space<semaphore_mem>>)
      %dma_wait3A = tpu.memref_slice %arg14[%mul3A_4] : memref<10240xf32, #tpu.memory_space<vmem_shared>> -> memref<640xf32, #tpu.memory_space<vmem_shared>>
      %dma_wait3A_46 = tpu.memref_slice %arg7[%mul3A_4] : memref<10240xf32, #tpu.memory_space<hbm>> -> memref<640xf32, #tpu.memory_space<hbm>>
      tpu.wait_dma2 semaphore(%run_scoped3A_44 : memref<!tpu.dma_semaphore, #tpu.memory_space<semaphore_mem>>) src(%dma_wait3A_46 : memref<640xf32, #tpu.memory_space<hbm>>) dst(%dma_wait3A : memref<640xf32, #tpu.memory_space<vmem_shared>>)
      tpu.yield
    }) : () -> ()
    "tpu.region"() ({
      %run_scoped3A_44 = tpu.sem_alloc : memref<!tpu.dma_semaphore, #tpu.memory_space<semaphore_mem>>
      %dma_start3A = tpu.memref_slice %arg15[%mul3A_4] : memref<10240xf32, #tpu.memory_space<vmem_shared>> -> memref<640xf32, #tpu.memory_space<vmem_shared>>
      %dma_start3A_45 = tpu.memref_slice %arg7[%mul3A_4] : memref<10240xf32, #tpu.memory_space<hbm>> -> memref<640xf32, #tpu.memory_space<hbm>>
      tpu.enqueue_dma source(%dma_start3A_45 : memref<640xf32, #tpu.memory_space<hbm>>) target(%dma_start3A : memref<640xf32, #tpu.memory_space<vmem_shared>>) target_semaphore(%run_scoped3A_44 : memref<!tpu.dma_semaphore, #tpu.memory_space<semaphore_mem>>)
      %dma_wait3A = tpu.memref_slice %arg15[%mul3A_4] : memref<10240xf32, #tpu.memory_space<vmem_shared>> -> memref<640xf32, #tpu.memory_space<vmem_shared>>
      %dma_wait3A_46 = tpu.memref_slice %arg7[%mul3A_4] : memref<10240xf32, #tpu.memory_space<hbm>> -> memref<640xf32, #tpu.memory_space<hbm>>
      tpu.wait_dma2 semaphore(%run_scoped3A_44 : memref<!tpu.dma_semaphore, #tpu.memory_space<semaphore_mem>>) src(%dma_wait3A_46 : memref<640xf32, #tpu.memory_space<hbm>>) dst(%dma_wait3A : memref<640xf32, #tpu.memory_space<vmem_shared>>)
      tpu.yield
    }) : () -> ()
    "tpu.region"() ({
      %run_scoped3A_44 = tpu.sem_alloc : memref<!tpu.dma_semaphore, #tpu.memory_space<semaphore_mem>>
      %dma_start3A = tpu.memref_slice %arg16[%mul3A_4] : memref<10240xf32, #tpu.memory_space<vmem_shared>> -> memref<640xf32, #tpu.memory_space<vmem_shared>>
      %dma_start3A_45 = tpu.memref_slice %arg7[%mul3A_4] : memref<10240xf32, #tpu.memory_space<hbm>> -> memref<640xf32, #tpu.memory_space<hbm>>
      tpu.enqueue_dma source(%dma_start3A_45 : memref<640xf32, #tpu.memory_space<hbm>>) target(%dma_start3A : memref<640xf32, #tpu.memory_space<vmem_shared>>) target_semaphore(%run_scoped3A_44 : memref<!tpu.dma_semaphore, #tpu.memory_space<semaphore_mem>>)
      %dma_wait3A = tpu.memref_slice %arg16[%mul3A_4] : memref<10240xf32, #tpu.memory_space<vmem_shared>> -> memref<640xf32, #tpu.memory_space<vmem_shared>>
      %dma_wait3A_46 = tpu.memref_slice %arg7[%mul3A_4] : memref<10240xf32, #tpu.memory_space<hbm>> -> memref<640xf32, #tpu.memory_space<hbm>>
      tpu.wait_dma2 semaphore(%run_scoped3A_44 : memref<!tpu.dma_semaphore, #tpu.memory_space<semaphore_mem>>) src(%dma_wait3A_46 : memref<640xf32, #tpu.memory_space<hbm>>) dst(%dma_wait3A : memref<640xf32, #tpu.memory_space<vmem_shared>>)
      tpu.yield
    }) : () -> ()
    "tpu.region"() ({
      %run_scoped3A_44 = tpu.sem_alloc : memref<!tpu.dma_semaphore, #tpu.memory_space<semaphore_mem>>
      %dma_start3A = tpu.memref_slice %arg17[%mul3A_4] : memref<10240xf32, #tpu.memory_space<vmem_shared>> -> memref<640xf32, #tpu.memory_space<vmem_shared>>
      %dma_start3A_45 = tpu.memref_slice %arg7[%mul3A_4] : memref<10240xf32, #tpu.memory_space<hbm>> -> memref<640xf32, #tpu.memory_space<hbm>>
      tpu.enqueue_dma source(%dma_start3A_45 : memref<640xf32, #tpu.memory_space<hbm>>) target(%dma_start3A : memref<640xf32, #tpu.memory_space<vmem_shared>>) target_semaphore(%run_scoped3A_44 : memref<!tpu.dma_semaphore, #tpu.memory_space<semaphore_mem>>)
      %dma_wait3A = tpu.memref_slice %arg17[%mul3A_4] : memref<10240xf32, #tpu.memory_space<vmem_shared>> -> memref<640xf32, #tpu.memory_space<vmem_shared>>
      %dma_wait3A_46 = tpu.memref_slice %arg7[%mul3A_4] : memref<10240xf32, #tpu.memory_space<hbm>> -> memref<640xf32, #tpu.memory_space<hbm>>
      tpu.wait_dma2 semaphore(%run_scoped3A_44 : memref<!tpu.dma_semaphore, #tpu.memory_space<semaphore_mem>>) src(%dma_wait3A_46 : memref<640xf32, #tpu.memory_space<hbm>>) dst(%dma_wait3A : memref<640xf32, #tpu.memory_space<vmem_shared>>)
      tpu.yield
    }) : () -> ()
    "tpu.region"() ({
      %run_scoped3A_44 = tpu.sem_alloc : memref<!tpu.dma_semaphore, #tpu.memory_space<semaphore_mem>>
      %dma_start3A = tpu.memref_slice %arg18[%mul3A_4] : memref<10240xf32, #tpu.memory_space<vmem_shared>> -> memref<640xf32, #tpu.memory_space<vmem_shared>>
      %dma_start3A_45 = tpu.memref_slice %arg7[%mul3A_4] : memref<10240xf32, #tpu.memory_space<hbm>> -> memref<640xf32, #tpu.memory_space<hbm>>
      tpu.enqueue_dma source(%dma_start3A_45 : memref<640xf32, #tpu.memory_space<hbm>>) target(%dma_start3A : memref<640xf32, #tpu.memory_space<vmem_shared>>) target_semaphore(%run_scoped3A_44 : memref<!tpu.dma_semaphore, #tpu.memory_space<semaphore_mem>>)
      %dma_wait3A = tpu.memref_slice %arg18[%mul3A_4] : memref<10240xf32, #tpu.memory_space<vmem_shared>> -> memref<640xf32, #tpu.memory_space<vmem_shared>>
      %dma_wait3A_46 = tpu.memref_slice %arg7[%mul3A_4] : memref<10240xf32, #tpu.memory_space<hbm>> -> memref<640xf32, #tpu.memory_space<hbm>>
      tpu.wait_dma2 semaphore(%run_scoped3A_44 : memref<!tpu.dma_semaphore, #tpu.memory_space<semaphore_mem>>) src(%dma_wait3A_46 : memref<640xf32, #tpu.memory_space<hbm>>) dst(%dma_wait3A : memref<640xf32, #tpu.memory_space<vmem_shared>>)
      tpu.yield
    }) : () -> ()
    %barrier3A = arith.constant 0 : index
    tpu.barrier barrier_id(%barrier3A)
    %mul3A_5 = arith.constant 16 : i32
    %mul3A_6 = arith.muli %arg0, %mul3A_5 : i32
    %add3A_7 = arith.addi %mul3A_6, %arg1 : i32
    %mul3A_8 = arith.constant 5120 : i32
    %mul3A_9 = arith.muli %add3A_7, %mul3A_8 : i32
    %run_scoped3A = arith.constant 0 : i32
    %run_scoped3A_10 = arith.constant 0 : i32
    "tpu.region"() ({
      %run_scoped3A_44 = tpu.sem_alloc : memref<!tpu.dma_semaphore, #tpu.memory_space<semaphore_mem>>
      %dma_start3A = tpu.memref_slice %arg2[%run_scoped3A, %run_scoped3A_10, %mul3A_9] : memref<2x1x163840xi32, #tpu.memory_space<hbm>> -> memref<1x1x5120xi32, #tpu.memory_space<hbm>>
      %dma_start3A_45 = tpu.memref_squeeze %dma_start3A : memref<1x1x5120xi32, #tpu.memory_space<hbm>> -> memref<5120xi32, #tpu.memory_space<hbm>>
      %dma_start3A_46 = tpu.memref_slice %arg2[%run_scoped3A, %run_scoped3A_10, %mul3A_9] : memref<2x1x163840xi32, #tpu.memory_space<hbm>> -> memref<1x1x5120xi32, #tpu.memory_space<hbm>>
      %dma_start3A_47 = tpu.memref_squeeze %dma_start3A_46 : memref<1x1x5120xi32, #tpu.memory_space<hbm>> -> memref<5120xi32, #tpu.memory_space<hbm>>
      tpu.enqueue_dma source(%dma_start3A_47 : memref<5120xi32, #tpu.memory_space<hbm>>) target(%arg9 : memref<5120xi32, #tpu.memory_space<vmem>>) target_semaphore(%run_scoped3A_44 : memref<!tpu.dma_semaphore, #tpu.memory_space<semaphore_mem>>)
      %dma_wait3A = tpu.memref_slice %arg2[%run_scoped3A, %run_scoped3A_10, %mul3A_9] : memref<2x1x163840xi32, #tpu.memory_space<hbm>> -> memref<1x1x5120xi32, #tpu.memory_space<hbm>>
      %dma_wait3A_48 = tpu.memref_squeeze %dma_wait3A : memref<1x1x5120xi32, #tpu.memory_space<hbm>> -> memref<5120xi32, #tpu.memory_space<hbm>>
      %dma_wait3A_49 = tpu.memref_slice %arg2[%run_scoped3A, %run_scoped3A_10, %mul3A_9] : memref<2x1x163840xi32, #tpu.memory_space<hbm>> -> memref<1x1x5120xi32, #tpu.memory_space<hbm>>
      %dma_wait3A_50 = tpu.memref_squeeze %dma_wait3A_49 : memref<1x1x5120xi32, #tpu.memory_space<hbm>> -> memref<5120xi32, #tpu.memory_space<hbm>>
      tpu.wait_dma2 semaphore(%run_scoped3A_44 : memref<!tpu.dma_semaphore, #tpu.memory_space<semaphore_mem>>) src(%dma_wait3A_50 : memref<5120xi32, #tpu.memory_space<hbm>>) dst(%arg9 : memref<5120xi32, #tpu.memory_space<vmem>>)
      tpu.yield
    }) : () -> ()
    "tpu.region"() ({
      %run_scoped3A_44 = tpu.sem_alloc : memref<!tpu.dma_semaphore, #tpu.memory_space<semaphore_mem>>
      %dma_start3A = arith.constant 0 : i32
      %dma_start3A_45 = tpu.memref_slice %arg13[%dma_start3A] : memref<10240xf32, #tpu.memory_space<vmem_shared>> -> memref<10240xf32, #tpu.memory_space<vmem_shared>>
      tpu.enqueue_indirect_dma source(%arg10 : memref<5120xf32, #tpu.memory_space<vmem>>) target(%dma_start3A_45 : memref<10240xf32, #tpu.memory_space<vmem_shared>>) offsets(%arg9 : memref<5120xi32, #tpu.memory_space<vmem>>) semaphore(%run_scoped3A_44 : memref<!tpu.dma_semaphore, #tpu.memory_space<semaphore_mem>>) {add = true}
      %dma_wait3A = arith.constant 0 : i32
      %dma_wait3A_46 = tpu.memref_slice %arg13[%dma_wait3A] : memref<10240xf32, #tpu.memory_space<vmem_shared>> -> memref<10240xf32, #tpu.memory_space<vmem_shared>>
      tpu.wait_indirect_dma semaphore(%run_scoped3A_44 : memref<!tpu.dma_semaphore, #tpu.memory_space<semaphore_mem>>) src(%arg10 : memref<5120xf32, #tpu.memory_space<vmem>>) dst(%dma_wait3A_46 : memref<10240xf32, #tpu.memory_space<vmem_shared>>)
      tpu.yield
    }) : () -> ()
    %run_scoped3A_11 = arith.constant 1 : i32
    %run_scoped3A_12 = arith.constant 0 : i32
    "tpu.region"() ({
      %run_scoped3A_44 = tpu.sem_alloc : memref<!tpu.dma_semaphore, #tpu.memory_space<semaphore_mem>>
      %dma_start3A = tpu.memref_slice %arg2[%run_scoped3A_11, %run_scoped3A_12, %mul3A_9] : memref<2x1x163840xi32, #tpu.memory_space<hbm>> -> memref<1x1x5120xi32, #tpu.memory_space<hbm>>
      %dma_start3A_45 = tpu.memref_squeeze %dma_start3A : memref<1x1x5120xi32, #tpu.memory_space<hbm>> -> memref<5120xi32, #tpu.memory_space<hbm>>
      %dma_start3A_46 = tpu.memref_slice %arg2[%run_scoped3A_11, %run_scoped3A_12, %mul3A_9] : memref<2x1x163840xi32, #tpu.memory_space<hbm>> -> memref<1x1x5120xi32, #tpu.memory_space<hbm>>
      %dma_start3A_47 = tpu.memref_squeeze %dma_start3A_46 : memref<1x1x5120xi32, #tpu.memory_space<hbm>> -> memref<5120xi32, #tpu.memory_space<hbm>>
      tpu.enqueue_dma source(%dma_start3A_47 : memref<5120xi32, #tpu.memory_space<hbm>>) target(%arg9 : memref<5120xi32, #tpu.memory_space<vmem>>) target_semaphore(%run_scoped3A_44 : memref<!tpu.dma_semaphore, #tpu.memory_space<semaphore_mem>>)
      %dma_wait3A = tpu.memref_slice %arg2[%run_scoped3A_11, %run_scoped3A_12, %mul3A_9] : memref<2x1x163840xi32, #tpu.memory_space<hbm>> -> memref<1x1x5120xi32, #tpu.memory_space<hbm>>
      %dma_wait3A_48 = tpu.memref_squeeze %dma_wait3A : memref<1x1x5120xi32, #tpu.memory_space<hbm>> -> memref<5120xi32, #tpu.memory_space<hbm>>
      %dma_wait3A_49 = tpu.memref_slice %arg2[%run_scoped3A_11, %run_scoped3A_12, %mul3A_9] : memref<2x1x163840xi32, #tpu.memory_space<hbm>> -> memref<1x1x5120xi32, #tpu.memory_space<hbm>>
      %dma_wait3A_50 = tpu.memref_squeeze %dma_wait3A_49 : memref<1x1x5120xi32, #tpu.memory_space<hbm>> -> memref<5120xi32, #tpu.memory_space<hbm>>
      tpu.wait_dma2 semaphore(%run_scoped3A_44 : memref<!tpu.dma_semaphore, #tpu.memory_space<semaphore_mem>>) src(%dma_wait3A_50 : memref<5120xi32, #tpu.memory_space<hbm>>) dst(%arg9 : memref<5120xi32, #tpu.memory_space<vmem>>)
      tpu.yield
    }) : () -> ()
    "tpu.region"() ({
      %run_scoped3A_44 = tpu.sem_alloc : memref<!tpu.dma_semaphore, #tpu.memory_space<semaphore_mem>>
      %dma_start3A = arith.constant 0 : i32
      %dma_start3A_45 = tpu.memref_slice %arg14[%dma_start3A] : memref<10240xf32, #tpu.memory_space<vmem_shared>> -> memref<10240xf32, #tpu.memory_space<vmem_shared>>
      tpu.enqueue_indirect_dma source(%arg10 : memref<5120xf32, #tpu.memory_space<vmem>>) target(%dma_start3A_45 : memref<10240xf32, #tpu.memory_space<vmem_shared>>) offsets(%arg9 : memref<5120xi32, #tpu.memory_space<vmem>>) semaphore(%run_scoped3A_44 : memref<!tpu.dma_semaphore, #tpu.memory_space<semaphore_mem>>) {add = true}
      %dma_wait3A = arith.constant 0 : i32
      %dma_wait3A_46 = tpu.memref_slice %arg14[%dma_wait3A] : memref<10240xf32, #tpu.memory_space<vmem_shared>> -> memref<10240xf32, #tpu.memory_space<vmem_shared>>
      tpu.wait_indirect_dma semaphore(%run_scoped3A_44 : memref<!tpu.dma_semaphore, #tpu.memory_space<semaphore_mem>>) src(%arg10 : memref<5120xf32, #tpu.memory_space<vmem>>) dst(%dma_wait3A_46 : memref<10240xf32, #tpu.memory_space<vmem_shared>>)
      tpu.yield
    }) : () -> ()
    %run_scoped3A_13 = arith.constant 0 : i32
    %run_scoped3A_14 = arith.constant 0 : i32
    "tpu.region"() ({
      %run_scoped3A_44 = tpu.sem_alloc : memref<!tpu.dma_semaphore, #tpu.memory_space<semaphore_mem>>
      %dma_start3A = tpu.memref_slice %arg3[%run_scoped3A_13, %run_scoped3A_14, %mul3A_9] : memref<2x1x163840xi32, #tpu.memory_space<hbm>> -> memref<1x1x5120xi32, #tpu.memory_space<hbm>>
      %dma_start3A_45 = tpu.memref_squeeze %dma_start3A : memref<1x1x5120xi32, #tpu.memory_space<hbm>> -> memref<5120xi32, #tpu.memory_space<hbm>>
      %dma_start3A_46 = tpu.memref_slice %arg3[%run_scoped3A_13, %run_scoped3A_14, %mul3A_9] : memref<2x1x163840xi32, #tpu.memory_space<hbm>> -> memref<1x1x5120xi32, #tpu.memory_space<hbm>>
      %dma_start3A_47 = tpu.memref_squeeze %dma_start3A_46 : memref<1x1x5120xi32, #tpu.memory_space<hbm>> -> memref<5120xi32, #tpu.memory_space<hbm>>
      tpu.enqueue_dma source(%dma_start3A_47 : memref<5120xi32, #tpu.memory_space<hbm>>) target(%arg9 : memref<5120xi32, #tpu.memory_space<vmem>>) target_semaphore(%run_scoped3A_44 : memref<!tpu.dma_semaphore, #tpu.memory_space<semaphore_mem>>)
      %dma_wait3A = tpu.memref_slice %arg3[%run_scoped3A_13, %run_scoped3A_14, %mul3A_9] : memref<2x1x163840xi32, #tpu.memory_space<hbm>> -> memref<1x1x5120xi32, #tpu.memory_space<hbm>>
      %dma_wait3A_48 = tpu.memref_squeeze %dma_wait3A : memref<1x1x5120xi32, #tpu.memory_space<hbm>> -> memref<5120xi32, #tpu.memory_space<hbm>>
      %dma_wait3A_49 = tpu.memref_slice %arg3[%run_scoped3A_13, %run_scoped3A_14, %mul3A_9] : memref<2x1x163840xi32, #tpu.memory_space<hbm>> -> memref<1x1x5120xi32, #tpu.memory_space<hbm>>
      %dma_wait3A_50 = tpu.memref_squeeze %dma_wait3A_49 : memref<1x1x5120xi32, #tpu.memory_space<hbm>> -> memref<5120xi32, #tpu.memory_space<hbm>>
      tpu.wait_dma2 semaphore(%run_scoped3A_44 : memref<!tpu.dma_semaphore, #tpu.memory_space<semaphore_mem>>) src(%dma_wait3A_50 : memref<5120xi32, #tpu.memory_space<hbm>>) dst(%arg9 : memref<5120xi32, #tpu.memory_space<vmem>>)
      tpu.yield
    }) : () -> ()
    "tpu.region"() ({
      %run_scoped3A_44 = tpu.sem_alloc : memref<!tpu.dma_semaphore, #tpu.memory_space<semaphore_mem>>
      %dma_start3A = arith.constant 0 : i32
      %dma_start3A_45 = tpu.memref_slice %arg15[%dma_start3A] : memref<10240xf32, #tpu.memory_space<vmem_shared>> -> memref<10240xf32, #tpu.memory_space<vmem_shared>>
      tpu.enqueue_indirect_dma source(%arg10 : memref<5120xf32, #tpu.memory_space<vmem>>) target(%dma_start3A_45 : memref<10240xf32, #tpu.memory_space<vmem_shared>>) offsets(%arg9 : memref<5120xi32, #tpu.memory_space<vmem>>) semaphore(%run_scoped3A_44 : memref<!tpu.dma_semaphore, #tpu.memory_space<semaphore_mem>>) {add = true}
      %dma_wait3A = arith.constant 0 : i32
      %dma_wait3A_46 = tpu.memref_slice %arg15[%dma_wait3A] : memref<10240xf32, #tpu.memory_space<vmem_shared>> -> memref<10240xf32, #tpu.memory_space<vmem_shared>>
      tpu.wait_indirect_dma semaphore(%run_scoped3A_44 : memref<!tpu.dma_semaphore, #tpu.memory_space<semaphore_mem>>) src(%arg10 : memref<5120xf32, #tpu.memory_space<vmem>>) dst(%dma_wait3A_46 : memref<10240xf32, #tpu.memory_space<vmem_shared>>)
      tpu.yield
    }) : () -> ()
    %run_scoped3A_15 = arith.constant 1 : i32
    %run_scoped3A_16 = arith.constant 0 : i32
    "tpu.region"() ({
      %run_scoped3A_44 = tpu.sem_alloc : memref<!tpu.dma_semaphore, #tpu.memory_space<semaphore_mem>>
      %dma_start3A = tpu.memref_slice %arg3[%run_scoped3A_15, %run_scoped3A_16, %mul3A_9] : memref<2x1x163840xi32, #tpu.memory_space<hbm>> -> memref<1x1x5120xi32, #tpu.memory_space<hbm>>
      %dma_start3A_45 = tpu.memref_squeeze %dma_start3A : memref<1x1x5120xi32, #tpu.memory_space<hbm>> -> memref<5120xi32, #tpu.memory_space<hbm>>
      %dma_start3A_46 = tpu.memref_slice %arg3[%run_scoped3A_15, %run_scoped3A_16, %mul3A_9] : memref<2x1x163840xi32, #tpu.memory_space<hbm>> -> memref<1x1x5120xi32, #tpu.memory_space<hbm>>
      %dma_start3A_47 = tpu.memref_squeeze %dma_start3A_46 : memref<1x1x5120xi32, #tpu.memory_space<hbm>> -> memref<5120xi32, #tpu.memory_space<hbm>>
      tpu.enqueue_dma source(%dma_start3A_47 : memref<5120xi32, #tpu.memory_space<hbm>>) target(%arg9 : memref<5120xi32, #tpu.memory_space<vmem>>) target_semaphore(%run_scoped3A_44 : memref<!tpu.dma_semaphore, #tpu.memory_space<semaphore_mem>>)
      %dma_wait3A = tpu.memref_slice %arg3[%run_scoped3A_15, %run_scoped3A_16, %mul3A_9] : memref<2x1x163840xi32, #tpu.memory_space<hbm>> -> memref<1x1x5120xi32, #tpu.memory_space<hbm>>
      %dma_wait3A_48 = tpu.memref_squeeze %dma_wait3A : memref<1x1x5120xi32, #tpu.memory_space<hbm>> -> memref<5120xi32, #tpu.memory_space<hbm>>
      %dma_wait3A_49 = tpu.memref_slice %arg3[%run_scoped3A_15, %run_scoped3A_16, %mul3A_9] : memref<2x1x163840xi32, #tpu.memory_space<hbm>> -> memref<1x1x5120xi32, #tpu.memory_space<hbm>>
      %dma_wait3A_50 = tpu.memref_squeeze %dma_wait3A_49 : memref<1x1x5120xi32, #tpu.memory_space<hbm>> -> memref<5120xi32, #tpu.memory_space<hbm>>
      tpu.wait_dma2 semaphore(%run_scoped3A_44 : memref<!tpu.dma_semaphore, #tpu.memory_space<semaphore_mem>>) src(%dma_wait3A_50 : memref<5120xi32, #tpu.memory_space<hbm>>) dst(%arg9 : memref<5120xi32, #tpu.memory_space<vmem>>)
      tpu.yield
    }) : () -> ()
    "tpu.region"() ({
      %run_scoped3A_44 = tpu.sem_alloc : memref<!tpu.dma_semaphore, #tpu.memory_space<semaphore_mem>>
      %dma_start3A = arith.constant 0 : i32
      %dma_start3A_45 = tpu.memref_slice %arg16[%dma_start3A] : memref<10240xf32, #tpu.memory_space<vmem_shared>> -> memref<10240xf32, #tpu.memory_space<vmem_shared>>
      tpu.enqueue_indirect_dma source(%arg10 : memref<5120xf32, #tpu.memory_space<vmem>>) target(%dma_start3A_45 : memref<10240xf32, #tpu.memory_space<vmem_shared>>) offsets(%arg9 : memref<5120xi32, #tpu.memory_space<vmem>>) semaphore(%run_scoped3A_44 : memref<!tpu.dma_semaphore, #tpu.memory_space<semaphore_mem>>) {add = true}
      %dma_wait3A = arith.constant 0 : i32
      %dma_wait3A_46 = tpu.memref_slice %arg16[%dma_wait3A] : memref<10240xf32, #tpu.memory_space<vmem_shared>> -> memref<10240xf32, #tpu.memory_space<vmem_shared>>
      tpu.wait_indirect_dma semaphore(%run_scoped3A_44 : memref<!tpu.dma_semaphore, #tpu.memory_space<semaphore_mem>>) src(%arg10 : memref<5120xf32, #tpu.memory_space<vmem>>) dst(%dma_wait3A_46 : memref<10240xf32, #tpu.memory_space<vmem_shared>>)
      tpu.yield
    }) : () -> ()
    %run_scoped3A_17 = arith.constant 0 : i32
    %run_scoped3A_18 = arith.constant 0 : i32
    "tpu.region"() ({
      %run_scoped3A_44 = tpu.sem_alloc : memref<!tpu.dma_semaphore, #tpu.memory_space<semaphore_mem>>
      %dma_start3A = tpu.memref_slice %arg4[%run_scoped3A_17, %run_scoped3A_18, %mul3A_9] : memref<2x1x163840xi32, #tpu.memory_space<hbm>> -> memref<1x1x5120xi32, #tpu.memory_space<hbm>>
      %dma_start3A_45 = tpu.memref_squeeze %dma_start3A : memref<1x1x5120xi32, #tpu.memory_space<hbm>> -> memref<5120xi32, #tpu.memory_space<hbm>>
      %dma_start3A_46 = tpu.memref_slice %arg4[%run_scoped3A_17, %run_scoped3A_18, %mul3A_9] : memref<2x1x163840xi32, #tpu.memory_space<hbm>> -> memref<1x1x5120xi32, #tpu.memory_space<hbm>>
      %dma_start3A_47 = tpu.memref_squeeze %dma_start3A_46 : memref<1x1x5120xi32, #tpu.memory_space<hbm>> -> memref<5120xi32, #tpu.memory_space<hbm>>
      tpu.enqueue_dma source(%dma_start3A_47 : memref<5120xi32, #tpu.memory_space<hbm>>) target(%arg9 : memref<5120xi32, #tpu.memory_space<vmem>>) target_semaphore(%run_scoped3A_44 : memref<!tpu.dma_semaphore, #tpu.memory_space<semaphore_mem>>)
      %dma_wait3A = tpu.memref_slice %arg4[%run_scoped3A_17, %run_scoped3A_18, %mul3A_9] : memref<2x1x163840xi32, #tpu.memory_space<hbm>> -> memref<1x1x5120xi32, #tpu.memory_space<hbm>>
      %dma_wait3A_48 = tpu.memref_squeeze %dma_wait3A : memref<1x1x5120xi32, #tpu.memory_space<hbm>> -> memref<5120xi32, #tpu.memory_space<hbm>>
      %dma_wait3A_49 = tpu.memref_slice %arg4[%run_scoped3A_17, %run_scoped3A_18, %mul3A_9] : memref<2x1x163840xi32, #tpu.memory_space<hbm>> -> memref<1x1x5120xi32, #tpu.memory_space<hbm>>
      %dma_wait3A_50 = tpu.memref_squeeze %dma_wait3A_49 : memref<1x1x5120xi32, #tpu.memory_space<hbm>> -> memref<5120xi32, #tpu.memory_space<hbm>>
      tpu.wait_dma2 semaphore(%run_scoped3A_44 : memref<!tpu.dma_semaphore, #tpu.memory_space<semaphore_mem>>) src(%dma_wait3A_50 : memref<5120xi32, #tpu.memory_space<hbm>>) dst(%arg9 : memref<5120xi32, #tpu.memory_space<vmem>>)
      tpu.yield
    }) : () -> ()
    "tpu.region"() ({
      %run_scoped3A_44 = tpu.sem_alloc : memref<!tpu.dma_semaphore, #tpu.memory_space<semaphore_mem>>
      %dma_start3A = arith.constant 0 : i32
      %dma_start3A_45 = tpu.memref_slice %arg17[%dma_start3A] : memref<10240xf32, #tpu.memory_space<vmem_shared>> -> memref<10240xf32, #tpu.memory_space<vmem_shared>>
      tpu.enqueue_indirect_dma source(%arg10 : memref<5120xf32, #tpu.memory_space<vmem>>) target(%dma_start3A_45 : memref<10240xf32, #tpu.memory_space<vmem_shared>>) offsets(%arg9 : memref<5120xi32, #tpu.memory_space<vmem>>) semaphore(%run_scoped3A_44 : memref<!tpu.dma_semaphore, #tpu.memory_space<semaphore_mem>>) {add = true}
      %dma_wait3A = arith.constant 0 : i32
      %dma_wait3A_46 = tpu.memref_slice %arg17[%dma_wait3A] : memref<10240xf32, #tpu.memory_space<vmem_shared>> -> memref<10240xf32, #tpu.memory_space<vmem_shared>>
      tpu.wait_indirect_dma semaphore(%run_scoped3A_44 : memref<!tpu.dma_semaphore, #tpu.memory_space<semaphore_mem>>) src(%arg10 : memref<5120xf32, #tpu.memory_space<vmem>>) dst(%dma_wait3A_46 : memref<10240xf32, #tpu.memory_space<vmem_shared>>)
      tpu.yield
    }) : () -> ()
    %run_scoped3A_19 = arith.constant 1 : i32
    %run_scoped3A_20 = arith.constant 0 : i32
    "tpu.region"() ({
      %run_scoped3A_44 = tpu.sem_alloc : memref<!tpu.dma_semaphore, #tpu.memory_space<semaphore_mem>>
      %dma_start3A = tpu.memref_slice %arg4[%run_scoped3A_19, %run_scoped3A_20, %mul3A_9] : memref<2x1x163840xi32, #tpu.memory_space<hbm>> -> memref<1x1x5120xi32, #tpu.memory_space<hbm>>
      %dma_start3A_45 = tpu.memref_squeeze %dma_start3A : memref<1x1x5120xi32, #tpu.memory_space<hbm>> -> memref<5120xi32, #tpu.memory_space<hbm>>
      %dma_start3A_46 = tpu.memref_slice %arg4[%run_scoped3A_19, %run_scoped3A_20, %mul3A_9] : memref<2x1x163840xi32, #tpu.memory_space<hbm>> -> memref<1x1x5120xi32, #tpu.memory_space<hbm>>
      %dma_start3A_47 = tpu.memref_squeeze %dma_start3A_46 : memref<1x1x5120xi32, #tpu.memory_space<hbm>> -> memref<5120xi32, #tpu.memory_space<hbm>>
      tpu.enqueue_dma source(%dma_start3A_47 : memref<5120xi32, #tpu.memory_space<hbm>>) target(%arg9 : memref<5120xi32, #tpu.memory_space<vmem>>) target_semaphore(%run_scoped3A_44 : memref<!tpu.dma_semaphore, #tpu.memory_space<semaphore_mem>>)
      %dma_wait3A = tpu.memref_slice %arg4[%run_scoped3A_19, %run_scoped3A_20, %mul3A_9] : memref<2x1x163840xi32, #tpu.memory_space<hbm>> -> memref<1x1x5120xi32, #tpu.memory_space<hbm>>
      %dma_wait3A_48 = tpu.memref_squeeze %dma_wait3A : memref<1x1x5120xi32, #tpu.memory_space<hbm>> -> memref<5120xi32, #tpu.memory_space<hbm>>
      %dma_wait3A_49 = tpu.memref_slice %arg4[%run_scoped3A_19, %run_scoped3A_20, %mul3A_9] : memref<2x1x163840xi32, #tpu.memory_space<hbm>> -> memref<1x1x5120xi32, #tpu.memory_space<hbm>>
      %dma_wait3A_50 = tpu.memref_squeeze %dma_wait3A_49 : memref<1x1x5120xi32, #tpu.memory_space<hbm>> -> memref<5120xi32, #tpu.memory_space<hbm>>
      tpu.wait_dma2 semaphore(%run_scoped3A_44 : memref<!tpu.dma_semaphore, #tpu.memory_space<semaphore_mem>>) src(%dma_wait3A_50 : memref<5120xi32, #tpu.memory_space<hbm>>) dst(%arg9 : memref<5120xi32, #tpu.memory_space<vmem>>)
      tpu.yield
    }) : () -> ()
    "tpu.region"() ({
      %run_scoped3A_44 = tpu.sem_alloc : memref<!tpu.dma_semaphore, #tpu.memory_space<semaphore_mem>>
      %dma_start3A = arith.constant 0 : i32
      %dma_start3A_45 = tpu.memref_slice %arg18[%dma_start3A] : memref<10240xf32, #tpu.memory_space<vmem_shared>> -> memref<10240xf32, #tpu.memory_space<vmem_shared>>
      tpu.enqueue_indirect_dma source(%arg10 : memref<5120xf32, #tpu.memory_space<vmem>>) target(%dma_start3A_45 : memref<10240xf32, #tpu.memory_space<vmem_shared>>) offsets(%arg9 : memref<5120xi32, #tpu.memory_space<vmem>>) semaphore(%run_scoped3A_44 : memref<!tpu.dma_semaphore, #tpu.memory_space<semaphore_mem>>) {add = true}
      %dma_wait3A = arith.constant 0 : i32
      %dma_wait3A_46 = tpu.memref_slice %arg18[%dma_wait3A] : memref<10240xf32, #tpu.memory_space<vmem_shared>> -> memref<10240xf32, #tpu.memory_space<vmem_shared>>
      tpu.wait_indirect_dma semaphore(%run_scoped3A_44 : memref<!tpu.dma_semaphore, #tpu.memory_space<semaphore_mem>>) src(%arg10 : memref<5120xf32, #tpu.memory_space<vmem>>) dst(%dma_wait3A_46 : memref<10240xf32, #tpu.memory_space<vmem_shared>>)
      tpu.yield
    }) : () -> ()
    %barrier3A_21 = arith.constant 0 : index
    tpu.barrier barrier_id(%barrier3A_21)
    "tpu.region"() ({
      %run_scoped3A_44 = tpu.sem_alloc : memref<!tpu.dma_semaphore, #tpu.memory_space<semaphore_mem>>
      %dma_start3A = tpu.memref_slice %arg13[%mul3A_4] : memref<10240xf32, #tpu.memory_space<vmem_shared>> -> memref<640xf32, #tpu.memory_space<vmem_shared>>
      %dma_start3A_45 = tpu.memref_slice %arg13[%mul3A_4] : memref<10240xf32, #tpu.memory_space<vmem_shared>> -> memref<640xf32, #tpu.memory_space<vmem_shared>>
      tpu.enqueue_dma source(%dma_start3A_45 : memref<640xf32, #tpu.memory_space<vmem_shared>>) target(%arg11 : memref<640xf32, #tpu.memory_space<vmem>>) target_semaphore(%run_scoped3A_44 : memref<!tpu.dma_semaphore, #tpu.memory_space<semaphore_mem>>)
      %dma_wait3A = tpu.memref_slice %arg13[%mul3A_4] : memref<10240xf32, #tpu.memory_space<vmem_shared>> -> memref<640xf32, #tpu.memory_space<vmem_shared>>
      %dma_wait3A_46 = tpu.memref_slice %arg13[%mul3A_4] : memref<10240xf32, #tpu.memory_space<vmem_shared>> -> memref<640xf32, #tpu.memory_space<vmem_shared>>
      tpu.wait_dma2 semaphore(%run_scoped3A_44 : memref<!tpu.dma_semaphore, #tpu.memory_space<semaphore_mem>>) src(%dma_wait3A_46 : memref<640xf32, #tpu.memory_space<vmem_shared>>) dst(%arg11 : memref<640xf32, #tpu.memory_space<vmem>>)
      tpu.yield
    }) : () -> ()
    %run_scoped3A_22 = arith.constant 0 : i32
    %run_scoped3A_23 = arith.constant 0 : i32
    "tpu.region"() ({
      %run_scoped3A_44 = tpu.sem_alloc : memref<!tpu.dma_semaphore, #tpu.memory_space<semaphore_mem>>
      %dma_start3A = tpu.memref_slice %arg5[%run_scoped3A_22, %run_scoped3A_23, %mul3A_4] : memref<6x1x10240xi32, #tpu.memory_space<hbm>> -> memref<1x1x640xi32, #tpu.memory_space<hbm>>
      %dma_start3A_45 = tpu.memref_squeeze %dma_start3A : memref<1x1x640xi32, #tpu.memory_space<hbm>> -> memref<640xi32, #tpu.memory_space<hbm>>
      %dma_start3A_46 = tpu.memref_slice %arg5[%run_scoped3A_22, %run_scoped3A_23, %mul3A_4] : memref<6x1x10240xi32, #tpu.memory_space<hbm>> -> memref<1x1x640xi32, #tpu.memory_space<hbm>>
      %dma_start3A_47 = tpu.memref_squeeze %dma_start3A_46 : memref<1x1x640xi32, #tpu.memory_space<hbm>> -> memref<640xi32, #tpu.memory_space<hbm>>
      tpu.enqueue_dma source(%dma_start3A_47 : memref<640xi32, #tpu.memory_space<hbm>>) target(%arg12 : memref<640xi32, #tpu.memory_space<vmem>>) target_semaphore(%run_scoped3A_44 : memref<!tpu.dma_semaphore, #tpu.memory_space<semaphore_mem>>)
      %dma_wait3A = tpu.memref_slice %arg5[%run_scoped3A_22, %run_scoped3A_23, %mul3A_4] : memref<6x1x10240xi32, #tpu.memory_space<hbm>> -> memref<1x1x640xi32, #tpu.memory_space<hbm>>
      %dma_wait3A_48 = tpu.memref_squeeze %dma_wait3A : memref<1x1x640xi32, #tpu.memory_space<hbm>> -> memref<640xi32, #tpu.memory_space<hbm>>
      %dma_wait3A_49 = tpu.memref_slice %arg5[%run_scoped3A_22, %run_scoped3A_23, %mul3A_4] : memref<6x1x10240xi32, #tpu.memory_space<hbm>> -> memref<1x1x640xi32, #tpu.memory_space<hbm>>
      %dma_wait3A_50 = tpu.memref_squeeze %dma_wait3A_49 : memref<1x1x640xi32, #tpu.memory_space<hbm>> -> memref<640xi32, #tpu.memory_space<hbm>>
      tpu.wait_dma2 semaphore(%run_scoped3A_44 : memref<!tpu.dma_semaphore, #tpu.memory_space<semaphore_mem>>) src(%dma_wait3A_50 : memref<640xi32, #tpu.memory_space<hbm>>) dst(%arg12 : memref<640xi32, #tpu.memory_space<vmem>>)
      tpu.yield
    }) : () -> ()
    "tpu.region"() ({
      %run_scoped3A_44 = tpu.sem_alloc : memref<!tpu.dma_semaphore, #tpu.memory_space<semaphore_mem>>
      %dma_start3A = arith.constant 0 : i32
      %dma_start3A_45 = tpu.memref_slice %arg19[%dma_start3A] : memref<1310720xf32, #tpu.memory_space<vmem_shared>> -> memref<1310720xf32, #tpu.memory_space<vmem_shared>>
      tpu.enqueue_indirect_dma source(%arg11 : memref<640xf32, #tpu.memory_space<vmem>>) target(%dma_start3A_45 : memref<1310720xf32, #tpu.memory_space<vmem_shared>>) offsets(%arg12 : memref<640xi32, #tpu.memory_space<vmem>>) semaphore(%run_scoped3A_44 : memref<!tpu.dma_semaphore, #tpu.memory_space<semaphore_mem>>)
      %dma_wait3A = arith.constant 0 : i32
      %dma_wait3A_46 = tpu.memref_slice %arg19[%dma_wait3A] : memref<1310720xf32, #tpu.memory_space<vmem_shared>> -> memref<1310720xf32, #tpu.memory_space<vmem_shared>>
      tpu.wait_indirect_dma semaphore(%run_scoped3A_44 : memref<!tpu.dma_semaphore, #tpu.memory_space<semaphore_mem>>) src(%arg11 : memref<640xf32, #tpu.memory_space<vmem>>) dst(%dma_wait3A_46 : memref<1310720xf32, #tpu.memory_space<vmem_shared>>)
      tpu.yield
    }) : () -> ()
    "tpu.region"() ({
      %run_scoped3A_44 = tpu.sem_alloc : memref<!tpu.dma_semaphore, #tpu.memory_space<semaphore_mem>>
      %dma_start3A = tpu.memref_slice %arg14[%mul3A_4] : memref<10240xf32, #tpu.memory_space<vmem_shared>> -> memref<640xf32, #tpu.memory_space<vmem_shared>>
      %dma_start3A_45 = tpu.memref_slice %arg14[%mul3A_4] : memref<10240xf32, #tpu.memory_space<vmem_shared>> -> memref<640xf32, #tpu.memory_space<vmem_shared>>
      tpu.enqueue_dma source(%dma_start3A_45 : memref<640xf32, #tpu.memory_space<vmem_shared>>) target(%arg11 : memref<640xf32, #tpu.memory_space<vmem>>) target_semaphore(%run_scoped3A_44 : memref<!tpu.dma_semaphore, #tpu.memory_space<semaphore_mem>>)
      %dma_wait3A = tpu.memref_slice %arg14[%mul3A_4] : memref<10240xf32, #tpu.memory_space<vmem_shared>> -> memref<640xf32, #tpu.memory_space<vmem_shared>>
      %dma_wait3A_46 = tpu.memref_slice %arg14[%mul3A_4] : memref<10240xf32, #tpu.memory_space<vmem_shared>> -> memref<640xf32, #tpu.memory_space<vmem_shared>>
      tpu.wait_dma2 semaphore(%run_scoped3A_44 : memref<!tpu.dma_semaphore, #tpu.memory_space<semaphore_mem>>) src(%dma_wait3A_46 : memref<640xf32, #tpu.memory_space<vmem_shared>>) dst(%arg11 : memref<640xf32, #tpu.memory_space<vmem>>)
      tpu.yield
    }) : () -> ()
    %run_scoped3A_24 = arith.constant 1 : i32
    %run_scoped3A_25 = arith.constant 0 : i32
    "tpu.region"() ({
      %run_scoped3A_44 = tpu.sem_alloc : memref<!tpu.dma_semaphore, #tpu.memory_space<semaphore_mem>>
      %dma_start3A = tpu.memref_slice %arg5[%run_scoped3A_24, %run_scoped3A_25, %mul3A_4] : memref<6x1x10240xi32, #tpu.memory_space<hbm>> -> memref<1x1x640xi32, #tpu.memory_space<hbm>>
      %dma_start3A_45 = tpu.memref_squeeze %dma_start3A : memref<1x1x640xi32, #tpu.memory_space<hbm>> -> memref<640xi32, #tpu.memory_space<hbm>>
      %dma_start3A_46 = tpu.memref_slice %arg5[%run_scoped3A_24, %run_scoped3A_25, %mul3A_4] : memref<6x1x10240xi32, #tpu.memory_space<hbm>> -> memref<1x1x640xi32, #tpu.memory_space<hbm>>
      %dma_start3A_47 = tpu.memref_squeeze %dma_start3A_46 : memref<1x1x640xi32, #tpu.memory_space<hbm>> -> memref<640xi32, #tpu.memory_space<hbm>>
      tpu.enqueue_dma source(%dma_start3A_47 : memref<640xi32, #tpu.memory_space<hbm>>) target(%arg12 : memref<640xi32, #tpu.memory_space<vmem>>) target_semaphore(%run_scoped3A_44 : memref<!tpu.dma_semaphore, #tpu.memory_space<semaphore_mem>>)
      %dma_wait3A = tpu.memref_slice %arg5[%run_scoped3A_24, %run_scoped3A_25, %mul3A_4] : memref<6x1x10240xi32, #tpu.memory_space<hbm>> -> memref<1x1x640xi32, #tpu.memory_space<hbm>>
      %dma_wait3A_48 = tpu.memref_squeeze %dma_wait3A : memref<1x1x640xi32, #tpu.memory_space<hbm>> -> memref<640xi32, #tpu.memory_space<hbm>>
      %dma_wait3A_49 = tpu.memref_slice %arg5[%run_scoped3A_24, %run_scoped3A_25, %mul3A_4] : memref<6x1x10240xi32, #tpu.memory_space<hbm>> -> memref<1x1x640xi32, #tpu.memory_space<hbm>>
      %dma_wait3A_50 = tpu.memref_squeeze %dma_wait3A_49 : memref<1x1x640xi32, #tpu.memory_space<hbm>> -> memref<640xi32, #tpu.memory_space<hbm>>
      tpu.wait_dma2 semaphore(%run_scoped3A_44 : memref<!tpu.dma_semaphore, #tpu.memory_space<semaphore_mem>>) src(%dma_wait3A_50 : memref<640xi32, #tpu.memory_space<hbm>>) dst(%arg12 : memref<640xi32, #tpu.memory_space<vmem>>)
      tpu.yield
    }) : () -> ()
    "tpu.region"() ({
      %run_scoped3A_44 = tpu.sem_alloc : memref<!tpu.dma_semaphore, #tpu.memory_space<semaphore_mem>>
      %dma_start3A = arith.constant 0 : i32
      %dma_start3A_45 = tpu.memref_slice %arg19[%dma_start3A] : memref<1310720xf32, #tpu.memory_space<vmem_shared>> -> memref<1310720xf32, #tpu.memory_space<vmem_shared>>
      tpu.enqueue_indirect_dma source(%arg11 : memref<640xf32, #tpu.memory_space<vmem>>) target(%dma_start3A_45 : memref<1310720xf32, #tpu.memory_space<vmem_shared>>) offsets(%arg12 : memref<640xi32, #tpu.memory_space<vmem>>) semaphore(%run_scoped3A_44 : memref<!tpu.dma_semaphore, #tpu.memory_space<semaphore_mem>>)
      %dma_wait3A = arith.constant 0 : i32
      %dma_wait3A_46 = tpu.memref_slice %arg19[%dma_wait3A] : memref<1310720xf32, #tpu.memory_space<vmem_shared>> -> memref<1310720xf32, #tpu.memory_space<vmem_shared>>
      tpu.wait_indirect_dma semaphore(%run_scoped3A_44 : memref<!tpu.dma_semaphore, #tpu.memory_space<semaphore_mem>>) src(%arg11 : memref<640xf32, #tpu.memory_space<vmem>>) dst(%dma_wait3A_46 : memref<1310720xf32, #tpu.memory_space<vmem_shared>>)
      tpu.yield
    }) : () -> ()
    "tpu.region"() ({
      %run_scoped3A_44 = tpu.sem_alloc : memref<!tpu.dma_semaphore, #tpu.memory_space<semaphore_mem>>
      %dma_start3A = tpu.memref_slice %arg15[%mul3A_4] : memref<10240xf32, #tpu.memory_space<vmem_shared>> -> memref<640xf32, #tpu.memory_space<vmem_shared>>
      %dma_start3A_45 = tpu.memref_slice %arg15[%mul3A_4] : memref<10240xf32, #tpu.memory_space<vmem_shared>> -> memref<640xf32, #tpu.memory_space<vmem_shared>>
      tpu.enqueue_dma source(%dma_start3A_45 : memref<640xf32, #tpu.memory_space<vmem_shared>>) target(%arg11 : memref<640xf32, #tpu.memory_space<vmem>>) target_semaphore(%run_scoped3A_44 : memref<!tpu.dma_semaphore, #tpu.memory_space<semaphore_mem>>)
      %dma_wait3A = tpu.memref_slice %arg15[%mul3A_4] : memref<10240xf32, #tpu.memory_space<vmem_shared>> -> memref<640xf32, #tpu.memory_space<vmem_shared>>
      %dma_wait3A_46 = tpu.memref_slice %arg15[%mul3A_4] : memref<10240xf32, #tpu.memory_space<vmem_shared>> -> memref<640xf32, #tpu.memory_space<vmem_shared>>
      tpu.wait_dma2 semaphore(%run_scoped3A_44 : memref<!tpu.dma_semaphore, #tpu.memory_space<semaphore_mem>>) src(%dma_wait3A_46 : memref<640xf32, #tpu.memory_space<vmem_shared>>) dst(%arg11 : memref<640xf32, #tpu.memory_space<vmem>>)
      tpu.yield
    }) : () -> ()
    %run_scoped3A_26 = arith.constant 2 : i32
    %run_scoped3A_27 = arith.constant 0 : i32
    "tpu.region"() ({
      %run_scoped3A_44 = tpu.sem_alloc : memref<!tpu.dma_semaphore, #tpu.memory_space<semaphore_mem>>
      %dma_start3A = tpu.memref_slice %arg5[%run_scoped3A_26, %run_scoped3A_27, %mul3A_4] : memref<6x1x10240xi32, #tpu.memory_space<hbm>> -> memref<1x1x640xi32, #tpu.memory_space<hbm>>
      %dma_start3A_45 = tpu.memref_squeeze %dma_start3A : memref<1x1x640xi32, #tpu.memory_space<hbm>> -> memref<640xi32, #tpu.memory_space<hbm>>
      %dma_start3A_46 = tpu.memref_slice %arg5[%run_scoped3A_26, %run_scoped3A_27, %mul3A_4] : memref<6x1x10240xi32, #tpu.memory_space<hbm>> -> memref<1x1x640xi32, #tpu.memory_space<hbm>>
      %dma_start3A_47 = tpu.memref_squeeze %dma_start3A_46 : memref<1x1x640xi32, #tpu.memory_space<hbm>> -> memref<640xi32, #tpu.memory_space<hbm>>
      tpu.enqueue_dma source(%dma_start3A_47 : memref<640xi32, #tpu.memory_space<hbm>>) target(%arg12 : memref<640xi32, #tpu.memory_space<vmem>>) target_semaphore(%run_scoped3A_44 : memref<!tpu.dma_semaphore, #tpu.memory_space<semaphore_mem>>)
      %dma_wait3A = tpu.memref_slice %arg5[%run_scoped3A_26, %run_scoped3A_27, %mul3A_4] : memref<6x1x10240xi32, #tpu.memory_space<hbm>> -> memref<1x1x640xi32, #tpu.memory_space<hbm>>
      %dma_wait3A_48 = tpu.memref_squeeze %dma_wait3A : memref<1x1x640xi32, #tpu.memory_space<hbm>> -> memref<640xi32, #tpu.memory_space<hbm>>
      %dma_wait3A_49 = tpu.memref_slice %arg5[%run_scoped3A_26, %run_scoped3A_27, %mul3A_4] : memref<6x1x10240xi32, #tpu.memory_space<hbm>> -> memref<1x1x640xi32, #tpu.memory_space<hbm>>
      %dma_wait3A_50 = tpu.memref_squeeze %dma_wait3A_49 : memref<1x1x640xi32, #tpu.memory_space<hbm>> -> memref<640xi32, #tpu.memory_space<hbm>>
      tpu.wait_dma2 semaphore(%run_scoped3A_44 : memref<!tpu.dma_semaphore, #tpu.memory_space<semaphore_mem>>) src(%dma_wait3A_50 : memref<640xi32, #tpu.memory_space<hbm>>) dst(%arg12 : memref<640xi32, #tpu.memory_space<vmem>>)
      tpu.yield
    }) : () -> ()
    "tpu.region"() ({
      %run_scoped3A_44 = tpu.sem_alloc : memref<!tpu.dma_semaphore, #tpu.memory_space<semaphore_mem>>
      %dma_start3A = arith.constant 0 : i32
      %dma_start3A_45 = tpu.memref_slice %arg19[%dma_start3A] : memref<1310720xf32, #tpu.memory_space<vmem_shared>> -> memref<1310720xf32, #tpu.memory_space<vmem_shared>>
      tpu.enqueue_indirect_dma source(%arg11 : memref<640xf32, #tpu.memory_space<vmem>>) target(%dma_start3A_45 : memref<1310720xf32, #tpu.memory_space<vmem_shared>>) offsets(%arg12 : memref<640xi32, #tpu.memory_space<vmem>>) semaphore(%run_scoped3A_44 : memref<!tpu.dma_semaphore, #tpu.memory_space<semaphore_mem>>)
      %dma_wait3A = arith.constant 0 : i32
      %dma_wait3A_46 = tpu.memref_slice %arg19[%dma_wait3A] : memref<1310720xf32, #tpu.memory_space<vmem_shared>> -> memref<1310720xf32, #tpu.memory_space<vmem_shared>>
      tpu.wait_indirect_dma semaphore(%run_scoped3A_44 : memref<!tpu.dma_semaphore, #tpu.memory_space<semaphore_mem>>) src(%arg11 : memref<640xf32, #tpu.memory_space<vmem>>) dst(%dma_wait3A_46 : memref<1310720xf32, #tpu.memory_space<vmem_shared>>)
      tpu.yield
    }) : () -> ()
    "tpu.region"() ({
      %run_scoped3A_44 = tpu.sem_alloc : memref<!tpu.dma_semaphore, #tpu.memory_space<semaphore_mem>>
      %dma_start3A = tpu.memref_slice %arg16[%mul3A_4] : memref<10240xf32, #tpu.memory_space<vmem_shared>> -> memref<640xf32, #tpu.memory_space<vmem_shared>>
      %dma_start3A_45 = tpu.memref_slice %arg16[%mul3A_4] : memref<10240xf32, #tpu.memory_space<vmem_shared>> -> memref<640xf32, #tpu.memory_space<vmem_shared>>
      tpu.enqueue_dma source(%dma_start3A_45 : memref<640xf32, #tpu.memory_space<vmem_shared>>) target(%arg11 : memref<640xf32, #tpu.memory_space<vmem>>) target_semaphore(%run_scoped3A_44 : memref<!tpu.dma_semaphore, #tpu.memory_space<semaphore_mem>>)
      %dma_wait3A = tpu.memref_slice %arg16[%mul3A_4] : memref<10240xf32, #tpu.memory_space<vmem_shared>> -> memref<640xf32, #tpu.memory_space<vmem_shared>>
      %dma_wait3A_46 = tpu.memref_slice %arg16[%mul3A_4] : memref<10240xf32, #tpu.memory_space<vmem_shared>> -> memref<640xf32, #tpu.memory_space<vmem_shared>>
      tpu.wait_dma2 semaphore(%run_scoped3A_44 : memref<!tpu.dma_semaphore, #tpu.memory_space<semaphore_mem>>) src(%dma_wait3A_46 : memref<640xf32, #tpu.memory_space<vmem_shared>>) dst(%arg11 : memref<640xf32, #tpu.memory_space<vmem>>)
      tpu.yield
    }) : () -> ()
    %run_scoped3A_28 = arith.constant 3 : i32
    %run_scoped3A_29 = arith.constant 0 : i32
    "tpu.region"() ({
      %run_scoped3A_44 = tpu.sem_alloc : memref<!tpu.dma_semaphore, #tpu.memory_space<semaphore_mem>>
      %dma_start3A = tpu.memref_slice %arg5[%run_scoped3A_28, %run_scoped3A_29, %mul3A_4] : memref<6x1x10240xi32, #tpu.memory_space<hbm>> -> memref<1x1x640xi32, #tpu.memory_space<hbm>>
      %dma_start3A_45 = tpu.memref_squeeze %dma_start3A : memref<1x1x640xi32, #tpu.memory_space<hbm>> -> memref<640xi32, #tpu.memory_space<hbm>>
      %dma_start3A_46 = tpu.memref_slice %arg5[%run_scoped3A_28, %run_scoped3A_29, %mul3A_4] : memref<6x1x10240xi32, #tpu.memory_space<hbm>> -> memref<1x1x640xi32, #tpu.memory_space<hbm>>
      %dma_start3A_47 = tpu.memref_squeeze %dma_start3A_46 : memref<1x1x640xi32, #tpu.memory_space<hbm>> -> memref<640xi32, #tpu.memory_space<hbm>>
      tpu.enqueue_dma source(%dma_start3A_47 : memref<640xi32, #tpu.memory_space<hbm>>) target(%arg12 : memref<640xi32, #tpu.memory_space<vmem>>) target_semaphore(%run_scoped3A_44 : memref<!tpu.dma_semaphore, #tpu.memory_space<semaphore_mem>>)
      %dma_wait3A = tpu.memref_slice %arg5[%run_scoped3A_28, %run_scoped3A_29, %mul3A_4] : memref<6x1x10240xi32, #tpu.memory_space<hbm>> -> memref<1x1x640xi32, #tpu.memory_space<hbm>>
      %dma_wait3A_48 = tpu.memref_squeeze %dma_wait3A : memref<1x1x640xi32, #tpu.memory_space<hbm>> -> memref<640xi32, #tpu.memory_space<hbm>>
      %dma_wait3A_49 = tpu.memref_slice %arg5[%run_scoped3A_28, %run_scoped3A_29, %mul3A_4] : memref<6x1x10240xi32, #tpu.memory_space<hbm>> -> memref<1x1x640xi32, #tpu.memory_space<hbm>>
      %dma_wait3A_50 = tpu.memref_squeeze %dma_wait3A_49 : memref<1x1x640xi32, #tpu.memory_space<hbm>> -> memref<640xi32, #tpu.memory_space<hbm>>
      tpu.wait_dma2 semaphore(%run_scoped3A_44 : memref<!tpu.dma_semaphore, #tpu.memory_space<semaphore_mem>>) src(%dma_wait3A_50 : memref<640xi32, #tpu.memory_space<hbm>>) dst(%arg12 : memref<640xi32, #tpu.memory_space<vmem>>)
      tpu.yield
    }) : () -> ()
    "tpu.region"() ({
      %run_scoped3A_44 = tpu.sem_alloc : memref<!tpu.dma_semaphore, #tpu.memory_space<semaphore_mem>>
      %dma_start3A = arith.constant 0 : i32
      %dma_start3A_45 = tpu.memref_slice %arg19[%dma_start3A] : memref<1310720xf32, #tpu.memory_space<vmem_shared>> -> memref<1310720xf32, #tpu.memory_space<vmem_shared>>
      tpu.enqueue_indirect_dma source(%arg11 : memref<640xf32, #tpu.memory_space<vmem>>) target(%dma_start3A_45 : memref<1310720xf32, #tpu.memory_space<vmem_shared>>) offsets(%arg12 : memref<640xi32, #tpu.memory_space<vmem>>) semaphore(%run_scoped3A_44 : memref<!tpu.dma_semaphore, #tpu.memory_space<semaphore_mem>>)
      %dma_wait3A = arith.constant 0 : i32
      %dma_wait3A_46 = tpu.memref_slice %arg19[%dma_wait3A] : memref<1310720xf32, #tpu.memory_space<vmem_shared>> -> memref<1310720xf32, #tpu.memory_space<vmem_shared>>
      tpu.wait_indirect_dma semaphore(%run_scoped3A_44 : memref<!tpu.dma_semaphore, #tpu.memory_space<semaphore_mem>>) src(%arg11 : memref<640xf32, #tpu.memory_space<vmem>>) dst(%dma_wait3A_46 : memref<1310720xf32, #tpu.memory_space<vmem_shared>>)
      tpu.yield
    }) : () -> ()
    "tpu.region"() ({
      %run_scoped3A_44 = tpu.sem_alloc : memref<!tpu.dma_semaphore, #tpu.memory_space<semaphore_mem>>
      %dma_start3A = tpu.memref_slice %arg17[%mul3A_4] : memref<10240xf32, #tpu.memory_space<vmem_shared>> -> memref<640xf32, #tpu.memory_space<vmem_shared>>
      %dma_start3A_45 = tpu.memref_slice %arg17[%mul3A_4] : memref<10240xf32, #tpu.memory_space<vmem_shared>> -> memref<640xf32, #tpu.memory_space<vmem_shared>>
      tpu.enqueue_dma source(%dma_start3A_45 : memref<640xf32, #tpu.memory_space<vmem_shared>>) target(%arg11 : memref<640xf32, #tpu.memory_space<vmem>>) target_semaphore(%run_scoped3A_44 : memref<!tpu.dma_semaphore, #tpu.memory_space<semaphore_mem>>)
      %dma_wait3A = tpu.memref_slice %arg17[%mul3A_4] : memref<10240xf32, #tpu.memory_space<vmem_shared>> -> memref<640xf32, #tpu.memory_space<vmem_shared>>
      %dma_wait3A_46 = tpu.memref_slice %arg17[%mul3A_4] : memref<10240xf32, #tpu.memory_space<vmem_shared>> -> memref<640xf32, #tpu.memory_space<vmem_shared>>
      tpu.wait_dma2 semaphore(%run_scoped3A_44 : memref<!tpu.dma_semaphore, #tpu.memory_space<semaphore_mem>>) src(%dma_wait3A_46 : memref<640xf32, #tpu.memory_space<vmem_shared>>) dst(%arg11 : memref<640xf32, #tpu.memory_space<vmem>>)
      tpu.yield
    }) : () -> ()
    %run_scoped3A_30 = arith.constant 4 : i32
    %run_scoped3A_31 = arith.constant 0 : i32
    "tpu.region"() ({
      %run_scoped3A_44 = tpu.sem_alloc : memref<!tpu.dma_semaphore, #tpu.memory_space<semaphore_mem>>
      %dma_start3A = tpu.memref_slice %arg5[%run_scoped3A_30, %run_scoped3A_31, %mul3A_4] : memref<6x1x10240xi32, #tpu.memory_space<hbm>> -> memref<1x1x640xi32, #tpu.memory_space<hbm>>
      %dma_start3A_45 = tpu.memref_squeeze %dma_start3A : memref<1x1x640xi32, #tpu.memory_space<hbm>> -> memref<640xi32, #tpu.memory_space<hbm>>
      %dma_start3A_46 = tpu.memref_slice %arg5[%run_scoped3A_30, %run_scoped3A_31, %mul3A_4] : memref<6x1x10240xi32, #tpu.memory_space<hbm>> -> memref<1x1x640xi32, #tpu.memory_space<hbm>>
      %dma_start3A_47 = tpu.memref_squeeze %dma_start3A_46 : memref<1x1x640xi32, #tpu.memory_space<hbm>> -> memref<640xi32, #tpu.memory_space<hbm>>
      tpu.enqueue_dma source(%dma_start3A_47 : memref<640xi32, #tpu.memory_space<hbm>>) target(%arg12 : memref<640xi32, #tpu.memory_space<vmem>>) target_semaphore(%run_scoped3A_44 : memref<!tpu.dma_semaphore, #tpu.memory_space<semaphore_mem>>)
      %dma_wait3A = tpu.memref_slice %arg5[%run_scoped3A_30, %run_scoped3A_31, %mul3A_4] : memref<6x1x10240xi32, #tpu.memory_space<hbm>> -> memref<1x1x640xi32, #tpu.memory_space<hbm>>
      %dma_wait3A_48 = tpu.memref_squeeze %dma_wait3A : memref<1x1x640xi32, #tpu.memory_space<hbm>> -> memref<640xi32, #tpu.memory_space<hbm>>
      %dma_wait3A_49 = tpu.memref_slice %arg5[%run_scoped3A_30, %run_scoped3A_31, %mul3A_4] : memref<6x1x10240xi32, #tpu.memory_space<hbm>> -> memref<1x1x640xi32, #tpu.memory_space<hbm>>
      %dma_wait3A_50 = tpu.memref_squeeze %dma_wait3A_49 : memref<1x1x640xi32, #tpu.memory_space<hbm>> -> memref<640xi32, #tpu.memory_space<hbm>>
      tpu.wait_dma2 semaphore(%run_scoped3A_44 : memref<!tpu.dma_semaphore, #tpu.memory_space<semaphore_mem>>) src(%dma_wait3A_50 : memref<640xi32, #tpu.memory_space<hbm>>) dst(%arg12 : memref<640xi32, #tpu.memory_space<vmem>>)
      tpu.yield
    }) : () -> ()
    "tpu.region"() ({
      %run_scoped3A_44 = tpu.sem_alloc : memref<!tpu.dma_semaphore, #tpu.memory_space<semaphore_mem>>
      %dma_start3A = arith.constant 0 : i32
      %dma_start3A_45 = tpu.memref_slice %arg19[%dma_start3A] : memref<1310720xf32, #tpu.memory_space<vmem_shared>> -> memref<1310720xf32, #tpu.memory_space<vmem_shared>>
      tpu.enqueue_indirect_dma source(%arg11 : memref<640xf32, #tpu.memory_space<vmem>>) target(%dma_start3A_45 : memref<1310720xf32, #tpu.memory_space<vmem_shared>>) offsets(%arg12 : memref<640xi32, #tpu.memory_space<vmem>>) semaphore(%run_scoped3A_44 : memref<!tpu.dma_semaphore, #tpu.memory_space<semaphore_mem>>)
      %dma_wait3A = arith.constant 0 : i32
      %dma_wait3A_46 = tpu.memref_slice %arg19[%dma_wait3A] : memref<1310720xf32, #tpu.memory_space<vmem_shared>> -> memref<1310720xf32, #tpu.memory_space<vmem_shared>>
      tpu.wait_indirect_dma semaphore(%run_scoped3A_44 : memref<!tpu.dma_semaphore, #tpu.memory_space<semaphore_mem>>) src(%arg11 : memref<640xf32, #tpu.memory_space<vmem>>) dst(%dma_wait3A_46 : memref<1310720xf32, #tpu.memory_space<vmem_shared>>)
      tpu.yield
    }) : () -> ()
    "tpu.region"() ({
      %run_scoped3A_44 = tpu.sem_alloc : memref<!tpu.dma_semaphore, #tpu.memory_space<semaphore_mem>>
      %dma_start3A = tpu.memref_slice %arg18[%mul3A_4] : memref<10240xf32, #tpu.memory_space<vmem_shared>> -> memref<640xf32, #tpu.memory_space<vmem_shared>>
      %dma_start3A_45 = tpu.memref_slice %arg18[%mul3A_4] : memref<10240xf32, #tpu.memory_space<vmem_shared>> -> memref<640xf32, #tpu.memory_space<vmem_shared>>
      tpu.enqueue_dma source(%dma_start3A_45 : memref<640xf32, #tpu.memory_space<vmem_shared>>) target(%arg11 : memref<640xf32, #tpu.memory_space<vmem>>) target_semaphore(%run_scoped3A_44 : memref<!tpu.dma_semaphore, #tpu.memory_space<semaphore_mem>>)
      %dma_wait3A = tpu.memref_slice %arg18[%mul3A_4] : memref<10240xf32, #tpu.memory_space<vmem_shared>> -> memref<640xf32, #tpu.memory_space<vmem_shared>>
      %dma_wait3A_46 = tpu.memref_slice %arg18[%mul3A_4] : memref<10240xf32, #tpu.memory_space<vmem_shared>> -> memref<640xf32, #tpu.memory_space<vmem_shared>>
      tpu.wait_dma2 semaphore(%run_scoped3A_44 : memref<!tpu.dma_semaphore, #tpu.memory_space<semaphore_mem>>) src(%dma_wait3A_46 : memref<640xf32, #tpu.memory_space<vmem_shared>>) dst(%arg11 : memref<640xf32, #tpu.memory_space<vmem>>)
      tpu.yield
    }) : () -> ()
    %run_scoped3A_32 = arith.constant 5 : i32
    %run_scoped3A_33 = arith.constant 0 : i32
    "tpu.region"() ({
      %run_scoped3A_44 = tpu.sem_alloc : memref<!tpu.dma_semaphore, #tpu.memory_space<semaphore_mem>>
      %dma_start3A = tpu.memref_slice %arg5[%run_scoped3A_32, %run_scoped3A_33, %mul3A_4] : memref<6x1x10240xi32, #tpu.memory_space<hbm>> -> memref<1x1x640xi32, #tpu.memory_space<hbm>>
      %dma_start3A_45 = tpu.memref_squeeze %dma_start3A : memref<1x1x640xi32, #tpu.memory_space<hbm>> -> memref<640xi32, #tpu.memory_space<hbm>>
      %dma_start3A_46 = tpu.memref_slice %arg5[%run_scoped3A_32, %run_scoped3A_33, %mul3A_4] : memref<6x1x10240xi32, #tpu.memory_space<hbm>> -> memref<1x1x640xi32, #tpu.memory_space<hbm>>
      %dma_start3A_47 = tpu.memref_squeeze %dma_start3A_46 : memref<1x1x640xi32, #tpu.memory_space<hbm>> -> memref<640xi32, #tpu.memory_space<hbm>>
      tpu.enqueue_dma source(%dma_start3A_47 : memref<640xi32, #tpu.memory_space<hbm>>) target(%arg12 : memref<640xi32, #tpu.memory_space<vmem>>) target_semaphore(%run_scoped3A_44 : memref<!tpu.dma_semaphore, #tpu.memory_space<semaphore_mem>>)
      %dma_wait3A = tpu.memref_slice %arg5[%run_scoped3A_32, %run_scoped3A_33, %mul3A_4] : memref<6x1x10240xi32, #tpu.memory_space<hbm>> -> memref<1x1x640xi32, #tpu.memory_space<hbm>>
      %dma_wait3A_48 = tpu.memref_squeeze %dma_wait3A : memref<1x1x640xi32, #tpu.memory_space<hbm>> -> memref<640xi32, #tpu.memory_space<hbm>>
      %dma_wait3A_49 = tpu.memref_slice %arg5[%run_scoped3A_32, %run_scoped3A_33, %mul3A_4] : memref<6x1x10240xi32, #tpu.memory_space<hbm>> -> memref<1x1x640xi32, #tpu.memory_space<hbm>>
      %dma_wait3A_50 = tpu.memref_squeeze %dma_wait3A_49 : memref<1x1x640xi32, #tpu.memory_space<hbm>> -> memref<640xi32, #tpu.memory_space<hbm>>
      tpu.wait_dma2 semaphore(%run_scoped3A_44 : memref<!tpu.dma_semaphore, #tpu.memory_space<semaphore_mem>>) src(%dma_wait3A_50 : memref<640xi32, #tpu.memory_space<hbm>>) dst(%arg12 : memref<640xi32, #tpu.memory_space<vmem>>)
      tpu.yield
    }) : () -> ()
    "tpu.region"() ({
      %run_scoped3A_44 = tpu.sem_alloc : memref<!tpu.dma_semaphore, #tpu.memory_space<semaphore_mem>>
      %dma_start3A = arith.constant 0 : i32
      %dma_start3A_45 = tpu.memref_slice %arg19[%dma_start3A] : memref<1310720xf32, #tpu.memory_space<vmem_shared>> -> memref<1310720xf32, #tpu.memory_space<vmem_shared>>
      tpu.enqueue_indirect_dma source(%arg11 : memref<640xf32, #tpu.memory_space<vmem>>) target(%dma_start3A_45 : memref<1310720xf32, #tpu.memory_space<vmem_shared>>) offsets(%arg12 : memref<640xi32, #tpu.memory_space<vmem>>) semaphore(%run_scoped3A_44 : memref<!tpu.dma_semaphore, #tpu.memory_space<semaphore_mem>>)
      %dma_wait3A = arith.constant 0 : i32
      %dma_wait3A_46 = tpu.memref_slice %arg19[%dma_wait3A] : memref<1310720xf32, #tpu.memory_space<vmem_shared>> -> memref<1310720xf32, #tpu.memory_space<vmem_shared>>
      tpu.wait_indirect_dma semaphore(%run_scoped3A_44 : memref<!tpu.dma_semaphore, #tpu.memory_space<semaphore_mem>>) src(%arg11 : memref<640xf32, #tpu.memory_space<vmem>>) dst(%dma_wait3A_46 : memref<1310720xf32, #tpu.memory_space<vmem_shared>>)
      tpu.yield
    }) : () -> ()
    %barrier3A_34 = arith.constant 0 : index
    tpu.barrier barrier_id(%barrier3A_34)
    %mul3A_35 = arith.constant 640 : i32
    %mul3A_36 = arith.muli %arg1, %mul3A_35 : i32
    %mul3A_37 = arith.constant 128 : i32
    %mul3A_38 = arith.muli %mul3A_36, %mul3A_37 : i32
    %mul3A_39 = arith.constant 10240 : i32
    %mul3A_40 = arith.muli %arg0, %mul3A_39 : i32
    %mul3A_41 = arith.constant 128 : i32
    %mul3A_42 = arith.muli %mul3A_40, %mul3A_41 : i32
    %add3A_43 = arith.addi %mul3A_42, %mul3A_38 : i32
    "tpu.region"() ({
      %run_scoped3A_44 = tpu.sem_alloc : memref<!tpu.dma_semaphore, #tpu.memory_space<semaphore_mem>>
      %dma_start3A = tpu.memref_slice %arg8[%add3A_43] : memref<2621440xf32, #tpu.memory_space<hbm>> -> memref<81920xf32, #tpu.memory_space<hbm>>
      %dma_start3A_45 = tpu.memref_slice %arg19[%mul3A_38] : memref<1310720xf32, #tpu.memory_space<vmem_shared>> -> memref<81920xf32, #tpu.memory_space<vmem_shared>>
      tpu.enqueue_dma source(%dma_start3A_45 : memref<81920xf32, #tpu.memory_space<vmem_shared>>) target(%dma_start3A : memref<81920xf32, #tpu.memory_space<hbm>>) target_semaphore(%run_scoped3A_44 : memref<!tpu.dma_semaphore, #tpu.memory_space<semaphore_mem>>)
      %dma_wait3A = tpu.memref_slice %arg8[%add3A_43] : memref<2621440xf32, #tpu.memory_space<hbm>> -> memref<81920xf32, #tpu.memory_space<hbm>>
      %dma_wait3A_46 = tpu.memref_slice %arg19[%mul3A_38] : memref<1310720xf32, #tpu.memory_space<vmem_shared>> -> memref<81920xf32, #tpu.memory_space<vmem_shared>>
      tpu.wait_dma2 semaphore(%run_scoped3A_44 : memref<!tpu.dma_semaphore, #tpu.memory_space<semaphore_mem>>) src(%dma_wait3A_46 : memref<81920xf32, #tpu.memory_space<vmem_shared>>) dst(%dma_wait3A : memref<81920xf32, #tpu.memory_space<hbm>>)
      tpu.yield
    }) : () -> ()
    return
  }
}

#map = affine_map<(d0, d1) -> (0, 0)>
#map1 = affine_map<(d0, d1) -> (0, 0, 0)>
#map2 = affine_map<(d0, d1) -> (0, 0, 0, 0)>
module attributes {stable_mosaic.version = 14 : i64} {
  func.func @_sc_agg(%arg0: i32, %arg1: i32, %arg2: memref<10000x128xf32, #tpu.memory_space<hbm>>, %arg3: memref<10000x128xf32, #tpu.memory_space<hbm>>, %arg4: memref<10000x128xf32, #tpu.memory_space<hbm>>, %arg5: memref<2x1280x125xi32, #tpu.memory_space<hbm>>, %arg6: memref<2x1280x125xi32, #tpu.memory_space<hbm>>, %arg7: memref<2x1280x125xi32, #tpu.memory_space<hbm>>, %arg8: memref<10112x128xf32, #tpu.memory_space<hbm>>, %arg9: memref<3x2x10112x128xf32, #tpu.memory_space<hbm>>, %arg10: memref<40x125xi32, #tpu.memory_space<vmem>>, %arg11: memref<40x125xi32, #tpu.memory_space<vmem>>, %arg12: memref<125x128xf32, #tpu.memory_space<vmem>>, %arg13: memref<125x128xf32, #tpu.memory_space<vmem>>, %arg14: memref<10112x128xf32, #tpu.memory_space<vmem_shared>>, %arg15: memref<!tpu.dma_semaphore, #tpu.memory_space<semaphore_mem>>, %arg16: memref<!tpu.dma_semaphore, #tpu.memory_space<semaphore_mem>>) attributes {dimension_semantics = [#tpu.dimension_semantics<core_parallel>, #tpu.dimension_semantics<subcore_parallel>], iteration_bounds = array<i64: 2, 16>, scalar_prefetch = 0 : i64, scratch_operands = 7 : i64, tpu.core_type = #tpu.core_type<sc_vector_subcore>, window_params = [{transform_indices = #map}, {transform_indices = #map}, {transform_indices = #map}, {transform_indices = #map1}, {transform_indices = #map1}, {transform_indices = #map1}, {transform_indices = #map}, {transform_indices = #map2}]} {
    %mul3A = arith.constant 16 : i32
    %mul3A_0 = arith.muli %arg0, %mul3A : i32
    %add3A = arith.addi %mul3A_0, %arg1 : i32
    %mul3A_1 = arith.constant 40 : i32
    %mul3A_2 = arith.muli %add3A, %mul3A_1 : i32
    %mul3A_3 = arith.constant 632 : i32
    %mul3A_4 = arith.muli %arg1, %mul3A_3 : i32
    %run_scoped3A = arith.constant 0 : i32
    "tpu.region"() ({
      %run_scoped3A_120 = tpu.sem_alloc : memref<!tpu.dma_semaphore, #tpu.memory_space<semaphore_mem>>
      %dma_start3A_121 = arith.constant 0 : i32
      %dma_start3A_122 = tpu.memref_slice %arg5[%run_scoped3A, %mul3A_2, %dma_start3A_121] : memref<2x1280x125xi32, #tpu.memory_space<hbm>> -> memref<1x40x125xi32, #tpu.memory_space<hbm>>
      %dma_start3A_123 = tpu.memref_squeeze %dma_start3A_122 : memref<1x40x125xi32, #tpu.memory_space<hbm>> -> memref<40x125xi32, #tpu.memory_space<hbm>>
      %dma_start3A_124 = arith.constant 0 : i32
      %dma_start3A_125 = tpu.memref_slice %arg5[%run_scoped3A, %mul3A_2, %dma_start3A_124] : memref<2x1280x125xi32, #tpu.memory_space<hbm>> -> memref<1x40x125xi32, #tpu.memory_space<hbm>>
      %dma_start3A_126 = tpu.memref_squeeze %dma_start3A_125 : memref<1x40x125xi32, #tpu.memory_space<hbm>> -> memref<40x125xi32, #tpu.memory_space<hbm>>
      tpu.enqueue_dma source(%dma_start3A_126 : memref<40x125xi32, #tpu.memory_space<hbm>>) target(%arg10 : memref<40x125xi32, #tpu.memory_space<vmem>>) target_semaphore(%run_scoped3A_120 : memref<!tpu.dma_semaphore, #tpu.memory_space<semaphore_mem>>)
      %dma_wait3A_127 = arith.constant 0 : i32
      %dma_wait3A_128 = tpu.memref_slice %arg5[%run_scoped3A, %mul3A_2, %dma_wait3A_127] : memref<2x1280x125xi32, #tpu.memory_space<hbm>> -> memref<1x40x125xi32, #tpu.memory_space<hbm>>
      %dma_wait3A_129 = tpu.memref_squeeze %dma_wait3A_128 : memref<1x40x125xi32, #tpu.memory_space<hbm>> -> memref<40x125xi32, #tpu.memory_space<hbm>>
      %dma_wait3A_130 = arith.constant 0 : i32
      %dma_wait3A_131 = tpu.memref_slice %arg5[%run_scoped3A, %mul3A_2, %dma_wait3A_130] : memref<2x1280x125xi32, #tpu.memory_space<hbm>> -> memref<1x40x125xi32, #tpu.memory_space<hbm>>
      %dma_wait3A_132 = tpu.memref_squeeze %dma_wait3A_131 : memref<1x40x125xi32, #tpu.memory_space<hbm>> -> memref<40x125xi32, #tpu.memory_space<hbm>>
      tpu.wait_dma2 semaphore(%run_scoped3A_120 : memref<!tpu.dma_semaphore, #tpu.memory_space<semaphore_mem>>) src(%dma_wait3A_132 : memref<40x125xi32, #tpu.memory_space<hbm>>) dst(%arg10 : memref<40x125xi32, #tpu.memory_space<vmem>>)
      tpu.yield
    }) : () -> ()
    %run_scoped3A_5 = arith.constant 1 : i32
    "tpu.region"() ({
      %run_scoped3A_120 = tpu.sem_alloc : memref<!tpu.dma_semaphore, #tpu.memory_space<semaphore_mem>>
      %dma_start3A_121 = arith.constant 0 : i32
      %dma_start3A_122 = tpu.memref_slice %arg5[%run_scoped3A_5, %mul3A_2, %dma_start3A_121] : memref<2x1280x125xi32, #tpu.memory_space<hbm>> -> memref<1x40x125xi32, #tpu.memory_space<hbm>>
      %dma_start3A_123 = tpu.memref_squeeze %dma_start3A_122 : memref<1x40x125xi32, #tpu.memory_space<hbm>> -> memref<40x125xi32, #tpu.memory_space<hbm>>
      %dma_start3A_124 = arith.constant 0 : i32
      %dma_start3A_125 = tpu.memref_slice %arg5[%run_scoped3A_5, %mul3A_2, %dma_start3A_124] : memref<2x1280x125xi32, #tpu.memory_space<hbm>> -> memref<1x40x125xi32, #tpu.memory_space<hbm>>
      %dma_start3A_126 = tpu.memref_squeeze %dma_start3A_125 : memref<1x40x125xi32, #tpu.memory_space<hbm>> -> memref<40x125xi32, #tpu.memory_space<hbm>>
      tpu.enqueue_dma source(%dma_start3A_126 : memref<40x125xi32, #tpu.memory_space<hbm>>) target(%arg11 : memref<40x125xi32, #tpu.memory_space<vmem>>) target_semaphore(%run_scoped3A_120 : memref<!tpu.dma_semaphore, #tpu.memory_space<semaphore_mem>>)
      %dma_wait3A_127 = arith.constant 0 : i32
      %dma_wait3A_128 = tpu.memref_slice %arg5[%run_scoped3A_5, %mul3A_2, %dma_wait3A_127] : memref<2x1280x125xi32, #tpu.memory_space<hbm>> -> memref<1x40x125xi32, #tpu.memory_space<hbm>>
      %dma_wait3A_129 = tpu.memref_squeeze %dma_wait3A_128 : memref<1x40x125xi32, #tpu.memory_space<hbm>> -> memref<40x125xi32, #tpu.memory_space<hbm>>
      %dma_wait3A_130 = arith.constant 0 : i32
      %dma_wait3A_131 = tpu.memref_slice %arg5[%run_scoped3A_5, %mul3A_2, %dma_wait3A_130] : memref<2x1280x125xi32, #tpu.memory_space<hbm>> -> memref<1x40x125xi32, #tpu.memory_space<hbm>>
      %dma_wait3A_132 = tpu.memref_squeeze %dma_wait3A_131 : memref<1x40x125xi32, #tpu.memory_space<hbm>> -> memref<40x125xi32, #tpu.memory_space<hbm>>
      tpu.wait_dma2 semaphore(%run_scoped3A_120 : memref<!tpu.dma_semaphore, #tpu.memory_space<semaphore_mem>>) src(%dma_wait3A_132 : memref<40x125xi32, #tpu.memory_space<hbm>>) dst(%arg11 : memref<40x125xi32, #tpu.memory_space<vmem>>)
      tpu.yield
    }) : () -> ()
    "tpu.region"() ({
      %run_scoped3A_120 = tpu.sem_alloc : memref<!tpu.dma_semaphore, #tpu.memory_space<semaphore_mem>>
      %dma_start3A_121 = arith.constant 0 : i32
      %dma_start3A_122 = tpu.memref_slice %arg14[%mul3A_4, %dma_start3A_121] : memref<10112x128xf32, #tpu.memory_space<vmem_shared>> -> memref<632x128xf32, #tpu.memory_space<vmem_shared>>
      %dma_start3A_123 = arith.constant 0 : i32
      %dma_start3A_124 = tpu.memref_slice %arg8[%mul3A_4, %dma_start3A_123] : memref<10112x128xf32, #tpu.memory_space<hbm>> -> memref<632x128xf32, #tpu.memory_space<hbm>>
      tpu.enqueue_dma source(%dma_start3A_124 : memref<632x128xf32, #tpu.memory_space<hbm>>) target(%dma_start3A_122 : memref<632x128xf32, #tpu.memory_space<vmem_shared>>) target_semaphore(%run_scoped3A_120 : memref<!tpu.dma_semaphore, #tpu.memory_space<semaphore_mem>>)
      %dma_wait3A_125 = arith.constant 0 : i32
      %dma_wait3A_126 = tpu.memref_slice %arg14[%mul3A_4, %dma_wait3A_125] : memref<10112x128xf32, #tpu.memory_space<vmem_shared>> -> memref<632x128xf32, #tpu.memory_space<vmem_shared>>
      %dma_wait3A_127 = arith.constant 0 : i32
      %dma_wait3A_128 = tpu.memref_slice %arg8[%mul3A_4, %dma_wait3A_127] : memref<10112x128xf32, #tpu.memory_space<hbm>> -> memref<632x128xf32, #tpu.memory_space<hbm>>
      tpu.wait_dma2 semaphore(%run_scoped3A_120 : memref<!tpu.dma_semaphore, #tpu.memory_space<semaphore_mem>>) src(%dma_wait3A_128 : memref<632x128xf32, #tpu.memory_space<hbm>>) dst(%dma_wait3A_126 : memref<632x128xf32, #tpu.memory_space<vmem_shared>>)
      tpu.yield
    }) : () -> ()
    %barrier3A = arith.constant 0 : index
    tpu.barrier barrier_id(%barrier3A)
    %dma_start3A = arith.constant 0 : i32
    %dma_start3A_6 = arith.constant 0 : i32
    %dma_start3A_7 = tpu.memref_slice %arg10[%dma_start3A, %dma_start3A_6] : memref<40x125xi32, #tpu.memory_space<vmem>> -> memref<1x125xi32, #tpu.memory_space<vmem>>
    %dma_start3A_8 = tpu.memref_squeeze %dma_start3A_7 : memref<1x125xi32, #tpu.memory_space<vmem>> -> memref<125xi32, #tpu.memory_space<vmem>>
    %dma_start3A_9 = arith.constant 0 : i32
    %dma_start3A_10 = arith.constant 0 : i32
    %dma_start3A_11 = tpu.memref_slice %arg2[%dma_start3A_9, %dma_start3A_10] : memref<10000x128xf32, #tpu.memory_space<hbm>> -> memref<10000x128xf32, #tpu.memory_space<hbm>>
    tpu.enqueue_indirect_dma source(%dma_start3A_11 : memref<10000x128xf32, #tpu.memory_space<hbm>>) target(%arg12 : memref<125x128xf32, #tpu.memory_space<vmem>>) offsets(%dma_start3A_8 : memref<125xi32, #tpu.memory_space<vmem>>) semaphore(%arg15 : memref<!tpu.dma_semaphore, #tpu.memory_space<semaphore_mem>>)
    %dma_start3A_12 = arith.constant 1 : i32
    %dma_start3A_13 = arith.constant 0 : i32
    %dma_start3A_14 = tpu.memref_slice %arg10[%dma_start3A_12, %dma_start3A_13] : memref<40x125xi32, #tpu.memory_space<vmem>> -> memref<1x125xi32, #tpu.memory_space<vmem>>
    %dma_start3A_15 = tpu.memref_squeeze %dma_start3A_14 : memref<1x125xi32, #tpu.memory_space<vmem>> -> memref<125xi32, #tpu.memory_space<vmem>>
    %dma_start3A_16 = arith.constant 0 : i32
    %dma_start3A_17 = arith.constant 0 : i32
    %dma_start3A_18 = tpu.memref_slice %arg2[%dma_start3A_16, %dma_start3A_17] : memref<10000x128xf32, #tpu.memory_space<hbm>> -> memref<10000x128xf32, #tpu.memory_space<hbm>>
    tpu.enqueue_indirect_dma source(%dma_start3A_18 : memref<10000x128xf32, #tpu.memory_space<hbm>>) target(%arg13 : memref<125x128xf32, #tpu.memory_space<vmem>>) offsets(%dma_start3A_15 : memref<125xi32, #tpu.memory_space<vmem>>) semaphore(%arg16 : memref<!tpu.dma_semaphore, #tpu.memory_space<semaphore_mem>>)
    %scan3A = arith.constant 0 : i32
    %scan3A_19 = arith.constant 19 : i32
    %scan3A_20 = arith.addi %scan3A, %scan3A_19 : i32
    %scan3A_21 = arith.constant 1 : i32
    scf.for %scan3A_120 = %scan3A to %scan3A_20 step %scan3A_21  : i32 {
      %mul3A_121 = arith.constant 2 : i32
      %mul3A_122 = arith.muli %mul3A_121, %scan3A_120 : i32
      %add3A_123 = arith.constant 0 : i32
      %add3A_124 = arith.addi %add3A_123, %mul3A_122 : i32
      %dma_wait3A_125 = arith.constant 0 : i32
      %dma_wait3A_126 = tpu.memref_slice %arg10[%add3A_124, %dma_wait3A_125] : memref<40x125xi32, #tpu.memory_space<vmem>> -> memref<1x125xi32, #tpu.memory_space<vmem>>
      %dma_wait3A_127 = tpu.memref_squeeze %dma_wait3A_126 : memref<1x125xi32, #tpu.memory_space<vmem>> -> memref<125xi32, #tpu.memory_space<vmem>>
      %dma_wait3A_128 = arith.constant 0 : i32
      %dma_wait3A_129 = arith.constant 0 : i32
      %dma_wait3A_130 = tpu.memref_slice %arg2[%dma_wait3A_128, %dma_wait3A_129] : memref<10000x128xf32, #tpu.memory_space<hbm>> -> memref<10000x128xf32, #tpu.memory_space<hbm>>
      tpu.wait_indirect_dma semaphore(%arg15 : memref<!tpu.dma_semaphore, #tpu.memory_space<semaphore_mem>>) src(%dma_wait3A_130 : memref<10000x128xf32, #tpu.memory_space<hbm>>) dst(%arg12 : memref<125x128xf32, #tpu.memory_space<vmem>>)
      "tpu.region"() ({
        %run_scoped3A_157 = tpu.sem_alloc : memref<!tpu.dma_semaphore, #tpu.memory_space<semaphore_mem>>
        %dma_start3A_158 = arith.constant 0 : i32
        %dma_start3A_159 = tpu.memref_slice %arg11[%add3A_124, %dma_start3A_158] : memref<40x125xi32, #tpu.memory_space<vmem>> -> memref<1x125xi32, #tpu.memory_space<vmem>>
        %dma_start3A_160 = tpu.memref_squeeze %dma_start3A_159 : memref<1x125xi32, #tpu.memory_space<vmem>> -> memref<125xi32, #tpu.memory_space<vmem>>
        %dma_start3A_161 = arith.constant 0 : i32
        %dma_start3A_162 = arith.constant 0 : i32
        %dma_start3A_163 = tpu.memref_slice %arg14[%dma_start3A_161, %dma_start3A_162] : memref<10112x128xf32, #tpu.memory_space<vmem_shared>> -> memref<10112x128xf32, #tpu.memory_space<vmem_shared>>
        tpu.enqueue_indirect_dma source(%arg12 : memref<125x128xf32, #tpu.memory_space<vmem>>) target(%dma_start3A_163 : memref<10112x128xf32, #tpu.memory_space<vmem_shared>>) offsets(%dma_start3A_160 : memref<125xi32, #tpu.memory_space<vmem>>) semaphore(%run_scoped3A_157 : memref<!tpu.dma_semaphore, #tpu.memory_space<semaphore_mem>>) {add = true}
        %dma_wait3A_164 = arith.constant 0 : i32
        %dma_wait3A_165 = tpu.memref_slice %arg11[%add3A_124, %dma_wait3A_164] : memref<40x125xi32, #tpu.memory_space<vmem>> -> memref<1x125xi32, #tpu.memory_space<vmem>>
        %dma_wait3A_166 = tpu.memref_squeeze %dma_wait3A_165 : memref<1x125xi32, #tpu.memory_space<vmem>> -> memref<125xi32, #tpu.memory_space<vmem>>
        %dma_wait3A_167 = arith.constant 0 : i32
        %dma_wait3A_168 = arith.constant 0 : i32
        %dma_wait3A_169 = tpu.memref_slice %arg14[%dma_wait3A_167, %dma_wait3A_168] : memref<10112x128xf32, #tpu.memory_space<vmem_shared>> -> memref<10112x128xf32, #tpu.memory_space<vmem_shared>>
        tpu.wait_indirect_dma semaphore(%run_scoped3A_157 : memref<!tpu.dma_semaphore, #tpu.memory_space<semaphore_mem>>) src(%arg12 : memref<125x128xf32, #tpu.memory_space<vmem>>) dst(%dma_wait3A_169 : memref<10112x128xf32, #tpu.memory_space<vmem_shared>>)
        tpu.yield
      }) : () -> ()
      %add3A_131 = arith.constant 2 : i32
      %add3A_132 = arith.addi %add3A_124, %add3A_131 : i32
      %dma_start3A_133 = arith.constant 0 : i32
      %dma_start3A_134 = tpu.memref_slice %arg10[%add3A_132, %dma_start3A_133] : memref<40x125xi32, #tpu.memory_space<vmem>> -> memref<1x125xi32, #tpu.memory_space<vmem>>
      %dma_start3A_135 = tpu.memref_squeeze %dma_start3A_134 : memref<1x125xi32, #tpu.memory_space<vmem>> -> memref<125xi32, #tpu.memory_space<vmem>>
      %dma_start3A_136 = arith.constant 0 : i32
      %dma_start3A_137 = arith.constant 0 : i32
      %dma_start3A_138 = tpu.memref_slice %arg2[%dma_start3A_136, %dma_start3A_137] : memref<10000x128xf32, #tpu.memory_space<hbm>> -> memref<10000x128xf32, #tpu.memory_space<hbm>>
      tpu.enqueue_indirect_dma source(%dma_start3A_138 : memref<10000x128xf32, #tpu.memory_space<hbm>>) target(%arg12 : memref<125x128xf32, #tpu.memory_space<vmem>>) offsets(%dma_start3A_135 : memref<125xi32, #tpu.memory_space<vmem>>) semaphore(%arg15 : memref<!tpu.dma_semaphore, #tpu.memory_space<semaphore_mem>>)
      %add3A_139 = arith.constant 1 : i32
      %add3A_140 = arith.addi %add3A_124, %add3A_139 : i32
      %dma_wait3A_141 = arith.constant 0 : i32
      %dma_wait3A_142 = tpu.memref_slice %arg10[%add3A_140, %dma_wait3A_141] : memref<40x125xi32, #tpu.memory_space<vmem>> -> memref<1x125xi32, #tpu.memory_space<vmem>>
      %dma_wait3A_143 = tpu.memref_squeeze %dma_wait3A_142 : memref<1x125xi32, #tpu.memory_space<vmem>> -> memref<125xi32, #tpu.memory_space<vmem>>
      %dma_wait3A_144 = arith.constant 0 : i32
      %dma_wait3A_145 = arith.constant 0 : i32
      %dma_wait3A_146 = tpu.memref_slice %arg2[%dma_wait3A_144, %dma_wait3A_145] : memref<10000x128xf32, #tpu.memory_space<hbm>> -> memref<10000x128xf32, #tpu.memory_space<hbm>>
      tpu.wait_indirect_dma semaphore(%arg16 : memref<!tpu.dma_semaphore, #tpu.memory_space<semaphore_mem>>) src(%dma_wait3A_146 : memref<10000x128xf32, #tpu.memory_space<hbm>>) dst(%arg13 : memref<125x128xf32, #tpu.memory_space<vmem>>)
      %add3A_147 = arith.constant 1 : i32
      %add3A_148 = arith.addi %add3A_124, %add3A_147 : i32
      "tpu.region"() ({
        %run_scoped3A_157 = tpu.sem_alloc : memref<!tpu.dma_semaphore, #tpu.memory_space<semaphore_mem>>
        %dma_start3A_158 = arith.constant 0 : i32
        %dma_start3A_159 = tpu.memref_slice %arg11[%add3A_148, %dma_start3A_158] : memref<40x125xi32, #tpu.memory_space<vmem>> -> memref<1x125xi32, #tpu.memory_space<vmem>>
        %dma_start3A_160 = tpu.memref_squeeze %dma_start3A_159 : memref<1x125xi32, #tpu.memory_space<vmem>> -> memref<125xi32, #tpu.memory_space<vmem>>
        %dma_start3A_161 = arith.constant 0 : i32
        %dma_start3A_162 = arith.constant 0 : i32
        %dma_start3A_163 = tpu.memref_slice %arg14[%dma_start3A_161, %dma_start3A_162] : memref<10112x128xf32, #tpu.memory_space<vmem_shared>> -> memref<10112x128xf32, #tpu.memory_space<vmem_shared>>
        tpu.enqueue_indirect_dma source(%arg13 : memref<125x128xf32, #tpu.memory_space<vmem>>) target(%dma_start3A_163 : memref<10112x128xf32, #tpu.memory_space<vmem_shared>>) offsets(%dma_start3A_160 : memref<125xi32, #tpu.memory_space<vmem>>) semaphore(%run_scoped3A_157 : memref<!tpu.dma_semaphore, #tpu.memory_space<semaphore_mem>>) {add = true}
        %dma_wait3A_164 = arith.constant 0 : i32
        %dma_wait3A_165 = tpu.memref_slice %arg11[%add3A_148, %dma_wait3A_164] : memref<40x125xi32, #tpu.memory_space<vmem>> -> memref<1x125xi32, #tpu.memory_space<vmem>>
        %dma_wait3A_166 = tpu.memref_squeeze %dma_wait3A_165 : memref<1x125xi32, #tpu.memory_space<vmem>> -> memref<125xi32, #tpu.memory_space<vmem>>
        %dma_wait3A_167 = arith.constant 0 : i32
        %dma_wait3A_168 = arith.constant 0 : i32
        %dma_wait3A_169 = tpu.memref_slice %arg14[%dma_wait3A_167, %dma_wait3A_168] : memref<10112x128xf32, #tpu.memory_space<vmem_shared>> -> memref<10112x128xf32, #tpu.memory_space<vmem_shared>>
        tpu.wait_indirect_dma semaphore(%run_scoped3A_157 : memref<!tpu.dma_semaphore, #tpu.memory_space<semaphore_mem>>) src(%arg13 : memref<125x128xf32, #tpu.memory_space<vmem>>) dst(%dma_wait3A_169 : memref<10112x128xf32, #tpu.memory_space<vmem_shared>>)
        tpu.yield
      }) : () -> ()
      %add3A_149 = arith.constant 3 : i32
      %add3A_150 = arith.addi %add3A_124, %add3A_149 : i32
      %dma_start3A_151 = arith.constant 0 : i32
      %dma_start3A_152 = tpu.memref_slice %arg10[%add3A_150, %dma_start3A_151] : memref<40x125xi32, #tpu.memory_space<vmem>> -> memref<1x125xi32, #tpu.memory_space<vmem>>
      %dma_start3A_153 = tpu.memref_squeeze %dma_start3A_152 : memref<1x125xi32, #tpu.memory_space<vmem>> -> memref<125xi32, #tpu.memory_space<vmem>>
      %dma_start3A_154 = arith.constant 0 : i32
      %dma_start3A_155 = arith.constant 0 : i32
      %dma_start3A_156 = tpu.memref_slice %arg2[%dma_start3A_154, %dma_start3A_155] : memref<10000x128xf32, #tpu.memory_space<hbm>> -> memref<10000x128xf32, #tpu.memory_space<hbm>>
      tpu.enqueue_indirect_dma source(%dma_start3A_156 : memref<10000x128xf32, #tpu.memory_space<hbm>>) target(%arg13 : memref<125x128xf32, #tpu.memory_space<vmem>>) offsets(%dma_start3A_153 : memref<125xi32, #tpu.memory_space<vmem>>) semaphore(%arg16 : memref<!tpu.dma_semaphore, #tpu.memory_space<semaphore_mem>>)
    }
    %scan3A_22 = arith.constant 19 : i32
    %dma_wait3A = arith.constant 38 : i32
    %dma_wait3A_23 = arith.constant 0 : i32
    %dma_wait3A_24 = tpu.memref_slice %arg10[%dma_wait3A, %dma_wait3A_23] : memref<40x125xi32, #tpu.memory_space<vmem>> -> memref<1x125xi32, #tpu.memory_space<vmem>>
    %dma_wait3A_25 = tpu.memref_squeeze %dma_wait3A_24 : memref<1x125xi32, #tpu.memory_space<vmem>> -> memref<125xi32, #tpu.memory_space<vmem>>
    %dma_wait3A_26 = arith.constant 0 : i32
    %dma_wait3A_27 = arith.constant 0 : i32
    %dma_wait3A_28 = tpu.memref_slice %arg2[%dma_wait3A_26, %dma_wait3A_27] : memref<10000x128xf32, #tpu.memory_space<hbm>> -> memref<10000x128xf32, #tpu.memory_space<hbm>>
    tpu.wait_indirect_dma semaphore(%arg15 : memref<!tpu.dma_semaphore, #tpu.memory_space<semaphore_mem>>) src(%dma_wait3A_28 : memref<10000x128xf32, #tpu.memory_space<hbm>>) dst(%arg12 : memref<125x128xf32, #tpu.memory_space<vmem>>)
    %run_scoped3A_29 = arith.constant 38 : i32
    "tpu.region"() ({
      %run_scoped3A_120 = tpu.sem_alloc : memref<!tpu.dma_semaphore, #tpu.memory_space<semaphore_mem>>
      %dma_start3A_121 = arith.constant 0 : i32
      %dma_start3A_122 = tpu.memref_slice %arg11[%run_scoped3A_29, %dma_start3A_121] : memref<40x125xi32, #tpu.memory_space<vmem>> -> memref<1x125xi32, #tpu.memory_space<vmem>>
      %dma_start3A_123 = tpu.memref_squeeze %dma_start3A_122 : memref<1x125xi32, #tpu.memory_space<vmem>> -> memref<125xi32, #tpu.memory_space<vmem>>
      %dma_start3A_124 = arith.constant 0 : i32
      %dma_start3A_125 = arith.constant 0 : i32
      %dma_start3A_126 = tpu.memref_slice %arg14[%dma_start3A_124, %dma_start3A_125] : memref<10112x128xf32, #tpu.memory_space<vmem_shared>> -> memref<10112x128xf32, #tpu.memory_space<vmem_shared>>
      tpu.enqueue_indirect_dma source(%arg12 : memref<125x128xf32, #tpu.memory_space<vmem>>) target(%dma_start3A_126 : memref<10112x128xf32, #tpu.memory_space<vmem_shared>>) offsets(%dma_start3A_123 : memref<125xi32, #tpu.memory_space<vmem>>) semaphore(%run_scoped3A_120 : memref<!tpu.dma_semaphore, #tpu.memory_space<semaphore_mem>>) {add = true}
      %dma_wait3A_127 = arith.constant 0 : i32
      %dma_wait3A_128 = tpu.memref_slice %arg11[%run_scoped3A_29, %dma_wait3A_127] : memref<40x125xi32, #tpu.memory_space<vmem>> -> memref<1x125xi32, #tpu.memory_space<vmem>>
      %dma_wait3A_129 = tpu.memref_squeeze %dma_wait3A_128 : memref<1x125xi32, #tpu.memory_space<vmem>> -> memref<125xi32, #tpu.memory_space<vmem>>
      %dma_wait3A_130 = arith.constant 0 : i32
      %dma_wait3A_131 = arith.constant 0 : i32
      %dma_wait3A_132 = tpu.memref_slice %arg14[%dma_wait3A_130, %dma_wait3A_131] : memref<10112x128xf32, #tpu.memory_space<vmem_shared>> -> memref<10112x128xf32, #tpu.memory_space<vmem_shared>>
      tpu.wait_indirect_dma semaphore(%run_scoped3A_120 : memref<!tpu.dma_semaphore, #tpu.memory_space<semaphore_mem>>) src(%arg12 : memref<125x128xf32, #tpu.memory_space<vmem>>) dst(%dma_wait3A_132 : memref<10112x128xf32, #tpu.memory_space<vmem_shared>>)
      tpu.yield
    }) : () -> ()
    %dma_wait3A_30 = arith.constant 39 : i32
    %dma_wait3A_31 = arith.constant 0 : i32
    %dma_wait3A_32 = tpu.memref_slice %arg10[%dma_wait3A_30, %dma_wait3A_31] : memref<40x125xi32, #tpu.memory_space<vmem>> -> memref<1x125xi32, #tpu.memory_space<vmem>>
    %dma_wait3A_33 = tpu.memref_squeeze %dma_wait3A_32 : memref<1x125xi32, #tpu.memory_space<vmem>> -> memref<125xi32, #tpu.memory_space<vmem>>
    %dma_wait3A_34 = arith.constant 0 : i32
    %dma_wait3A_35 = arith.constant 0 : i32
    %dma_wait3A_36 = tpu.memref_slice %arg2[%dma_wait3A_34, %dma_wait3A_35] : memref<10000x128xf32, #tpu.memory_space<hbm>> -> memref<10000x128xf32, #tpu.memory_space<hbm>>
    tpu.wait_indirect_dma semaphore(%arg16 : memref<!tpu.dma_semaphore, #tpu.memory_space<semaphore_mem>>) src(%dma_wait3A_36 : memref<10000x128xf32, #tpu.memory_space<hbm>>) dst(%arg13 : memref<125x128xf32, #tpu.memory_space<vmem>>)
    %run_scoped3A_37 = arith.constant 39 : i32
    "tpu.region"() ({
      %run_scoped3A_120 = tpu.sem_alloc : memref<!tpu.dma_semaphore, #tpu.memory_space<semaphore_mem>>
      %dma_start3A_121 = arith.constant 0 : i32
      %dma_start3A_122 = tpu.memref_slice %arg11[%run_scoped3A_37, %dma_start3A_121] : memref<40x125xi32, #tpu.memory_space<vmem>> -> memref<1x125xi32, #tpu.memory_space<vmem>>
      %dma_start3A_123 = tpu.memref_squeeze %dma_start3A_122 : memref<1x125xi32, #tpu.memory_space<vmem>> -> memref<125xi32, #tpu.memory_space<vmem>>
      %dma_start3A_124 = arith.constant 0 : i32
      %dma_start3A_125 = arith.constant 0 : i32
      %dma_start3A_126 = tpu.memref_slice %arg14[%dma_start3A_124, %dma_start3A_125] : memref<10112x128xf32, #tpu.memory_space<vmem_shared>> -> memref<10112x128xf32, #tpu.memory_space<vmem_shared>>
      tpu.enqueue_indirect_dma source(%arg13 : memref<125x128xf32, #tpu.memory_space<vmem>>) target(%dma_start3A_126 : memref<10112x128xf32, #tpu.memory_space<vmem_shared>>) offsets(%dma_start3A_123 : memref<125xi32, #tpu.memory_space<vmem>>) semaphore(%run_scoped3A_120 : memref<!tpu.dma_semaphore, #tpu.memory_space<semaphore_mem>>) {add = true}
      %dma_wait3A_127 = arith.constant 0 : i32
      %dma_wait3A_128 = tpu.memref_slice %arg11[%run_scoped3A_37, %dma_wait3A_127] : memref<40x125xi32, #tpu.memory_space<vmem>> -> memref<1x125xi32, #tpu.memory_space<vmem>>
      %dma_wait3A_129 = tpu.memref_squeeze %dma_wait3A_128 : memref<1x125xi32, #tpu.memory_space<vmem>> -> memref<125xi32, #tpu.memory_space<vmem>>
      %dma_wait3A_130 = arith.constant 0 : i32
      %dma_wait3A_131 = arith.constant 0 : i32
      %dma_wait3A_132 = tpu.memref_slice %arg14[%dma_wait3A_130, %dma_wait3A_131] : memref<10112x128xf32, #tpu.memory_space<vmem_shared>> -> memref<10112x128xf32, #tpu.memory_space<vmem_shared>>
      tpu.wait_indirect_dma semaphore(%run_scoped3A_120 : memref<!tpu.dma_semaphore, #tpu.memory_space<semaphore_mem>>) src(%arg13 : memref<125x128xf32, #tpu.memory_space<vmem>>) dst(%dma_wait3A_132 : memref<10112x128xf32, #tpu.memory_space<vmem_shared>>)
      tpu.yield
    }) : () -> ()
    %barrier3A_38 = arith.constant 0 : index
    tpu.barrier barrier_id(%barrier3A_38)
    %run_scoped3A_39 = arith.constant 0 : i32
    "tpu.region"() ({
      %run_scoped3A_120 = tpu.sem_alloc : memref<!tpu.dma_semaphore, #tpu.memory_space<semaphore_mem>>
      %dma_start3A_121 = arith.constant 0 : i32
      %dma_start3A_122 = tpu.memref_slice %arg9[%run_scoped3A_39, %arg0, %mul3A_4, %dma_start3A_121] : memref<3x2x10112x128xf32, #tpu.memory_space<hbm>> -> memref<1x1x632x128xf32, #tpu.memory_space<hbm>>
      %dma_start3A_123 = tpu.memref_squeeze %dma_start3A_122 : memref<1x1x632x128xf32, #tpu.memory_space<hbm>> -> memref<632x128xf32, #tpu.memory_space<hbm>>
      %dma_start3A_124 = arith.constant 0 : i32
      %dma_start3A_125 = tpu.memref_slice %arg14[%mul3A_4, %dma_start3A_124] : memref<10112x128xf32, #tpu.memory_space<vmem_shared>> -> memref<632x128xf32, #tpu.memory_space<vmem_shared>>
      tpu.enqueue_dma source(%dma_start3A_125 : memref<632x128xf32, #tpu.memory_space<vmem_shared>>) target(%dma_start3A_123 : memref<632x128xf32, #tpu.memory_space<hbm>>) target_semaphore(%run_scoped3A_120 : memref<!tpu.dma_semaphore, #tpu.memory_space<semaphore_mem>>)
      %dma_wait3A_126 = arith.constant 0 : i32
      %dma_wait3A_127 = tpu.memref_slice %arg9[%run_scoped3A_39, %arg0, %mul3A_4, %dma_wait3A_126] : memref<3x2x10112x128xf32, #tpu.memory_space<hbm>> -> memref<1x1x632x128xf32, #tpu.memory_space<hbm>>
      %dma_wait3A_128 = tpu.memref_squeeze %dma_wait3A_127 : memref<1x1x632x128xf32, #tpu.memory_space<hbm>> -> memref<632x128xf32, #tpu.memory_space<hbm>>
      %dma_wait3A_129 = arith.constant 0 : i32
      %dma_wait3A_130 = tpu.memref_slice %arg14[%mul3A_4, %dma_wait3A_129] : memref<10112x128xf32, #tpu.memory_space<vmem_shared>> -> memref<632x128xf32, #tpu.memory_space<vmem_shared>>
      tpu.wait_dma2 semaphore(%run_scoped3A_120 : memref<!tpu.dma_semaphore, #tpu.memory_space<semaphore_mem>>) src(%dma_wait3A_130 : memref<632x128xf32, #tpu.memory_space<vmem_shared>>) dst(%dma_wait3A_128 : memref<632x128xf32, #tpu.memory_space<hbm>>)
      tpu.yield
    }) : () -> ()
    %run_scoped3A_40 = arith.constant 0 : i32
    "tpu.region"() ({
      %run_scoped3A_120 = tpu.sem_alloc : memref<!tpu.dma_semaphore, #tpu.memory_space<semaphore_mem>>
      %dma_start3A_121 = arith.constant 0 : i32
      %dma_start3A_122 = tpu.memref_slice %arg6[%run_scoped3A_40, %mul3A_2, %dma_start3A_121] : memref<2x1280x125xi32, #tpu.memory_space<hbm>> -> memref<1x40x125xi32, #tpu.memory_space<hbm>>
      %dma_start3A_123 = tpu.memref_squeeze %dma_start3A_122 : memref<1x40x125xi32, #tpu.memory_space<hbm>> -> memref<40x125xi32, #tpu.memory_space<hbm>>
      %dma_start3A_124 = arith.constant 0 : i32
      %dma_start3A_125 = tpu.memref_slice %arg6[%run_scoped3A_40, %mul3A_2, %dma_start3A_124] : memref<2x1280x125xi32, #tpu.memory_space<hbm>> -> memref<1x40x125xi32, #tpu.memory_space<hbm>>
      %dma_start3A_126 = tpu.memref_squeeze %dma_start3A_125 : memref<1x40x125xi32, #tpu.memory_space<hbm>> -> memref<40x125xi32, #tpu.memory_space<hbm>>
      tpu.enqueue_dma source(%dma_start3A_126 : memref<40x125xi32, #tpu.memory_space<hbm>>) target(%arg10 : memref<40x125xi32, #tpu.memory_space<vmem>>) target_semaphore(%run_scoped3A_120 : memref<!tpu.dma_semaphore, #tpu.memory_space<semaphore_mem>>)
      %dma_wait3A_127 = arith.constant 0 : i32
      %dma_wait3A_128 = tpu.memref_slice %arg6[%run_scoped3A_40, %mul3A_2, %dma_wait3A_127] : memref<2x1280x125xi32, #tpu.memory_space<hbm>> -> memref<1x40x125xi32, #tpu.memory_space<hbm>>
      %dma_wait3A_129 = tpu.memref_squeeze %dma_wait3A_128 : memref<1x40x125xi32, #tpu.memory_space<hbm>> -> memref<40x125xi32, #tpu.memory_space<hbm>>
      %dma_wait3A_130 = arith.constant 0 : i32
      %dma_wait3A_131 = tpu.memref_slice %arg6[%run_scoped3A_40, %mul3A_2, %dma_wait3A_130] : memref<2x1280x125xi32, #tpu.memory_space<hbm>> -> memref<1x40x125xi32, #tpu.memory_space<hbm>>
      %dma_wait3A_132 = tpu.memref_squeeze %dma_wait3A_131 : memref<1x40x125xi32, #tpu.memory_space<hbm>> -> memref<40x125xi32, #tpu.memory_space<hbm>>
      tpu.wait_dma2 semaphore(%run_scoped3A_120 : memref<!tpu.dma_semaphore, #tpu.memory_space<semaphore_mem>>) src(%dma_wait3A_132 : memref<40x125xi32, #tpu.memory_space<hbm>>) dst(%arg10 : memref<40x125xi32, #tpu.memory_space<vmem>>)
      tpu.yield
    }) : () -> ()
    %run_scoped3A_41 = arith.constant 1 : i32
    "tpu.region"() ({
      %run_scoped3A_120 = tpu.sem_alloc : memref<!tpu.dma_semaphore, #tpu.memory_space<semaphore_mem>>
      %dma_start3A_121 = arith.constant 0 : i32
      %dma_start3A_122 = tpu.memref_slice %arg6[%run_scoped3A_41, %mul3A_2, %dma_start3A_121] : memref<2x1280x125xi32, #tpu.memory_space<hbm>> -> memref<1x40x125xi32, #tpu.memory_space<hbm>>
      %dma_start3A_123 = tpu.memref_squeeze %dma_start3A_122 : memref<1x40x125xi32, #tpu.memory_space<hbm>> -> memref<40x125xi32, #tpu.memory_space<hbm>>
      %dma_start3A_124 = arith.constant 0 : i32
      %dma_start3A_125 = tpu.memref_slice %arg6[%run_scoped3A_41, %mul3A_2, %dma_start3A_124] : memref<2x1280x125xi32, #tpu.memory_space<hbm>> -> memref<1x40x125xi32, #tpu.memory_space<hbm>>
      %dma_start3A_126 = tpu.memref_squeeze %dma_start3A_125 : memref<1x40x125xi32, #tpu.memory_space<hbm>> -> memref<40x125xi32, #tpu.memory_space<hbm>>
      tpu.enqueue_dma source(%dma_start3A_126 : memref<40x125xi32, #tpu.memory_space<hbm>>) target(%arg11 : memref<40x125xi32, #tpu.memory_space<vmem>>) target_semaphore(%run_scoped3A_120 : memref<!tpu.dma_semaphore, #tpu.memory_space<semaphore_mem>>)
      %dma_wait3A_127 = arith.constant 0 : i32
      %dma_wait3A_128 = tpu.memref_slice %arg6[%run_scoped3A_41, %mul3A_2, %dma_wait3A_127] : memref<2x1280x125xi32, #tpu.memory_space<hbm>> -> memref<1x40x125xi32, #tpu.memory_space<hbm>>
      %dma_wait3A_129 = tpu.memref_squeeze %dma_wait3A_128 : memref<1x40x125xi32, #tpu.memory_space<hbm>> -> memref<40x125xi32, #tpu.memory_space<hbm>>
      %dma_wait3A_130 = arith.constant 0 : i32
      %dma_wait3A_131 = tpu.memref_slice %arg6[%run_scoped3A_41, %mul3A_2, %dma_wait3A_130] : memref<2x1280x125xi32, #tpu.memory_space<hbm>> -> memref<1x40x125xi32, #tpu.memory_space<hbm>>
      %dma_wait3A_132 = tpu.memref_squeeze %dma_wait3A_131 : memref<1x40x125xi32, #tpu.memory_space<hbm>> -> memref<40x125xi32, #tpu.memory_space<hbm>>
      tpu.wait_dma2 semaphore(%run_scoped3A_120 : memref<!tpu.dma_semaphore, #tpu.memory_space<semaphore_mem>>) src(%dma_wait3A_132 : memref<40x125xi32, #tpu.memory_space<hbm>>) dst(%arg11 : memref<40x125xi32, #tpu.memory_space<vmem>>)
      tpu.yield
    }) : () -> ()
    "tpu.region"() ({
      %run_scoped3A_120 = tpu.sem_alloc : memref<!tpu.dma_semaphore, #tpu.memory_space<semaphore_mem>>
      %dma_start3A_121 = arith.constant 0 : i32
      %dma_start3A_122 = tpu.memref_slice %arg14[%mul3A_4, %dma_start3A_121] : memref<10112x128xf32, #tpu.memory_space<vmem_shared>> -> memref<632x128xf32, #tpu.memory_space<vmem_shared>>
      %dma_start3A_123 = arith.constant 0 : i32
      %dma_start3A_124 = tpu.memref_slice %arg8[%mul3A_4, %dma_start3A_123] : memref<10112x128xf32, #tpu.memory_space<hbm>> -> memref<632x128xf32, #tpu.memory_space<hbm>>
      tpu.enqueue_dma source(%dma_start3A_124 : memref<632x128xf32, #tpu.memory_space<hbm>>) target(%dma_start3A_122 : memref<632x128xf32, #tpu.memory_space<vmem_shared>>) target_semaphore(%run_scoped3A_120 : memref<!tpu.dma_semaphore, #tpu.memory_space<semaphore_mem>>)
      %dma_wait3A_125 = arith.constant 0 : i32
      %dma_wait3A_126 = tpu.memref_slice %arg14[%mul3A_4, %dma_wait3A_125] : memref<10112x128xf32, #tpu.memory_space<vmem_shared>> -> memref<632x128xf32, #tpu.memory_space<vmem_shared>>
      %dma_wait3A_127 = arith.constant 0 : i32
      %dma_wait3A_128 = tpu.memref_slice %arg8[%mul3A_4, %dma_wait3A_127] : memref<10112x128xf32, #tpu.memory_space<hbm>> -> memref<632x128xf32, #tpu.memory_space<hbm>>
      tpu.wait_dma2 semaphore(%run_scoped3A_120 : memref<!tpu.dma_semaphore, #tpu.memory_space<semaphore_mem>>) src(%dma_wait3A_128 : memref<632x128xf32, #tpu.memory_space<hbm>>) dst(%dma_wait3A_126 : memref<632x128xf32, #tpu.memory_space<vmem_shared>>)
      tpu.yield
    }) : () -> ()
    %barrier3A_42 = arith.constant 0 : index
    tpu.barrier barrier_id(%barrier3A_42)
    %dma_start3A_43 = arith.constant 0 : i32
    %dma_start3A_44 = arith.constant 0 : i32
    %dma_start3A_45 = tpu.memref_slice %arg10[%dma_start3A_43, %dma_start3A_44] : memref<40x125xi32, #tpu.memory_space<vmem>> -> memref<1x125xi32, #tpu.memory_space<vmem>>
    %dma_start3A_46 = tpu.memref_squeeze %dma_start3A_45 : memref<1x125xi32, #tpu.memory_space<vmem>> -> memref<125xi32, #tpu.memory_space<vmem>>
    %dma_start3A_47 = arith.constant 0 : i32
    %dma_start3A_48 = arith.constant 0 : i32
    %dma_start3A_49 = tpu.memref_slice %arg3[%dma_start3A_47, %dma_start3A_48] : memref<10000x128xf32, #tpu.memory_space<hbm>> -> memref<10000x128xf32, #tpu.memory_space<hbm>>
    tpu.enqueue_indirect_dma source(%dma_start3A_49 : memref<10000x128xf32, #tpu.memory_space<hbm>>) target(%arg12 : memref<125x128xf32, #tpu.memory_space<vmem>>) offsets(%dma_start3A_46 : memref<125xi32, #tpu.memory_space<vmem>>) semaphore(%arg15 : memref<!tpu.dma_semaphore, #tpu.memory_space<semaphore_mem>>)
    %dma_start3A_50 = arith.constant 1 : i32
    %dma_start3A_51 = arith.constant 0 : i32
    %dma_start3A_52 = tpu.memref_slice %arg10[%dma_start3A_50, %dma_start3A_51] : memref<40x125xi32, #tpu.memory_space<vmem>> -> memref<1x125xi32, #tpu.memory_space<vmem>>
    %dma_start3A_53 = tpu.memref_squeeze %dma_start3A_52 : memref<1x125xi32, #tpu.memory_space<vmem>> -> memref<125xi32, #tpu.memory_space<vmem>>
    %dma_start3A_54 = arith.constant 0 : i32
    %dma_start3A_55 = arith.constant 0 : i32
    %dma_start3A_56 = tpu.memref_slice %arg3[%dma_start3A_54, %dma_start3A_55] : memref<10000x128xf32, #tpu.memory_space<hbm>> -> memref<10000x128xf32, #tpu.memory_space<hbm>>
    tpu.enqueue_indirect_dma source(%dma_start3A_56 : memref<10000x128xf32, #tpu.memory_space<hbm>>) target(%arg13 : memref<125x128xf32, #tpu.memory_space<vmem>>) offsets(%dma_start3A_53 : memref<125xi32, #tpu.memory_space<vmem>>) semaphore(%arg16 : memref<!tpu.dma_semaphore, #tpu.memory_space<semaphore_mem>>)
    %scan3A_57 = arith.constant 0 : i32
    %scan3A_58 = arith.constant 19 : i32
    %scan3A_59 = arith.addi %scan3A_57, %scan3A_58 : i32
    %scan3A_60 = arith.constant 1 : i32
    scf.for %scan3A_120 = %scan3A_57 to %scan3A_59 step %scan3A_60  : i32 {
      %mul3A_121 = arith.constant 2 : i32
      %mul3A_122 = arith.muli %mul3A_121, %scan3A_120 : i32
      %add3A_123 = arith.constant 0 : i32
      %add3A_124 = arith.addi %add3A_123, %mul3A_122 : i32
      %dma_wait3A_125 = arith.constant 0 : i32
      %dma_wait3A_126 = tpu.memref_slice %arg10[%add3A_124, %dma_wait3A_125] : memref<40x125xi32, #tpu.memory_space<vmem>> -> memref<1x125xi32, #tpu.memory_space<vmem>>
      %dma_wait3A_127 = tpu.memref_squeeze %dma_wait3A_126 : memref<1x125xi32, #tpu.memory_space<vmem>> -> memref<125xi32, #tpu.memory_space<vmem>>
      %dma_wait3A_128 = arith.constant 0 : i32
      %dma_wait3A_129 = arith.constant 0 : i32
      %dma_wait3A_130 = tpu.memref_slice %arg3[%dma_wait3A_128, %dma_wait3A_129] : memref<10000x128xf32, #tpu.memory_space<hbm>> -> memref<10000x128xf32, #tpu.memory_space<hbm>>
      tpu.wait_indirect_dma semaphore(%arg15 : memref<!tpu.dma_semaphore, #tpu.memory_space<semaphore_mem>>) src(%dma_wait3A_130 : memref<10000x128xf32, #tpu.memory_space<hbm>>) dst(%arg12 : memref<125x128xf32, #tpu.memory_space<vmem>>)
      "tpu.region"() ({
        %run_scoped3A_157 = tpu.sem_alloc : memref<!tpu.dma_semaphore, #tpu.memory_space<semaphore_mem>>
        %dma_start3A_158 = arith.constant 0 : i32
        %dma_start3A_159 = tpu.memref_slice %arg11[%add3A_124, %dma_start3A_158] : memref<40x125xi32, #tpu.memory_space<vmem>> -> memref<1x125xi32, #tpu.memory_space<vmem>>
        %dma_start3A_160 = tpu.memref_squeeze %dma_start3A_159 : memref<1x125xi32, #tpu.memory_space<vmem>> -> memref<125xi32, #tpu.memory_space<vmem>>
        %dma_start3A_161 = arith.constant 0 : i32
        %dma_start3A_162 = arith.constant 0 : i32
        %dma_start3A_163 = tpu.memref_slice %arg14[%dma_start3A_161, %dma_start3A_162] : memref<10112x128xf32, #tpu.memory_space<vmem_shared>> -> memref<10112x128xf32, #tpu.memory_space<vmem_shared>>
        tpu.enqueue_indirect_dma source(%arg12 : memref<125x128xf32, #tpu.memory_space<vmem>>) target(%dma_start3A_163 : memref<10112x128xf32, #tpu.memory_space<vmem_shared>>) offsets(%dma_start3A_160 : memref<125xi32, #tpu.memory_space<vmem>>) semaphore(%run_scoped3A_157 : memref<!tpu.dma_semaphore, #tpu.memory_space<semaphore_mem>>) {add = true}
        %dma_wait3A_164 = arith.constant 0 : i32
        %dma_wait3A_165 = tpu.memref_slice %arg11[%add3A_124, %dma_wait3A_164] : memref<40x125xi32, #tpu.memory_space<vmem>> -> memref<1x125xi32, #tpu.memory_space<vmem>>
        %dma_wait3A_166 = tpu.memref_squeeze %dma_wait3A_165 : memref<1x125xi32, #tpu.memory_space<vmem>> -> memref<125xi32, #tpu.memory_space<vmem>>
        %dma_wait3A_167 = arith.constant 0 : i32
        %dma_wait3A_168 = arith.constant 0 : i32
        %dma_wait3A_169 = tpu.memref_slice %arg14[%dma_wait3A_167, %dma_wait3A_168] : memref<10112x128xf32, #tpu.memory_space<vmem_shared>> -> memref<10112x128xf32, #tpu.memory_space<vmem_shared>>
        tpu.wait_indirect_dma semaphore(%run_scoped3A_157 : memref<!tpu.dma_semaphore, #tpu.memory_space<semaphore_mem>>) src(%arg12 : memref<125x128xf32, #tpu.memory_space<vmem>>) dst(%dma_wait3A_169 : memref<10112x128xf32, #tpu.memory_space<vmem_shared>>)
        tpu.yield
      }) : () -> ()
      %add3A_131 = arith.constant 2 : i32
      %add3A_132 = arith.addi %add3A_124, %add3A_131 : i32
      %dma_start3A_133 = arith.constant 0 : i32
      %dma_start3A_134 = tpu.memref_slice %arg10[%add3A_132, %dma_start3A_133] : memref<40x125xi32, #tpu.memory_space<vmem>> -> memref<1x125xi32, #tpu.memory_space<vmem>>
      %dma_start3A_135 = tpu.memref_squeeze %dma_start3A_134 : memref<1x125xi32, #tpu.memory_space<vmem>> -> memref<125xi32, #tpu.memory_space<vmem>>
      %dma_start3A_136 = arith.constant 0 : i32
      %dma_start3A_137 = arith.constant 0 : i32
      %dma_start3A_138 = tpu.memref_slice %arg3[%dma_start3A_136, %dma_start3A_137] : memref<10000x128xf32, #tpu.memory_space<hbm>> -> memref<10000x128xf32, #tpu.memory_space<hbm>>
      tpu.enqueue_indirect_dma source(%dma_start3A_138 : memref<10000x128xf32, #tpu.memory_space<hbm>>) target(%arg12 : memref<125x128xf32, #tpu.memory_space<vmem>>) offsets(%dma_start3A_135 : memref<125xi32, #tpu.memory_space<vmem>>) semaphore(%arg15 : memref<!tpu.dma_semaphore, #tpu.memory_space<semaphore_mem>>)
      %add3A_139 = arith.constant 1 : i32
      %add3A_140 = arith.addi %add3A_124, %add3A_139 : i32
      %dma_wait3A_141 = arith.constant 0 : i32
      %dma_wait3A_142 = tpu.memref_slice %arg10[%add3A_140, %dma_wait3A_141] : memref<40x125xi32, #tpu.memory_space<vmem>> -> memref<1x125xi32, #tpu.memory_space<vmem>>
      %dma_wait3A_143 = tpu.memref_squeeze %dma_wait3A_142 : memref<1x125xi32, #tpu.memory_space<vmem>> -> memref<125xi32, #tpu.memory_space<vmem>>
      %dma_wait3A_144 = arith.constant 0 : i32
      %dma_wait3A_145 = arith.constant 0 : i32
      %dma_wait3A_146 = tpu.memref_slice %arg3[%dma_wait3A_144, %dma_wait3A_145] : memref<10000x128xf32, #tpu.memory_space<hbm>> -> memref<10000x128xf32, #tpu.memory_space<hbm>>
      tpu.wait_indirect_dma semaphore(%arg16 : memref<!tpu.dma_semaphore, #tpu.memory_space<semaphore_mem>>) src(%dma_wait3A_146 : memref<10000x128xf32, #tpu.memory_space<hbm>>) dst(%arg13 : memref<125x128xf32, #tpu.memory_space<vmem>>)
      %add3A_147 = arith.constant 1 : i32
      %add3A_148 = arith.addi %add3A_124, %add3A_147 : i32
      "tpu.region"() ({
        %run_scoped3A_157 = tpu.sem_alloc : memref<!tpu.dma_semaphore, #tpu.memory_space<semaphore_mem>>
        %dma_start3A_158 = arith.constant 0 : i32
        %dma_start3A_159 = tpu.memref_slice %arg11[%add3A_148, %dma_start3A_158] : memref<40x125xi32, #tpu.memory_space<vmem>> -> memref<1x125xi32, #tpu.memory_space<vmem>>
        %dma_start3A_160 = tpu.memref_squeeze %dma_start3A_159 : memref<1x125xi32, #tpu.memory_space<vmem>> -> memref<125xi32, #tpu.memory_space<vmem>>
        %dma_start3A_161 = arith.constant 0 : i32
        %dma_start3A_162 = arith.constant 0 : i32
        %dma_start3A_163 = tpu.memref_slice %arg14[%dma_start3A_161, %dma_start3A_162] : memref<10112x128xf32, #tpu.memory_space<vmem_shared>> -> memref<10112x128xf32, #tpu.memory_space<vmem_shared>>
        tpu.enqueue_indirect_dma source(%arg13 : memref<125x128xf32, #tpu.memory_space<vmem>>) target(%dma_start3A_163 : memref<10112x128xf32, #tpu.memory_space<vmem_shared>>) offsets(%dma_start3A_160 : memref<125xi32, #tpu.memory_space<vmem>>) semaphore(%run_scoped3A_157 : memref<!tpu.dma_semaphore, #tpu.memory_space<semaphore_mem>>) {add = true}
        %dma_wait3A_164 = arith.constant 0 : i32
        %dma_wait3A_165 = tpu.memref_slice %arg11[%add3A_148, %dma_wait3A_164] : memref<40x125xi32, #tpu.memory_space<vmem>> -> memref<1x125xi32, #tpu.memory_space<vmem>>
        %dma_wait3A_166 = tpu.memref_squeeze %dma_wait3A_165 : memref<1x125xi32, #tpu.memory_space<vmem>> -> memref<125xi32, #tpu.memory_space<vmem>>
        %dma_wait3A_167 = arith.constant 0 : i32
        %dma_wait3A_168 = arith.constant 0 : i32
        %dma_wait3A_169 = tpu.memref_slice %arg14[%dma_wait3A_167, %dma_wait3A_168] : memref<10112x128xf32, #tpu.memory_space<vmem_shared>> -> memref<10112x128xf32, #tpu.memory_space<vmem_shared>>
        tpu.wait_indirect_dma semaphore(%run_scoped3A_157 : memref<!tpu.dma_semaphore, #tpu.memory_space<semaphore_mem>>) src(%arg13 : memref<125x128xf32, #tpu.memory_space<vmem>>) dst(%dma_wait3A_169 : memref<10112x128xf32, #tpu.memory_space<vmem_shared>>)
        tpu.yield
      }) : () -> ()
      %add3A_149 = arith.constant 3 : i32
      %add3A_150 = arith.addi %add3A_124, %add3A_149 : i32
      %dma_start3A_151 = arith.constant 0 : i32
      %dma_start3A_152 = tpu.memref_slice %arg10[%add3A_150, %dma_start3A_151] : memref<40x125xi32, #tpu.memory_space<vmem>> -> memref<1x125xi32, #tpu.memory_space<vmem>>
      %dma_start3A_153 = tpu.memref_squeeze %dma_start3A_152 : memref<1x125xi32, #tpu.memory_space<vmem>> -> memref<125xi32, #tpu.memory_space<vmem>>
      %dma_start3A_154 = arith.constant 0 : i32
      %dma_start3A_155 = arith.constant 0 : i32
      %dma_start3A_156 = tpu.memref_slice %arg3[%dma_start3A_154, %dma_start3A_155] : memref<10000x128xf32, #tpu.memory_space<hbm>> -> memref<10000x128xf32, #tpu.memory_space<hbm>>
      tpu.enqueue_indirect_dma source(%dma_start3A_156 : memref<10000x128xf32, #tpu.memory_space<hbm>>) target(%arg13 : memref<125x128xf32, #tpu.memory_space<vmem>>) offsets(%dma_start3A_153 : memref<125xi32, #tpu.memory_space<vmem>>) semaphore(%arg16 : memref<!tpu.dma_semaphore, #tpu.memory_space<semaphore_mem>>)
    }
    %scan3A_61 = arith.constant 19 : i32
    %dma_wait3A_62 = arith.constant 38 : i32
    %dma_wait3A_63 = arith.constant 0 : i32
    %dma_wait3A_64 = tpu.memref_slice %arg10[%dma_wait3A_62, %dma_wait3A_63] : memref<40x125xi32, #tpu.memory_space<vmem>> -> memref<1x125xi32, #tpu.memory_space<vmem>>
    %dma_wait3A_65 = tpu.memref_squeeze %dma_wait3A_64 : memref<1x125xi32, #tpu.memory_space<vmem>> -> memref<125xi32, #tpu.memory_space<vmem>>
    %dma_wait3A_66 = arith.constant 0 : i32
    %dma_wait3A_67 = arith.constant 0 : i32
    %dma_wait3A_68 = tpu.memref_slice %arg3[%dma_wait3A_66, %dma_wait3A_67] : memref<10000x128xf32, #tpu.memory_space<hbm>> -> memref<10000x128xf32, #tpu.memory_space<hbm>>
    tpu.wait_indirect_dma semaphore(%arg15 : memref<!tpu.dma_semaphore, #tpu.memory_space<semaphore_mem>>) src(%dma_wait3A_68 : memref<10000x128xf32, #tpu.memory_space<hbm>>) dst(%arg12 : memref<125x128xf32, #tpu.memory_space<vmem>>)
    %run_scoped3A_69 = arith.constant 38 : i32
    "tpu.region"() ({
      %run_scoped3A_120 = tpu.sem_alloc : memref<!tpu.dma_semaphore, #tpu.memory_space<semaphore_mem>>
      %dma_start3A_121 = arith.constant 0 : i32
      %dma_start3A_122 = tpu.memref_slice %arg11[%run_scoped3A_69, %dma_start3A_121] : memref<40x125xi32, #tpu.memory_space<vmem>> -> memref<1x125xi32, #tpu.memory_space<vmem>>
      %dma_start3A_123 = tpu.memref_squeeze %dma_start3A_122 : memref<1x125xi32, #tpu.memory_space<vmem>> -> memref<125xi32, #tpu.memory_space<vmem>>
      %dma_start3A_124 = arith.constant 0 : i32
      %dma_start3A_125 = arith.constant 0 : i32
      %dma_start3A_126 = tpu.memref_slice %arg14[%dma_start3A_124, %dma_start3A_125] : memref<10112x128xf32, #tpu.memory_space<vmem_shared>> -> memref<10112x128xf32, #tpu.memory_space<vmem_shared>>
      tpu.enqueue_indirect_dma source(%arg12 : memref<125x128xf32, #tpu.memory_space<vmem>>) target(%dma_start3A_126 : memref<10112x128xf32, #tpu.memory_space<vmem_shared>>) offsets(%dma_start3A_123 : memref<125xi32, #tpu.memory_space<vmem>>) semaphore(%run_scoped3A_120 : memref<!tpu.dma_semaphore, #tpu.memory_space<semaphore_mem>>) {add = true}
      %dma_wait3A_127 = arith.constant 0 : i32
      %dma_wait3A_128 = tpu.memref_slice %arg11[%run_scoped3A_69, %dma_wait3A_127] : memref<40x125xi32, #tpu.memory_space<vmem>> -> memref<1x125xi32, #tpu.memory_space<vmem>>
      %dma_wait3A_129 = tpu.memref_squeeze %dma_wait3A_128 : memref<1x125xi32, #tpu.memory_space<vmem>> -> memref<125xi32, #tpu.memory_space<vmem>>
      %dma_wait3A_130 = arith.constant 0 : i32
      %dma_wait3A_131 = arith.constant 0 : i32
      %dma_wait3A_132 = tpu.memref_slice %arg14[%dma_wait3A_130, %dma_wait3A_131] : memref<10112x128xf32, #tpu.memory_space<vmem_shared>> -> memref<10112x128xf32, #tpu.memory_space<vmem_shared>>
      tpu.wait_indirect_dma semaphore(%run_scoped3A_120 : memref<!tpu.dma_semaphore, #tpu.memory_space<semaphore_mem>>) src(%arg12 : memref<125x128xf32, #tpu.memory_space<vmem>>) dst(%dma_wait3A_132 : memref<10112x128xf32, #tpu.memory_space<vmem_shared>>)
      tpu.yield
    }) : () -> ()
    %dma_wait3A_70 = arith.constant 39 : i32
    %dma_wait3A_71 = arith.constant 0 : i32
    %dma_wait3A_72 = tpu.memref_slice %arg10[%dma_wait3A_70, %dma_wait3A_71] : memref<40x125xi32, #tpu.memory_space<vmem>> -> memref<1x125xi32, #tpu.memory_space<vmem>>
    %dma_wait3A_73 = tpu.memref_squeeze %dma_wait3A_72 : memref<1x125xi32, #tpu.memory_space<vmem>> -> memref<125xi32, #tpu.memory_space<vmem>>
    %dma_wait3A_74 = arith.constant 0 : i32
    %dma_wait3A_75 = arith.constant 0 : i32
    %dma_wait3A_76 = tpu.memref_slice %arg3[%dma_wait3A_74, %dma_wait3A_75] : memref<10000x128xf32, #tpu.memory_space<hbm>> -> memref<10000x128xf32, #tpu.memory_space<hbm>>
    tpu.wait_indirect_dma semaphore(%arg16 : memref<!tpu.dma_semaphore, #tpu.memory_space<semaphore_mem>>) src(%dma_wait3A_76 : memref<10000x128xf32, #tpu.memory_space<hbm>>) dst(%arg13 : memref<125x128xf32, #tpu.memory_space<vmem>>)
    %run_scoped3A_77 = arith.constant 39 : i32
    "tpu.region"() ({
      %run_scoped3A_120 = tpu.sem_alloc : memref<!tpu.dma_semaphore, #tpu.memory_space<semaphore_mem>>
      %dma_start3A_121 = arith.constant 0 : i32
      %dma_start3A_122 = tpu.memref_slice %arg11[%run_scoped3A_77, %dma_start3A_121] : memref<40x125xi32, #tpu.memory_space<vmem>> -> memref<1x125xi32, #tpu.memory_space<vmem>>
      %dma_start3A_123 = tpu.memref_squeeze %dma_start3A_122 : memref<1x125xi32, #tpu.memory_space<vmem>> -> memref<125xi32, #tpu.memory_space<vmem>>
      %dma_start3A_124 = arith.constant 0 : i32
      %dma_start3A_125 = arith.constant 0 : i32
      %dma_start3A_126 = tpu.memref_slice %arg14[%dma_start3A_124, %dma_start3A_125] : memref<10112x128xf32, #tpu.memory_space<vmem_shared>> -> memref<10112x128xf32, #tpu.memory_space<vmem_shared>>
      tpu.enqueue_indirect_dma source(%arg13 : memref<125x128xf32, #tpu.memory_space<vmem>>) target(%dma_start3A_126 : memref<10112x128xf32, #tpu.memory_space<vmem_shared>>) offsets(%dma_start3A_123 : memref<125xi32, #tpu.memory_space<vmem>>) semaphore(%run_scoped3A_120 : memref<!tpu.dma_semaphore, #tpu.memory_space<semaphore_mem>>) {add = true}
      %dma_wait3A_127 = arith.constant 0 : i32
      %dma_wait3A_128 = tpu.memref_slice %arg11[%run_scoped3A_77, %dma_wait3A_127] : memref<40x125xi32, #tpu.memory_space<vmem>> -> memref<1x125xi32, #tpu.memory_space<vmem>>
      %dma_wait3A_129 = tpu.memref_squeeze %dma_wait3A_128 : memref<1x125xi32, #tpu.memory_space<vmem>> -> memref<125xi32, #tpu.memory_space<vmem>>
      %dma_wait3A_130 = arith.constant 0 : i32
      %dma_wait3A_131 = arith.constant 0 : i32
      %dma_wait3A_132 = tpu.memref_slice %arg14[%dma_wait3A_130, %dma_wait3A_131] : memref<10112x128xf32, #tpu.memory_space<vmem_shared>> -> memref<10112x128xf32, #tpu.memory_space<vmem_shared>>
      tpu.wait_indirect_dma semaphore(%run_scoped3A_120 : memref<!tpu.dma_semaphore, #tpu.memory_space<semaphore_mem>>) src(%arg13 : memref<125x128xf32, #tpu.memory_space<vmem>>) dst(%dma_wait3A_132 : memref<10112x128xf32, #tpu.memory_space<vmem_shared>>)
      tpu.yield
    }) : () -> ()
    %barrier3A_78 = arith.constant 0 : index
    tpu.barrier barrier_id(%barrier3A_78)
    %run_scoped3A_79 = arith.constant 1 : i32
    "tpu.region"() ({
      %run_scoped3A_120 = tpu.sem_alloc : memref<!tpu.dma_semaphore, #tpu.memory_space<semaphore_mem>>
      %dma_start3A_121 = arith.constant 0 : i32
      %dma_start3A_122 = tpu.memref_slice %arg9[%run_scoped3A_79, %arg0, %mul3A_4, %dma_start3A_121] : memref<3x2x10112x128xf32, #tpu.memory_space<hbm>> -> memref<1x1x632x128xf32, #tpu.memory_space<hbm>>
      %dma_start3A_123 = tpu.memref_squeeze %dma_start3A_122 : memref<1x1x632x128xf32, #tpu.memory_space<hbm>> -> memref<632x128xf32, #tpu.memory_space<hbm>>
      %dma_start3A_124 = arith.constant 0 : i32
      %dma_start3A_125 = tpu.memref_slice %arg14[%mul3A_4, %dma_start3A_124] : memref<10112x128xf32, #tpu.memory_space<vmem_shared>> -> memref<632x128xf32, #tpu.memory_space<vmem_shared>>
      tpu.enqueue_dma source(%dma_start3A_125 : memref<632x128xf32, #tpu.memory_space<vmem_shared>>) target(%dma_start3A_123 : memref<632x128xf32, #tpu.memory_space<hbm>>) target_semaphore(%run_scoped3A_120 : memref<!tpu.dma_semaphore, #tpu.memory_space<semaphore_mem>>)
      %dma_wait3A_126 = arith.constant 0 : i32
      %dma_wait3A_127 = tpu.memref_slice %arg9[%run_scoped3A_79, %arg0, %mul3A_4, %dma_wait3A_126] : memref<3x2x10112x128xf32, #tpu.memory_space<hbm>> -> memref<1x1x632x128xf32, #tpu.memory_space<hbm>>
      %dma_wait3A_128 = tpu.memref_squeeze %dma_wait3A_127 : memref<1x1x632x128xf32, #tpu.memory_space<hbm>> -> memref<632x128xf32, #tpu.memory_space<hbm>>
      %dma_wait3A_129 = arith.constant 0 : i32
      %dma_wait3A_130 = tpu.memref_slice %arg14[%mul3A_4, %dma_wait3A_129] : memref<10112x128xf32, #tpu.memory_space<vmem_shared>> -> memref<632x128xf32, #tpu.memory_space<vmem_shared>>
      tpu.wait_dma2 semaphore(%run_scoped3A_120 : memref<!tpu.dma_semaphore, #tpu.memory_space<semaphore_mem>>) src(%dma_wait3A_130 : memref<632x128xf32, #tpu.memory_space<vmem_shared>>) dst(%dma_wait3A_128 : memref<632x128xf32, #tpu.memory_space<hbm>>)
      tpu.yield
    }) : () -> ()
    %run_scoped3A_80 = arith.constant 0 : i32
    "tpu.region"() ({
      %run_scoped3A_120 = tpu.sem_alloc : memref<!tpu.dma_semaphore, #tpu.memory_space<semaphore_mem>>
      %dma_start3A_121 = arith.constant 0 : i32
      %dma_start3A_122 = tpu.memref_slice %arg7[%run_scoped3A_80, %mul3A_2, %dma_start3A_121] : memref<2x1280x125xi32, #tpu.memory_space<hbm>> -> memref<1x40x125xi32, #tpu.memory_space<hbm>>
      %dma_start3A_123 = tpu.memref_squeeze %dma_start3A_122 : memref<1x40x125xi32, #tpu.memory_space<hbm>> -> memref<40x125xi32, #tpu.memory_space<hbm>>
      %dma_start3A_124 = arith.constant 0 : i32
      %dma_start3A_125 = tpu.memref_slice %arg7[%run_scoped3A_80, %mul3A_2, %dma_start3A_124] : memref<2x1280x125xi32, #tpu.memory_space<hbm>> -> memref<1x40x125xi32, #tpu.memory_space<hbm>>
      %dma_start3A_126 = tpu.memref_squeeze %dma_start3A_125 : memref<1x40x125xi32, #tpu.memory_space<hbm>> -> memref<40x125xi32, #tpu.memory_space<hbm>>
      tpu.enqueue_dma source(%dma_start3A_126 : memref<40x125xi32, #tpu.memory_space<hbm>>) target(%arg10 : memref<40x125xi32, #tpu.memory_space<vmem>>) target_semaphore(%run_scoped3A_120 : memref<!tpu.dma_semaphore, #tpu.memory_space<semaphore_mem>>)
      %dma_wait3A_127 = arith.constant 0 : i32
      %dma_wait3A_128 = tpu.memref_slice %arg7[%run_scoped3A_80, %mul3A_2, %dma_wait3A_127] : memref<2x1280x125xi32, #tpu.memory_space<hbm>> -> memref<1x40x125xi32, #tpu.memory_space<hbm>>
      %dma_wait3A_129 = tpu.memref_squeeze %dma_wait3A_128 : memref<1x40x125xi32, #tpu.memory_space<hbm>> -> memref<40x125xi32, #tpu.memory_space<hbm>>
      %dma_wait3A_130 = arith.constant 0 : i32
      %dma_wait3A_131 = tpu.memref_slice %arg7[%run_scoped3A_80, %mul3A_2, %dma_wait3A_130] : memref<2x1280x125xi32, #tpu.memory_space<hbm>> -> memref<1x40x125xi32, #tpu.memory_space<hbm>>
      %dma_wait3A_132 = tpu.memref_squeeze %dma_wait3A_131 : memref<1x40x125xi32, #tpu.memory_space<hbm>> -> memref<40x125xi32, #tpu.memory_space<hbm>>
      tpu.wait_dma2 semaphore(%run_scoped3A_120 : memref<!tpu.dma_semaphore, #tpu.memory_space<semaphore_mem>>) src(%dma_wait3A_132 : memref<40x125xi32, #tpu.memory_space<hbm>>) dst(%arg10 : memref<40x125xi32, #tpu.memory_space<vmem>>)
      tpu.yield
    }) : () -> ()
    %run_scoped3A_81 = arith.constant 1 : i32
    "tpu.region"() ({
      %run_scoped3A_120 = tpu.sem_alloc : memref<!tpu.dma_semaphore, #tpu.memory_space<semaphore_mem>>
      %dma_start3A_121 = arith.constant 0 : i32
      %dma_start3A_122 = tpu.memref_slice %arg7[%run_scoped3A_81, %mul3A_2, %dma_start3A_121] : memref<2x1280x125xi32, #tpu.memory_space<hbm>> -> memref<1x40x125xi32, #tpu.memory_space<hbm>>
      %dma_start3A_123 = tpu.memref_squeeze %dma_start3A_122 : memref<1x40x125xi32, #tpu.memory_space<hbm>> -> memref<40x125xi32, #tpu.memory_space<hbm>>
      %dma_start3A_124 = arith.constant 0 : i32
      %dma_start3A_125 = tpu.memref_slice %arg7[%run_scoped3A_81, %mul3A_2, %dma_start3A_124] : memref<2x1280x125xi32, #tpu.memory_space<hbm>> -> memref<1x40x125xi32, #tpu.memory_space<hbm>>
      %dma_start3A_126 = tpu.memref_squeeze %dma_start3A_125 : memref<1x40x125xi32, #tpu.memory_space<hbm>> -> memref<40x125xi32, #tpu.memory_space<hbm>>
      tpu.enqueue_dma source(%dma_start3A_126 : memref<40x125xi32, #tpu.memory_space<hbm>>) target(%arg11 : memref<40x125xi32, #tpu.memory_space<vmem>>) target_semaphore(%run_scoped3A_120 : memref<!tpu.dma_semaphore, #tpu.memory_space<semaphore_mem>>)
      %dma_wait3A_127 = arith.constant 0 : i32
      %dma_wait3A_128 = tpu.memref_slice %arg7[%run_scoped3A_81, %mul3A_2, %dma_wait3A_127] : memref<2x1280x125xi32, #tpu.memory_space<hbm>> -> memref<1x40x125xi32, #tpu.memory_space<hbm>>
      %dma_wait3A_129 = tpu.memref_squeeze %dma_wait3A_128 : memref<1x40x125xi32, #tpu.memory_space<hbm>> -> memref<40x125xi32, #tpu.memory_space<hbm>>
      %dma_wait3A_130 = arith.constant 0 : i32
      %dma_wait3A_131 = tpu.memref_slice %arg7[%run_scoped3A_81, %mul3A_2, %dma_wait3A_130] : memref<2x1280x125xi32, #tpu.memory_space<hbm>> -> memref<1x40x125xi32, #tpu.memory_space<hbm>>
      %dma_wait3A_132 = tpu.memref_squeeze %dma_wait3A_131 : memref<1x40x125xi32, #tpu.memory_space<hbm>> -> memref<40x125xi32, #tpu.memory_space<hbm>>
      tpu.wait_dma2 semaphore(%run_scoped3A_120 : memref<!tpu.dma_semaphore, #tpu.memory_space<semaphore_mem>>) src(%dma_wait3A_132 : memref<40x125xi32, #tpu.memory_space<hbm>>) dst(%arg11 : memref<40x125xi32, #tpu.memory_space<vmem>>)
      tpu.yield
    }) : () -> ()
    "tpu.region"() ({
      %run_scoped3A_120 = tpu.sem_alloc : memref<!tpu.dma_semaphore, #tpu.memory_space<semaphore_mem>>
      %dma_start3A_121 = arith.constant 0 : i32
      %dma_start3A_122 = tpu.memref_slice %arg14[%mul3A_4, %dma_start3A_121] : memref<10112x128xf32, #tpu.memory_space<vmem_shared>> -> memref<632x128xf32, #tpu.memory_space<vmem_shared>>
      %dma_start3A_123 = arith.constant 0 : i32
      %dma_start3A_124 = tpu.memref_slice %arg8[%mul3A_4, %dma_start3A_123] : memref<10112x128xf32, #tpu.memory_space<hbm>> -> memref<632x128xf32, #tpu.memory_space<hbm>>
      tpu.enqueue_dma source(%dma_start3A_124 : memref<632x128xf32, #tpu.memory_space<hbm>>) target(%dma_start3A_122 : memref<632x128xf32, #tpu.memory_space<vmem_shared>>) target_semaphore(%run_scoped3A_120 : memref<!tpu.dma_semaphore, #tpu.memory_space<semaphore_mem>>)
      %dma_wait3A_125 = arith.constant 0 : i32
      %dma_wait3A_126 = tpu.memref_slice %arg14[%mul3A_4, %dma_wait3A_125] : memref<10112x128xf32, #tpu.memory_space<vmem_shared>> -> memref<632x128xf32, #tpu.memory_space<vmem_shared>>
      %dma_wait3A_127 = arith.constant 0 : i32
      %dma_wait3A_128 = tpu.memref_slice %arg8[%mul3A_4, %dma_wait3A_127] : memref<10112x128xf32, #tpu.memory_space<hbm>> -> memref<632x128xf32, #tpu.memory_space<hbm>>
      tpu.wait_dma2 semaphore(%run_scoped3A_120 : memref<!tpu.dma_semaphore, #tpu.memory_space<semaphore_mem>>) src(%dma_wait3A_128 : memref<632x128xf32, #tpu.memory_space<hbm>>) dst(%dma_wait3A_126 : memref<632x128xf32, #tpu.memory_space<vmem_shared>>)
      tpu.yield
    }) : () -> ()
    %barrier3A_82 = arith.constant 0 : index
    tpu.barrier barrier_id(%barrier3A_82)
    %dma_start3A_83 = arith.constant 0 : i32
    %dma_start3A_84 = arith.constant 0 : i32
    %dma_start3A_85 = tpu.memref_slice %arg10[%dma_start3A_83, %dma_start3A_84] : memref<40x125xi32, #tpu.memory_space<vmem>> -> memref<1x125xi32, #tpu.memory_space<vmem>>
    %dma_start3A_86 = tpu.memref_squeeze %dma_start3A_85 : memref<1x125xi32, #tpu.memory_space<vmem>> -> memref<125xi32, #tpu.memory_space<vmem>>
    %dma_start3A_87 = arith.constant 0 : i32
    %dma_start3A_88 = arith.constant 0 : i32
    %dma_start3A_89 = tpu.memref_slice %arg4[%dma_start3A_87, %dma_start3A_88] : memref<10000x128xf32, #tpu.memory_space<hbm>> -> memref<10000x128xf32, #tpu.memory_space<hbm>>
    tpu.enqueue_indirect_dma source(%dma_start3A_89 : memref<10000x128xf32, #tpu.memory_space<hbm>>) target(%arg12 : memref<125x128xf32, #tpu.memory_space<vmem>>) offsets(%dma_start3A_86 : memref<125xi32, #tpu.memory_space<vmem>>) semaphore(%arg15 : memref<!tpu.dma_semaphore, #tpu.memory_space<semaphore_mem>>)
    %dma_start3A_90 = arith.constant 1 : i32
    %dma_start3A_91 = arith.constant 0 : i32
    %dma_start3A_92 = tpu.memref_slice %arg10[%dma_start3A_90, %dma_start3A_91] : memref<40x125xi32, #tpu.memory_space<vmem>> -> memref<1x125xi32, #tpu.memory_space<vmem>>
    %dma_start3A_93 = tpu.memref_squeeze %dma_start3A_92 : memref<1x125xi32, #tpu.memory_space<vmem>> -> memref<125xi32, #tpu.memory_space<vmem>>
    %dma_start3A_94 = arith.constant 0 : i32
    %dma_start3A_95 = arith.constant 0 : i32
    %dma_start3A_96 = tpu.memref_slice %arg4[%dma_start3A_94, %dma_start3A_95] : memref<10000x128xf32, #tpu.memory_space<hbm>> -> memref<10000x128xf32, #tpu.memory_space<hbm>>
    tpu.enqueue_indirect_dma source(%dma_start3A_96 : memref<10000x128xf32, #tpu.memory_space<hbm>>) target(%arg13 : memref<125x128xf32, #tpu.memory_space<vmem>>) offsets(%dma_start3A_93 : memref<125xi32, #tpu.memory_space<vmem>>) semaphore(%arg16 : memref<!tpu.dma_semaphore, #tpu.memory_space<semaphore_mem>>)
    %scan3A_97 = arith.constant 0 : i32
    %scan3A_98 = arith.constant 19 : i32
    %scan3A_99 = arith.addi %scan3A_97, %scan3A_98 : i32
    %scan3A_100 = arith.constant 1 : i32
    scf.for %scan3A_120 = %scan3A_97 to %scan3A_99 step %scan3A_100  : i32 {
      %mul3A_121 = arith.constant 2 : i32
      %mul3A_122 = arith.muli %mul3A_121, %scan3A_120 : i32
      %add3A_123 = arith.constant 0 : i32
      %add3A_124 = arith.addi %add3A_123, %mul3A_122 : i32
      %dma_wait3A_125 = arith.constant 0 : i32
      %dma_wait3A_126 = tpu.memref_slice %arg10[%add3A_124, %dma_wait3A_125] : memref<40x125xi32, #tpu.memory_space<vmem>> -> memref<1x125xi32, #tpu.memory_space<vmem>>
      %dma_wait3A_127 = tpu.memref_squeeze %dma_wait3A_126 : memref<1x125xi32, #tpu.memory_space<vmem>> -> memref<125xi32, #tpu.memory_space<vmem>>
      %dma_wait3A_128 = arith.constant 0 : i32
      %dma_wait3A_129 = arith.constant 0 : i32
      %dma_wait3A_130 = tpu.memref_slice %arg4[%dma_wait3A_128, %dma_wait3A_129] : memref<10000x128xf32, #tpu.memory_space<hbm>> -> memref<10000x128xf32, #tpu.memory_space<hbm>>
      tpu.wait_indirect_dma semaphore(%arg15 : memref<!tpu.dma_semaphore, #tpu.memory_space<semaphore_mem>>) src(%dma_wait3A_130 : memref<10000x128xf32, #tpu.memory_space<hbm>>) dst(%arg12 : memref<125x128xf32, #tpu.memory_space<vmem>>)
      "tpu.region"() ({
        %run_scoped3A_157 = tpu.sem_alloc : memref<!tpu.dma_semaphore, #tpu.memory_space<semaphore_mem>>
        %dma_start3A_158 = arith.constant 0 : i32
        %dma_start3A_159 = tpu.memref_slice %arg11[%add3A_124, %dma_start3A_158] : memref<40x125xi32, #tpu.memory_space<vmem>> -> memref<1x125xi32, #tpu.memory_space<vmem>>
        %dma_start3A_160 = tpu.memref_squeeze %dma_start3A_159 : memref<1x125xi32, #tpu.memory_space<vmem>> -> memref<125xi32, #tpu.memory_space<vmem>>
        %dma_start3A_161 = arith.constant 0 : i32
        %dma_start3A_162 = arith.constant 0 : i32
        %dma_start3A_163 = tpu.memref_slice %arg14[%dma_start3A_161, %dma_start3A_162] : memref<10112x128xf32, #tpu.memory_space<vmem_shared>> -> memref<10112x128xf32, #tpu.memory_space<vmem_shared>>
        tpu.enqueue_indirect_dma source(%arg12 : memref<125x128xf32, #tpu.memory_space<vmem>>) target(%dma_start3A_163 : memref<10112x128xf32, #tpu.memory_space<vmem_shared>>) offsets(%dma_start3A_160 : memref<125xi32, #tpu.memory_space<vmem>>) semaphore(%run_scoped3A_157 : memref<!tpu.dma_semaphore, #tpu.memory_space<semaphore_mem>>) {add = true}
        %dma_wait3A_164 = arith.constant 0 : i32
        %dma_wait3A_165 = tpu.memref_slice %arg11[%add3A_124, %dma_wait3A_164] : memref<40x125xi32, #tpu.memory_space<vmem>> -> memref<1x125xi32, #tpu.memory_space<vmem>>
        %dma_wait3A_166 = tpu.memref_squeeze %dma_wait3A_165 : memref<1x125xi32, #tpu.memory_space<vmem>> -> memref<125xi32, #tpu.memory_space<vmem>>
        %dma_wait3A_167 = arith.constant 0 : i32
        %dma_wait3A_168 = arith.constant 0 : i32
        %dma_wait3A_169 = tpu.memref_slice %arg14[%dma_wait3A_167, %dma_wait3A_168] : memref<10112x128xf32, #tpu.memory_space<vmem_shared>> -> memref<10112x128xf32, #tpu.memory_space<vmem_shared>>
        tpu.wait_indirect_dma semaphore(%run_scoped3A_157 : memref<!tpu.dma_semaphore, #tpu.memory_space<semaphore_mem>>) src(%arg12 : memref<125x128xf32, #tpu.memory_space<vmem>>) dst(%dma_wait3A_169 : memref<10112x128xf32, #tpu.memory_space<vmem_shared>>)
        tpu.yield
      }) : () -> ()
      %add3A_131 = arith.constant 2 : i32
      %add3A_132 = arith.addi %add3A_124, %add3A_131 : i32
      %dma_start3A_133 = arith.constant 0 : i32
      %dma_start3A_134 = tpu.memref_slice %arg10[%add3A_132, %dma_start3A_133] : memref<40x125xi32, #tpu.memory_space<vmem>> -> memref<1x125xi32, #tpu.memory_space<vmem>>
      %dma_start3A_135 = tpu.memref_squeeze %dma_start3A_134 : memref<1x125xi32, #tpu.memory_space<vmem>> -> memref<125xi32, #tpu.memory_space<vmem>>
      %dma_start3A_136 = arith.constant 0 : i32
      %dma_start3A_137 = arith.constant 0 : i32
      %dma_start3A_138 = tpu.memref_slice %arg4[%dma_start3A_136, %dma_start3A_137] : memref<10000x128xf32, #tpu.memory_space<hbm>> -> memref<10000x128xf32, #tpu.memory_space<hbm>>
      tpu.enqueue_indirect_dma source(%dma_start3A_138 : memref<10000x128xf32, #tpu.memory_space<hbm>>) target(%arg12 : memref<125x128xf32, #tpu.memory_space<vmem>>) offsets(%dma_start3A_135 : memref<125xi32, #tpu.memory_space<vmem>>) semaphore(%arg15 : memref<!tpu.dma_semaphore, #tpu.memory_space<semaphore_mem>>)
      %add3A_139 = arith.constant 1 : i32
      %add3A_140 = arith.addi %add3A_124, %add3A_139 : i32
      %dma_wait3A_141 = arith.constant 0 : i32
      %dma_wait3A_142 = tpu.memref_slice %arg10[%add3A_140, %dma_wait3A_141] : memref<40x125xi32, #tpu.memory_space<vmem>> -> memref<1x125xi32, #tpu.memory_space<vmem>>
      %dma_wait3A_143 = tpu.memref_squeeze %dma_wait3A_142 : memref<1x125xi32, #tpu.memory_space<vmem>> -> memref<125xi32, #tpu.memory_space<vmem>>
      %dma_wait3A_144 = arith.constant 0 : i32
      %dma_wait3A_145 = arith.constant 0 : i32
      %dma_wait3A_146 = tpu.memref_slice %arg4[%dma_wait3A_144, %dma_wait3A_145] : memref<10000x128xf32, #tpu.memory_space<hbm>> -> memref<10000x128xf32, #tpu.memory_space<hbm>>
      tpu.wait_indirect_dma semaphore(%arg16 : memref<!tpu.dma_semaphore, #tpu.memory_space<semaphore_mem>>) src(%dma_wait3A_146 : memref<10000x128xf32, #tpu.memory_space<hbm>>) dst(%arg13 : memref<125x128xf32, #tpu.memory_space<vmem>>)
      %add3A_147 = arith.constant 1 : i32
      %add3A_148 = arith.addi %add3A_124, %add3A_147 : i32
      "tpu.region"() ({
        %run_scoped3A_157 = tpu.sem_alloc : memref<!tpu.dma_semaphore, #tpu.memory_space<semaphore_mem>>
        %dma_start3A_158 = arith.constant 0 : i32
        %dma_start3A_159 = tpu.memref_slice %arg11[%add3A_148, %dma_start3A_158] : memref<40x125xi32, #tpu.memory_space<vmem>> -> memref<1x125xi32, #tpu.memory_space<vmem>>
        %dma_start3A_160 = tpu.memref_squeeze %dma_start3A_159 : memref<1x125xi32, #tpu.memory_space<vmem>> -> memref<125xi32, #tpu.memory_space<vmem>>
        %dma_start3A_161 = arith.constant 0 : i32
        %dma_start3A_162 = arith.constant 0 : i32
        %dma_start3A_163 = tpu.memref_slice %arg14[%dma_start3A_161, %dma_start3A_162] : memref<10112x128xf32, #tpu.memory_space<vmem_shared>> -> memref<10112x128xf32, #tpu.memory_space<vmem_shared>>
        tpu.enqueue_indirect_dma source(%arg13 : memref<125x128xf32, #tpu.memory_space<vmem>>) target(%dma_start3A_163 : memref<10112x128xf32, #tpu.memory_space<vmem_shared>>) offsets(%dma_start3A_160 : memref<125xi32, #tpu.memory_space<vmem>>) semaphore(%run_scoped3A_157 : memref<!tpu.dma_semaphore, #tpu.memory_space<semaphore_mem>>) {add = true}
        %dma_wait3A_164 = arith.constant 0 : i32
        %dma_wait3A_165 = tpu.memref_slice %arg11[%add3A_148, %dma_wait3A_164] : memref<40x125xi32, #tpu.memory_space<vmem>> -> memref<1x125xi32, #tpu.memory_space<vmem>>
        %dma_wait3A_166 = tpu.memref_squeeze %dma_wait3A_165 : memref<1x125xi32, #tpu.memory_space<vmem>> -> memref<125xi32, #tpu.memory_space<vmem>>
        %dma_wait3A_167 = arith.constant 0 : i32
        %dma_wait3A_168 = arith.constant 0 : i32
        %dma_wait3A_169 = tpu.memref_slice %arg14[%dma_wait3A_167, %dma_wait3A_168] : memref<10112x128xf32, #tpu.memory_space<vmem_shared>> -> memref<10112x128xf32, #tpu.memory_space<vmem_shared>>
        tpu.wait_indirect_dma semaphore(%run_scoped3A_157 : memref<!tpu.dma_semaphore, #tpu.memory_space<semaphore_mem>>) src(%arg13 : memref<125x128xf32, #tpu.memory_space<vmem>>) dst(%dma_wait3A_169 : memref<10112x128xf32, #tpu.memory_space<vmem_shared>>)
        tpu.yield
      }) : () -> ()
      %add3A_149 = arith.constant 3 : i32
      %add3A_150 = arith.addi %add3A_124, %add3A_149 : i32
      %dma_start3A_151 = arith.constant 0 : i32
      %dma_start3A_152 = tpu.memref_slice %arg10[%add3A_150, %dma_start3A_151] : memref<40x125xi32, #tpu.memory_space<vmem>> -> memref<1x125xi32, #tpu.memory_space<vmem>>
      %dma_start3A_153 = tpu.memref_squeeze %dma_start3A_152 : memref<1x125xi32, #tpu.memory_space<vmem>> -> memref<125xi32, #tpu.memory_space<vmem>>
      %dma_start3A_154 = arith.constant 0 : i32
      %dma_start3A_155 = arith.constant 0 : i32
      %dma_start3A_156 = tpu.memref_slice %arg4[%dma_start3A_154, %dma_start3A_155] : memref<10000x128xf32, #tpu.memory_space<hbm>> -> memref<10000x128xf32, #tpu.memory_space<hbm>>
      tpu.enqueue_indirect_dma source(%dma_start3A_156 : memref<10000x128xf32, #tpu.memory_space<hbm>>) target(%arg13 : memref<125x128xf32, #tpu.memory_space<vmem>>) offsets(%dma_start3A_153 : memref<125xi32, #tpu.memory_space<vmem>>) semaphore(%arg16 : memref<!tpu.dma_semaphore, #tpu.memory_space<semaphore_mem>>)
    }
    %scan3A_101 = arith.constant 19 : i32
    %dma_wait3A_102 = arith.constant 38 : i32
    %dma_wait3A_103 = arith.constant 0 : i32
    %dma_wait3A_104 = tpu.memref_slice %arg10[%dma_wait3A_102, %dma_wait3A_103] : memref<40x125xi32, #tpu.memory_space<vmem>> -> memref<1x125xi32, #tpu.memory_space<vmem>>
    %dma_wait3A_105 = tpu.memref_squeeze %dma_wait3A_104 : memref<1x125xi32, #tpu.memory_space<vmem>> -> memref<125xi32, #tpu.memory_space<vmem>>
    %dma_wait3A_106 = arith.constant 0 : i32
    %dma_wait3A_107 = arith.constant 0 : i32
    %dma_wait3A_108 = tpu.memref_slice %arg4[%dma_wait3A_106, %dma_wait3A_107] : memref<10000x128xf32, #tpu.memory_space<hbm>> -> memref<10000x128xf32, #tpu.memory_space<hbm>>
    tpu.wait_indirect_dma semaphore(%arg15 : memref<!tpu.dma_semaphore, #tpu.memory_space<semaphore_mem>>) src(%dma_wait3A_108 : memref<10000x128xf32, #tpu.memory_space<hbm>>) dst(%arg12 : memref<125x128xf32, #tpu.memory_space<vmem>>)
    %run_scoped3A_109 = arith.constant 38 : i32
    "tpu.region"() ({
      %run_scoped3A_120 = tpu.sem_alloc : memref<!tpu.dma_semaphore, #tpu.memory_space<semaphore_mem>>
      %dma_start3A_121 = arith.constant 0 : i32
      %dma_start3A_122 = tpu.memref_slice %arg11[%run_scoped3A_109, %dma_start3A_121] : memref<40x125xi32, #tpu.memory_space<vmem>> -> memref<1x125xi32, #tpu.memory_space<vmem>>
      %dma_start3A_123 = tpu.memref_squeeze %dma_start3A_122 : memref<1x125xi32, #tpu.memory_space<vmem>> -> memref<125xi32, #tpu.memory_space<vmem>>
      %dma_start3A_124 = arith.constant 0 : i32
      %dma_start3A_125 = arith.constant 0 : i32
      %dma_start3A_126 = tpu.memref_slice %arg14[%dma_start3A_124, %dma_start3A_125] : memref<10112x128xf32, #tpu.memory_space<vmem_shared>> -> memref<10112x128xf32, #tpu.memory_space<vmem_shared>>
      tpu.enqueue_indirect_dma source(%arg12 : memref<125x128xf32, #tpu.memory_space<vmem>>) target(%dma_start3A_126 : memref<10112x128xf32, #tpu.memory_space<vmem_shared>>) offsets(%dma_start3A_123 : memref<125xi32, #tpu.memory_space<vmem>>) semaphore(%run_scoped3A_120 : memref<!tpu.dma_semaphore, #tpu.memory_space<semaphore_mem>>) {add = true}
      %dma_wait3A_127 = arith.constant 0 : i32
      %dma_wait3A_128 = tpu.memref_slice %arg11[%run_scoped3A_109, %dma_wait3A_127] : memref<40x125xi32, #tpu.memory_space<vmem>> -> memref<1x125xi32, #tpu.memory_space<vmem>>
      %dma_wait3A_129 = tpu.memref_squeeze %dma_wait3A_128 : memref<1x125xi32, #tpu.memory_space<vmem>> -> memref<125xi32, #tpu.memory_space<vmem>>
      %dma_wait3A_130 = arith.constant 0 : i32
      %dma_wait3A_131 = arith.constant 0 : i32
      %dma_wait3A_132 = tpu.memref_slice %arg14[%dma_wait3A_130, %dma_wait3A_131] : memref<10112x128xf32, #tpu.memory_space<vmem_shared>> -> memref<10112x128xf32, #tpu.memory_space<vmem_shared>>
      tpu.wait_indirect_dma semaphore(%run_scoped3A_120 : memref<!tpu.dma_semaphore, #tpu.memory_space<semaphore_mem>>) src(%arg12 : memref<125x128xf32, #tpu.memory_space<vmem>>) dst(%dma_wait3A_132 : memref<10112x128xf32, #tpu.memory_space<vmem_shared>>)
      tpu.yield
    }) : () -> ()
    %dma_wait3A_110 = arith.constant 39 : i32
    %dma_wait3A_111 = arith.constant 0 : i32
    %dma_wait3A_112 = tpu.memref_slice %arg10[%dma_wait3A_110, %dma_wait3A_111] : memref<40x125xi32, #tpu.memory_space<vmem>> -> memref<1x125xi32, #tpu.memory_space<vmem>>
    %dma_wait3A_113 = tpu.memref_squeeze %dma_wait3A_112 : memref<1x125xi32, #tpu.memory_space<vmem>> -> memref<125xi32, #tpu.memory_space<vmem>>
    %dma_wait3A_114 = arith.constant 0 : i32
    %dma_wait3A_115 = arith.constant 0 : i32
    %dma_wait3A_116 = tpu.memref_slice %arg4[%dma_wait3A_114, %dma_wait3A_115] : memref<10000x128xf32, #tpu.memory_space<hbm>> -> memref<10000x128xf32, #tpu.memory_space<hbm>>
    tpu.wait_indirect_dma semaphore(%arg16 : memref<!tpu.dma_semaphore, #tpu.memory_space<semaphore_mem>>) src(%dma_wait3A_116 : memref<10000x128xf32, #tpu.memory_space<hbm>>) dst(%arg13 : memref<125x128xf32, #tpu.memory_space<vmem>>)
    %run_scoped3A_117 = arith.constant 39 : i32
    "tpu.region"() ({
      %run_scoped3A_120 = tpu.sem_alloc : memref<!tpu.dma_semaphore, #tpu.memory_space<semaphore_mem>>
      %dma_start3A_121 = arith.constant 0 : i32
      %dma_start3A_122 = tpu.memref_slice %arg11[%run_scoped3A_117, %dma_start3A_121] : memref<40x125xi32, #tpu.memory_space<vmem>> -> memref<1x125xi32, #tpu.memory_space<vmem>>
      %dma_start3A_123 = tpu.memref_squeeze %dma_start3A_122 : memref<1x125xi32, #tpu.memory_space<vmem>> -> memref<125xi32, #tpu.memory_space<vmem>>
      %dma_start3A_124 = arith.constant 0 : i32
      %dma_start3A_125 = arith.constant 0 : i32
      %dma_start3A_126 = tpu.memref_slice %arg14[%dma_start3A_124, %dma_start3A_125] : memref<10112x128xf32, #tpu.memory_space<vmem_shared>> -> memref<10112x128xf32, #tpu.memory_space<vmem_shared>>
      tpu.enqueue_indirect_dma source(%arg13 : memref<125x128xf32, #tpu.memory_space<vmem>>) target(%dma_start3A_126 : memref<10112x128xf32, #tpu.memory_space<vmem_shared>>) offsets(%dma_start3A_123 : memref<125xi32, #tpu.memory_space<vmem>>) semaphore(%run_scoped3A_120 : memref<!tpu.dma_semaphore, #tpu.memory_space<semaphore_mem>>) {add = true}
      %dma_wait3A_127 = arith.constant 0 : i32
      %dma_wait3A_128 = tpu.memref_slice %arg11[%run_scoped3A_117, %dma_wait3A_127] : memref<40x125xi32, #tpu.memory_space<vmem>> -> memref<1x125xi32, #tpu.memory_space<vmem>>
      %dma_wait3A_129 = tpu.memref_squeeze %dma_wait3A_128 : memref<1x125xi32, #tpu.memory_space<vmem>> -> memref<125xi32, #tpu.memory_space<vmem>>
      %dma_wait3A_130 = arith.constant 0 : i32
      %dma_wait3A_131 = arith.constant 0 : i32
      %dma_wait3A_132 = tpu.memref_slice %arg14[%dma_wait3A_130, %dma_wait3A_131] : memref<10112x128xf32, #tpu.memory_space<vmem_shared>> -> memref<10112x128xf32, #tpu.memory_space<vmem_shared>>
      tpu.wait_indirect_dma semaphore(%run_scoped3A_120 : memref<!tpu.dma_semaphore, #tpu.memory_space<semaphore_mem>>) src(%arg13 : memref<125x128xf32, #tpu.memory_space<vmem>>) dst(%dma_wait3A_132 : memref<10112x128xf32, #tpu.memory_space<vmem_shared>>)
      tpu.yield
    }) : () -> ()
    %barrier3A_118 = arith.constant 0 : index
    tpu.barrier barrier_id(%barrier3A_118)
    %run_scoped3A_119 = arith.constant 2 : i32
    "tpu.region"() ({
      %run_scoped3A_120 = tpu.sem_alloc : memref<!tpu.dma_semaphore, #tpu.memory_space<semaphore_mem>>
      %dma_start3A_121 = arith.constant 0 : i32
      %dma_start3A_122 = tpu.memref_slice %arg9[%run_scoped3A_119, %arg0, %mul3A_4, %dma_start3A_121] : memref<3x2x10112x128xf32, #tpu.memory_space<hbm>> -> memref<1x1x632x128xf32, #tpu.memory_space<hbm>>
      %dma_start3A_123 = tpu.memref_squeeze %dma_start3A_122 : memref<1x1x632x128xf32, #tpu.memory_space<hbm>> -> memref<632x128xf32, #tpu.memory_space<hbm>>
      %dma_start3A_124 = arith.constant 0 : i32
      %dma_start3A_125 = tpu.memref_slice %arg14[%mul3A_4, %dma_start3A_124] : memref<10112x128xf32, #tpu.memory_space<vmem_shared>> -> memref<632x128xf32, #tpu.memory_space<vmem_shared>>
      tpu.enqueue_dma source(%dma_start3A_125 : memref<632x128xf32, #tpu.memory_space<vmem_shared>>) target(%dma_start3A_123 : memref<632x128xf32, #tpu.memory_space<hbm>>) target_semaphore(%run_scoped3A_120 : memref<!tpu.dma_semaphore, #tpu.memory_space<semaphore_mem>>)
      %dma_wait3A_126 = arith.constant 0 : i32
      %dma_wait3A_127 = tpu.memref_slice %arg9[%run_scoped3A_119, %arg0, %mul3A_4, %dma_wait3A_126] : memref<3x2x10112x128xf32, #tpu.memory_space<hbm>> -> memref<1x1x632x128xf32, #tpu.memory_space<hbm>>
      %dma_wait3A_128 = tpu.memref_squeeze %dma_wait3A_127 : memref<1x1x632x128xf32, #tpu.memory_space<hbm>> -> memref<632x128xf32, #tpu.memory_space<hbm>>
      %dma_wait3A_129 = arith.constant 0 : i32
      %dma_wait3A_130 = tpu.memref_slice %arg14[%mul3A_4, %dma_wait3A_129] : memref<10112x128xf32, #tpu.memory_space<vmem_shared>> -> memref<632x128xf32, #tpu.memory_space<vmem_shared>>
      tpu.wait_dma2 semaphore(%run_scoped3A_120 : memref<!tpu.dma_semaphore, #tpu.memory_space<semaphore_mem>>) src(%dma_wait3A_130 : memref<632x128xf32, #tpu.memory_space<vmem_shared>>) dst(%dma_wait3A_128 : memref<632x128xf32, #tpu.memory_space<hbm>>)
      tpu.yield
    }) : () -> ()
    return
  }
}

module attributes {stable_mosaic.version = 14 : i64} {
  func.func @_prep_body(%arg0: i32, %arg1: memref<1000x128xf32, #tpu.memory_space<vmem>>, %arg2: memref<2x1000x128xf32, #tpu.memory_space<vmem>>, %arg3: memref<1000x128xf32, #tpu.memory_space<vmem>>, %arg4: memref<1000x128xf32, #tpu.memory_space<vmem>>, %arg5: memref<1000x128xf32, #tpu.memory_space<vmem>>) attributes {dimension_semantics = [#tpu.dimension_semantics<arbitrary>], iteration_bounds = array<i64: 10>, scalar_prefetch = 0 : i64, scratch_operands = 0 : i64, tpu.core_type = #tpu.core_type<tc>, window_params = [{transform_indices = @transform_0, window_bounds = array<i64: 1000, 128>}, {transform_indices = @transform_1, window_bounds = array<i64: 2, 1000, 128>}, {transform_indices = @transform_2, window_bounds = array<i64: 1000, 128>}, {transform_indices = @transform_3, window_bounds = array<i64: 1000, 128>}, {transform_indices = @transform_4, window_bounds = array<i64: 1000, 128>}]} {
    %get3A = arith.constant 0 : index
    %get3A_0 = arith.constant 0 : index
    %get3A_1 = arith.constant 0 : index
    %get3A_2 = vector.load %arg2[%get3A, %get3A_0, %get3A_1] : memref<2x1000x128xf32, #tpu.memory_space<vmem>>, vector<2x1000x128xf32>
    %slice3A = vector.extract_strided_slice %get3A_2 {offsets = [0, 0, 0], sizes = [1, 1000, 128], strides = [1, 1, 1]} : vector<2x1000x128xf32> to vector<1x1000x128xf32>
    %squeeze3A = vector.shape_cast %slice3A : vector<1x1000x128xf32> to vector<1000x128xf32>
    %slice3A_3 = vector.extract_strided_slice %get3A_2 {offsets = [1, 0, 0], sizes = [1, 1000, 128], strides = [1, 1, 1]} : vector<2x1000x128xf32> to vector<1x1000x128xf32>
    %squeeze3A_4 = vector.shape_cast %slice3A_3 : vector<1x1000x128xf32> to vector<1000x128xf32>
    %add3A = arith.addf %squeeze3A, %squeeze3A_4 : vector<1000x128xf32>
    %max3A = arith.constant 1.000000e+00 : f32
    %max3A_5 = vector.broadcast %max3A : f32 to vector<1000x128xf32>
    %max3A_6 = arith.maximumf %add3A, %max3A_5 : vector<1000x128xf32>
    %rsqrt3A = math.rsqrt %max3A_6 : vector<1000x128xf32>
    %get3A_7 = arith.constant 0 : index
    %get3A_8 = arith.constant 0 : index
    %get3A_9 = vector.load %arg1[%get3A_7, %get3A_8] : memref<1000x128xf32, #tpu.memory_space<vmem>>, vector<1000x128xf32>
    %slice3A_10 = vector.extract_strided_slice %rsqrt3A {offsets = [0, 0], sizes = [1000, 1], strides = [1, 1]} : vector<1000x128xf32> to vector<1000x1xf32>
    %mul3A = vector.broadcast %slice3A_10 : vector<1000x1xf32> to vector<1000x128xf32>
    %mul3A_11 = arith.mulf %get3A_9, %mul3A : vector<1000x128xf32>
    %swap3A = arith.constant 0 : index
    %swap3A_12 = arith.constant 0 : index
    %swap3A_13 = vector.load %arg3[%swap3A, %swap3A_12] : memref<1000x128xf32, #tpu.memory_space<vmem>>, vector<1000x128xf32>
    tpu.vector_store %arg3[%swap3A, %swap3A_12], %mul3A_11 {strides = array<i32>} : memref<1000x128xf32, #tpu.memory_space<vmem>>, vector<1000x128xf32>,
    %slice3A_14 = vector.extract_strided_slice %rsqrt3A {offsets = [0, 2], sizes = [1000, 1], strides = [1, 1]} : vector<1000x128xf32> to vector<1000x1xf32>
    %mul3A_15 = vector.broadcast %slice3A_14 : vector<1000x1xf32> to vector<1000x128xf32>
    %mul3A_16 = arith.mulf %get3A_9, %mul3A_15 : vector<1000x128xf32>
    %swap3A_17 = arith.constant 0 : index
    %swap3A_18 = arith.constant 0 : index
    %swap3A_19 = vector.load %arg4[%swap3A_17, %swap3A_18] : memref<1000x128xf32, #tpu.memory_space<vmem>>, vector<1000x128xf32>
    tpu.vector_store %arg4[%swap3A_17, %swap3A_18], %mul3A_16 {strides = array<i32>} : memref<1000x128xf32, #tpu.memory_space<vmem>>, vector<1000x128xf32>,
    %slice3A_20 = vector.extract_strided_slice %rsqrt3A {offsets = [0, 4], sizes = [1000, 1], strides = [1, 1]} : vector<1000x128xf32> to vector<1000x1xf32>
    %mul3A_21 = vector.broadcast %slice3A_20 : vector<1000x1xf32> to vector<1000x128xf32>
    %mul3A_22 = arith.mulf %get3A_9, %mul3A_21 : vector<1000x128xf32>
    %swap3A_23 = arith.constant 0 : index
    %swap3A_24 = arith.constant 0 : index
    %swap3A_25 = vector.load %arg5[%swap3A_23, %swap3A_24] : memref<1000x128xf32, #tpu.memory_space<vmem>>, vector<1000x128xf32>
    tpu.vector_store %arg5[%swap3A_23, %swap3A_24], %mul3A_22 {strides = array<i32>} : memref<1000x128xf32, #tpu.memory_space<vmem>>, vector<1000x128xf32>,
    return
  }
  func.func @transform_0(%arg0: i32) -> (i32, i32) {
    %c0_i32 = arith.constant 0 : i32
    %c0_i32_0 = arith.constant 0 : i32
    return %arg0, %c0_i32 : i32, i32
  }
  func.func @transform_1(%arg0: i32) -> (i32, i32, i32) {
    %c0_i32 = arith.constant 0 : i32
    %c0_i32_0 = arith.constant 0 : i32
    %c0_i32_1 = arith.constant 0 : i32
    return %c0_i32, %arg0, %c0_i32_0 : i32, i32, i32
  }
  func.func @transform_2(%arg0: i32) -> (i32, i32) {
    %c0_i32 = arith.constant 0 : i32
    %c0_i32_0 = arith.constant 0 : i32
    return %arg0, %c0_i32 : i32, i32
  }
  func.func @transform_3(%arg0: i32) -> (i32, i32) {
    %c0_i32 = arith.constant 0 : i32
    %c0_i32_0 = arith.constant 0 : i32
    return %arg0, %c0_i32 : i32, i32
  }
  func.func @transform_4(%arg0: i32) -> (i32, i32) {
    %c0_i32 = arith.constant 0 : i32
    %c0_i32_0 = arith.constant 0 : i32
    return %arg0, %c0_i32 : i32, i32
  }
}

module attributes {stable_mosaic.version = 14 : i64} {
  func.func @_layer_a_body(%arg0: i32, %arg1: memref<3x2x1000x128xf32, #tpu.memory_space<vmem>>, %arg2: memref<2x1000x128xf32, #tpu.memory_space<vmem>>, %arg3: memref<3x128x128xf32, #tpu.memory_space<vmem>>, %arg4: memref<1x128xf32, #tpu.memory_space<vmem>>, %arg5: memref<128x128xf32, #tpu.memory_space<vmem>>, %arg6: memref<1x128xf32, #tpu.memory_space<vmem>>, %arg7: memref<1000x128xf32, #tpu.memory_space<vmem>>, %arg8: memref<2x128xf32, #tpu.memory_space<vmem>>) attributes {dimension_semantics = [#tpu.dimension_semantics<arbitrary>], iteration_bounds = array<i64: 10>, scalar_prefetch = 0 : i64, scratch_operands = 0 : i64, tpu.core_type = #tpu.core_type<tc>, window_params = [{transform_indices = @transform_0, window_bounds = array<i64: 3, 2, 1000, 128>}, {transform_indices = @transform_1, window_bounds = array<i64: 2, 1000, 128>}, {pipeline_mode = #tpu.pipeline_mode<synchronous>, transform_indices = @transform_2, window_bounds = array<i64: 3, 128, 128>}, {pipeline_mode = #tpu.pipeline_mode<synchronous>, transform_indices = @transform_3, window_bounds = array<i64: 1, 128>}, {pipeline_mode = #tpu.pipeline_mode<synchronous>, transform_indices = @transform_4, window_bounds = array<i64: 128, 128>}, {pipeline_mode = #tpu.pipeline_mode<synchronous>, transform_indices = @transform_5, window_bounds = array<i64: 1, 128>}, {transform_indices = @transform_6, window_bounds = array<i64: 1000, 128>}, {pipeline_mode = #tpu.pipeline_mode<synchronous>, transform_indices = @transform_7, window_bounds = array<i64: 2, 128>}]} {
    %get3A = arith.constant 0 : index
    %get3A_0 = arith.constant 0 : index
    %get3A_1 = arith.constant 0 : index
    %get3A_2 = vector.load %arg2[%get3A, %get3A_0, %get3A_1] : memref<2x1000x128xf32, #tpu.memory_space<vmem>>, vector<2x1000x128xf32>
    %slice3A = vector.extract_strided_slice %get3A_2 {offsets = [0, 0, 0], sizes = [1, 1000, 128], strides = [1, 1, 1]} : vector<2x1000x128xf32> to vector<1x1000x128xf32>
    %squeeze3A = vector.shape_cast %slice3A : vector<1x1000x128xf32> to vector<1000x128xf32>
    %slice3A_3 = vector.extract_strided_slice %get3A_2 {offsets = [1, 0, 0], sizes = [1, 1000, 128], strides = [1, 1, 1]} : vector<2x1000x128xf32> to vector<1x1000x128xf32>
    %squeeze3A_4 = vector.shape_cast %slice3A_3 : vector<1x1000x128xf32> to vector<1000x128xf32>
    %add3A = arith.addf %squeeze3A, %squeeze3A_4 : vector<1000x128xf32>
    %max3A = arith.constant 1.000000e+00 : f32
    %max3A_5 = vector.broadcast %max3A : f32 to vector<1000x128xf32>
    %max3A_6 = arith.maximumf %add3A, %max3A_5 : vector<1000x128xf32>
    %rsqrt3A = math.rsqrt %max3A_6 : vector<1000x128xf32>
    %get3A_7 = arith.constant 0 : index
    %get3A_8 = arith.constant 0 : index
    %get3A_9 = vector.load %arg4[%get3A_7, %get3A_8] : memref<1x128xf32, #tpu.memory_space<vmem>>, vector<1x128xf32>
    %broadcast_in_dim3A = arith.constant 0.000000e+00 : f32
    %broadcast_in_dim3A_10 = vector.broadcast %broadcast_in_dim3A : f32 to vector<1000x128xf32>
    %add3A_11 = vector.broadcast %get3A_9 : vector<1x128xf32> to vector<1000x128xf32>
    %add3A_12 = arith.addf %add3A_11, %broadcast_in_dim3A_10 : vector<1000x128xf32>
    %get3A_13 = arith.constant 0 : index
    %get3A_14 = arith.constant 0 : index
    %get3A_15 = arith.constant 0 : index
    %get3A_16 = arith.constant 0 : index
    %get3A_17 = vector.load %arg1[%get3A_13, %get3A_14, %get3A_15, %get3A_16] : memref<3x2x1000x128xf32, #tpu.memory_space<vmem>>, vector<1x1x1000x128xf32>
    %get3A_18 = vector.shape_cast %get3A_17 : vector<1x1x1000x128xf32> to vector<1000x128xf32>
    %get3A_19 = arith.constant 0 : index
    %get3A_20 = arith.constant 1 : index
    %get3A_21 = arith.constant 0 : index
    %get3A_22 = arith.constant 0 : index
    %get3A_23 = vector.load %arg1[%get3A_19, %get3A_20, %get3A_21, %get3A_22] : memref<3x2x1000x128xf32, #tpu.memory_space<vmem>>, vector<1x1x1000x128xf32>
    %get3A_24 = vector.shape_cast %get3A_23 : vector<1x1x1000x128xf32> to vector<1000x128xf32>
    %add3A_25 = arith.addf %get3A_18, %get3A_24 : vector<1000x128xf32>
    %slice3A_26 = vector.extract_strided_slice %rsqrt3A {offsets = [0, 1], sizes = [1000, 1], strides = [1, 1]} : vector<1000x128xf32> to vector<1000x1xf32>
    %mul3A = vector.broadcast %slice3A_26 : vector<1000x1xf32> to vector<1000x128xf32>
    %mul3A_27 = arith.mulf %add3A_25, %mul3A : vector<1000x128xf32>
    %get3A_28 = arith.constant 0 : index
    %get3A_29 = arith.constant 0 : index
    %get3A_30 = arith.constant 0 : index
    %get3A_31 = vector.load %arg3[%get3A_28, %get3A_29, %get3A_30] : memref<3x128x128xf32, #tpu.memory_space<vmem>>, vector<1x128x128xf32>
    %get3A_32 = vector.shape_cast %get3A_31 : vector<1x128x128xf32> to vector<128x128xf32>
    %dot_general3A = arith.constant dense<0.000000e+00> : vector<1000x128xf32>
    %dot_general3A_33 = tpu.matmul %mul3A_27, %get3A_32, %dot_general3A {dimension_numbers = #tpu.dot_dimension_numbers<[1], [0], [0], [1], [0, 0, 1, 1], [], []>, transpose_lhs_hint = false} : vector<1000x128xf32>, vector<128x128xf32>, vector<1000x128xf32> -> vector<1000x128xf32>
    %add3A_34 = arith.addf %add3A_12, %dot_general3A_33 : vector<1000x128xf32>
    %get3A_35 = arith.constant 1 : index
    %get3A_36 = arith.constant 0 : index
    %get3A_37 = arith.constant 0 : index
    %get3A_38 = arith.constant 0 : index
    %get3A_39 = vector.load %arg1[%get3A_35, %get3A_36, %get3A_37, %get3A_38] : memref<3x2x1000x128xf32, #tpu.memory_space<vmem>>, vector<1x1x1000x128xf32>
    %get3A_40 = vector.shape_cast %get3A_39 : vector<1x1x1000x128xf32> to vector<1000x128xf32>
    %get3A_41 = arith.constant 1 : index
    %get3A_42 = arith.constant 1 : index
    %get3A_43 = arith.constant 0 : index
    %get3A_44 = arith.constant 0 : index
    %get3A_45 = vector.load %arg1[%get3A_41, %get3A_42, %get3A_43, %get3A_44] : memref<3x2x1000x128xf32, #tpu.memory_space<vmem>>, vector<1x1x1000x128xf32>
    %get3A_46 = vector.shape_cast %get3A_45 : vector<1x1x1000x128xf32> to vector<1000x128xf32>
    %add3A_47 = arith.addf %get3A_40, %get3A_46 : vector<1000x128xf32>
    %slice3A_48 = vector.extract_strided_slice %rsqrt3A {offsets = [0, 3], sizes = [1000, 1], strides = [1, 1]} : vector<1000x128xf32> to vector<1000x1xf32>
    %mul3A_49 = vector.broadcast %slice3A_48 : vector<1000x1xf32> to vector<1000x128xf32>
    %mul3A_50 = arith.mulf %add3A_47, %mul3A_49 : vector<1000x128xf32>
    %get3A_51 = arith.constant 1 : index
    %get3A_52 = arith.constant 0 : index
    %get3A_53 = arith.constant 0 : index
    %get3A_54 = vector.load %arg3[%get3A_51, %get3A_52, %get3A_53] : memref<3x128x128xf32, #tpu.memory_space<vmem>>, vector<1x128x128xf32>
    %get3A_55 = vector.shape_cast %get3A_54 : vector<1x128x128xf32> to vector<128x128xf32>
    %dot_general3A_56 = arith.constant dense<0.000000e+00> : vector<1000x128xf32>
    %dot_general3A_57 = tpu.matmul %mul3A_50, %get3A_55, %dot_general3A_56 {dimension_numbers = #tpu.dot_dimension_numbers<[1], [0], [0], [1], [0, 0, 1, 1], [], []>, transpose_lhs_hint = false} : vector<1000x128xf32>, vector<128x128xf32>, vector<1000x128xf32> -> vector<1000x128xf32>
    %add3A_58 = arith.addf %add3A_34, %dot_general3A_57 : vector<1000x128xf32>
    %get3A_59 = arith.constant 2 : index
    %get3A_60 = arith.constant 0 : index
    %get3A_61 = arith.constant 0 : index
    %get3A_62 = arith.constant 0 : index
    %get3A_63 = vector.load %arg1[%get3A_59, %get3A_60, %get3A_61, %get3A_62] : memref<3x2x1000x128xf32, #tpu.memory_space<vmem>>, vector<1x1x1000x128xf32>
    %get3A_64 = vector.shape_cast %get3A_63 : vector<1x1x1000x128xf32> to vector<1000x128xf32>
    %get3A_65 = arith.constant 2 : index
    %get3A_66 = arith.constant 1 : index
    %get3A_67 = arith.constant 0 : index
    %get3A_68 = arith.constant 0 : index
    %get3A_69 = vector.load %arg1[%get3A_65, %get3A_66, %get3A_67, %get3A_68] : memref<3x2x1000x128xf32, #tpu.memory_space<vmem>>, vector<1x1x1000x128xf32>
    %get3A_70 = vector.shape_cast %get3A_69 : vector<1x1x1000x128xf32> to vector<1000x128xf32>
    %add3A_71 = arith.addf %get3A_64, %get3A_70 : vector<1000x128xf32>
    %slice3A_72 = vector.extract_strided_slice %rsqrt3A {offsets = [0, 5], sizes = [1000, 1], strides = [1, 1]} : vector<1000x128xf32> to vector<1000x1xf32>
    %mul3A_73 = vector.broadcast %slice3A_72 : vector<1000x1xf32> to vector<1000x128xf32>
    %mul3A_74 = arith.mulf %add3A_71, %mul3A_73 : vector<1000x128xf32>
    %get3A_75 = arith.constant 2 : index
    %get3A_76 = arith.constant 0 : index
    %get3A_77 = arith.constant 0 : index
    %get3A_78 = vector.load %arg3[%get3A_75, %get3A_76, %get3A_77] : memref<3x128x128xf32, #tpu.memory_space<vmem>>, vector<1x128x128xf32>
    %get3A_79 = vector.shape_cast %get3A_78 : vector<1x128x128xf32> to vector<128x128xf32>
    %dot_general3A_80 = arith.constant dense<0.000000e+00> : vector<1000x128xf32>
    %dot_general3A_81 = tpu.matmul %mul3A_74, %get3A_79, %dot_general3A_80 {dimension_numbers = #tpu.dot_dimension_numbers<[1], [0], [0], [1], [0, 0, 1, 1], [], []>, transpose_lhs_hint = false} : vector<1000x128xf32>, vector<128x128xf32>, vector<1000x128xf32> -> vector<1000x128xf32>
    %add3A_82 = arith.addf %add3A_58, %dot_general3A_81 : vector<1000x128xf32>
    %get3A_83 = arith.constant 0 : index
    %get3A_84 = arith.constant 0 : index
    %get3A_85 = vector.load %arg5[%get3A_83, %get3A_84] : memref<128x128xf32, #tpu.memory_space<vmem>>, vector<128x128xf32>
    %dot_general3A_86 = arith.constant dense<0.000000e+00> : vector<1000x128xf32>
    %dot_general3A_87 = tpu.matmul %add3A_82, %get3A_85, %dot_general3A_86 {dimension_numbers = #tpu.dot_dimension_numbers<[1], [0], [0], [1], [0, 0, 1, 1], [], []>, transpose_lhs_hint = false} : vector<1000x128xf32>, vector<128x128xf32>, vector<1000x128xf32> -> vector<1000x128xf32>
    %get3A_88 = arith.constant 0 : index
    %get3A_89 = arith.constant 0 : index
    %get3A_90 = vector.load %arg6[%get3A_88, %get3A_89] : memref<1x128xf32, #tpu.memory_space<vmem>>, vector<1x128xf32>
    %add3A_91 = vector.broadcast %get3A_90 : vector<1x128xf32> to vector<1000x128xf32>
    %add3A_92 = arith.addf %dot_general3A_87, %add3A_91 : vector<1000x128xf32>
    %max3A_93 = arith.constant 0.000000e+00 : f32
    %max3A_94 = vector.broadcast %max3A_93 : f32 to vector<1000x128xf32>
    %max3A_95 = arith.maximumf %add3A_92, %max3A_94 : vector<1000x128xf32>
    %swap3A = arith.constant 0 : index
    %swap3A_96 = arith.constant 0 : index
    %swap3A_97 = vector.load %arg7[%swap3A, %swap3A_96] : memref<1000x128xf32, #tpu.memory_space<vmem>>, vector<1000x128xf32>
    tpu.vector_store %arg7[%swap3A, %swap3A_96], %max3A_95 {strides = array<i32>} : memref<1000x128xf32, #tpu.memory_space<vmem>>, vector<1000x128xf32>,
    %eq3A = arith.constant 0 : i32
    %eq3A_98 = arith.cmpi eq, %arg0, %eq3A : i32
    %convert_element_type3A = arith.extui %eq3A_98 : i1 to i32
    %cond3A = arith.constant 0 : i32
    %cond3A_99 = arith.cmpi ne, %convert_element_type3A, %cond3A : i32
    scf.if %cond3A_99 {
      %broadcast_in_dim3A_120 = arith.constant 0.000000e+00 : f32
      %broadcast_in_dim3A_121 = vector.broadcast %broadcast_in_dim3A_120 : f32 to vector<2x128xf32>
      %swap3A_122 = arith.constant 0 : index
      %swap3A_123 = arith.constant 0 : index
      %swap3A_124 = vector.load %arg8[%swap3A_122, %swap3A_123] : memref<2x128xf32, #tpu.memory_space<vmem>>, vector<2x128xf32>
      tpu.vector_store %arg8[%swap3A_122, %swap3A_123], %broadcast_in_dim3A_121 {strides = array<i32>} : memref<2x128xf32, #tpu.memory_space<vmem>>, vector<2x128xf32>,
    } else {
    }
    %get3A_100 = arith.constant 0 : index
    %get3A_101 = arith.constant 0 : index
    %get3A_102 = vector.load %arg8[%get3A_100, %get3A_101] : memref<2x128xf32, #tpu.memory_space<vmem>>, vector<1x128xf32>
    %reduce_sum3A = arith.constant dense<0.000000e+00> : vector<128xf32>
    %reduce_sum3A_103 = vector.multi_reduction <add>, %max3A_95, %reduce_sum3A [0] : vector<1000x128xf32> to vector<128xf32>
    %broadcast_in_dim3A_104 = vector.shape_cast %reduce_sum3A_103 : vector<128xf32> to vector<1x128xf32>
    %add3A_105 = arith.addf %get3A_102, %broadcast_in_dim3A_104 : vector<1x128xf32>
    %swap3A_106 = arith.constant 0 : index
    %swap3A_107 = arith.constant 0 : index
    %swap3A_108 = vector.load %arg8[%swap3A_106, %swap3A_107] : memref<2x128xf32, #tpu.memory_space<vmem>>, vector<1x128xf32>
    tpu.vector_store %arg8[%swap3A_106, %swap3A_107], %add3A_105 {strides = array<i32>} : memref<2x128xf32, #tpu.memory_space<vmem>>, vector<1x128xf32>,
    %get3A_109 = arith.constant 1 : index
    %get3A_110 = arith.constant 0 : index
    %get3A_111 = vector.load %arg8[%get3A_109, %get3A_110] : memref<2x128xf32, #tpu.memory_space<vmem>>, vector<1x128xf32>
    %mul3A_112 = arith.mulf %max3A_95, %max3A_95 : vector<1000x128xf32>
    %reduce_sum3A_113 = arith.constant dense<0.000000e+00> : vector<128xf32>
    %reduce_sum3A_114 = vector.multi_reduction <add>, %mul3A_112, %reduce_sum3A_113 [0] : vector<1000x128xf32> to vector<128xf32>
    %broadcast_in_dim3A_115 = vector.shape_cast %reduce_sum3A_114 : vector<128xf32> to vector<1x128xf32>
    %add3A_116 = arith.addf %get3A_111, %broadcast_in_dim3A_115 : vector<1x128xf32>
    %swap3A_117 = arith.constant 1 : index
    %swap3A_118 = arith.constant 0 : index
    %swap3A_119 = vector.load %arg8[%swap3A_117, %swap3A_118] : memref<2x128xf32, #tpu.memory_space<vmem>>, vector<1x128xf32>
    tpu.vector_store %arg8[%swap3A_117, %swap3A_118], %add3A_116 {strides = array<i32>} : memref<2x128xf32, #tpu.memory_space<vmem>>, vector<1x128xf32>,
    return
  }
  func.func @transform_0(%arg0: i32) -> (i32, i32, i32, i32) {
    %c0_i32 = arith.constant 0 : i32
    %c0_i32_0 = arith.constant 0 : i32
    %c0_i32_1 = arith.constant 0 : i32
    %c0_i32_2 = arith.constant 0 : i32
    return %c0_i32, %c0_i32_0, %arg0, %c0_i32_1 : i32, i32, i32, i32
  }
  func.func @transform_1(%arg0: i32) -> (i32, i32, i32) {
    %c0_i32 = arith.constant 0 : i32
    %c0_i32_0 = arith.constant 0 : i32
    %c0_i32_1 = arith.constant 0 : i32
    return %c0_i32, %arg0, %c0_i32_0 : i32, i32, i32
  }
  func.func @transform_2(%arg0: i32) -> (i32, i32, i32) {
    %c0_i32 = arith.constant 0 : i32
    %c0_i32_0 = arith.constant 0 : i32
    %c0_i32_1 = arith.constant 0 : i32
    %c0_i32_2 = arith.constant 0 : i32
    return %c0_i32, %c0_i32_0, %c0_i32_1 : i32, i32, i32
  }
  func.func @transform_3(%arg0: i32) -> (i32, i32) {
    %c0_i32 = arith.constant 0 : i32
    %c0_i32_0 = arith.constant 0 : i32
    %c0_i32_1 = arith.constant 0 : i32
    return %c0_i32, %c0_i32_0 : i32, i32
  }
  func.func @transform_4(%arg0: i32) -> (i32, i32) {
    %c0_i32 = arith.constant 0 : i32
    %c0_i32_0 = arith.constant 0 : i32
    %c0_i32_1 = arith.constant 0 : i32
    return %c0_i32, %c0_i32_0 : i32, i32
  }
  func.func @transform_5(%arg0: i32) -> (i32, i32) {
    %c0_i32 = arith.constant 0 : i32
    %c0_i32_0 = arith.constant 0 : i32
    %c0_i32_1 = arith.constant 0 : i32
    return %c0_i32, %c0_i32_0 : i32, i32
  }
  func.func @transform_6(%arg0: i32) -> (i32, i32) {
    %c0_i32 = arith.constant 0 : i32
    %c0_i32_0 = arith.constant 0 : i32
    return %arg0, %c0_i32 : i32, i32
  }
  func.func @transform_7(%arg0: i32) -> (i32, i32) {
    %c0_i32 = arith.constant 0 : i32
    %c0_i32_0 = arith.constant 0 : i32
    %c0_i32_1 = arith.constant 0 : i32
    return %c0_i32, %c0_i32_0 : i32, i32
  }
}

module attributes {stable_mosaic.version = 14 : i64} {
  func.func @_layer_b_mid_body(%arg0: i32, %arg1: memref<1000x128xf32, #tpu.memory_space<vmem>>, %arg2: memref<2x128xf32, #tpu.memory_space<vmem>>, %arg3: memref<2x128xf32, #tpu.memory_space<vmem>>, %arg4: memref<2x1000x128xf32, #tpu.memory_space<vmem>>, %arg5: memref<1000x128xf32, #tpu.memory_space<vmem>>, %arg6: memref<1000x128xf32, #tpu.memory_space<vmem>>, %arg7: memref<1000x128xf32, #tpu.memory_space<vmem>>) attributes {dimension_semantics = [#tpu.dimension_semantics<arbitrary>], iteration_bounds = array<i64: 10>, scalar_prefetch = 0 : i64, scratch_operands = 0 : i64, tpu.core_type = #tpu.core_type<tc>, window_params = [{transform_indices = @transform_0, window_bounds = array<i64: 1000, 128>}, {pipeline_mode = #tpu.pipeline_mode<synchronous>, transform_indices = @transform_1, window_bounds = array<i64: 2, 128>}, {pipeline_mode = #tpu.pipeline_mode<synchronous>, transform_indices = @transform_2, window_bounds = array<i64: 2, 128>}, {transform_indices = @transform_3, window_bounds = array<i64: 2, 1000, 128>}, {transform_indices = @transform_4, window_bounds = array<i64: 1000, 128>}, {transform_indices = @transform_5, window_bounds = array<i64: 1000, 128>}, {transform_indices = @transform_6, window_bounds = array<i64: 1000, 128>}]} {
    %get3A = arith.constant 0 : index
    %get3A_0 = arith.constant 0 : index
    %get3A_1 = vector.load %arg2[%get3A, %get3A_0] : memref<2x128xf32, #tpu.memory_space<vmem>>, vector<1x128xf32>
    %div3A = arith.constant 1.000000e+04 : f32
    %div3A_2 = vector.broadcast %div3A : f32 to vector<1x128xf32>
    %div3A_3 = arith.divf %get3A_1, %div3A_2 : vector<1x128xf32>
    %get3A_4 = arith.constant 1 : index
    %get3A_5 = arith.constant 0 : index
    %get3A_6 = vector.load %arg2[%get3A_4, %get3A_5] : memref<2x128xf32, #tpu.memory_space<vmem>>, vector<1x128xf32>
    %div3A_7 = arith.constant 1.000000e+04 : f32
    %div3A_8 = vector.broadcast %div3A_7 : f32 to vector<1x128xf32>
    %div3A_9 = arith.divf %get3A_6, %div3A_8 : vector<1x128xf32>
    %mul3A = arith.mulf %div3A_3, %div3A_3 : vector<1x128xf32>
    %sub3A = arith.subf %div3A_9, %mul3A : vector<1x128xf32>
    %add3A = arith.constant 9.99999974E-6 : f32
    %add3A_10 = vector.broadcast %add3A : f32 to vector<1x128xf32>
    %add3A_11 = arith.addf %sub3A, %add3A_10 : vector<1x128xf32>
    %rsqrt3A = math.rsqrt %add3A_11 : vector<1x128xf32>
    %get3A_12 = arith.constant 0 : index
    %get3A_13 = arith.constant 0 : index
    %get3A_14 = vector.load %arg1[%get3A_12, %get3A_13] : memref<1000x128xf32, #tpu.memory_space<vmem>>, vector<1000x128xf32>
    %sub3A_15 = vector.broadcast %div3A_3 : vector<1x128xf32> to vector<1000x128xf32>
    %sub3A_16 = arith.subf %get3A_14, %sub3A_15 : vector<1000x128xf32>
    %get3A_17 = arith.constant 0 : index
    %get3A_18 = arith.constant 0 : index
    %get3A_19 = vector.load %arg3[%get3A_17, %get3A_18] : memref<2x128xf32, #tpu.memory_space<vmem>>, vector<1x128xf32>
    %mul3A_20 = arith.mulf %rsqrt3A, %get3A_19 : vector<1x128xf32>
    %mul3A_21 = vector.broadcast %mul3A_20 : vector<1x128xf32> to vector<1000x128xf32>
    %mul3A_22 = arith.mulf %sub3A_16, %mul3A_21 : vector<1000x128xf32>
    %get3A_23 = arith.constant 1 : index
    %get3A_24 = arith.constant 0 : index
    %get3A_25 = vector.load %arg3[%get3A_23, %get3A_24] : memref<2x128xf32, #tpu.memory_space<vmem>>, vector<1x128xf32>
    %add3A_26 = vector.broadcast %get3A_25 : vector<1x128xf32> to vector<1000x128xf32>
    %add3A_27 = arith.addf %mul3A_22, %add3A_26 : vector<1000x128xf32>
    %get3A_28 = arith.constant 0 : index
    %get3A_29 = arith.constant 0 : index
    %get3A_30 = arith.constant 0 : index
    %get3A_31 = vector.load %arg4[%get3A_28, %get3A_29, %get3A_30] : memref<2x1000x128xf32, #tpu.memory_space<vmem>>, vector<2x1000x128xf32>
    %slice3A = vector.extract_strided_slice %get3A_31 {offsets = [0, 0, 0], sizes = [1, 1000, 128], strides = [1, 1, 1]} : vector<2x1000x128xf32> to vector<1x1000x128xf32>
    %squeeze3A = vector.shape_cast %slice3A : vector<1x1000x128xf32> to vector<1000x128xf32>
    %slice3A_32 = vector.extract_strided_slice %get3A_31 {offsets = [1, 0, 0], sizes = [1, 1000, 128], strides = [1, 1, 1]} : vector<2x1000x128xf32> to vector<1x1000x128xf32>
    %squeeze3A_33 = vector.shape_cast %slice3A_32 : vector<1x1000x128xf32> to vector<1000x128xf32>
    %add3A_34 = arith.addf %squeeze3A, %squeeze3A_33 : vector<1000x128xf32>
    %max3A = arith.constant 1.000000e+00 : f32
    %max3A_35 = vector.broadcast %max3A : f32 to vector<1000x128xf32>
    %max3A_36 = arith.maximumf %add3A_34, %max3A_35 : vector<1000x128xf32>
    %rsqrt3A_37 = math.rsqrt %max3A_36 : vector<1000x128xf32>
    %slice3A_38 = vector.extract_strided_slice %rsqrt3A_37 {offsets = [0, 0], sizes = [1000, 1], strides = [1, 1]} : vector<1000x128xf32> to vector<1000x1xf32>
    %mul3A_39 = vector.broadcast %slice3A_38 : vector<1000x1xf32> to vector<1000x128xf32>
    %mul3A_40 = arith.mulf %add3A_27, %mul3A_39 : vector<1000x128xf32>
    %swap3A = arith.constant 0 : index
    %swap3A_41 = arith.constant 0 : index
    %swap3A_42 = vector.load %arg5[%swap3A, %swap3A_41] : memref<1000x128xf32, #tpu.memory_space<vmem>>, vector<1000x128xf32>
    tpu.vector_store %arg5[%swap3A, %swap3A_41], %mul3A_40 {strides = array<i32>} : memref<1000x128xf32, #tpu.memory_space<vmem>>, vector<1000x128xf32>,
    %slice3A_43 = vector.extract_strided_slice %rsqrt3A_37 {offsets = [0, 2], sizes = [1000, 1], strides = [1, 1]} : vector<1000x128xf32> to vector<1000x1xf32>
    %mul3A_44 = vector.broadcast %slice3A_43 : vector<1000x1xf32> to vector<1000x128xf32>
    %mul3A_45 = arith.mulf %add3A_27, %mul3A_44 : vector<1000x128xf32>
    %swap3A_46 = arith.constant 0 : index
    %swap3A_47 = arith.constant 0 : index
    %swap3A_48 = vector.load %arg6[%swap3A_46, %swap3A_47] : memref<1000x128xf32, #tpu.memory_space<vmem>>, vector<1000x128xf32>
    tpu.vector_store %arg6[%swap3A_46, %swap3A_47], %mul3A_45 {strides = array<i32>} : memref<1000x128xf32, #tpu.memory_space<vmem>>, vector<1000x128xf32>,
    %slice3A_49 = vector.extract_strided_slice %rsqrt3A_37 {offsets = [0, 4], sizes = [1000, 1], strides = [1, 1]} : vector<1000x128xf32> to vector<1000x1xf32>
    %mul3A_50 = vector.broadcast %slice3A_49 : vector<1000x1xf32> to vector<1000x128xf32>
    %mul3A_51 = arith.mulf %add3A_27, %mul3A_50 : vector<1000x128xf32>
    %swap3A_52 = arith.constant 0 : index
    %swap3A_53 = arith.constant 0 : index
    %swap3A_54 = vector.load %arg7[%swap3A_52, %swap3A_53] : memref<1000x128xf32, #tpu.memory_space<vmem>>, vector<1000x128xf32>
    tpu.vector_store %arg7[%swap3A_52, %swap3A_53], %mul3A_51 {strides = array<i32>} : memref<1000x128xf32, #tpu.memory_space<vmem>>, vector<1000x128xf32>,
    return
  }
  func.func @transform_0(%arg0: i32) -> (i32, i32) {
    %c0_i32 = arith.constant 0 : i32
    %c0_i32_0 = arith.constant 0 : i32
    return %arg0, %c0_i32 : i32, i32
  }
  func.func @transform_1(%arg0: i32) -> (i32, i32) {
    %c0_i32 = arith.constant 0 : i32
    %c0_i32_0 = arith.constant 0 : i32
    %c0_i32_1 = arith.constant 0 : i32
    return %c0_i32, %c0_i32_0 : i32, i32
  }
  func.func @transform_2(%arg0: i32) -> (i32, i32) {
    %c0_i32 = arith.constant 0 : i32
    %c0_i32_0 = arith.constant 0 : i32
    %c0_i32_1 = arith.constant 0 : i32
    return %c0_i32, %c0_i32_0 : i32, i32
  }
  func.func @transform_3(%arg0: i32) -> (i32, i32, i32) {
    %c0_i32 = arith.constant 0 : i32
    %c0_i32_0 = arith.constant 0 : i32
    %c0_i32_1 = arith.constant 0 : i32
    return %c0_i32, %arg0, %c0_i32_0 : i32, i32, i32
  }
  func.func @transform_4(%arg0: i32) -> (i32, i32) {
    %c0_i32 = arith.constant 0 : i32
    %c0_i32_0 = arith.constant 0 : i32
    return %arg0, %c0_i32 : i32, i32
  }
  func.func @transform_5(%arg0: i32) -> (i32, i32) {
    %c0_i32 = arith.constant 0 : i32
    %c0_i32_0 = arith.constant 0 : i32
    return %arg0, %c0_i32 : i32, i32
  }
  func.func @transform_6(%arg0: i32) -> (i32, i32) {
    %c0_i32 = arith.constant 0 : i32
    %c0_i32_0 = arith.constant 0 : i32
    return %arg0, %c0_i32 : i32, i32
  }
}

module attributes {stable_mosaic.version = 14 : i64} {
  func.func @_layer_b_fin_body(%arg0: i32, %arg1: memref<1000x128xf32, #tpu.memory_space<vmem>>, %arg2: memref<2x128xf32, #tpu.memory_space<vmem>>, %arg3: memref<2x128xf32, #tpu.memory_space<vmem>>, %arg4: memref<1000x128xf32, #tpu.memory_space<vmem>>) attributes {dimension_semantics = [#tpu.dimension_semantics<arbitrary>], iteration_bounds = array<i64: 10>, scalar_prefetch = 0 : i64, scratch_operands = 0 : i64, tpu.core_type = #tpu.core_type<tc>, window_params = [{transform_indices = @transform_0, window_bounds = array<i64: 1000, 128>}, {pipeline_mode = #tpu.pipeline_mode<synchronous>, transform_indices = @transform_1, window_bounds = array<i64: 2, 128>}, {pipeline_mode = #tpu.pipeline_mode<synchronous>, transform_indices = @transform_2, window_bounds = array<i64: 2, 128>}, {transform_indices = @transform_3, window_bounds = array<i64: 1000, 128>}]} {
    %get3A = arith.constant 0 : index
    %get3A_0 = arith.constant 0 : index
    %get3A_1 = vector.load %arg2[%get3A, %get3A_0] : memref<2x128xf32, #tpu.memory_space<vmem>>, vector<1x128xf32>
    %div3A = arith.constant 1.000000e+04 : f32
    %div3A_2 = vector.broadcast %div3A : f32 to vector<1x128xf32>
    %div3A_3 = arith.divf %get3A_1, %div3A_2 : vector<1x128xf32>
    %get3A_4 = arith.constant 1 : index
    %get3A_5 = arith.constant 0 : index
    %get3A_6 = vector.load %arg2[%get3A_4, %get3A_5] : memref<2x128xf32, #tpu.memory_space<vmem>>, vector<1x128xf32>
    %div3A_7 = arith.constant 1.000000e+04 : f32
    %div3A_8 = vector.broadcast %div3A_7 : f32 to vector<1x128xf32>
    %div3A_9 = arith.divf %get3A_6, %div3A_8 : vector<1x128xf32>
    %mul3A = arith.mulf %div3A_3, %div3A_3 : vector<1x128xf32>
    %sub3A = arith.subf %div3A_9, %mul3A : vector<1x128xf32>
    %add3A = arith.constant 9.99999974E-6 : f32
    %add3A_10 = vector.broadcast %add3A : f32 to vector<1x128xf32>
    %add3A_11 = arith.addf %sub3A, %add3A_10 : vector<1x128xf32>
    %rsqrt3A = math.rsqrt %add3A_11 : vector<1x128xf32>
    %get3A_12 = arith.constant 0 : index
    %get3A_13 = arith.constant 0 : index
    %get3A_14 = vector.load %arg1[%get3A_12, %get3A_13] : memref<1000x128xf32, #tpu.memory_space<vmem>>, vector<1000x128xf32>
    %sub3A_15 = vector.broadcast %div3A_3 : vector<1x128xf32> to vector<1000x128xf32>
    %sub3A_16 = arith.subf %get3A_14, %sub3A_15 : vector<1000x128xf32>
    %get3A_17 = arith.constant 0 : index
    %get3A_18 = arith.constant 0 : index
    %get3A_19 = vector.load %arg3[%get3A_17, %get3A_18] : memref<2x128xf32, #tpu.memory_space<vmem>>, vector<1x128xf32>
    %mul3A_20 = arith.mulf %rsqrt3A, %get3A_19 : vector<1x128xf32>
    %mul3A_21 = vector.broadcast %mul3A_20 : vector<1x128xf32> to vector<1000x128xf32>
    %mul3A_22 = arith.mulf %sub3A_16, %mul3A_21 : vector<1000x128xf32>
    %get3A_23 = arith.constant 1 : index
    %get3A_24 = arith.constant 0 : index
    %get3A_25 = vector.load %arg3[%get3A_23, %get3A_24] : memref<2x128xf32, #tpu.memory_space<vmem>>, vector<1x128xf32>
    %add3A_26 = vector.broadcast %get3A_25 : vector<1x128xf32> to vector<1000x128xf32>
    %add3A_27 = arith.addf %mul3A_22, %add3A_26 : vector<1000x128xf32>
    %swap3A = arith.constant 0 : index
    %swap3A_28 = arith.constant 0 : index
    %swap3A_29 = vector.load %arg4[%swap3A, %swap3A_28] : memref<1000x128xf32, #tpu.memory_space<vmem>>, vector<1000x128xf32>
    tpu.vector_store %arg4[%swap3A, %swap3A_28], %add3A_27 {strides = array<i32>} : memref<1000x128xf32, #tpu.memory_space<vmem>>, vector<1000x128xf32>,
    return
  }
  func.func @transform_0(%arg0: i32) -> (i32, i32) {
    %c0_i32 = arith.constant 0 : i32
    %c0_i32_0 = arith.constant 0 : i32
    return %arg0, %c0_i32 : i32, i32
  }
  func.func @transform_1(%arg0: i32) -> (i32, i32) {
    %c0_i32 = arith.constant 0 : i32
    %c0_i32_0 = arith.constant 0 : i32
    %c0_i32_1 = arith.constant 0 : i32
    return %c0_i32, %c0_i32_0 : i32, i32
  }
  func.func @transform_2(%arg0: i32) -> (i32, i32) {
    %c0_i32 = arith.constant 0 : i32
    %c0_i32_0 = arith.constant 0 : i32
    %c0_i32_1 = arith.constant 0 : i32
    return %c0_i32, %c0_i32_0 : i32, i32
  }
  func.func @transform_3(%arg0: i32) -> (i32, i32) {
    %c0_i32 = arith.constant 0 : i32
    %c0_i32_0 = arith.constant 0 : i32
    return %arg0, %c0_i32 : i32, i32
  }
}

</mosaic_0001>

<sc_bundles>
// kernel: kernel.10.cloned.1.call-start
scs
__scs_entry_jumppad:
0x0: {  	(pc) =	sbr.rel $0x88, $3  }
0x1: {  	(tag) =	ssettag $0x0;
	lr =	simm.s32 $0x1  }
0x2: {  	[smem:$0x3F89] =	sst lr;
	_ =	strace $0xD0000000  }
0x3: {  	_ = 	snop  }
0x4: {  	_ = 	snop  }
0x5: {  	_ = 	snop  }
0x6: {  	_ = 	snop  }
0x7: {  	_ = 	snop  }
__scs_overlays_trampoline_lowered:
0x8: {  	[smem:$0x3F98] =	sst s0  }
0x9: {  	[smem:$0x3F99] =	sst s1  }
0xa: {  	[smem:$0x3F9A] =	sst s2  }
0xb: {  	[smem:$0x3F9B] =	sst s3  }
0xc: {  	[smem:$0x3F9C] =	sst s4  }
0xd: {  	[smem:$0x3F9D] =	sst s5  }
0xe: {  	[smem:$0x3F9E] =	sst s6  }
0xf: {  	[smem:$0x3F9F] =	sst s7  }
0x10: {  	[smem:$0x3FA0] =	sst s8  }
0x11: {  	[smem:$0x3FA1] =	sst s9;
	s0 =	simm.s32 @!p0 $0x0  }
0x12: {  	s1 =	sld [smem:$0x3F87];
	s0 =	simm.s32 @p0 $0x1  }
0x13: {  	[smem:$0x3FA2] =	sst s0;
	s0 =	simm.s32 @!p1 $0x0  }
0x14: {  	s2 =	sld [smem:$0x3F86];
	s0 =	simm.s32 @p1 $0x1  }
0x15: {  	[smem:$0x3FA3] =	sst s0;
	s0 =	simm.s32 @!p2 $0x0  }
0x16: {  	s3 =	sld [smem:$0x3FDB];
	s0 =	simm.s32 @p2 $0x1  }
0x17: {  	s4 =	simm.s32 $0x1BF5;
	[smem:$0x3FA5] =	sst s0  }
0x18: {  	s0 =	sld [smem:$0x3F88];
	_ =	swait.ge [sflag:s4], $0x0  }
0x19: {  	s7 =	sld [smem:$0x3F89]  }
0x1a: {  	s8 =	sadd.s32 $0xFFFFE003, lr  }
0x1b: {  	s9 =	sadd.s32 $0xFFFFFEF7, lr;
	s5 =	simm.s32 $0xFFFFFFFF;
	p2 =	slt.u32 s8, $0xFFFFF086  }
0x1c: {  	p1 =	slt.u32 s9, $0xF7A;
	s5 =	simm.s32 @!p2 $0x0  }
0x1d: {  	s5 =	simm.s32 @p1 $0x1;
	p0 =	seq.s32 s7, s2  }
0x1e: {  	s7 =	smul.u32 @!p0 $0xF7A, s2;
	p2 =	seq.s32 @!p0 s5, $0x0  }
0x1f: {  	s9 =	smul.u32 $0xF7A, s1;
	s8 =	simm.s32 @!p0 $0x1BF5;
	p2 =	por !p2, p0  }
0x20: {  	[sflag:s8] =	ssyncset.s32 @!p0 $0xFFFFF086;
	s6 =	sadd.s32 @!p0 s3, s7;
	s7 =	simm.s32 @!p0 $0x108  }
0x21: {  	s3 =	sadd.s32 s3, s9;
	s6 =	sadd.s32 @!p0 $0x88, s6;
	s7 =	simm.s32 @p2 $0x1082  }
0x22: {  	[simem:s7], [sflag:s8] =	dma.local @!p0 [hbm:s6], $0xF7A  }
0x23: {  	s9 =	sor.u32 $0xD0000000, s2;
	s6 =	simm.s32 $0x108;
	_ =	swait.ge @!p0 [sflag:s8], $0x0  }
0x24: {  	s3 =	sadd.s32 $0x88, s3;
	s6 =	simm.s32 @!p1 $0x1082;
	[sflag:s4] =	ssyncset.s32 $0xFFFFF086  }
0x25: {  	[simem:s6], [sflag:s4] =	dma.local [hbm:s3], $0xF7A  }
0x26: {  	[smem:$0x3F89] =	sst s1;
	(tag) =	ssettag s2;
	_ =	strace s9  }
0x27: {  	s1 =	sld [smem:$0x3F99]  }
0x28: {  	s2 =	sld [smem:$0x3F9A]  }
0x29: {  	s4 =	sld [smem:$0x3F9C]  }
0x2a: {  	p0 =	seq.s32 s5, $0x0;
	s5 =	sld [smem:$0x3F9D]  }
0x2b: {  	s6 =	sld [smem:$0x3F9E]  }
0x2c: {  	s7 =	sld [smem:$0x3F9F]  }
0x2d: {  	s3 =	simm.s32 $0x108;
	s8 =	sld [smem:$0x3FA0]  }
0x2e: {  	s3 =	simm.s32 @!p0 $0x1082;
	s9 =	sld [smem:$0x3FA1]  }
0x2f: {  	lr =	sadd.s32 s0, s3;
	s0 =	sld [smem:$0x3F98]  }
0x30: {  	s3 =	sld [smem:$0x3F9B]  }
0x31: {  	[smem:$0x3FA4] =	sst s10  }
0x32: {  	s10 =	sld [smem:$0x3FA2];
	_ =	sdelay $0x3  }
0x33: {  	p0 =	seq.s32 s10, $0x1;
	s10 =	sld [smem:$0x3FA4];
	_ =	sdelay $0x3  }
0x34: {  	[smem:$0x3FA4] =	sst s10  }
0x35: {  	s10 =	sld [smem:$0x3FA3];
	_ =	sdelay $0x3  }
0x36: {  	p1 =	seq.s32 s10, $0x1;
	s10 =	sld [smem:$0x3FA4];
	_ =	sdelay $0x3  }
0x37: {  	[smem:$0x3FA4] =	sst s10  }
0x38: {  	s10 =	sld [smem:$0x3FA5]  }
0x39: {  	_ = 	snop;
	(pc) =	sbr.ind lr, $3  }
0x3a: {  	_ = 	snop  }
0x3b: {  	_ = 	snop  }
0x3c: {  	p2 =	seq.s32 s10, $0x1;
	s10 =	sld [smem:$0x3FA4]  }
0x3d: {  	_ =	shalt  }
0x3e: {  	_ =	shalt  }
0x3f: {  	_ =	shalt  }
0x40: {  	_ =	shalt  }
0x41: {  	_ =	shalt  }
0x42: {  	_ =	shalt  }
0x43: {  	_ =	shalt  }
0x44: {  	_ =	shalt  }
0x45: {  	_ =	shalt  }
0x46: {  	_ =	shalt  }
0x47: {  	_ =	shalt  }
0x48: {  	_ =	shalt  }
0x49: {  	_ =	shalt  }
0x4a: {  	_ =	shalt  }
0x4b: {  	_ =	shalt  }
0x4c: {  	_ =	shalt  }
0x4d: {  	_ =	shalt  }
0x4e: {  	_ =	shalt  }
0x4f: {  	_ =	shalt  }
0x50: {  	_ =	shalt  }
0x51: {  	_ =	shalt  }
0x52: {  	_ =	shalt  }
0x53: {  	_ =	shalt  }
0x54: {  	_ =	shalt  }
0x55: {  	_ =	shalt  }
0x56: {  	_ =	shalt  }
0x57: {  	_ =	shalt  }
0x58: {  	_ =	shalt  }
0x59: {  	_ =	shalt  }
0x5a: {  	_ =	shalt  }
0x5b: {  	_ =	shalt  }
0x5c: {  	_ =	shalt  }
0x5d: {  	_ =	shalt  }
0x5e: {  	_ =	shalt  }
0x5f: {  	_ =	shalt  }
0x60: {  	_ =	shalt  }
0x61: {  	_ =	shalt  }
0x62: {  	_ =	shalt  }
0x63: {  	_ =	shalt  }
0x64: {  	_ =	shalt  }
0x65: {  	_ =	shalt  }
0x66: {  	_ =	shalt  }
0x67: {  	_ =	shalt  }
0x68: {  	_ =	shalt  }
0x69: {  	_ =	shalt  }
0x6a: {  	_ =	shalt  }
0x6b: {  	_ =	shalt  }
0x6c: {  	_ =	shalt  }
0x6d: {  	_ =	shalt  }
0x6e: {  	_ =	shalt  }
0x6f: {  	_ =	shalt  }
0x70: {  	_ =	shalt  }
0x71: {  	_ =	shalt  }
0x72: {  	_ =	shalt  }
0x73: {  	_ =	shalt  }
0x74: {  	_ =	shalt  }
0x75: {  	_ =	shalt  }
0x76: {  	_ =	shalt  }
0x77: {  	_ =	shalt  }
0x78: {  	_ =	shalt  }
0x79: {  	_ =	shalt  }
0x7a: {  	_ =	shalt  }
0x7b: {  	_ =	shalt  }
0x7c: {  	_ =	shalt  }
0x7d: {  	_ =	shalt  }
0x7e: {  	_ =	shalt  }
0x7f: {  	_ =	shalt  }
0x80: {  	_ =	shalt  }
0x81: {  	_ =	shalt  }
0x82: {  	_ =	shalt  }
0x83: {  	_ =	shalt  }
0x84: {  	_ =	shalt  }
0x85: {  	_ =	shalt  }
0x86: {  	_ =	shalt  }
0x87: {  	_ =	shalt  }
.Lfunc_end0:
.L_simem_size_0:
called_computation_lowered:
.L_overlay_start_0:
0x88: {  	s2 =	sld [smem:$0x3FD9]  }
0x89: {  	s3 =	sld [smem:$0x3FFE];
	_ =	sdelay $0x1  }
0x8a: {  	s1 =	srdreg.scid  }
0x8b: {  	s0 =	sand.u32 $0x1, s1  }
0x8c: {  	s17 =	sshll.u32 s0, $0xA;
	s2 =	sadd.s32 s3, s2  }
0x8d: {  	s2 =	sadd.s32 s2, s17  }
0x8e: {  	[smem:$0x3FB0] =	sst s2  }
0x8f: {  	_ = 	snop  }
0x90: {  	s2 =	sld [smem:$0x3FD0];
	(tm) =	ssettm $0x1  }
0x91: {  	s18 =	sld [smem:$0x3FFB];
	_ =	sdelay $0x3  }
0x92: {  	_ =	strace s18  }
0x93: {  	s3 =	sld [smem:$0x3FFC];
	_ =	sdelay $0x3  }
0x94: {  	_ =	strace s3  }
0x95: {  	s3 =	sld [smem:$0x3FFD];
	_ =	sdelay $0x3  }
0x96: {  	_ =	strace s3  }
0x97: {  	_ =	strace $0x8FFFFFFF  }
0x98: {  	s19 =	sld [smem:$0x3FDB];
	_ =	sdelay $0x1  }
0x99: {  	s4 =	simm.s32 $_scs_section_size  }
0x9a: {  	s5 =	simm.s32 $_size__tile_overlayer_lowered;
	s6 =	simm.s32 $_tile_overlayer_lowered  }
0x9b: {  	s22 =	simm.s32 $0x1BFF;
	s21 =	sshll.u32 s6, $0x1;
	s3 =	sadd.s32 s4, s19  }
0x9c: {  	s7 =	simm.s32 $0x0;
	s20 =	sshll.u32 s5, $0x1;
	s5 =	sadd.s32 s21, s3  }
0x9d: {  	[timem:s7], [sflag:s22] =	dma.local [hbm:s5], s20  }
0x9e: {  	_ =	swait.ge [sflag:s22], s20  }
0x9f: {  	s4 =	ssub.s32 $0x0, s20;
	[sflag:s22] =	ssyncset.done $0x0  }
0xa0: {  	[sflag:s22] =	ssyncadd.s32 s4;
	_ =	sdelay $0x1  }
0xa1: {  	s23 =	simm.s32 $0x1B8B  }
0xa2: {  	_ =	swait.ge [sflag:s23], $0x1  }
0xa3: {  	[sflag:s23] =	ssyncset.done $0x0  }
0xa4: {  	s25 =	simm.s32 $0x1B8E;
	s24 =	sld [smem:$0x3FFE];
	[sflag:s23] =	ssyncadd.s32 $0xFFFFFFFF  }
0xa5: {  	s26 =	simm.s32 $execute0_lowered;
	[smem:$0x3FD2] =	sst s25  }
0xa6: {  	s5 =	sshll.u32 s26, $0x1;
	_ =	strace $0x80000046;
	[dreg:$0x1] =	wrdreg $0xFFFFFFFF  }
0xa7: {  	s28 =	simm.s32 $_size_execute0_lowered;
	s3 =	sadd.s32 s3, s5;
	[dreg:$0x0] =	wrdreg $0x0  }
0xa8: {  	s5 =	sshll.u32 s28, $0x1;
	[dreg:$0x2] =	wrdreg s3  }
0xa9: {  	[dreg:$0x3] =	wrdreg s5  }
0xaa: {  	[dreg:$0x4] =	wrdreg $0xC0  }
0xab: {  	_ =	task [dreg:s7], $0x5FFFF  }
0xac: {  	[dreg:$0x1] =	wrdreg $0xFFFFFFFF  }
0xad: {  	[dreg:$0x0] =	wrdreg $0x60  }
0xae: {  	[dreg:$0x2] =	wrdreg s2  }
0xaf: {  	[dreg:$0x3] =	wrdreg s24  }
0xb0: {  	[dreg:$0x4] =	wrdreg $0x2D000  }
0xb1: {  	[dreg:$0x5] =	wrdreg $0x2F800  }
0xb2: {  	[dreg:$0x6] =	wrdreg $0x32000  }
0xb3: {  	[dreg:$0x7] =	wrdreg $0x34800  }
0xb4: {  	[dreg:$0x8] =	wrdreg $0x37000  }
0xb5: {  	[dreg:$0x9] =	wrdreg $0x39800  }
0xb6: {  	[dreg:$0xa] =	wrdreg $0x3C000  }
0xb7: {  	[dreg:$0xb] =	wrdreg $0x9  }
0xb8: {  	_ =	task.clear_ibuf [dreg:s7], $0xCFFFF;
	_ =	strace $0x90000046  }
0xb9: {  	s29 =	simm.s32 $0x9;
	_ =	strace $0x80000048  }
0xba: {  	_ =	swait.ge [sflag:s29], $0x1  }
0xbb: {  	[sflag:s29] =	ssyncadd.s32 $0xFFFFFFFF  }
0xbc: {  	_ =	strace $0x90000048  }
0xbd: {  	_ =	sfence  }
0xbe: {  	s30 =	sld [smem:$0x0];
	_ =	sdelay $0x2  }
0xbf: {  	s31 =	sshll.u32 s1, $0xD;
	s1 =	sshrl.u32 s1, $0x2  }
0xc0: {  	s3 =	sand.u32 $0x4000, s31;
	s1 =	sadd.s32 s1, s30  }
0xc1: {  	s0 =	sor.u32 s3, s0;
	s1 =	sshll.u32 s1, $0x11  }
0xc2: {  	s0 =	sor.u32 s1, s0  }
0xc3: {  	s0 =	sadd.s32 $0x8F2B, s0  }
0xc4: {  	[sflag:s0] =	ssyncadd.remote.s32 $0x1  }
0xc5: {  	_ =	sfence.sel $0xFFFF  }
0xc6: {  	[dreg:$0x0] =	wrdreg $0xFFFFFFFF;
	(pc) =	sbr.abs _section_cstart, $3  }
0xc7: {  	[dreg:$0x1] =	wrdreg $0xFFFFFFFF  }
0xc8: {  	_ =	task.clear_ibuf [dreg:s7], $0x2FFFF;
	_ =	strace $0x9FFFFFFF  }
0xc9: {  	(tm) =	ssettm $0x7FFFFFFF  }
tec
execute0_lowered:
.L_overlay_start_1:
0x0: {  	(tag) =	ssettag $0x1  }
0x1: {  	s0 =	rddreg [dreg:$0x0]  }
0x2: {  	s4 =	rddreg [dreg:$0x1]  }
0x3: {  	s20 =	rddreg [dreg:$0x2]  }
0x4: {  	s17 =	rddreg [dreg:$0x3]  }
0x5: {  	s16 =	rddreg [dreg:$0x4]  }
0x6: {  	s14 =	rddreg [dreg:$0x5]  }
0x7: {  	s12 =	rddreg [dreg:$0x6]  }
0x8: {  	s10 =	rddreg [dreg:$0x7]  }
0x9: {  	s2 =	rddreg [dreg:$0x8];
	s1 =	srdreg.scid  }
0xa: {  	s24 =	rddreg [dreg:$0x9];
	s3 =	simm.s32 $0x0;
	p0 =	por $0x0, $0x0  }
0xb: {  	s5 =	sand.u32 $0x1, s1;
	s1 =	stileid.u32;
	[smem:$0x7FF] =	sst s3  }
0xc: {  	s8 =	sadd.s32 $0x7200, s4;
	s9 =	sadd.s32 $0x11200, s4;
	s7 =	smul.u32 $0x280, s1  }
0xd: {  	s13 =	sadd.s32 $0x1D600, s4;
	s6 =	sshll.u32 s5, $0x4;
	s29 =	smul.u32 $0x140000, s5  }
0xe: {  	_ =	strace $0x80000047;
	s21 =	smul.u32 $0x14000, s1;
	s6 =	sor.u32 s1, s6  }
0xf: {  	[dreg:$0xa] =	wrdreg s13;
	s6 =	smul.u32 $0x1400, s6;
	s11 =	sshrl.u32 s7, $0x3  }
0x10: {  	s5 =	ssub.s32 $0x2, s5;
	s13 =	sadd.s32 s21, s29;
	s11 =	sadd.s32 s11, s4  }
0x11: {  	s13 =	sshrl.u32 s13, $0x3;
	s6 =	sshrl.u32 s6, $0x3;
	s19 =	sadd.s32 $0x1B200, s11  }
0x12: {  	s4 =	sadd.s32 s13, s4;
	s22 =	sadd.s32 $0x1B700, s11;
	[dreg:$0x11] =	wrdreg s19  }
0x13: {  	s23 =	sadd.s32 $0x1BC00, s11;
	s25 =	sadd.s32 $0x1C100, s11;
	[dreg:$0x12] =	wrdreg s22  }
0x14: {  	s26 =	sadd.s32 $0x1C600, s11;
	s28 =	sadd.s32 $0x1CB00, s11;
	[dreg:$0x13] =	wrdreg s23  }
0x15: {  	s15 =	sadd.s32 s0, s6;
	s18 =	sadd.s32 $0x5000, s6;
	[dreg:$0x14] =	wrdreg s25  }
0x16: {  	s30 =	sadd.s32 s8, s6;
	s13 =	sadd.s32 s9, s6;
	[dreg:$0x15] =	wrdreg s26  }
0x17: {  	s19 =	sadd.s32 s7, s20;
	s22 =	sadd.s32 $0x1D000, s11;
	[dreg:$0x16] =	wrdreg s28  }
0x18: {  	s29 =	sadd.s32 $0x1DA00, s4;
	[dreg:$0xb] =	wrdreg s15;
	s0 =	sadd.s32 s0, s18  }
0x19: {  	s8 =	sadd.s32 s8, s18;
	s15 =	sadd.s32 s9, s18;
	s18 =	sshrl.u32 s5, $0x1  }
0x1a: {  	s11 =	sadd.s32 s7, s12;
	[dreg:$0xd] =	wrdreg s30;
	s5 =	ssub.s32 s5, s18  }
0x1b: {  	s4 =	simm.s32 $0x1;
	[dreg:$0xf] =	wrdreg s13;
	s23 =	smax.u32 s5, $0x1  }
0x1c: {  	s6 =	simm.s32 $0x2800;
	[dreg:$0x17] =	wrdreg s29;
	p1 =	sne.s32 s23, $0x1  }
.Ltmp0:
0x1d: {  	s13 =	sadd.s32 s7, s14;
	[dreg:$0xc] =	wrdreg s0;
	(pc) =	sbr.rel @!p1 .LBB2_5-.Ltmp0, $4  }
0x1e: {  	s9 =	sadd.s32 s7, s10;
	s30 =	sadd.s32 s21, s2;
	[dreg:$0xe] =	wrdreg s8  }
0x1f: {  	s21 =	simm.s32 $0x1400;
	[dreg:$0x10] =	wrdreg s15;
	s18 =	sadd.s32 s7, s17  }
0x20: {  	s15 =	sadd.s32 s7, s16;
	s7 =	simm.s32 $0x2A80;
	s8 =	simm.s32 $0x280  }
0x21: {  	s0 =	rddreg [dreg:$0xa];
	s5 =	sshrl.u32 s30, $0x3;
	s31 =	sadd.s32 $0xFFFFFFFF, s23  }
0x22: {  	[tilespmem:s21], [sflag:$0x1] =	stream.linear.gather [hbm4b:s0+s3], $0x1400, $0x38;
	[tilespmem:$0x17C00] =	vst v63  }
0x23: {  	_ =	swait.ge [sflag:s4], $0x1400  }
0x24: {  	s26 =	sshll.u32 s1, $0x6;
	[sflag:s4] =	ssyncset.done $0x0  }
0x25: {  	s24 =	sshrl.u32 s19, $0x3;
	s23 =	sor.u32 $0x1C01, s26;
	[sflag:s4] =	ssyncadd.s32 $0xFFFFEC00  }
0x26: {  	[spmem:s24], [sflag:s23] =	dma.local [hbm:s22], $0x50  }
0x27: {  	_ =	swait.ge [sflag:s4], $0x50  }
0x28: {  	[sflag:s4] =	ssyncset.done $0x0  }
0x29: {  	s25 =	sshrl.u32 s18, $0x3;
	[sflag:s4] =	ssyncadd.s32 $0xFFFFFFB0  }
0x2a: {  	[spmem:s25], [sflag:s23] =	dma.local [hbm:s22], $0x50  }
0x2b: {  	_ =	swait.ge [sflag:s4], $0x50  }
0x2c: {  	[sflag:s4] =	ssyncset.done $0x0  }
0x2d: {  	s26 =	sshrl.u32 s15, $0x3;
	[sflag:s4] =	ssyncadd.s32 $0xFFFFFFB0  }
0x2e: {  	[spmem:s26], [sflag:s23] =	dma.local [hbm:s22], $0x50  }
0x2f: {  	_ =	swait.ge [sflag:s4], $0x50  }
0x30: {  	[sflag:s4] =	ssyncset.done $0x0  }
0x31: {  	s28 =	sshrl.u32 s13, $0x3;
	[sflag:s4] =	ssyncadd.s32 $0xFFFFFFB0  }
0x32: {  	[spmem:s28], [sflag:s23] =	dma.local [hbm:s22], $0x50  }
0x33: {  	_ =	swait.ge [sflag:s4], $0x50  }
0x34: {  	[sflag:s4] =	ssyncset.done $0x0  }
0x35: {  	s29 =	sshrl.u32 s11, $0x3;
	[sflag:s4] =	ssyncadd.s32 $0xFFFFFFB0  }
0x36: {  	[spmem:s29], [sflag:s23] =	dma.local [hbm:s22], $0x50  }
0x37: {  	_ =	swait.ge [sflag:s4], $0x50  }
0x38: {  	[sflag:s4] =	ssyncset.done $0x0  }
0x39: {  	s30 =	sshrl.u32 s9, $0x3;
	[sflag:s4] =	ssyncadd.s32 $0xFFFFFFB0  }
0x3a: {  	[spmem:s30], [sflag:s23] =	dma.local [hbm:s22], $0x50  }
0x3b: {  	_ =	swait.ge [sflag:s4], $0x50  }
0x3c: {  	[sflag:s4] =	ssyncset.done $0x0  }
0x3d: {  	[sflag:s4] =	ssyncadd.s32 $0xFFFFFFB0  }
0x3e: {  	[bflag:$0x0] =	sbarrier.arrive $0xFFFF  }
0x3f: {  	s0 =	rddreg [dreg:$0xb]  }
0x40: {  	[tilespmem:s3], [sflag:$0x1] =	stream.linear.gather [hbm4b:s0+s3], $0x1400, $0x38;
	[tilespmem:$0x17C00] =	vst v63  }
0x41: {  	_ =	swait.ge [sflag:s4], $0x1400  }
0x42: {  	[sflag:s4] =	ssyncset.done $0x0  }
0x43: {  	[sflag:s4] =	ssyncadd.s32 $0xFFFFEC00  }
0x44: {  	[spmem:s20] =	stream.indirect.scatter.add.f32 [tilespmem:s21], [sflag:$0x1], $0x1, s3, s21, $0xb8;
	[tilespmem:$0x17C00] =	vst v63  }
0x45: {  	_ =	swait.ge [sflag:s4], $0x1400  }
0x46: {  	[sflag:s4] =	ssyncset.done $0x0  }
0x47: {  	s0 =	rddreg [dreg:$0xc];
	[sflag:s4] =	ssyncadd.s32 $0xFFFFEC00  }
0x48: {  	[tilespmem:s3], [sflag:$0x1] =	stream.linear.gather [hbm4b:s0+s3], $0x1400, $0x38;
	[tilespmem:$0x17C00] =	vst v63  }
0x49: {  	_ =	swait.ge [sflag:s4], $0x1400  }
0x4a: {  	[sflag:s4] =	ssyncset.done $0x0  }
0x4b: {  	[sflag:s4] =	ssyncadd.s32 $0xFFFFEC00  }
0x4c: {  	[spmem:s17] =	stream.indirect.scatter.add.f32 [tilespmem:s21], [sflag:$0x1], $0x1, s3, s21, $0xb8;
	[tilespmem:$0x17C00] =	vst v63  }
0x4d: {  	_ =	swait.ge [sflag:s4], $0x1400  }
0x4e: {  	[sflag:s4] =	ssyncset.done $0x0  }
0x4f: {  	s0 =	rddreg [dreg:$0xd];
	[sflag:s4] =	ssyncadd.s32 $0xFFFFEC00  }
0x50: {  	[tilespmem:s3], [sflag:$0x1] =	stream.linear.gather [hbm4b:s0+s3], $0x1400, $0x38;
	[tilespmem:$0x17C00] =	vst v63  }
0x51: {  	_ =	swait.ge [sflag:s4], $0x1400  }
0x52: {  	[sflag:s4] =	ssyncset.done $0x0  }
0x53: {  	[sflag:s4] =	ssyncadd.s32 $0xFFFFEC00  }
0x54: {  	[spmem:s16] =	stream.indirect.scatter.add.f32 [tilespmem:s21], [sflag:$0x1], $0x1, s3, s21, $0xb8;
	[tilespmem:$0x17C00] =	vst v63  }
0x55: {  	_ =	swait.ge [sflag:s4], $0x1400  }
0x56: {  	[sflag:s4] =	ssyncset.done $0x0  }
0x57: {  	s0 =	rddreg [dreg:$0xe];
	[sflag:s4] =	ssyncadd.s32 $0xFFFFEC00  }
0x58: {  	[tilespmem:s3], [sflag:$0x1] =	stream.linear.gather [hbm4b:s0+s3], $0x1400, $0x38;
	[tilespmem:$0x17C00] =	vst v63  }
0x59: {  	_ =	swait.ge [sflag:s4], $0x1400  }
0x5a: {  	[sflag:s4] =	ssyncset.done $0x0  }
0x5b: {  	[sflag:s4] =	ssyncadd.s32 $0xFFFFEC00  }
0x5c: {  	[spmem:s14] =	stream.indirect.scatter.add.f32 [tilespmem:s21], [sflag:$0x1], $0x1, s3, s21, $0xb8;
	[tilespmem:$0x17C00] =	vst v63  }
0x5d: {  	_ =	swait.ge [sflag:s4], $0x1400  }
0x5e: {  	[sflag:s4] =	ssyncset.done $0x0  }
0x5f: {  	s0 =	rddreg [dreg:$0xf];
	[sflag:s4] =	ssyncadd.s32 $0xFFFFEC00  }
0x60: {  	[tilespmem:s3], [sflag:$0x1] =	stream.linear.gather [hbm4b:s0+s3], $0x1400, $0x38;
	[tilespmem:$0x17C00] =	vst v63  }
0x61: {  	_ =	swait.ge [sflag:s4], $0x1400  }
0x62: {  	[sflag:s4] =	ssyncset.done $0x0  }
0x63: {  	[sflag:s4] =	ssyncadd.s32 $0xFFFFEC00  }
0x64: {  	[spmem:s12] =	stream.indirect.scatter.add.f32 [tilespmem:s21], [sflag:$0x1], $0x1, s3, s21, $0xb8;
	[tilespmem:$0x17C00] =	vst v63  }
0x65: {  	_ =	swait.ge [sflag:s4], $0x1400  }
0x66: {  	[sflag:s4] =	ssyncset.done $0x0  }
0x67: {  	s0 =	rddreg [dreg:$0x10];
	[sflag:s4] =	ssyncadd.s32 $0xFFFFEC00  }
0x68: {  	[tilespmem:s3], [sflag:$0x1] =	stream.linear.gather [hbm4b:s0+s3], $0x1400, $0x38;
	[tilespmem:$0x17C00] =	vst v63  }
0x69: {  	_ =	swait.ge [sflag:s4], $0x1400  }
0x6a: {  	[sflag:s4] =	ssyncset.done $0x0  }
0x6b: {  	[sflag:s4] =	ssyncadd.s32 $0xFFFFEC00  }
0x6c: {  	[spmem:s10] =	stream.indirect.scatter.add.f32 [tilespmem:s21], [sflag:$0x1], $0x1, s3, s21, $0xb8;
	[tilespmem:$0x17C00] =	vst v63  }
0x6d: {  	_ =	swait.ge [sflag:s4], $0x1400  }
0x6e: {  	[sflag:s4] =	ssyncset.done $0x0  }
0x6f: {  	[sflag:s4] =	ssyncadd.s32 $0xFFFFEC00  }
0x70: {  	[bflag:$0x0] =	sbarrier.arrive $0xFFFF  }
0x71: {  	[tilespmem:s6], [sflag:$0x1] =	stream.linear.gather [spmem:s19], $0x280, $0x38;
	[tilespmem:$0x17C00] =	vst v63  }
0x72: {  	_ =	swait.ge [sflag:s4], $0x280  }
0x73: {  	[sflag:s4] =	ssyncset.done $0x0  }
0x74: {  	s0 =	rddreg [dreg:$0x11];
	[sflag:s4] =	ssyncadd.s32 $0xFFFFFD80  }
0x75: {  	[tilespmem:s7], [sflag:$0x1] =	stream.linear.gather [hbm4b:s0+s3], $0x280, $0x38;
	[tilespmem:$0x17C00] =	vst v63  }
0x76: {  	_ =	swait.ge [sflag:s4], $0x280  }
0x77: {  	[sflag:s4] =	ssyncset.done $0x0  }
0x78: {  	[sflag:s4] =	ssyncadd.s32 $0xFFFFFD80  }
0x79: {  	[spmem:s2] =	stream.indirect.scatter [tilespmem:s6], [sflag:$0x1], $0x1, s7, s8, $0xb8;
	[tilespmem:$0x17C00] =	vst v63  }
0x7a: {  	_ =	swait.ge [sflag:s4], $0x280  }
0x7b: {  	[sflag:s4] =	ssyncset.done $0x0  }
0x7c: {  	[sflag:s4] =	ssyncadd.s32 $0xFFFFFD80  }
0x7d: {  	[tilespmem:s6], [sflag:$0x1] =	stream.linear.gather [spmem:s18], $0x280, $0x38;
	[tilespmem:$0x17C00] =	vst v63  }
0x7e: {  	_ =	swait.ge [sflag:s4], $0x280  }
0x7f: {  	[sflag:s4] =	ssyncset.done $0x0  }
0x80: {  	s0 =	rddreg [dreg:$0x12];
	[sflag:s4] =	ssyncadd.s32 $0xFFFFFD80  }
0x81: {  	[tilespmem:s7], [sflag:$0x1] =	stream.linear.gather [hbm4b:s0+s3], $0x280, $0x38;
	[tilespmem:$0x17C00] =	vst v63  }
0x82: {  	_ =	swait.ge [sflag:s4], $0x280  }
0x83: {  	[sflag:s4] =	ssyncset.done $0x0  }
0x84: {  	[sflag:s4] =	ssyncadd.s32 $0xFFFFFD80  }
0x85: {  	[spmem:s2] =	stream.indirect.scatter [tilespmem:s6], [sflag:$0x1], $0x1, s7, s8, $0xb8;
	[tilespmem:$0x17C00] =	vst v63  }
0x86: {  	_ =	swait.ge [sflag:s4], $0x280  }
0x87: {  	[sflag:s4] =	ssyncset.done $0x0  }
0x88: {  	[sflag:s4] =	ssyncadd.s32 $0xFFFFFD80  }
0x89: {  	[tilespmem:s6], [sflag:$0x1] =	stream.linear.gather [spmem:s15], $0x280, $0x38;
	[tilespmem:$0x17C00] =	vst v63  }
0x8a: {  	_ =	swait.ge [sflag:s4], $0x280  }
0x8b: {  	[sflag:s4] =	ssyncset.done $0x0  }
0x8c: {  	s0 =	rddreg [dreg:$0x13];
	[sflag:s4] =	ssyncadd.s32 $0xFFFFFD80  }
0x8d: {  	[tilespmem:s7], [sflag:$0x1] =	stream.linear.gather [hbm4b:s0+s3], $0x280, $0x38;
	[tilespmem:$0x17C00] =	vst v63  }
0x8e: {  	_ =	swait.ge [sflag:s4], $0x280  }
0x8f: {  	[sflag:s4] =	ssyncset.done $0x0  }
0x90: {  	[sflag:s4] =	ssyncadd.s32 $0xFFFFFD80  }
0x91: {  	[spmem:s2] =	stream.indirect.scatter [tilespmem:s6], [sflag:$0x1], $0x1, s7, s8, $0xb8;
	[tilespmem:$0x17C00] =	vst v63  }
0x92: {  	_ =	swait.ge [sflag:s4], $0x280  }
0x93: {  	[sflag:s4] =	ssyncset.done $0x0  }
0x94: {  	[sflag:s4] =	ssyncadd.s32 $0xFFFFFD80  }
0x95: {  	[tilespmem:s6], [sflag:$0x1] =	stream.linear.gather [spmem:s13], $0x280, $0x38;
	[tilespmem:$0x17C00] =	vst v63  }
0x96: {  	_ =	swait.ge [sflag:s4], $0x280  }
0x97: {  	[sflag:s4] =	ssyncset.done $0x0  }
0x98: {  	s0 =	rddreg [dreg:$0x14];
	[sflag:s4] =	ssyncadd.s32 $0xFFFFFD80  }
0x99: {  	[tilespmem:s7], [sflag:$0x1] =	stream.linear.gather [hbm4b:s0+s3], $0x280, $0x38;
	[tilespmem:$0x17C00] =	vst v63  }
0x9a: {  	_ =	swait.ge [sflag:s4], $0x280  }
0x9b: {  	[sflag:s4] =	ssyncset.done $0x0  }
0x9c: {  	[sflag:s4] =	ssyncadd.s32 $0xFFFFFD80  }
0x9d: {  	[spmem:s2] =	stream.indirect.scatter [tilespmem:s6], [sflag:$0x1], $0x1, s7, s8, $0xb8;
	[tilespmem:$0x17C00] =	vst v63  }
0x9e: {  	_ =	swait.ge [sflag:s4], $0x280  }
0x9f: {  	[sflag:s4] =	ssyncset.done $0x0  }
0xa0: {  	[sflag:s4] =	ssyncadd.s32 $0xFFFFFD80  }
0xa1: {  	[tilespmem:s6], [sflag:$0x1] =	stream.linear.gather [spmem:s11], $0x280, $0x38;
	[tilespmem:$0x17C00] =	vst v63  }
0xa2: {  	_ =	swait.ge [sflag:s4], $0x280  }
0xa3: {  	[sflag:s4] =	ssyncset.done $0x0  }
0xa4: {  	s0 =	rddreg [dreg:$0x15];
	[sflag:s4] =	ssyncadd.s32 $0xFFFFFD80  }
0xa5: {  	[tilespmem:s7], [sflag:$0x1] =	stream.linear.gather [hbm4b:s0+s3], $0x280, $0x38;
	[tilespmem:$0x17C00] =	vst v63  }
0xa6: {  	_ =	swait.ge [sflag:s4], $0x280  }
0xa7: {  	[sflag:s4] =	ssyncset.done $0x0  }
0xa8: {  	[sflag:s4] =	ssyncadd.s32 $0xFFFFFD80  }
0xa9: {  	[spmem:s2] =	stream.indirect.scatter [tilespmem:s6], [sflag:$0x1], $0x1, s7, s8, $0xb8;
	[tilespmem:$0x17C00] =	vst v63  }
0xaa: {  	_ =	swait.ge [sflag:s4], $0x280  }
0xab: {  	[sflag:s4] =	ssyncset.done $0x0  }
0xac: {  	[sflag:s4] =	ssyncadd.s32 $0xFFFFFD80  }
0xad: {  	[tilespmem:s6], [sflag:$0x1] =	stream.linear.gather [spmem:s9], $0x280, $0x38;
	[tilespmem:$0x17C00] =	vst v63  }
0xae: {  	_ =	swait.ge [sflag:s4], $0x280  }
0xaf: {  	[sflag:s4] =	ssyncset.done $0x0  }
0xb0: {  	s0 =	rddreg [dreg:$0x16];
	[sflag:s4] =	ssyncadd.s32 $0xFFFFFD80  }
0xb1: {  	[tilespmem:s7], [sflag:$0x1] =	stream.linear.gather [hbm4b:s0+s3], $0x280, $0x38;
	[tilespmem:$0x17C00] =	vst v63  }
0xb2: {  	_ =	swait.ge [sflag:s4], $0x280  }
0xb3: {  	[sflag:s4] =	ssyncset.done $0x0  }
0xb4: {  	[sflag:s4] =	ssyncadd.s32 $0xFFFFFD80  }
0xb5: {  	[spmem:s2] =	stream.indirect.scatter [tilespmem:s6], [sflag:$0x1], $0x1, s7, s8, $0xb8;
	[tilespmem:$0x17C00] =	vst v63  }
0xb6: {  	_ =	swait.ge [sflag:s4], $0x280  }
0xb7: {  	[sflag:s4] =	ssyncset.done $0x0  }
0xb8: {  	p1 =	sne.s32 s31, $0x1;
	[sflag:s4] =	ssyncadd.s32 $0xFFFFFD80  }
.Ltmp1:
0xb9: {  	[bflag:$0x0] =	sbarrier.arrive $0xFFFF;
	(pc) =	sbr.rel @!p1 .LBB2_2-.Ltmp1, $4  }
0xba: {  	s0 =	rddreg [dreg:$0x17]  }
0xbb: {  	[hbm:s0], [sflag:s23] =	dma.local [spmem:s5], $0x2800  }
0xbc: {  	s31 =	sadd.s32 $0xFFFFFFFF, s31;
	_ =	swait.ge [sflag:s4], $0x2800  }
0xbd: {  	p0 =	por $0x1, $0x1;
	s0 =	rddreg [dreg:$0xa];
	[sflag:s4] =	ssyncset.done $0x0  }
.LBB2_3:
0xbe: {  	[sflag:s4] =	ssyncadd.s32 $0xFFFFD800  }
0xbf: {  	[tilespmem:s21], [sflag:$0x1] =	stream.linear.gather [hbm4b:s0+s3], $0x1400, $0x38;
	[tilespmem:$0x17C00] =	vst v63  }
0xc0: {  	_ =	swait.ge [sflag:s4], $0x1400  }
0xc1: {  	[sflag:s4] =	ssyncset.done $0x0  }
0xc2: {  	[sflag:s4] =	ssyncadd.s32 $0xFFFFEC00  }
0xc3: {  	[spmem:s24], [sflag:s23] =	dma.local [hbm:s22], $0x50  }
0xc4: {  	_ =	swait.ge [sflag:s4], $0x50  }
0xc5: {  	[sflag:s4] =	ssyncset.done $0x0  }
0xc6: {  	[sflag:s4] =	ssyncadd.s32 $0xFFFFFFB0  }
0xc7: {  	[spmem:s25], [sflag:s23] =	dma.local [hbm:s22], $0x50  }
0xc8: {  	_ =	swait.ge [sflag:s4], $0x50  }
0xc9: {  	[sflag:s4] =	ssyncset.done $0x0  }
0xca: {  	[sflag:s4] =	ssyncadd.s32 $0xFFFFFFB0  }
0xcb: {  	[spmem:s26], [sflag:s23] =	dma.local [hbm:s22], $0x50  }
0xcc: {  	_ =	swait.ge [sflag:s4], $0x50  }
0xcd: {  	[sflag:s4] =	ssyncset.done $0x0  }
0xce: {  	[sflag:s4] =	ssyncadd.s32 $0xFFFFFFB0  }
0xcf: {  	[spmem:s28], [sflag:s23] =	dma.local [hbm:s22], $0x50  }
0xd0: {  	_ =	swait.ge [sflag:s4], $0x50  }
0xd1: {  	[sflag:s4] =	ssyncset.done $0x0  }
0xd2: {  	[sflag:s4] =	ssyncadd.s32 $0xFFFFFFB0  }
0xd3: {  	[spmem:s29], [sflag:s23] =	dma.local [hbm:s22], $0x50  }
0xd4: {  	_ =	swait.ge [sflag:s4], $0x50  }
0xd5: {  	[sflag:s4] =	ssyncset.done $0x0  }
0xd6: {  	[sflag:s4] =	ssyncadd.s32 $0xFFFFFFB0  }
0xd7: {  	[spmem:s30], [sflag:s23] =	dma.local [hbm:s22], $0x50  }
0xd8: {  	_ =	swait.ge [sflag:s4], $0x50  }
0xd9: {  	[sflag:s4] =	ssyncset.done $0x0  }
0xda: {  	[sflag:s4] =	ssyncadd.s32 $0xFFFFFFB0  }
0xdb: {  	[bflag:$0x0] =	sbarrier.arrive $0xFFFF  }
0xdc: {  	s0 =	rddreg [dreg:$0xb]  }
0xdd: {  	[tilespmem:s3], [sflag:$0x1] =	stream.linear.gather [hbm4b:s0+s3], $0x1400, $0x38;
	[tilespmem:$0x17C00] =	vst v63  }
0xde: {  	_ =	swait.ge [sflag:s4], $0x1400  }
0xdf: {  	[sflag:s4] =	ssyncset.done $0x0  }
0xe0: {  	[sflag:s4] =	ssyncadd.s32 $0xFFFFEC00  }
0xe1: {  	[spmem:s20] =	stream.indirect.scatter.add.f32 [tilespmem:s21], [sflag:$0x1], $0x1, s3, s21, $0xb8;
	[tilespmem:$0x17C00] =	vst v63  }
0xe2: {  	_ =	swait.ge [sflag:s4], $0x1400  }
0xe3: {  	[sflag:s4] =	ssyncset.done $0x0  }
0xe4: {  	s0 =	rddreg [dreg:$0xc];
	[sflag:s4] =	ssyncadd.s32 $0xFFFFEC00  }
0xe5: {  	[tilespmem:s3], [sflag:$0x1] =	stream.linear.gather [hbm4b:s0+s3], $0x1400, $0x38;
	[tilespmem:$0x17C00] =	vst v63  }
0xe6: {  	_ =	swait.ge [sflag:s4], $0x1400  }
0xe7: {  	[sflag:s4] =	ssyncset.done $0x0  }
0xe8: {  	[sflag:s4] =	ssyncadd.s32 $0xFFFFEC00  }
0xe9: {  	[spmem:s17] =	stream.indirect.scatter.add.f32 [tilespmem:s21], [sflag:$0x1], $0x1, s3, s21, $0xb8;
	[tilespmem:$0x17C00] =	vst v63  }
0xea: {  	_ =	swait.ge [sflag:s4], $0x1400  }
0xeb: {  	[sflag:s4] =	ssyncset.done $0x0  }
0xec: {  	s0 =	rddreg [dreg:$0xd];
	[sflag:s4] =	ssyncadd.s32 $0xFFFFEC00  }
0xed: {  	[tilespmem:s3], [sflag:$0x1] =	stream.linear.gather [hbm4b:s0+s3], $0x1400, $0x38;
	[tilespmem:$0x17C00] =	vst v63  }
0xee: {  	_ =	swait.ge [sflag:s4], $0x1400  }
0xef: {  	[sflag:s4] =	ssyncset.done $0x0  }
0xf0: {  	[sflag:s4] =	ssyncadd.s32 $0xFFFFEC00  }
0xf1: {  	[spmem:s16] =	stream.indirect.scatter.add.f32 [tilespmem:s21], [sflag:$0x1], $0x1, s3, s21, $0xb8;
	[tilespmem:$0x17C00] =	vst v63  }
0xf2: {  	_ =	swait.ge [sflag:s4], $0x1400  }
0xf3: {  	[sflag:s4] =	ssyncset.done $0x0  }
0xf4: {  	s0 =	rddreg [dreg:$0xe];
	[sflag:s4] =	ssyncadd.s32 $0xFFFFEC00  }
0xf5: {  	[tilespmem:s3], [sflag:$0x1] =	stream.linear.gather [hbm4b:s0+s3], $0x1400, $0x38;
	[tilespmem:$0x17C00] =	vst v63  }
0xf6: {  	_ =	swait.ge [sflag:s4], $0x1400  }
0xf7: {  	[sflag:s4] =	ssyncset.done $0x0  }
0xf8: {  	[sflag:s4] =	ssyncadd.s32 $0xFFFFEC00  }
0xf9: {  	[spmem:s14] =	stream.indirect.scatter.add.f32 [tilespmem:s21], [sflag:$0x1], $0x1, s3, s21, $0xb8;
	[tilespmem:$0x17C00] =	vst v63  }
0xfa: {  	_ =	swait.ge [sflag:s4], $0x1400  }
0xfb: {  	[sflag:s4] =	ssyncset.done $0x0  }
0xfc: {  	s0 =	rddreg [dreg:$0xf];
	[sflag:s4] =	ssyncadd.s32 $0xFFFFEC00  }
0xfd: {  	[tilespmem:s3], [sflag:$0x1] =	stream.linear.gather [hbm4b:s0+s3], $0x1400, $0x38;
	[tilespmem:$0x17C00] =	vst v63  }
0xfe: {  	_ =	swait.ge [sflag:s4], $0x1400  }
0xff: {  	[sflag:s4] =	ssyncset.done $0x0  }
0x100: {  	[sflag:s4] =	ssyncadd.s32 $0xFFFFEC00  }
0x101: {  	[spmem:s12] =	stream.indirect.scatter.add.f32 [tilespmem:s21], [sflag:$0x1], $0x1, s3, s21, $0xb8;
	[tilespmem:$0x17C00] =	vst v63  }
0x102: {  	_ =	swait.ge [sflag:s4], $0x1400  }
0x103: {  	[sflag:s4] =	ssyncset.done $0x0  }
0x104: {  	s0 =	rddreg [dreg:$0x10];
	[sflag:s4] =	ssyncadd.s32 $0xFFFFEC00  }
0x105: {  	[tilespmem:s3], [sflag:$0x1] =	stream.linear.gather [hbm4b:s0+s3], $0x1400, $0x38;
	[tilespmem:$0x17C00] =	vst v63  }
0x106: {  	_ =	swait.ge [sflag:s4], $0x1400  }
0x107: {  	[sflag:s4] =	ssyncset.done $0x0  }
0x108: {  	[sflag:s4] =	ssyncadd.s32 $0xFFFFEC00  }
0x109: {  	[spmem:s10] =	stream.indirect.scatter.add.f32 [tilespmem:s21], [sflag:$0x1], $0x1, s3, s21, $0xb8;
	[tilespmem:$0x17C00] =	vst v63  }
0x10a: {  	_ =	swait.ge [sflag:s4], $0x1400  }
0x10b: {  	[sflag:s4] =	ssyncset.done $0x0  }
0x10c: {  	[sflag:s4] =	ssyncadd.s32 $0xFFFFEC00  }
0x10d: {  	[bflag:$0x0] =	sbarrier.arrive $0xFFFF  }
0x10e: {  	[tilespmem:s6], [sflag:$0x1] =	stream.linear.gather [spmem:s19], $0x280, $0x38;
	[tilespmem:$0x17C00] =	vst v63  }
0x10f: {  	_ =	swait.ge [sflag:s4], $0x280  }
0x110: {  	[sflag:s4] =	ssyncset.done $0x0  }
0x111: {  	s0 =	rddreg [dreg:$0x11];
	[sflag:s4] =	ssyncadd.s32 $0xFFFFFD80  }
0x112: {  	[tilespmem:s7], [sflag:$0x1] =	stream.linear.gather [hbm4b:s0+s3], $0x280, $0x38;
	[tilespmem:$0x17C00] =	vst v63  }
0x113: {  	_ =	swait.ge [sflag:s4], $0x280  }
0x114: {  	[sflag:s4] =	ssyncset.done $0x0  }
0x115: {  	[sflag:s4] =	ssyncadd.s32 $0xFFFFFD80  }
0x116: {  	[spmem:s2] =	stream.indirect.scatter [tilespmem:s6], [sflag:$0x1], $0x1, s7, s8, $0xb8;
	[tilespmem:$0x17C00] =	vst v63  }
0x117: {  	_ =	swait.ge [sflag:s4], $0x280  }
0x118: {  	[sflag:s4] =	ssyncset.done $0x0  }
0x119: {  	[sflag:s4] =	ssyncadd.s32 $0xFFFFFD80  }
0x11a: {  	[tilespmem:s6], [sflag:$0x1] =	stream.linear.gather [spmem:s18], $0x280, $0x38;
	[tilespmem:$0x17C00] =	vst v63  }
0x11b: {  	_ =	swait.ge [sflag:s4], $0x280  }
0x11c: {  	[sflag:s4] =	ssyncset.done $0x0  }
0x11d: {  	s0 =	rddreg [dreg:$0x12];
	[sflag:s4] =	ssyncadd.s32 $0xFFFFFD80  }
0x11e: {  	[tilespmem:s7], [sflag:$0x1] =	stream.linear.gather [hbm4b:s0+s3], $0x280, $0x38;
	[tilespmem:$0x17C00] =	vst v63  }
0x11f: {  	_ =	swait.ge [sflag:s4], $0x280  }
0x120: {  	[sflag:s4] =	ssyncset.done $0x0  }
0x121: {  	[sflag:s4] =	ssyncadd.s32 $0xFFFFFD80  }
0x122: {  	[spmem:s2] =	stream.indirect.scatter [tilespmem:s6], [sflag:$0x1], $0x1, s7, s8, $0xb8;
	[tilespmem:$0x17C00] =	vst v63  }
0x123: {  	_ =	swait.ge [sflag:s4], $0x280  }
0x124: {  	[sflag:s4] =	ssyncset.done $0x0  }
0x125: {  	[sflag:s4] =	ssyncadd.s32 $0xFFFFFD80  }
0x126: {  	[tilespmem:s6], [sflag:$0x1] =	stream.linear.gather [spmem:s15], $0x280, $0x38;
	[tilespmem:$0x17C00] =	vst v63  }
0x127: {  	_ =	swait.ge [sflag:s4], $0x280  }
0x128: {  	[sflag:s4] =	ssyncset.done $0x0  }
0x129: {  	s0 =	rddreg [dreg:$0x13];
	[sflag:s4] =	ssyncadd.s32 $0xFFFFFD80  }
0x12a: {  	[tilespmem:s7], [sflag:$0x1] =	stream.linear.gather [hbm4b:s0+s3], $0x280, $0x38;
	[tilespmem:$0x17C00] =	vst v63  }
0x12b: {  	_ =	swait.ge [sflag:s4], $0x280  }
0x12c: {  	[sflag:s4] =	ssyncset.done $0x0  }
0x12d: {  	[sflag:s4] =	ssyncadd.s32 $0xFFFFFD80  }
0x12e: {  	[spmem:s2] =	stream.indirect.scatter [tilespmem:s6], [sflag:$0x1], $0x1, s7, s8, $0xb8;
	[tilespmem:$0x17C00] =	vst v63  }
0x12f: {  	_ =	swait.ge [sflag:s4], $0x280  }
0x130: {  	[sflag:s4] =	ssyncset.done $0x0  }
0x131: {  	[sflag:s4] =	ssyncadd.s32 $0xFFFFFD80  }
0x132: {  	[tilespmem:s6], [sflag:$0x1] =	stream.linear.gather [spmem:s13], $0x280, $0x38;
	[tilespmem:$0x17C00] =	vst v63  }
0x133: {  	_ =	swait.ge [sflag:s4], $0x280  }
0x134: {  	[sflag:s4] =	ssyncset.done $0x0  }
0x135: {  	s0 =	rddreg [dreg:$0x14];
	[sflag:s4] =	ssyncadd.s32 $0xFFFFFD80  }
0x136: {  	[tilespmem:s7], [sflag:$0x1] =	stream.linear.gather [hbm4b:s0+s3], $0x280, $0x38;
	[tilespmem:$0x17C00] =	vst v63  }
0x137: {  	_ =	swait.ge [sflag:s4], $0x280  }
0x138: {  	[sflag:s4] =	ssyncset.done $0x0  }
0x139: {  	[sflag:s4] =	ssyncadd.s32 $0xFFFFFD80  }
0x13a: {  	[spmem:s2] =	stream.indirect.scatter [tilespmem:s6], [sflag:$0x1], $0x1, s7, s8, $0xb8;
	[tilespmem:$0x17C00] =	vst v63  }
0x13b: {  	_ =	swait.ge [sflag:s4], $0x280  }
0x13c: {  	[sflag:s4] =	ssyncset.done $0x0  }
0x13d: {  	[sflag:s4] =	ssyncadd.s32 $0xFFFFFD80  }
0x13e: {  	[tilespmem:s6], [sflag:$0x1] =	stream.linear.gather [spmem:s11], $0x280, $0x38;
	[tilespmem:$0x17C00] =	vst v63  }
0x13f: {  	_ =	swait.ge [sflag:s4], $0x280  }
0x140: {  	[sflag:s4] =	ssyncset.done $0x0  }
0x141: {  	s0 =	rddreg [dreg:$0x15];
	[sflag:s4] =	ssyncadd.s32 $0xFFFFFD80  }
0x142: {  	[tilespmem:s7], [sflag:$0x1] =	stream.linear.gather [hbm4b:s0+s3], $0x280, $0x38;
	[tilespmem:$0x17C00] =	vst v63  }
0x143: {  	_ =	swait.ge [sflag:s4], $0x280  }
0x144: {  	[sflag:s4] =	ssyncset.done $0x0  }
0x145: {  	[sflag:s4] =	ssyncadd.s32 $0xFFFFFD80  }
0x146: {  	[spmem:s2] =	stream.indirect.scatter [tilespmem:s6], [sflag:$0x1], $0x1, s7, s8, $0xb8;
	[tilespmem:$0x17C00] =	vst v63  }
0x147: {  	_ =	swait.ge [sflag:s4], $0x280  }
0x148: {  	[sflag:s4] =	ssyncset.done $0x0  }
0x149: {  	[sflag:s4] =	ssyncadd.s32 $0xFFFFFD80  }
0x14a: {  	[tilespmem:s6], [sflag:$0x1] =	stream.linear.gather [spmem:s9], $0x280, $0x38;
	[tilespmem:$0x17C00] =	vst v63  }
0x14b: {  	_ =	swait.ge [sflag:s4], $0x280  }
0x14c: {  	[sflag:s4] =	ssyncset.done $0x0  }
0x14d: {  	s0 =	rddreg [dreg:$0x16];
	[sflag:s4] =	ssyncadd.s32 $0xFFFFFD80  }
0x14e: {  	[tilespmem:s7], [sflag:$0x1] =	stream.linear.gather [hbm4b:s0+s3], $0x280, $0x38;
	[tilespmem:$0x17C00] =	vst v63  }
0x14f: {  	_ =	swait.ge [sflag:s4], $0x280  }
0x150: {  	[sflag:s4] =	ssyncset.done $0x0  }
0x151: {  	[sflag:s4] =	ssyncadd.s32 $0xFFFFFD80  }
0x152: {  	[spmem:s2] =	stream.indirect.scatter [tilespmem:s6], [sflag:$0x1], $0x1, s7, s8, $0xb8;
	[tilespmem:$0x17C00] =	vst v63  }
0x153: {  	_ =	swait.ge [sflag:s4], $0x280  }
0x154: {  	[sflag:s4] =	ssyncset.done $0x0  }
0x155: {  	p1 =	sne.s32 s31, $0x1;
	[sflag:s4] =	ssyncadd.s32 $0xFFFFFD80  }
.Ltmp2:
0x156: {  	[bflag:$0x0] =	sbarrier.arrive $0xFFFF;
	(pc) =	sbr.rel @p1 .LBB2_3-.Ltmp2, $4  }
0x157: {  	s0 =	rddreg [dreg:$0x17]  }
0x158: {  	[hbm:s0], [sflag:s23] =	dma.local [spmem:s5], $0x2800  }
0x159: {  	_ =	swait.ge [sflag:s4], $0x2800  }
0x15a: {  	s31 =	sadd.s32 $0xFFFFFFFF, s31;
	s0 =	rddreg [dreg:$0xa];
	[sflag:s4] =	ssyncset.done $0x0  }
0x15b: {  	s24 =	rddreg [dreg:$0x9]  }
.LBB2_5:
0x15c: {  	[sflag:s4] =	ssyncadd.s32 @p0 $0xFFFFD800  }
0x15d: {  	[tilespmem:s21], [sflag:$0x1] =	stream.linear.gather [hbm4b:s0+s3], $0x1400, $0x38;
	[tilespmem:$0x17C00] =	vst v63  }
0x15e: {  	_ =	swait.ge [sflag:s4], $0x1400  }
0x15f: {  	s28 =	sshll.u32 s1, $0x6;
	[sflag:s4] =	ssyncset.done $0x0  }
0x160: {  	s29 =	sshrl.u32 s19, $0x3;
	s23 =	sor.u32 $0x1C01, s28;
	[sflag:s4] =	ssyncadd.s32 $0xFFFFEC00  }
0x161: {  	[spmem:s29], [sflag:s23] =	dma.local [hbm:s22], $0x50  }
0x162: {  	_ =	swait.ge [sflag:s4], $0x50  }
0x163: {  	[sflag:s4] =	ssyncset.done $0x0  }
0x164: {  	s30 =	sshrl.u32 s18, $0x3;
	[sflag:s4] =	ssyncadd.s32 $0xFFFFFFB0  }
0x165: {  	[spmem:s30], [sflag:s23] =	dma.local [hbm:s22], $0x50  }
0x166: {  	_ =	swait.ge [sflag:s4], $0x50  }
0x167: {  	[sflag:s4] =	ssyncset.done $0x0  }
0x168: {  	s31 =	sshrl.u32 s15, $0x3;
	[sflag:s4] =	ssyncadd.s32 $0xFFFFFFB0  }
0x169: {  	[spmem:s31], [sflag:s23] =	dma.local [hbm:s22], $0x50  }
0x16a: {  	_ =	swait.ge [sflag:s4], $0x50  }
0x16b: {  	[sflag:s4] =	ssyncset.done $0x0  }
0x16c: {  	s25 =	sshrl.u32 s13, $0x3;
	[sflag:s4] =	ssyncadd.s32 $0xFFFFFFB0  }
0x16d: {  	[spmem:s25], [sflag:s23] =	dma.local [hbm:s22], $0x50  }
0x16e: {  	_ =	swait.ge [sflag:s4], $0x50  }
0x16f: {  	[sflag:s4] =	ssyncset.done $0x0  }
0x170: {  	s26 =	sshrl.u32 s11, $0x3;
	[sflag:s4] =	ssyncadd.s32 $0xFFFFFFB0  }
0x171: {  	[spmem:s26], [sflag:s23] =	dma.local [hbm:s22], $0x50  }
0x172: {  	_ =	swait.ge [sflag:s4], $0x50  }
0x173: {  	[sflag:s4] =	ssyncset.done $0x0  }
0x174: {  	s28 =	sshrl.u32 s9, $0x3;
	[sflag:s4] =	ssyncadd.s32 $0xFFFFFFB0  }
0x175: {  	[spmem:s28], [sflag:s23] =	dma.local [hbm:s22], $0x50  }
0x176: {  	_ =	swait.ge [sflag:s4], $0x50  }
0x177: {  	[sflag:s4] =	ssyncset.done $0x0  }
0x178: {  	[sflag:s4] =	ssyncadd.s32 $0xFFFFFFB0  }
0x179: {  	[bflag:$0x0] =	sbarrier.arrive $0xFFFF  }
0x17a: {  	s29 =	rddreg [dreg:$0xb]  }
0x17b: {  	[tilespmem:s3], [sflag:$0x1] =	stream.linear.gather [hbm4b:s29+s3], $0x1400, $0x38;
	[tilespmem:$0x17C00] =	vst v63  }
0x17c: {  	_ =	swait.ge [sflag:s4], $0x1400  }
0x17d: {  	[sflag:s4] =	ssyncset.done $0x0  }
0x17e: {  	[sflag:s4] =	ssyncadd.s32 $0xFFFFEC00  }
0x17f: {  	[spmem:s20] =	stream.indirect.scatter.add.f32 [tilespmem:s21], [sflag:$0x1], $0x1, s3, s21, $0xb8;
	[tilespmem:$0x17C00] =	vst v63  }
0x180: {  	_ =	swait.ge [sflag:s4], $0x1400  }
0x181: {  	[sflag:s4] =	ssyncset.done $0x0  }
0x182: {  	s30 =	rddreg [dreg:$0xc];
	[sflag:s4] =	ssyncadd.s32 $0xFFFFEC00  }
0x183: {  	[tilespmem:s3], [sflag:$0x1] =	stream.linear.gather [hbm4b:s30+s3], $0x1400, $0x38;
	[tilespmem:$0x17C00] =	vst v63  }
0x184: {  	_ =	swait.ge [sflag:s4], $0x1400  }
0x185: {  	[sflag:s4] =	ssyncset.done $0x0  }
0x186: {  	[sflag:s4] =	ssyncadd.s32 $0xFFFFEC00  }
0x187: {  	[spmem:s17] =	stream.indirect.scatter.add.f32 [tilespmem:s21], [sflag:$0x1], $0x1, s3, s21, $0xb8;
	[tilespmem:$0x17C00] =	vst v63  }
0x188: {  	_ =	swait.ge [sflag:s4], $0x1400  }
0x189: {  	[sflag:s4] =	ssyncset.done $0x0  }
0x18a: {  	s31 =	rddreg [dreg:$0xd];
	[sflag:s4] =	ssyncadd.s32 $0xFFFFEC00  }
0x18b: {  	[tilespmem:s3], [sflag:$0x1] =	stream.linear.gather [hbm4b:s31+s3], $0x1400, $0x38;
	[tilespmem:$0x17C00] =	vst v63  }
0x18c: {  	_ =	swait.ge [sflag:s4], $0x1400  }
0x18d: {  	[sflag:s4] =	ssyncset.done $0x0  }
0x18e: {  	[sflag:s4] =	ssyncadd.s32 $0xFFFFEC00  }
0x18f: {  	[spmem:s16] =	stream.indirect.scatter.add.f32 [tilespmem:s21], [sflag:$0x1], $0x1, s3, s21, $0xb8;
	[tilespmem:$0x17C00] =	vst v63  }
0x190: {  	_ =	swait.ge [sflag:s4], $0x1400  }
0x191: {  	[sflag:s4] =	ssyncset.done $0x0  }
0x192: {  	s16 =	rddreg [dreg:$0xe];
	[sflag:s4] =	ssyncadd.s32 $0xFFFFEC00  }
0x193: {  	[tilespmem:s3], [sflag:$0x1] =	stream.linear.gather [hbm4b:s16+s3], $0x1400, $0x38;
	[tilespmem:$0x17C00] =	vst v63  }
0x194: {  	_ =	swait.ge [sflag:s4], $0x1400  }
0x195: {  	[sflag:s4] =	ssyncset.done $0x0  }
0x196: {  	[sflag:s4] =	ssyncadd.s32 $0xFFFFEC00  }
0x197: {  	[spmem:s14] =	stream.indirect.scatter.add.f32 [tilespmem:s21], [sflag:$0x1], $0x1, s3, s21, $0xb8;
	[tilespmem:$0x17C00] =	vst v63  }
0x198: {  	_ =	swait.ge [sflag:s4], $0x1400  }
0x199: {  	[sflag:s4] =	ssyncset.done $0x0  }
0x19a: {  	s17 =	rddreg [dreg:$0xf];
	[sflag:s4] =	ssyncadd.s32 $0xFFFFEC00  }
0x19b: {  	[tilespmem:s3], [sflag:$0x1] =	stream.linear.gather [hbm4b:s17+s3], $0x1400, $0x38;
	[tilespmem:$0x17C00] =	vst v63  }
0x19c: {  	_ =	swait.ge [sflag:s4], $0x1400  }
0x19d: {  	[sflag:s4] =	ssyncset.done $0x0  }
0x19e: {  	[sflag:s4] =	ssyncadd.s32 $0xFFFFEC00  }
0x19f: {  	[spmem:s12] =	stream.indirect.scatter.add.f32 [tilespmem:s21], [sflag:$0x1], $0x1, s3, s21, $0xb8;
	[tilespmem:$0x17C00] =	vst v63  }
0x1a0: {  	_ =	swait.ge [sflag:s4], $0x1400  }
0x1a1: {  	[sflag:s4] =	ssyncset.done $0x0  }
0x1a2: {  	s20 =	rddreg [dreg:$0x10];
	[sflag:s4] =	ssyncadd.s32 $0xFFFFEC00  }
0x1a3: {  	[tilespmem:s3], [sflag:$0x1] =	stream.linear.gather [hbm4b:s20+s3], $0x1400, $0x38;
	[tilespmem:$0x17C00] =	vst v63  }
0x1a4: {  	_ =	swait.ge [sflag:s4], $0x1400  }
0x1a5: {  	[sflag:s4] =	ssyncset.done $0x0  }
0x1a6: {  	[sflag:s4] =	ssyncadd.s32 $0xFFFFEC00  }
0x1a7: {  	[spmem:s10] =	stream.indirect.scatter.add.f32 [tilespmem:s21], [sflag:$0x1], $0x1, s3, s21, $0xb8;
	[tilespmem:$0x17C00] =	vst v63  }
0x1a8: {  	_ =	swait.ge [sflag:s4], $0x1400  }
0x1a9: {  	[sflag:s4] =	ssyncset.done $0x0  }
0x1aa: {  	[sflag:s4] =	ssyncadd.s32 $0xFFFFEC00  }
0x1ab: {  	[bflag:$0x0] =	sbarrier.arrive $0xFFFF  }
0x1ac: {  	[tilespmem:s6], [sflag:$0x1] =	stream.linear.gather [spmem:s19], $0x280, $0x38;
	[tilespmem:$0x17C00] =	vst v63  }
0x1ad: {  	_ =	swait.ge [sflag:s4], $0x280  }
0x1ae: {  	[sflag:s4] =	ssyncset.done $0x0  }
0x1af: {  	s22 =	rddreg [dreg:$0x11];
	[sflag:s4] =	ssyncadd.s32 $0xFFFFFD80  }
0x1b0: {  	[tilespmem:s7], [sflag:$0x1] =	stream.linear.gather [hbm4b:s22+s3], $0x280, $0x38;
	[tilespmem:$0x17C00] =	vst v63  }
0x1b1: {  	_ =	swait.ge [sflag:s4], $0x280  }
0x1b2: {  	[sflag:s4] =	ssyncset.done $0x0  }
0x1b3: {  	[sflag:s4] =	ssyncadd.s32 $0xFFFFFD80  }
0x1b4: {  	[spmem:s2] =	stream.indirect.scatter [tilespmem:s6], [sflag:$0x1], $0x1, s7, s8, $0xb8;
	[tilespmem:$0x17C00] =	vst v63  }
0x1b5: {  	_ =	swait.ge [sflag:s4], $0x280  }
0x1b6: {  	[sflag:s4] =	ssyncset.done $0x0  }
0x1b7: {  	[sflag:s4] =	ssyncadd.s32 $0xFFFFFD80  }
0x1b8: {  	[tilespmem:s6], [sflag:$0x1] =	stream.linear.gather [spmem:s18], $0x280, $0x38;
	[tilespmem:$0x17C00] =	vst v63  }
0x1b9: {  	_ =	swait.ge [sflag:s4], $0x280  }
0x1ba: {  	[sflag:s4] =	ssyncset.done $0x0  }
0x1bb: {  	s25 =	rddreg [dreg:$0x12];
	[sflag:s4] =	ssyncadd.s32 $0xFFFFFD80  }
0x1bc: {  	[tilespmem:s7], [sflag:$0x1] =	stream.linear.gather [hbm4b:s25+s3], $0x280, $0x38;
	[tilespmem:$0x17C00] =	vst v63  }
0x1bd: {  	_ =	swait.ge [sflag:s4], $0x280  }
0x1be: {  	[sflag:s4] =	ssyncset.done $0x0  }
0x1bf: {  	[sflag:s4] =	ssyncadd.s32 $0xFFFFFD80  }
0x1c0: {  	[spmem:s2] =	stream.indirect.scatter [tilespmem:s6], [sflag:$0x1], $0x1, s7, s8, $0xb8;
	[tilespmem:$0x17C00] =	vst v63  }
0x1c1: {  	_ =	swait.ge [sflag:s4], $0x280  }
0x1c2: {  	[sflag:s4] =	ssyncset.done $0x0  }
0x1c3: {  	[sflag:s4] =	ssyncadd.s32 $0xFFFFFD80  }
0x1c4: {  	[tilespmem:s6], [sflag:$0x1] =	stream.linear.gather [spmem:s15], $0x280, $0x38;
	[tilespmem:$0x17C00] =	vst v63  }
0x1c5: {  	_ =	swait.ge [sflag:s4], $0x280  }
0x1c6: {  	[sflag:s4] =	ssyncset.done $0x0  }
0x1c7: {  	s26 =	rddreg [dreg:$0x13];
	[sflag:s4] =	ssyncadd.s32 $0xFFFFFD80  }
0x1c8: {  	[tilespmem:s7], [sflag:$0x1] =	stream.linear.gather [hbm4b:s26+s3], $0x280, $0x38;
	[tilespmem:$0x17C00] =	vst v63  }
0x1c9: {  	_ =	swait.ge [sflag:s4], $0x280  }
0x1ca: {  	[sflag:s4] =	ssyncset.done $0x0  }
0x1cb: {  	[sflag:s4] =	ssyncadd.s32 $0xFFFFFD80  }
0x1cc: {  	[spmem:s2] =	stream.indirect.scatter [tilespmem:s6], [sflag:$0x1], $0x1, s7, s8, $0xb8;
	[tilespmem:$0x17C00] =	vst v63  }
0x1cd: {  	_ =	swait.ge [sflag:s4], $0x280  }
0x1ce: {  	[sflag:s4] =	ssyncset.done $0x0  }
0x1cf: {  	[sflag:s4] =	ssyncadd.s32 $0xFFFFFD80  }
0x1d0: {  	[tilespmem:s6], [sflag:$0x1] =	stream.linear.gather [spmem:s13], $0x280, $0x38;
	[tilespmem:$0x17C00] =	vst v63  }
0x1d1: {  	_ =	swait.ge [sflag:s4], $0x280  }
0x1d2: {  	[sflag:s4] =	ssyncset.done $0x0  }
0x1d3: {  	s28 =	rddreg [dreg:$0x14];
	[sflag:s4] =	ssyncadd.s32 $0xFFFFFD80  }
0x1d4: {  	[tilespmem:s7], [sflag:$0x1] =	stream.linear.gather [hbm4b:s28+s3], $0x280, $0x38;
	[tilespmem:$0x17C00] =	vst v63  }
0x1d5: {  	_ =	swait.ge [sflag:s4], $0x280  }
0x1d6: {  	[sflag:s4] =	ssyncset.done $0x0  }
0x1d7: {  	[sflag:s4] =	ssyncadd.s32 $0xFFFFFD80  }
0x1d8: {  	[spmem:s2] =	stream.indirect.scatter [tilespmem:s6], [sflag:$0x1], $0x1, s7, s8, $0xb8;
	[tilespmem:$0x17C00] =	vst v63  }
0x1d9: {  	_ =	swait.ge [sflag:s4], $0x280  }
0x1da: {  	[sflag:s4] =	ssyncset.done $0x0  }
0x1db: {  	[sflag:s4] =	ssyncadd.s32 $0xFFFFFD80  }
0x1dc: {  	[tilespmem:s6], [sflag:$0x1] =	stream.linear.gather [spmem:s11], $0x280, $0x38;
	[tilespmem:$0x17C00] =	vst v63  }
0x1dd: {  	_ =	swait.ge [sflag:s4], $0x280  }
0x1de: {  	[sflag:s4] =	ssyncset.done $0x0  }
0x1df: {  	s29 =	rddreg [dreg:$0x15];
	[sflag:s4] =	ssyncadd.s32 $0xFFFFFD80  }
0x1e0: {  	[tilespmem:s7], [sflag:$0x1] =	stream.linear.gather [hbm4b:s29+s3], $0x280, $0x38;
	[tilespmem:$0x17C00] =	vst v63  }
0x1e1: {  	_ =	swait.ge [sflag:s4], $0x280  }
0x1e2: {  	[sflag:s4] =	ssyncset.done $0x0  }
0x1e3: {  	[sflag:s4] =	ssyncadd.s32 $0xFFFFFD80  }
0x1e4: {  	[spmem:s2] =	stream.indirect.scatter [tilespmem:s6], [sflag:$0x1], $0x1, s7, s8, $0xb8;
	[tilespmem:$0x17C00] =	vst v63  }
0x1e5: {  	_ =	swait.ge [sflag:s4], $0x280  }
0x1e6: {  	[sflag:s4] =	ssyncset.done $0x0  }
0x1e7: {  	[sflag:s4] =	ssyncadd.s32 $0xFFFFFD80  }
0x1e8: {  	[tilespmem:s6], [sflag:$0x1] =	stream.linear.gather [spmem:s9], $0x280, $0x38;
	[tilespmem:$0x17C00] =	vst v63  }
0x1e9: {  	_ =	swait.ge [sflag:s4], $0x280  }
0x1ea: {  	[sflag:s4] =	ssyncset.done $0x0  }
0x1eb: {  	s30 =	rddreg [dreg:$0x16];
	[sflag:s4] =	ssyncadd.s32 $0xFFFFFD80  }
0x1ec: {  	[tilespmem:s7], [sflag:$0x1] =	stream.linear.gather [hbm4b:s30+s3], $0x280, $0x38;
	[tilespmem:$0x17C00] =	vst v63  }
0x1ed: {  	_ =	swait.ge [sflag:s4], $0x280  }
0x1ee: {  	[sflag:s4] =	ssyncset.done $0x0  }
0x1ef: {  	[sflag:s4] =	ssyncadd.s32 $0xFFFFFD80  }
0x1f0: {  	[spmem:s2] =	stream.indirect.scatter [tilespmem:s6], [sflag:$0x1], $0x1, s7, s8, $0xb8;
	[tilespmem:$0x17C00] =	vst v63  }
0x1f1: {  	_ =	swait.ge [sflag:s4], $0x280  }
0x1f2: {  	[sflag:s4] =	ssyncset.done $0x0  }
0x1f3: {  	[sflag:s4] =	ssyncadd.s32 $0xFFFFFD80  }
0x1f4: {  	[bflag:$0x0] =	sbarrier.arrive $0xFFFF  }
0x1f5: {  	s31 =	rddreg [dreg:$0x17]  }
0x1f6: {  	[hbm:s31], [sflag:s23] =	dma.local [spmem:s5], $0x2800  }
0x1f7: {  	_ =	swait.ge [sflag:s4], $0x2800  }
0x1f8: {  	[sflag:s4] =	ssyncset.done $0x0  }
0x1f9: {  	[sflag:s4] =	ssyncadd.s32 $0xFFFFD800  }
0x1fa: {  	_ =	sfence.sel $0x180000  }
0x1fb: {  	[bflag:$0x0] =	sbarrier.arrive $0xFFFF  }
0x1fc: {  	p0 =	sne.s32 s1, $0x0;
	_ =	strace $0x90000047  }
0x1fd: {  	s0 =	sadd.s32 @!p0 $0x100000, s24;
	[bflag:$0x2] =	sbarrier.arrive $0xFFFF  }
0x1fe: {  	[sflag:s0] =	ssyncadd.tile.s32 @!p0 $0x1;
	_ =	shalt  }
.LBB2_2:
.Ltmp3:
0x1ff: {  	(pc) =	sbr.rel .LBB2_5-.Ltmp3, $2  }
0x200: {  	_ =	sdelay $0x2  }
0x201: {  	s24 =	rddreg [dreg:$0x9]  }
.Lfunc_end2:
_tile_overlayer_lowered:
.L_overlay_start_2:
0x202: {  	(tag) =	ssettag $0x2  }
0x203: {  	s0 =	rddreg [dreg:$0x0];
	s2 =	stileid.u32  }
0x204: {  	s1 =	rddreg [dreg:$0x1];
	p0 =	sne.s32 s2, $0x0  }
0x205: {  	s3 =	rddreg [dreg:$0x2];
	[bflag:$0x3] =	sbarrier.arrive $0xFFFF;
	s2 =	simm.s32 @!p0 $0x1C01  }
0x206: {  	[timem:s3], [sflag:s2] =	dma.local @!p0 [hbm:s0], s1  }
0x207: {  	s0 =	simm.s32 @!p0 $0x1  }
0x208: {  	_ =	swait.ge @!p0 [sflag:s0], s1  }
0x209: {  	s1 =	ssub.s32 @!p0 $0x0, s1;
	[sflag:s0] =	ssyncset.done @!p0 $0x0  }
0x20a: {  	[sflag:s0] =	ssyncadd.s32 @!p0 s1  }
0x20b: {  	[bflag:$0x3] =	sbarrier.arrive $0xFFFF  }
0x20c: {  	_ =	shalt  }

// kernel: kernel.13.cloned.1.call-start
scs
__scs_entry_jumppad:
0x0: {  	(pc) =	sbr.rel $0x88, $3  }
0x1: {  	(tag) =	ssettag $0x0;
	lr =	simm.s32 $0x1  }
0x2: {  	[smem:$0x3F89] =	sst lr;
	_ =	strace $0xD0000000  }
0x3: {  	_ = 	snop  }
0x4: {  	_ = 	snop  }
0x5: {  	_ = 	snop  }
0x6: {  	_ = 	snop  }
0x7: {  	_ = 	snop  }
__scs_overlays_trampoline_lowered:
0x8: {  	[smem:$0x3F98] =	sst s0  }
0x9: {  	[smem:$0x3F99] =	sst s1  }
0xa: {  	[smem:$0x3F9A] =	sst s2  }
0xb: {  	[smem:$0x3F9B] =	sst s3  }
0xc: {  	[smem:$0x3F9C] =	sst s4  }
0xd: {  	[smem:$0x3F9D] =	sst s5  }
0xe: {  	[smem:$0x3F9E] =	sst s6  }
0xf: {  	[smem:$0x3F9F] =	sst s7  }
0x10: {  	[smem:$0x3FA0] =	sst s8  }
0x11: {  	[smem:$0x3FA1] =	sst s9;
	s0 =	simm.s32 @!p0 $0x0  }
0x12: {  	s1 =	sld [smem:$0x3F87];
	s0 =	simm.s32 @p0 $0x1  }
0x13: {  	[smem:$0x3FA2] =	sst s0;
	s0 =	simm.s32 @!p1 $0x0  }
0x14: {  	s2 =	sld [smem:$0x3F86];
	s0 =	simm.s32 @p1 $0x1  }
0x15: {  	[smem:$0x3FA3] =	sst s0;
	s0 =	simm.s32 @!p2 $0x0  }
0x16: {  	s3 =	sld [smem:$0x3FDB];
	s0 =	simm.s32 @p2 $0x1  }
0x17: {  	s4 =	simm.s32 $0x1BF5;
	[smem:$0x3FA5] =	sst s0  }
0x18: {  	s0 =	sld [smem:$0x3F88];
	_ =	swait.ge [sflag:s4], $0x0  }
0x19: {  	s7 =	sld [smem:$0x3F89]  }
0x1a: {  	s8 =	sadd.s32 $0xFFFFE003, lr  }
0x1b: {  	s9 =	sadd.s32 $0xFFFFFEF7, lr;
	s5 =	simm.s32 $0xFFFFFFFF;
	p2 =	slt.u32 s8, $0xFFFFF086  }
0x1c: {  	p1 =	slt.u32 s9, $0xF7A;
	s5 =	simm.s32 @!p2 $0x0  }
0x1d: {  	s5 =	simm.s32 @p1 $0x1;
	p0 =	seq.s32 s7, s2  }
0x1e: {  	s7 =	smul.u32 @!p0 $0xF7A, s2;
	p2 =	seq.s32 @!p0 s5, $0x0  }
0x1f: {  	s9 =	smul.u32 $0xF7A, s1;
	s8 =	simm.s32 @!p0 $0x1BF5;
	p2 =	por !p2, p0  }
0x20: {  	[sflag:s8] =	ssyncset.s32 @!p0 $0xFFFFF086;
	s6 =	sadd.s32 @!p0 s3, s7;
	s7 =	simm.s32 @!p0 $0x108  }
0x21: {  	s3 =	sadd.s32 s3, s9;
	s6 =	sadd.s32 @!p0 $0x88, s6;
	s7 =	simm.s32 @p2 $0x1082  }
0x22: {  	[simem:s7], [sflag:s8] =	dma.local @!p0 [hbm:s6], $0xF7A  }
0x23: {  	s9 =	sor.u32 $0xD0000000, s2;
	s6 =	simm.s32 $0x108;
	_ =	swait.ge @!p0 [sflag:s8], $0x0  }
0x24: {  	s3 =	sadd.s32 $0x88, s3;
	s6 =	simm.s32 @!p1 $0x1082;
	[sflag:s4] =	ssyncset.s32 $0xFFFFF086  }
0x25: {  	[simem:s6], [sflag:s4] =	dma.local [hbm:s3], $0xF7A  }
0x26: {  	[smem:$0x3F89] =	sst s1;
	(tag) =	ssettag s2;
	_ =	strace s9  }
0x27: {  	s1 =	sld [smem:$0x3F99]  }
0x28: {  	s2 =	sld [smem:$0x3F9A]  }
0x29: {  	s4 =	sld [smem:$0x3F9C]  }
0x2a: {  	p0 =	seq.s32 s5, $0x0;
	s5 =	sld [smem:$0x3F9D]  }
0x2b: {  	s6 =	sld [smem:$0x3F9E]  }
0x2c: {  	s7 =	sld [smem:$0x3F9F]  }
0x2d: {  	s3 =	simm.s32 $0x108;
	s8 =	sld [smem:$0x3FA0]  }
0x2e: {  	s3 =	simm.s32 @!p0 $0x1082;
	s9 =	sld [smem:$0x3FA1]  }
0x2f: {  	lr =	sadd.s32 s0, s3;
	s0 =	sld [smem:$0x3F98]  }
0x30: {  	s3 =	sld [smem:$0x3F9B]  }
0x31: {  	[smem:$0x3FA4] =	sst s10  }
0x32: {  	s10 =	sld [smem:$0x3FA2];
	_ =	sdelay $0x3  }
0x33: {  	p0 =	seq.s32 s10, $0x1;
	s10 =	sld [smem:$0x3FA4];
	_ =	sdelay $0x3  }
0x34: {  	[smem:$0x3FA4] =	sst s10  }
0x35: {  	s10 =	sld [smem:$0x3FA3];
	_ =	sdelay $0x3  }
0x36: {  	p1 =	seq.s32 s10, $0x1;
	s10 =	sld [smem:$0x3FA4];
	_ =	sdelay $0x3  }
0x37: {  	[smem:$0x3FA4] =	sst s10  }
0x38: {  	s10 =	sld [smem:$0x3FA5]  }
0x39: {  	_ = 	snop;
	(pc) =	sbr.ind lr, $3  }
0x3a: {  	_ = 	snop  }
0x3b: {  	_ = 	snop  }
0x3c: {  	p2 =	seq.s32 s10, $0x1;
	s10 =	sld [smem:$0x3FA4]  }
0x3d: {  	_ =	shalt  }
0x3e: {  	_ =	shalt  }
0x3f: {  	_ =	shalt  }
0x40: {  	_ =	shalt  }
0x41: {  	_ =	shalt  }
0x42: {  	_ =	shalt  }
0x43: {  	_ =	shalt  }
0x44: {  	_ =	shalt  }
0x45: {  	_ =	shalt  }
0x46: {  	_ =	shalt  }
0x47: {  	_ =	shalt  }
0x48: {  	_ =	shalt  }
0x49: {  	_ =	shalt  }
0x4a: {  	_ =	shalt  }
0x4b: {  	_ =	shalt  }
0x4c: {  	_ =	shalt  }
0x4d: {  	_ =	shalt  }
0x4e: {  	_ =	shalt  }
0x4f: {  	_ =	shalt  }
0x50: {  	_ =	shalt  }
0x51: {  	_ =	shalt  }
0x52: {  	_ =	shalt  }
0x53: {  	_ =	shalt  }
0x54: {  	_ =	shalt  }
0x55: {  	_ =	shalt  }
0x56: {  	_ =	shalt  }
0x57: {  	_ =	shalt  }
0x58: {  	_ =	shalt  }
0x59: {  	_ =	shalt  }
0x5a: {  	_ =	shalt  }
0x5b: {  	_ =	shalt  }
0x5c: {  	_ =	shalt  }
0x5d: {  	_ =	shalt  }
0x5e: {  	_ =	shalt  }
0x5f: {  	_ =	shalt  }
0x60: {  	_ =	shalt  }
0x61: {  	_ =	shalt  }
0x62: {  	_ =	shalt  }
0x63: {  	_ =	shalt  }
0x64: {  	_ =	shalt  }
0x65: {  	_ =	shalt  }
0x66: {  	_ =	shalt  }
0x67: {  	_ =	shalt  }
0x68: {  	_ =	shalt  }
0x69: {  	_ =	shalt  }
0x6a: {  	_ =	shalt  }
0x6b: {  	_ =	shalt  }
0x6c: {  	_ =	shalt  }
0x6d: {  	_ =	shalt  }
0x6e: {  	_ =	shalt  }
0x6f: {  	_ =	shalt  }
0x70: {  	_ =	shalt  }
0x71: {  	_ =	shalt  }
0x72: {  	_ =	shalt  }
0x73: {  	_ =	shalt  }
0x74: {  	_ =	shalt  }
0x75: {  	_ =	shalt  }
0x76: {  	_ =	shalt  }
0x77: {  	_ =	shalt  }
0x78: {  	_ =	shalt  }
0x79: {  	_ =	shalt  }
0x7a: {  	_ =	shalt  }
0x7b: {  	_ =	shalt  }
0x7c: {  	_ =	shalt  }
0x7d: {  	_ =	shalt  }
0x7e: {  	_ =	shalt  }
0x7f: {  	_ =	shalt  }
0x80: {  	_ =	shalt  }
0x81: {  	_ =	shalt  }
0x82: {  	_ =	shalt  }
0x83: {  	_ =	shalt  }
0x84: {  	_ =	shalt  }
0x85: {  	_ =	shalt  }
0x86: {  	_ =	shalt  }
0x87: {  	_ =	shalt  }
.Lfunc_end0:
.L_simem_size_0:
called_computation.1_lowered:
.L_overlay_start_0:
0x88: {  	s2 =	sld [smem:$0x3FD9]  }
0x89: {  	s3 =	sld [smem:$0x3FFE];
	_ =	sdelay $0x1  }
0x8a: {  	s1 =	srdreg.scid  }
0x8b: {  	s0 =	sand.u32 $0x1, s1  }
0x8c: {  	s17 =	sshll.u32 s0, $0xA;
	s2 =	sadd.s32 s3, s2  }
0x8d: {  	s2 =	sadd.s32 s2, s17  }
0x8e: {  	[smem:$0x3FB0] =	sst s2  }
0x8f: {  	_ = 	snop  }
0x90: {  	s2 =	sld [smem:$0x3FD0];
	(tm) =	ssettm $0x1  }
0x91: {  	s18 =	sld [smem:$0x3FFB];
	_ =	sdelay $0x3  }
0x92: {  	_ =	strace s18  }
0x93: {  	s3 =	sld [smem:$0x3FFC];
	_ =	sdelay $0x3  }
0x94: {  	_ =	strace s3  }
0x95: {  	s3 =	sld [smem:$0x3FFD];
	_ =	sdelay $0x3  }
0x96: {  	_ =	strace s3  }
0x97: {  	_ =	strace $0x8FFFFFFF  }
0x98: {  	s19 =	sld [smem:$0x3FDB];
	_ =	sdelay $0x1  }
0x99: {  	s4 =	simm.s32 $_scs_section_size  }
0x9a: {  	s5 =	simm.s32 $_size__tile_overlayer_lowered;
	s6 =	simm.s32 $_tile_overlayer_lowered  }
0x9b: {  	s22 =	simm.s32 $0x1BFF;
	s21 =	sshll.u32 s6, $0x1;
	s3 =	sadd.s32 s4, s19  }
0x9c: {  	s7 =	simm.s32 $0x0;
	s20 =	sshll.u32 s5, $0x1;
	s5 =	sadd.s32 s21, s3  }
0x9d: {  	[timem:s7], [sflag:s22] =	dma.local [hbm:s5], s20  }
0x9e: {  	_ =	swait.ge [sflag:s22], s20  }
0x9f: {  	s4 =	ssub.s32 $0x0, s20;
	[sflag:s22] =	ssyncset.done $0x0  }
0xa0: {  	[sflag:s22] =	ssyncadd.s32 s4;
	_ =	sdelay $0x1  }
0xa1: {  	s23 =	simm.s32 $0x1B8B  }
0xa2: {  	_ =	swait.ge [sflag:s23], $0x1  }
0xa3: {  	[sflag:s23] =	ssyncset.done $0x0  }
0xa4: {  	s25 =	simm.s32 $0x1B8E;
	s24 =	sld [smem:$0x3FFE];
	[sflag:s23] =	ssyncadd.s32 $0xFFFFFFFF  }
0xa5: {  	s26 =	simm.s32 $execute0_lowered;
	[smem:$0x3FD2] =	sst s25  }
0xa6: {  	s5 =	sshll.u32 s26, $0x1;
	_ =	strace $0x80000049;
	[dreg:$0x1] =	wrdreg $0xFFFFFFFF  }
0xa7: {  	s28 =	simm.s32 $_size_execute0_lowered;
	s3 =	sadd.s32 s3, s5;
	[dreg:$0x0] =	wrdreg $0x0  }
0xa8: {  	s5 =	sshll.u32 s28, $0x1;
	[dreg:$0x2] =	wrdreg s3  }
0xa9: {  	[dreg:$0x3] =	wrdreg s5  }
0xaa: {  	[dreg:$0x4] =	wrdreg $0xC0  }
0xab: {  	_ =	task [dreg:s7], $0x5FFFF  }
0xac: {  	[dreg:$0x1] =	wrdreg $0xFFFFFFFF  }
0xad: {  	[dreg:$0x0] =	wrdreg $0x60  }
0xae: {  	[dreg:$0x2] =	wrdreg s2  }
0xaf: {  	[dreg:$0x3] =	wrdreg s24  }
0xb0: {  	[dreg:$0x4] =	wrdreg $0xA8000  }
0xb1: {  	[dreg:$0x5] =	wrdreg $0x9  }
0xb2: {  	_ =	task.clear_ibuf [dreg:s7], $0x6FFFF;
	_ =	strace $0x90000049  }
0xb3: {  	s29 =	simm.s32 $0x9;
	_ =	strace $0x8000004B  }
0xb4: {  	_ =	swait.ge [sflag:s29], $0x1  }
0xb5: {  	[sflag:s29] =	ssyncadd.s32 $0xFFFFFFFF  }
0xb6: {  	_ =	strace $0x9000004B  }
0xb7: {  	_ =	sfence  }
0xb8: {  	s30 =	sld [smem:$0x0];
	_ =	sdelay $0x2  }
0xb9: {  	s31 =	sshll.u32 s1, $0xD;
	s1 =	sshrl.u32 s1, $0x2  }
0xba: {  	s3 =	sand.u32 $0x4000, s31;
	s1 =	sadd.s32 s1, s30  }
0xbb: {  	s0 =	sor.u32 s3, s0;
	s1 =	sshll.u32 s1, $0x11  }
0xbc: {  	s0 =	sor.u32 s1, s0  }
0xbd: {  	s0 =	sadd.s32 $0x8F2B, s0  }
0xbe: {  	[sflag:s0] =	ssyncadd.remote.s32 $0x1  }
0xbf: {  	_ =	sfence.sel $0xFFFF  }
0xc0: {  	[dreg:$0x0] =	wrdreg $0xFFFFFFFF;
	(pc) =	sbr.abs _section_cstart, $3  }
0xc1: {  	[dreg:$0x1] =	wrdreg $0xFFFFFFFF  }
0xc2: {  	_ =	task.clear_ibuf [dreg:s7], $0x2FFFF;
	_ =	strace $0x9FFFFFFF  }
0xc3: {  	(tm) =	ssettm $0x7FFFFFFF  }
tec
execute0_lowered:
.L_overlay_start_1:
0x0: {  	(tag) =	ssettag $0x1  }
0x1: {  	s1 =	rddreg [dreg:$0x0]  }
0x2: {  	s0 =	rddreg [dreg:$0x1]  }
0x3: {  	s2 =	rddreg [dreg:$0x2];
	s4 =	simm.s32 $0x0;
	s12 =	stileid.u32  }
0x4: {  	s3 =	srdreg.scid;
	s19 =	simm.s32 $0x3;
	s20 =	simm.s32 $0x1400  }
0x5: {  	s21 =	simm.s32 $0x7D;
	s28 =	simm.s32 $0x2700;
	s29 =	simm.s32 $0x2780  }
0x6: {  	s30 =	simm.s32 $0x0;
	[smem:$0x7FF] =	sst s4;
	s5 =	sadd.s32 $0x8BA00, s0  }
0x7: {  	s6 =	sadd.s32 $0xB2C00, s0;
	s7 =	smul.u32 $0x13C00, s12;
	s3 =	sand.u32 $0x1, s3  }
0x8: {  	s8 =	sadd.s32 $0x6DA00, s0;
	s13 =	sadd.s32 $0x77A00, s0;
	s25 =	smul.u32 $0x4F000, s12  }
0x9: {  	s16 =	sadd.s32 $0x81A00, s0;
	s9 =	smul.u32 $0x13C000, s3;
	s10 =	sshll.u32 s3, $0x4  }
0xa: {  	_ =	strace $0x8000004A;
	s3 =	ssub.s32 $0x2, s3;
	s10 =	sor.u32 s12, s10  }
0xb: {  	s11 =	sshrl.u32 s7, $0x3;
	s24 =	sshrl.u32 s3, $0x1;
	s7 =	sadd.s32 s7, s9  }
0xc: {  	s22 =	smul.u32 $0x1400, s10;
	s23 =	sadd.s32 s11, s0;
	s3 =	ssub.s32 s3, s24  }
0xd: {  	s9 =	sshrl.u32 s25, $0x2;
	s24 =	simm.s32 $0x6800;
	s25 =	simm.s32 $0x1  }
0xe: {  	s7 =	sshrl.u32 s7, $0x3;
	s9 =	sadd.s32 s9, s2;
	s10 =	sadd.s32 $0xD9E00, s23  }
0xf: {  	s18 =	smax.u32 s3, $0x1;
	s23 =	simm.s32 $0x80;
	s15 =	sshrl.u32 s22, $0x3  }
0x10: {  	s0 =	sadd.s32 s7, s0;
	s22 =	simm.s32 $0x2800;
	s26 =	sadd.s32 $0x5000, s15  }
0x11: {  	s31 =	sadd.s32 s8, s15;
	s11 =	sadd.s32 $0x101600, s0;
	s12 =	sadd.s32 s13, s15  }
0x12: {  	s14 =	sadd.s32 $0x150600, s0;
	s15 =	sadd.s32 s16, s15;
	s17 =	sadd.s32 $0x19F600, s0  }
0x13: {  	[dreg:$0x4] =	wrdreg s31;
	s8 =	sadd.s32 s8, s26;
	s13 =	sadd.s32 s13, s26  }
0x14: {  	s16 =	sadd.s32 s16, s26;
	s26 =	simm.s32 $0x2;
	[dreg:$0x5] =	wrdreg s8  }
.LBB2_1:
0x15: {  	s0 =	rddreg [dreg:$0x4]  }
0x16: {  	[tilespmem:s4], [sflag:$0x3] =	stream.linear.gather [hbm4b:s0+s4], $0x1400, $0x38;
	[tilespmem:$0x1E400] =	vst v63  }
0x17: {  	_ =	swait.ge [sflag:s19], $0x1400  }
0x18: {  	[sflag:s19] =	ssyncset.done $0x0  }
0x19: {  	s8 =	rddreg [dreg:$0x5];
	[sflag:s19] =	ssyncadd.s32 $0xFFFFEC00  }
0x1a: {  	[tilespmem:s20], [sflag:$0x3] =	stream.linear.gather [hbm4b:s8+s4], $0x1400, $0x38;
	[tilespmem:$0x1E400] =	vst v63  }
0x1b: {  	s3 =	stileid.u32;
	_ =	swait.ge [sflag:s19], $0x1400  }
0x1c: {  	s0 =	sshll.u32 s3, $0x6;
	[sflag:s19] =	ssyncset.done $0x0  }
0x1d: {  	s31 =	sor.u32 $0x1C03, s0;
	s0 =	sshrl.u32 s9, $0x3;
	[sflag:s19] =	ssyncadd.s32 $0xFFFFEC00  }
0x1e: {  	[spmem:s0], [sflag:s31] =	dma.local [hbm:s10], $0x2780  }
0x1f: {  	_ =	swait.ge [sflag:s19], $0x2780  }
0x20: {  	[sflag:s19] =	ssyncset.done $0x0  }
0x21: {  	[sflag:s19] =	ssyncadd.s32 $0xFFFFD880  }
0x22: {  	[bflag:$0x0] =	sbarrier.arrive $0xFFFF  }
0x23: {  	[tilespmem:s22], [sflag:$0x1] =	stream.indirect.gather [hbm4b:s1+s21], $0x80, s4, s21, $0xb8;
	[tilespmem:$0x1E400] =	vst v63  }
0x24: {  	_ = 	snop  }
0x25: {  	[tilespmem:s24], [sflag:$0x2] =	stream.indirect.gather [hbm4b:s1+s21], $0x80, s23, s21, $0xb8;
	[tilespmem:$0x1E400] =	vst v63  }
0x26: {  	_ =	swait.ge [sflag:s25], $0x3E80  }
0x27: {  	[sflag:s25] =	ssyncset.done $0x0  }
0x28: {  	s3 =	simm.s32 $0x1400;
	[sflag:s25] =	ssyncadd.s32 $0xFFFFC180  }
0x29: {  	[spmem:s2] =	stream.indirect.scatter.add.f32 [tilespmem:s22], [sflag:$0x3], $0x80, s3, s21, $0xb8;
	[tilespmem:$0x1E400] =	vst v63  }
0x2a: {  	_ =	swait.ge [sflag:s19], $0x3E80  }
0x2b: {  	[sflag:s19] =	ssyncset.done $0x0  }
0x2c: {  	s7 =	simm.s32 $0x100;
	[sflag:s19] =	ssyncadd.s32 $0xFFFFC180  }
0x2d: {  	[tilespmem:s22], [sflag:$0x1] =	stream.indirect.gather [hbm4b:s1+s21], $0x80, s7, s21, $0xb8;
	[tilespmem:$0x1E400] =	vst v63  }
0x2e: {  	_ =	swait.ge [sflag:s26], $0x3E80  }
0x2f: {  	[sflag:s26] =	ssyncset.done $0x0  }
0x30: {  	s8 =	simm.s32 $0x1480;
	[sflag:s26] =	ssyncadd.s32 $0xFFFFC180  }
0x31: {  	[spmem:s2] =	stream.indirect.scatter.add.f32 [tilespmem:s24], [sflag:$0x3], $0x80, s8, s21, $0xb8;
	[tilespmem:$0x1E400] =	vst v63  }
0x32: {  	_ =	swait.ge [sflag:s19], $0x3E80  }
0x33: {  	[sflag:s19] =	ssyncset.done $0x0  }
0x34: {  	s3 =	simm.s32 $0x400;
	s7 =	simm.s32 $0x180;
	[sflag:s19] =	ssyncadd.s32 $0xFFFFC180  }
.LBB2_2:
0x35: {  	[tilespmem:s24], [sflag:$0x2] =	stream.indirect.gather [hbm4b:s1+s21], $0x80, s7, s21, $0xb8;
	[tilespmem:$0x1E400] =	vst v63  }
0x36: {  	s7 =	smov.u32 s3  }
0x37: {  	p0 =	sne.s32 s3, $0x4800;
	s3 =	sadd.s32 $0x400, s3;
	_ =	swait.ge [sflag:s25], $0x3E80  }
0x38: {  	s7 =	sshra.s32 s7, $0x2;
	[sflag:s25] =	ssyncset.done $0x0  }
0x39: {  	s8 =	sadd.s32 $0x1400, s7;
	[sflag:s25] =	ssyncadd.s32 $0xFFFFC180  }
0x3a: {  	[spmem:s2] =	stream.indirect.scatter.add.f32 [tilespmem:s22], [sflag:$0x3], $0x80, s8, s21, $0xb8;
	[tilespmem:$0x1E400] =	vst v63  }
0x3b: {  	_ =	swait.ge [sflag:s19], $0x3E80  }
0x3c: {  	[sflag:s19] =	ssyncset.done $0x0  }
0x3d: {  	s8 =	sadd.s32 $0x100, s7;
	[sflag:s19] =	ssyncadd.s32 $0xFFFFC180  }
0x3e: {  	[tilespmem:s22], [sflag:$0x1] =	stream.indirect.gather [hbm4b:s1+s21], $0x80, s8, s21, $0xb8;
	[tilespmem:$0x1E400] =	vst v63  }
0x3f: {  	_ =	swait.ge [sflag:s26], $0x3E80  }
0x40: {  	[sflag:s26] =	ssyncset.done $0x0  }
.Ltmp0:
0x41: {  	s8 =	sadd.s32 $0x1480, s7;
	[sflag:s26] =	ssyncadd.s32 $0xFFFFC180;
	(pc) =	sbr.rel @p0 .LBB2_2-.Ltmp0, $4  }
0x42: {  	[spmem:s2] =	stream.indirect.scatter.add.f32 [tilespmem:s24], [sflag:$0x3], $0x80, s8, s21, $0xb8;
	[tilespmem:$0x1E400] =	vst v63  }
0x43: {  	_ =	swait.ge [sflag:s19], $0x3E80  }
0x44: {  	[sflag:s19] =	ssyncset.done $0x0  }
0x45: {  	s7 =	sadd.s32 $0x180, s7;
	[sflag:s19] =	ssyncadd.s32 $0xFFFFC180  }
0x46: {  	[tilespmem:s24], [sflag:$0x2] =	stream.indirect.gather [hbm4b:s1+s21], $0x80, s7, s21, $0xb8;
	[tilespmem:$0x1E400] =	vst v63  }
0x47: {  	_ =	swait.ge [sflag:s25], $0x3E80  }
0x48: {  	[sflag:s25] =	ssyncset.done $0x0  }
0x49: {  	[sflag:s25] =	ssyncadd.s32 $0xFFFFC180  }
0x4a: {  	[spmem:s2] =	stream.indirect.scatter.add.f32 [tilespmem:s22], [sflag:$0x3], $0x80, s28, s21, $0xb8;
	[tilespmem:$0x1E400] =	vst v63  }
0x4b: {  	_ =	swait.ge [sflag:s19], $0x3E80  }
0x4c: {  	[sflag:s19] =	ssyncset.done $0x0  }
0x4d: {  	[sflag:s19] =	ssyncadd.s32 $0xFFFFC180  }
0x4e: {  	_ =	swait.ge [sflag:s26], $0x3E80  }
0x4f: {  	[sflag:s26] =	ssyncset.done $0x0  }
0x50: {  	[sflag:s26] =	ssyncadd.s32 $0xFFFFC180  }
0x51: {  	[spmem:s2] =	stream.indirect.scatter.add.f32 [tilespmem:s24], [sflag:$0x3], $0x80, s29, s21, $0xb8;
	[tilespmem:$0x1E400] =	vst v63  }
0x52: {  	_ =	swait.ge [sflag:s19], $0x3E80  }
0x53: {  	[sflag:s19] =	ssyncset.done $0x0  }
0x54: {  	[sflag:s19] =	ssyncadd.s32 $0xFFFFC180  }
0x55: {  	[bflag:$0x0] =	sbarrier.arrive $0xFFFF  }
0x56: {  	[hbm:s11], [sflag:s31] =	dma.local [spmem:s0], $0x2780  }
0x57: {  	_ =	swait.ge [sflag:s19], $0x2780  }
0x58: {  	[sflag:s19] =	ssyncset.done $0x0  }
0x59: {  	s3 =	simm.s32 $0x0;
	[sflag:s19] =	ssyncadd.s32 $0xFFFFD880  }
0x5a: {  	[tilespmem:s3], [sflag:$0x3] =	stream.linear.gather [hbm4b:s12+s3], $0x1400, $0x38;
	[tilespmem:$0x1E400] =	vst v63  }
0x5b: {  	_ =	swait.ge [sflag:s19], $0x1400  }
0x5c: {  	[sflag:s19] =	ssyncset.done $0x0  }
0x5d: {  	[sflag:s19] =	ssyncadd.s32 $0xFFFFEC00  }
0x5e: {  	[tilespmem:s20], [sflag:$0x3] =	stream.linear.gather [hbm4b:s13+s3], $0x1400, $0x38;
	[tilespmem:$0x1E400] =	vst v63  }
0x5f: {  	_ =	swait.ge [sflag:s19], $0x1400  }
0x60: {  	[sflag:s19] =	ssyncset.done $0x0  }
0x61: {  	[sflag:s19] =	ssyncadd.s32 $0xFFFFEC00  }
0x62: {  	[spmem:s0], [sflag:s31] =	dma.local [hbm:s10], $0x2780  }
0x63: {  	_ =	swait.ge [sflag:s19], $0x2780  }
0x64: {  	[sflag:s19] =	ssyncset.done $0x0  }
0x65: {  	[sflag:s19] =	ssyncadd.s32 $0xFFFFD880  }
0x66: {  	[bflag:$0x0] =	sbarrier.arrive $0xFFFF  }
0x67: {  	[tilespmem:s22], [sflag:$0x1] =	stream.indirect.gather [hbm4b:s5+s21], $0x80, s3, s21, $0xb8;
	[tilespmem:$0x1E400] =	vst v63  }
0x68: {  	_ = 	snop  }
0x69: {  	[tilespmem:s24], [sflag:$0x2] =	stream.indirect.gather [hbm4b:s5+s21], $0x80, s23, s21, $0xb8;
	[tilespmem:$0x1E400] =	vst v63  }
0x6a: {  	_ =	swait.ge [sflag:s25], $0x3E80  }
0x6b: {  	[sflag:s25] =	ssyncset.done $0x0  }
0x6c: {  	s8 =	simm.s32 $0x1400;
	[sflag:s25] =	ssyncadd.s32 $0xFFFFC180  }
0x6d: {  	[spmem:s2] =	stream.indirect.scatter.add.f32 [tilespmem:s22], [sflag:$0x3], $0x80, s8, s21, $0xb8;
	[tilespmem:$0x1E400] =	vst v63  }
0x6e: {  	_ =	swait.ge [sflag:s19], $0x3E80  }
0x6f: {  	[sflag:s19] =	ssyncset.done $0x0  }
0x70: {  	s7 =	simm.s32 $0x100;
	[sflag:s19] =	ssyncadd.s32 $0xFFFFC180  }
0x71: {  	[tilespmem:s22], [sflag:$0x1] =	stream.indirect.gather [hbm4b:s5+s21], $0x80, s7, s21, $0xb8;
	[tilespmem:$0x1E400] =	vst v63  }
0x72: {  	_ =	swait.ge [sflag:s26], $0x3E80  }
0x73: {  	[sflag:s26] =	ssyncset.done $0x0  }
0x74: {  	s8 =	simm.s32 $0x1480;
	[sflag:s26] =	ssyncadd.s32 $0xFFFFC180  }
0x75: {  	[spmem:s2] =	stream.indirect.scatter.add.f32 [tilespmem:s24], [sflag:$0x3], $0x80, s8, s21, $0xb8;
	[tilespmem:$0x1E400] =	vst v63  }
0x76: {  	_ =	swait.ge [sflag:s19], $0x3E80  }
0x77: {  	[sflag:s19] =	ssyncset.done $0x0  }
0x78: {  	s3 =	simm.s32 $0x400;
	s7 =	simm.s32 $0x180;
	[sflag:s19] =	ssyncadd.s32 $0xFFFFC180  }
.LBB2_4:
0x79: {  	[tilespmem:s24], [sflag:$0x2] =	stream.indirect.gather [hbm4b:s5+s21], $0x80, s7, s21, $0xb8;
	[tilespmem:$0x1E400] =	vst v63  }
0x7a: {  	s7 =	smov.u32 s3  }
0x7b: {  	p0 =	sne.s32 s3, $0x4800;
	s3 =	sadd.s32 $0x400, s3;
	_ =	swait.ge [sflag:s25], $0x3E80  }
0x7c: {  	s7 =	sshra.s32 s7, $0x2;
	[sflag:s25] =	ssyncset.done $0x0  }
0x7d: {  	s8 =	sadd.s32 $0x1400, s7;
	[sflag:s25] =	ssyncadd.s32 $0xFFFFC180  }
0x7e: {  	[spmem:s2] =	stream.indirect.scatter.add.f32 [tilespmem:s22], [sflag:$0x3], $0x80, s8, s21, $0xb8;
	[tilespmem:$0x1E400] =	vst v63  }
0x7f: {  	_ =	swait.ge [sflag:s19], $0x3E80  }
0x80: {  	[sflag:s19] =	ssyncset.done $0x0  }
0x81: {  	s8 =	sadd.s32 $0x100, s7;
	[sflag:s19] =	ssyncadd.s32 $0xFFFFC180  }
0x82: {  	[tilespmem:s22], [sflag:$0x1] =	stream.indirect.gather [hbm4b:s5+s21], $0x80, s8, s21, $0xb8;
	[tilespmem:$0x1E400] =	vst v63  }
0x83: {  	_ =	swait.ge [sflag:s26], $0x3E80  }
0x84: {  	[sflag:s26] =	ssyncset.done $0x0  }
.Ltmp1:
0x85: {  	s8 =	sadd.s32 $0x1480, s7;
	[sflag:s26] =	ssyncadd.s32 $0xFFFFC180;
	(pc) =	sbr.rel @p0 .LBB2_4-.Ltmp1, $4  }
0x86: {  	[spmem:s2] =	stream.indirect.scatter.add.f32 [tilespmem:s24], [sflag:$0x3], $0x80, s8, s21, $0xb8;
	[tilespmem:$0x1E400] =	vst v63  }
0x87: {  	_ =	swait.ge [sflag:s19], $0x3E80  }
0x88: {  	[sflag:s19] =	ssyncset.done $0x0  }
0x89: {  	s7 =	sadd.s32 $0x180, s7;
	[sflag:s19] =	ssyncadd.s32 $0xFFFFC180  }
0x8a: {  	[tilespmem:s24], [sflag:$0x2] =	stream.indirect.gather [hbm4b:s5+s21], $0x80, s7, s21, $0xb8;
	[tilespmem:$0x1E400] =	vst v63  }
0x8b: {  	_ =	swait.ge [sflag:s25], $0x3E80  }
0x8c: {  	[sflag:s25] =	ssyncset.done $0x0  }
0x8d: {  	[sflag:s25] =	ssyncadd.s32 $0xFFFFC180  }
0x8e: {  	[spmem:s2] =	stream.indirect.scatter.add.f32 [tilespmem:s22], [sflag:$0x3], $0x80, s28, s21, $0xb8;
	[tilespmem:$0x1E400] =	vst v63  }
0x8f: {  	_ =	swait.ge [sflag:s19], $0x3E80  }
0x90: {  	[sflag:s19] =	ssyncset.done $0x0  }
0x91: {  	[sflag:s19] =	ssyncadd.s32 $0xFFFFC180  }
0x92: {  	_ =	swait.ge [sflag:s26], $0x3E80  }
0x93: {  	[sflag:s26] =	ssyncset.done $0x0  }
0x94: {  	[sflag:s26] =	ssyncadd.s32 $0xFFFFC180  }
0x95: {  	[spmem:s2] =	stream.indirect.scatter.add.f32 [tilespmem:s24], [sflag:$0x3], $0x80, s29, s21, $0xb8;
	[tilespmem:$0x1E400] =	vst v63  }
0x96: {  	_ =	swait.ge [sflag:s19], $0x3E80  }
0x97: {  	[sflag:s19] =	ssyncset.done $0x0  }
0x98: {  	[sflag:s19] =	ssyncadd.s32 $0xFFFFC180  }
0x99: {  	[bflag:$0x0] =	sbarrier.arrive $0xFFFF  }
0x9a: {  	[hbm:s14], [sflag:s31] =	dma.local [spmem:s0], $0x2780  }
0x9b: {  	_ =	swait.ge [sflag:s19], $0x2780  }
0x9c: {  	[sflag:s19] =	ssyncset.done $0x0  }
0x9d: {  	s3 =	simm.s32 $0x0;
	[sflag:s19] =	ssyncadd.s32 $0xFFFFD880  }
0x9e: {  	[tilespmem:s3], [sflag:$0x3] =	stream.linear.gather [hbm4b:s15+s3], $0x1400, $0x38;
	[tilespmem:$0x1E400] =	vst v63  }
0x9f: {  	_ =	swait.ge [sflag:s19], $0x1400  }
0xa0: {  	[sflag:s19] =	ssyncset.done $0x0  }
0xa1: {  	[sflag:s19] =	ssyncadd.s32 $0xFFFFEC00  }
0xa2: {  	[tilespmem:s20], [sflag:$0x3] =	stream.linear.gather [hbm4b:s16+s3], $0x1400, $0x38;
	[tilespmem:$0x1E400] =	vst v63  }
0xa3: {  	_ =	swait.ge [sflag:s19], $0x1400  }
0xa4: {  	[sflag:s19] =	ssyncset.done $0x0  }
0xa5: {  	[sflag:s19] =	ssyncadd.s32 $0xFFFFEC00  }
0xa6: {  	[spmem:s0], [sflag:s31] =	dma.local [hbm:s10], $0x2780  }
0xa7: {  	_ =	swait.ge [sflag:s19], $0x2780  }
0xa8: {  	[sflag:s19] =	ssyncset.done $0x0  }
0xa9: {  	[sflag:s19] =	ssyncadd.s32 $0xFFFFD880  }
0xaa: {  	[bflag:$0x0] =	sbarrier.arrive $0xFFFF  }
0xab: {  	[tilespmem:s22], [sflag:$0x1] =	stream.indirect.gather [hbm4b:s6+s21], $0x80, s3, s21, $0xb8;
	[tilespmem:$0x1E400] =	vst v63  }
0xac: {  	_ = 	snop  }
0xad: {  	[tilespmem:s24], [sflag:$0x2] =	stream.indirect.gather [hbm4b:s6+s21], $0x80, s23, s21, $0xb8;
	[tilespmem:$0x1E400] =	vst v63  }
0xae: {  	_ =	swait.ge [sflag:s25], $0x3E80  }
0xaf: {  	[sflag:s25] =	ssyncset.done $0x0  }
0xb0: {  	s8 =	simm.s32 $0x1400;
	[sflag:s25] =	ssyncadd.s32 $0xFFFFC180  }
0xb1: {  	[spmem:s2] =	stream.indirect.scatter.add.f32 [tilespmem:s22], [sflag:$0x3], $0x80, s8, s21, $0xb8;
	[tilespmem:$0x1E400] =	vst v63  }
0xb2: {  	_ =	swait.ge [sflag:s19], $0x3E80  }
0xb3: {  	[sflag:s19] =	ssyncset.done $0x0  }
0xb4: {  	s7 =	simm.s32 $0x100;
	[sflag:s19] =	ssyncadd.s32 $0xFFFFC180  }
0xb5: {  	[tilespmem:s22], [sflag:$0x1] =	stream.indirect.gather [hbm4b:s6+s21], $0x80, s7, s21, $0xb8;
	[tilespmem:$0x1E400] =	vst v63  }
0xb6: {  	_ =	swait.ge [sflag:s26], $0x3E80  }
0xb7: {  	[sflag:s26] =	ssyncset.done $0x0  }
0xb8: {  	s8 =	simm.s32 $0x1480;
	[sflag:s26] =	ssyncadd.s32 $0xFFFFC180  }
0xb9: {  	[spmem:s2] =	stream.indirect.scatter.add.f32 [tilespmem:s24], [sflag:$0x3], $0x80, s8, s21, $0xb8;
	[tilespmem:$0x1E400] =	vst v63  }
0xba: {  	_ =	swait.ge [sflag:s19], $0x3E80  }
0xbb: {  	[sflag:s19] =	ssyncset.done $0x0  }
0xbc: {  	s3 =	simm.s32 $0x400;
	s7 =	simm.s32 $0x180;
	[sflag:s19] =	ssyncadd.s32 $0xFFFFC180  }
.LBB2_6:
0xbd: {  	[tilespmem:s24], [sflag:$0x2] =	stream.indirect.gather [hbm4b:s6+s21], $0x80, s7, s21, $0xb8;
	[tilespmem:$0x1E400] =	vst v63  }
0xbe: {  	s7 =	smov.u32 s3  }
0xbf: {  	p0 =	sne.s32 s3, $0x4800;
	s3 =	sadd.s32 $0x400, s3;
	_ =	swait.ge [sflag:s25], $0x3E80  }
0xc0: {  	s7 =	sshra.s32 s7, $0x2;
	[sflag:s25] =	ssyncset.done $0x0  }
0xc1: {  	s8 =	sadd.s32 $0x1400, s7;
	[sflag:s25] =	ssyncadd.s32 $0xFFFFC180  }
0xc2: {  	[spmem:s2] =	stream.indirect.scatter.add.f32 [tilespmem:s22], [sflag:$0x3], $0x80, s8, s21, $0xb8;
	[tilespmem:$0x1E400] =	vst v63  }
0xc3: {  	_ =	swait.ge [sflag:s19], $0x3E80  }
0xc4: {  	[sflag:s19] =	ssyncset.done $0x0  }
0xc5: {  	s8 =	sadd.s32 $0x100, s7;
	[sflag:s19] =	ssyncadd.s32 $0xFFFFC180  }
0xc6: {  	[tilespmem:s22], [sflag:$0x1] =	stream.indirect.gather [hbm4b:s6+s21], $0x80, s8, s21, $0xb8;
	[tilespmem:$0x1E400] =	vst v63  }
0xc7: {  	_ =	swait.ge [sflag:s26], $0x3E80  }
0xc8: {  	[sflag:s26] =	ssyncset.done $0x0  }
.Ltmp2:
0xc9: {  	s8 =	sadd.s32 $0x1480, s7;
	[sflag:s26] =	ssyncadd.s32 $0xFFFFC180;
	(pc) =	sbr.rel @p0 .LBB2_6-.Ltmp2, $4  }
0xca: {  	[spmem:s2] =	stream.indirect.scatter.add.f32 [tilespmem:s24], [sflag:$0x3], $0x80, s8, s21, $0xb8;
	[tilespmem:$0x1E400] =	vst v63  }
0xcb: {  	_ =	swait.ge [sflag:s19], $0x3E80  }
0xcc: {  	[sflag:s19] =	ssyncset.done $0x0  }
0xcd: {  	s7 =	sadd.s32 $0x180, s7;
	[sflag:s19] =	ssyncadd.s32 $0xFFFFC180  }
0xce: {  	[tilespmem:s24], [sflag:$0x2] =	stream.indirect.gather [hbm4b:s6+s21], $0x80, s7, s21, $0xb8;
	[tilespmem:$0x1E400] =	vst v63  }
0xcf: {  	_ =	swait.ge [sflag:s25], $0x3E80  }
0xd0: {  	[sflag:s25] =	ssyncset.done $0x0  }
0xd1: {  	[sflag:s25] =	ssyncadd.s32 $0xFFFFC180  }
0xd2: {  	[spmem:s2] =	stream.indirect.scatter.add.f32 [tilespmem:s22], [sflag:$0x3], $0x80, s28, s21, $0xb8;
	[tilespmem:$0x1E400] =	vst v63  }
0xd3: {  	_ =	swait.ge [sflag:s19], $0x3E80  }
0xd4: {  	[sflag:s19] =	ssyncset.done $0x0  }
0xd5: {  	[sflag:s19] =	ssyncadd.s32 $0xFFFFC180  }
0xd6: {  	_ =	swait.ge [sflag:s26], $0x3E80  }
0xd7: {  	[sflag:s26] =	ssyncset.done $0x0  }
0xd8: {  	[sflag:s26] =	ssyncadd.s32 $0xFFFFC180  }
0xd9: {  	[spmem:s2] =	stream.indirect.scatter.add.f32 [tilespmem:s24], [sflag:$0x3], $0x80, s29, s21, $0xb8;
	[tilespmem:$0x1E400] =	vst v63  }
0xda: {  	_ =	swait.ge [sflag:s19], $0x3E80  }
0xdb: {  	s30 =	sadd.s32 $0x1, s30;
	[sflag:s19] =	ssyncset.done $0x0  }
0xdc: {  	p0 =	sne.s32 s30, s18;
	[sflag:s19] =	ssyncadd.s32 $0xFFFFC180  }
.Ltmp3:
0xdd: {  	[bflag:$0x0] =	sbarrier.arrive $0xFFFF;
	(pc) =	sbr.rel @p0 .LBB2_1-.Ltmp3, $4  }
0xde: {  	[hbm:s17], [sflag:s31] =	dma.local [spmem:s0], $0x2780  }
0xdf: {  	_ =	swait.ge [sflag:s19], $0x2780  }
0xe0: {  	[sflag:s19] =	ssyncset.done $0x0  }
0xe1: {  	[sflag:s19] =	ssyncadd.s32 $0xFFFFD880  }
0xe2: {  	_ =	sfence.sel $0x180000  }
0xe3: {  	[bflag:$0x0] =	sbarrier.arrive $0xFFFF  }
0xe4: {  	_ =	strace $0x9000004A  }
0xe5: {  	s0 =	stileid.u32;
	[bflag:$0x2] =	sbarrier.arrive $0xFFFF  }
0xe6: {  	p0 =	sne.s32 s0, $0x0;
	s0 =	rddreg [dreg:$0x3]  }
0xe7: {  	s0 =	sadd.s32 @!p0 $0x100000, s0  }
0xe8: {  	[sflag:s0] =	ssyncadd.tile.s32 @!p0 $0x1;
	_ =	shalt  }
.Lfunc_end2:
_tile_overlayer_lowered:
.L_overlay_start_2:
0xe9: {  	(tag) =	ssettag $0x2  }
0xea: {  	s0 =	rddreg [dreg:$0x0];
	s2 =	stileid.u32  }
0xeb: {  	s1 =	rddreg [dreg:$0x1];
	p0 =	sne.s32 s2, $0x0  }
0xec: {  	s3 =	rddreg [dreg:$0x2];
	[bflag:$0x3] =	sbarrier.arrive $0xFFFF;
	s2 =	simm.s32 @!p0 $0x1C03  }
0xed: {  	[timem:s3], [sflag:s2] =	dma.local @!p0 [hbm:s0], s1  }
0xee: {  	s0 =	simm.s32 @!p0 $0x3  }
0xef: {  	_ =	swait.ge @!p0 [sflag:s0], s1  }
0xf0: {  	s1 =	ssub.s32 @!p0 $0x0, s1;
	[sflag:s0] =	ssyncset.done @!p0 $0x0  }
0xf1: {  	[sflag:s0] =	ssyncadd.s32 @!p0 s1  }
0xf2: {  	[bflag:$0x3] =	sbarrier.arrive $0xFFFF  }
0xf3: {  	_ =	shalt  }

// kernel: kernel.16.cloned.1.call-start
scs
__scs_entry_jumppad:
0x0: {  	(pc) =	sbr.rel $0x88, $3  }
0x1: {  	(tag) =	ssettag $0x0;
	lr =	simm.s32 $0x1  }
0x2: {  	[smem:$0x3F89] =	sst lr;
	_ =	strace $0xD0000000  }
0x3: {  	_ = 	snop  }
0x4: {  	_ = 	snop  }
0x5: {  	_ = 	snop  }
0x6: {  	_ = 	snop  }
0x7: {  	_ = 	snop  }
__scs_overlays_trampoline_lowered:
0x8: {  	[smem:$0x3F98] =	sst s0  }
0x9: {  	[smem:$0x3F99] =	sst s1  }
0xa: {  	[smem:$0x3F9A] =	sst s2  }
0xb: {  	[smem:$0x3F9B] =	sst s3  }
0xc: {  	[smem:$0x3F9C] =	sst s4  }
0xd: {  	[smem:$0x3F9D] =	sst s5  }
0xe: {  	[smem:$0x3F9E] =	sst s6  }
0xf: {  	[smem:$0x3F9F] =	sst s7  }
0x10: {  	[smem:$0x3FA0] =	sst s8  }
0x11: {  	[smem:$0x3FA1] =	sst s9;
	s0 =	simm.s32 @!p0 $0x0  }
0x12: {  	s1 =	sld [smem:$0x3F87];
	s0 =	simm.s32 @p0 $0x1  }
0x13: {  	[smem:$0x3FA2] =	sst s0;
	s0 =	simm.s32 @!p1 $0x0  }
0x14: {  	s2 =	sld [smem:$0x3F86];
	s0 =	simm.s32 @p1 $0x1  }
0x15: {  	[smem:$0x3FA3] =	sst s0;
	s0 =	simm.s32 @!p2 $0x0  }
0x16: {  	s3 =	sld [smem:$0x3FDB];
	s0 =	simm.s32 @p2 $0x1  }
0x17: {  	s4 =	simm.s32 $0x1BF5;
	[smem:$0x3FA5] =	sst s0  }
0x18: {  	s0 =	sld [smem:$0x3F88];
	_ =	swait.ge [sflag:s4], $0x0  }
0x19: {  	s7 =	sld [smem:$0x3F89]  }
0x1a: {  	s8 =	sadd.s32 $0xFFFFE003, lr  }
0x1b: {  	s9 =	sadd.s32 $0xFFFFFEF7, lr;
	s5 =	simm.s32 $0xFFFFFFFF;
	p2 =	slt.u32 s8, $0xFFFFF086  }
0x1c: {  	p1 =	slt.u32 s9, $0xF7A;
	s5 =	simm.s32 @!p2 $0x0  }
0x1d: {  	s5 =	simm.s32 @p1 $0x1;
	p0 =	seq.s32 s7, s2  }
0x1e: {  	s7 =	smul.u32 @!p0 $0xF7A, s2;
	p2 =	seq.s32 @!p0 s5, $0x0  }
0x1f: {  	s9 =	smul.u32 $0xF7A, s1;
	s8 =	simm.s32 @!p0 $0x1BF5;
	p2 =	por !p2, p0  }
0x20: {  	[sflag:s8] =	ssyncset.s32 @!p0 $0xFFFFF086;
	s6 =	sadd.s32 @!p0 s3, s7;
	s7 =	simm.s32 @!p0 $0x108  }
0x21: {  	s3 =	sadd.s32 s3, s9;
	s6 =	sadd.s32 @!p0 $0x88, s6;
	s7 =	simm.s32 @p2 $0x1082  }
0x22: {  	[simem:s7], [sflag:s8] =	dma.local @!p0 [hbm:s6], $0xF7A  }
0x23: {  	s9 =	sor.u32 $0xD0000000, s2;
	s6 =	simm.s32 $0x108;
	_ =	swait.ge @!p0 [sflag:s8], $0x0  }
0x24: {  	s3 =	sadd.s32 $0x88, s3;
	s6 =	simm.s32 @!p1 $0x1082;
	[sflag:s4] =	ssyncset.s32 $0xFFFFF086  }
0x25: {  	[simem:s6], [sflag:s4] =	dma.local [hbm:s3], $0xF7A  }
0x26: {  	[smem:$0x3F89] =	sst s1;
	(tag) =	ssettag s2;
	_ =	strace s9  }
0x27: {  	s1 =	sld [smem:$0x3F99]  }
0x28: {  	s2 =	sld [smem:$0x3F9A]  }
0x29: {  	s4 =	sld [smem:$0x3F9C]  }
0x2a: {  	p0 =	seq.s32 s5, $0x0;
	s5 =	sld [smem:$0x3F9D]  }
0x2b: {  	s6 =	sld [smem:$0x3F9E]  }
0x2c: {  	s7 =	sld [smem:$0x3F9F]  }
0x2d: {  	s3 =	simm.s32 $0x108;
	s8 =	sld [smem:$0x3FA0]  }
0x2e: {  	s3 =	simm.s32 @!p0 $0x1082;
	s9 =	sld [smem:$0x3FA1]  }
0x2f: {  	lr =	sadd.s32 s0, s3;
	s0 =	sld [smem:$0x3F98]  }
0x30: {  	s3 =	sld [smem:$0x3F9B]  }
0x31: {  	[smem:$0x3FA4] =	sst s10  }
0x32: {  	s10 =	sld [smem:$0x3FA2];
	_ =	sdelay $0x3  }
0x33: {  	p0 =	seq.s32 s10, $0x1;
	s10 =	sld [smem:$0x3FA4];
	_ =	sdelay $0x3  }
0x34: {  	[smem:$0x3FA4] =	sst s10  }
0x35: {  	s10 =	sld [smem:$0x3FA3];
	_ =	sdelay $0x3  }
0x36: {  	p1 =	seq.s32 s10, $0x1;
	s10 =	sld [smem:$0x3FA4];
	_ =	sdelay $0x3  }
0x37: {  	[smem:$0x3FA4] =	sst s10  }
0x38: {  	s10 =	sld [smem:$0x3FA5]  }
0x39: {  	_ = 	snop;
	(pc) =	sbr.ind lr, $3  }
0x3a: {  	_ = 	snop  }
0x3b: {  	_ = 	snop  }
0x3c: {  	p2 =	seq.s32 s10, $0x1;
	s10 =	sld [smem:$0x3FA4]  }
0x3d: {  	_ =	shalt  }
0x3e: {  	_ =	shalt  }
0x3f: {  	_ =	shalt  }
0x40: {  	_ =	shalt  }
0x41: {  	_ =	shalt  }
0x42: {  	_ =	shalt  }
0x43: {  	_ =	shalt  }
0x44: {  	_ =	shalt  }
0x45: {  	_ =	shalt  }
0x46: {  	_ =	shalt  }
0x47: {  	_ =	shalt  }
0x48: {  	_ =	shalt  }
0x49: {  	_ =	shalt  }
0x4a: {  	_ =	shalt  }
0x4b: {  	_ =	shalt  }
0x4c: {  	_ =	shalt  }
0x4d: {  	_ =	shalt  }
0x4e: {  	_ =	shalt  }
0x4f: {  	_ =	shalt  }
0x50: {  	_ =	shalt  }
0x51: {  	_ =	shalt  }
0x52: {  	_ =	shalt  }
0x53: {  	_ =	shalt  }
0x54: {  	_ =	shalt  }
0x55: {  	_ =	shalt  }
0x56: {  	_ =	shalt  }
0x57: {  	_ =	shalt  }
0x58: {  	_ =	shalt  }
0x59: {  	_ =	shalt  }
0x5a: {  	_ =	shalt  }
0x5b: {  	_ =	shalt  }
0x5c: {  	_ =	shalt  }
0x5d: {  	_ =	shalt  }
0x5e: {  	_ =	shalt  }
0x5f: {  	_ =	shalt  }
0x60: {  	_ =	shalt  }
0x61: {  	_ =	shalt  }
0x62: {  	_ =	shalt  }
0x63: {  	_ =	shalt  }
0x64: {  	_ =	shalt  }
0x65: {  	_ =	shalt  }
0x66: {  	_ =	shalt  }
0x67: {  	_ =	shalt  }
0x68: {  	_ =	shalt  }
0x69: {  	_ =	shalt  }
0x6a: {  	_ =	shalt  }
0x6b: {  	_ =	shalt  }
0x6c: {  	_ =	shalt  }
0x6d: {  	_ =	shalt  }
0x6e: {  	_ =	shalt  }
0x6f: {  	_ =	shalt  }
0x70: {  	_ =	shalt  }
0x71: {  	_ =	shalt  }
0x72: {  	_ =	shalt  }
0x73: {  	_ =	shalt  }
0x74: {  	_ =	shalt  }
0x75: {  	_ =	shalt  }
0x76: {  	_ =	shalt  }
0x77: {  	_ =	shalt  }
0x78: {  	_ =	shalt  }
0x79: {  	_ =	shalt  }
0x7a: {  	_ =	shalt  }
0x7b: {  	_ =	shalt  }
0x7c: {  	_ =	shalt  }
0x7d: {  	_ =	shalt  }
0x7e: {  	_ =	shalt  }
0x7f: {  	_ =	shalt  }
0x80: {  	_ =	shalt  }
0x81: {  	_ =	shalt  }
0x82: {  	_ =	shalt  }
0x83: {  	_ =	shalt  }
0x84: {  	_ =	shalt  }
0x85: {  	_ =	shalt  }
0x86: {  	_ =	shalt  }
0x87: {  	_ =	shalt  }
.Lfunc_end0:
.L_simem_size_0:
called_computation.2_lowered:
.L_overlay_start_0:
0x88: {  	s2 =	sld [smem:$0x3FD9]  }
0x89: {  	s3 =	sld [smem:$0x3FFE];
	_ =	sdelay $0x1  }
0x8a: {  	s1 =	srdreg.scid  }
0x8b: {  	s0 =	sand.u32 $0x1, s1  }
0x8c: {  	s17 =	sshll.u32 s0, $0xA;
	s2 =	sadd.s32 s3, s2  }
0x8d: {  	s2 =	sadd.s32 s2, s17  }
0x8e: {  	[smem:$0x3FB0] =	sst s2  }
0x8f: {  	_ = 	snop  }
0x90: {  	s2 =	sld [smem:$0x3FD0];
	(tm) =	ssettm $0x1  }
0x91: {  	s18 =	sld [smem:$0x3FFB];
	_ =	sdelay $0x3  }
0x92: {  	_ =	strace s18  }
0x93: {  	s3 =	sld [smem:$0x3FFC];
	_ =	sdelay $0x3  }
0x94: {  	_ =	strace s3  }
0x95: {  	s3 =	sld [smem:$0x3FFD];
	_ =	sdelay $0x3  }
0x96: {  	_ =	strace s3  }
0x97: {  	_ =	strace $0x8FFFFFFF  }
0x98: {  	s19 =	sld [smem:$0x3FDB];
	_ =	sdelay $0x1  }
0x99: {  	s4 =	simm.s32 $_scs_section_size  }
0x9a: {  	s5 =	simm.s32 $_size__tile_overlayer_lowered;
	s6 =	simm.s32 $_tile_overlayer_lowered  }
0x9b: {  	s22 =	simm.s32 $0x1BFF;
	s21 =	sshll.u32 s6, $0x1;
	s3 =	sadd.s32 s4, s19  }
0x9c: {  	s7 =	simm.s32 $0x0;
	s20 =	sshll.u32 s5, $0x1;
	s5 =	sadd.s32 s21, s3  }
0x9d: {  	[timem:s7], [sflag:s22] =	dma.local [hbm:s5], s20  }
0x9e: {  	_ =	swait.ge [sflag:s22], s20  }
0x9f: {  	s4 =	ssub.s32 $0x0, s20;
	[sflag:s22] =	ssyncset.done $0x0  }
0xa0: {  	[sflag:s22] =	ssyncadd.s32 s4;
	_ =	sdelay $0x1  }
0xa1: {  	s23 =	simm.s32 $0x1B8B  }
0xa2: {  	_ =	swait.ge [sflag:s23], $0x1  }
0xa3: {  	[sflag:s23] =	ssyncset.done $0x0  }
0xa4: {  	s25 =	simm.s32 $0x1B8E;
	s24 =	sld [smem:$0x3FFE];
	[sflag:s23] =	ssyncadd.s32 $0xFFFFFFFF  }
0xa5: {  	s26 =	simm.s32 $execute0_lowered;
	[smem:$0x3FD2] =	sst s25  }
0xa6: {  	s5 =	sshll.u32 s26, $0x1;
	_ =	strace $0x8000004C;
	[dreg:$0x1] =	wrdreg $0xFFFFFFFF  }
0xa7: {  	s28 =	simm.s32 $_size_execute0_lowered;
	s3 =	sadd.s32 s3, s5;
	[dreg:$0x0] =	wrdreg $0x0  }
0xa8: {  	s5 =	sshll.u32 s28, $0x1;
	[dreg:$0x2] =	wrdreg s3  }
0xa9: {  	[dreg:$0x3] =	wrdreg s5  }
0xaa: {  	[dreg:$0x4] =	wrdreg $0xC0  }
0xab: {  	_ =	task [dreg:s7], $0x5FFFF  }
0xac: {  	[dreg:$0x1] =	wrdreg $0xFFFFFFFF  }
0xad: {  	[dreg:$0x0] =	wrdreg $0x60  }
0xae: {  	[dreg:$0x2] =	wrdreg s2  }
0xaf: {  	[dreg:$0x3] =	wrdreg s24  }
0xb0: {  	[dreg:$0x4] =	wrdreg $0xA8000  }
0xb1: {  	[dreg:$0x5] =	wrdreg $0x9  }
0xb2: {  	_ =	task.clear_ibuf [dreg:s7], $0x6FFFF;
	_ =	strace $0x9000004C  }
0xb3: {  	s29 =	simm.s32 $0x9;
	_ =	strace $0x8000004E  }
0xb4: {  	_ =	swait.ge [sflag:s29], $0x1  }
0xb5: {  	[sflag:s29] =	ssyncadd.s32 $0xFFFFFFFF  }
0xb6: {  	_ =	strace $0x9000004E  }
0xb7: {  	_ =	sfence  }
0xb8: {  	s30 =	sld [smem:$0x0];
	_ =	sdelay $0x2  }
0xb9: {  	s31 =	sshll.u32 s1, $0xD;
	s1 =	sshrl.u32 s1, $0x2  }
0xba: {  	s3 =	sand.u32 $0x4000, s31;
	s1 =	sadd.s32 s1, s30  }
0xbb: {  	s0 =	sor.u32 s3, s0;
	s1 =	sshll.u32 s1, $0x11  }
0xbc: {  	s0 =	sor.u32 s1, s0  }
0xbd: {  	s0 =	sadd.s32 $0x8F2B, s0  }
0xbe: {  	[sflag:s0] =	ssyncadd.remote.s32 $0x1  }
0xbf: {  	_ =	sfence.sel $0xFFFF  }
0xc0: {  	[dreg:$0x0] =	wrdreg $0xFFFFFFFF;
	(pc) =	sbr.abs _section_cstart, $3  }
0xc1: {  	[dreg:$0x1] =	wrdreg $0xFFFFFFFF  }
0xc2: {  	_ =	task.clear_ibuf [dreg:s7], $0x2FFFF;
	_ =	strace $0x9FFFFFFF  }
0xc3: {  	(tm) =	ssettm $0x7FFFFFFF  }
tec
execute0_lowered:
.L_overlay_start_1:
0x0: {  	(tag) =	ssettag $0x1  }
0x1: {  	s1 =	rddreg [dreg:$0x0]  }
0x2: {  	s0 =	rddreg [dreg:$0x1]  }
0x3: {  	s2 =	rddreg [dreg:$0x2];
	s4 =	simm.s32 $0x0;
	s12 =	stileid.u32  }
0x4: {  	s3 =	srdreg.scid;
	s19 =	simm.s32 $0x3;
	s20 =	simm.s32 $0x1400  }
0x5: {  	s21 =	simm.s32 $0x7D;
	s28 =	simm.s32 $0x2700;
	s29 =	simm.s32 $0x2780  }
0x6: {  	s30 =	simm.s32 $0x0;
	[smem:$0x7FF] =	sst s4;
	s5 =	sadd.s32 $0x8BA00, s0  }
0x7: {  	s6 =	sadd.s32 $0xB2C00, s0;
	s7 =	smul.u32 $0x13C00, s12;
	s3 =	sand.u32 $0x1, s3  }
0x8: {  	s8 =	sadd.s32 $0x6DA00, s0;
	s13 =	sadd.s32 $0x77A00, s0;
	s25 =	smul.u32 $0x4F000, s12  }
0x9: {  	s16 =	sadd.s32 $0x81A00, s0;
	s9 =	smul.u32 $0x13C000, s3;
	s10 =	sshll.u32 s3, $0x4  }
0xa: {  	_ =	strace $0x8000004D;
	s3 =	ssub.s32 $0x2, s3;
	s10 =	sor.u32 s12, s10  }
0xb: {  	s11 =	sshrl.u32 s7, $0x3;
	s24 =	sshrl.u32 s3, $0x1;
	s7 =	sadd.s32 s7, s9  }
0xc: {  	s22 =	smul.u32 $0x1400, s10;
	s23 =	sadd.s32 s11, s0;
	s3 =	ssub.s32 s3, s24  }
0xd: {  	s9 =	sshrl.u32 s25, $0x2;
	s24 =	simm.s32 $0x6800;
	s25 =	simm.s32 $0x1  }
0xe: {  	s7 =	sshrl.u32 s7, $0x3;
	s9 =	sadd.s32 s9, s2;
	s10 =	sadd.s32 $0xD9E00, s23  }
0xf: {  	s18 =	smax.u32 s3, $0x1;
	s23 =	simm.s32 $0x80;
	s15 =	sshrl.u32 s22, $0x3  }
0x10: {  	s0 =	sadd.s32 s7, s0;
	s22 =	simm.s32 $0x2800;
	s26 =	sadd.s32 $0x5000, s15  }
0x11: {  	s31 =	sadd.s32 s8, s15;
	s11 =	sadd.s32 $0x101600, s0;
	s12 =	sadd.s32 s13, s15  }
0x12: {  	s14 =	sadd.s32 $0x150600, s0;
	s15 =	sadd.s32 s16, s15;
	s17 =	sadd.s32 $0x19F600, s0  }
0x13: {  	[dreg:$0x4] =	wrdreg s31;
	s8 =	sadd.s32 s8, s26;
	s13 =	sadd.s32 s13, s26  }
0x14: {  	s16 =	sadd.s32 s16, s26;
	s26 =	simm.s32 $0x2;
	[dreg:$0x5] =	wrdreg s8  }
.LBB2_1:
0x15: {  	s0 =	rddreg [dreg:$0x4]  }
0x16: {  	[tilespmem:s4], [sflag:$0x3] =	stream.linear.gather [hbm4b:s0+s4], $0x1400, $0x38;
	[tilespmem:$0x1E400] =	vst v63  }
0x17: {  	_ =	swait.ge [sflag:s19], $0x1400  }
0x18: {  	[sflag:s19] =	ssyncset.done $0x0  }
0x19: {  	s8 =	rddreg [dreg:$0x5];
	[sflag:s19] =	ssyncadd.s32 $0xFFFFEC00  }
0x1a: {  	[tilespmem:s20], [sflag:$0x3] =	stream.linear.gather [hbm4b:s8+s4], $0x1400, $0x38;
	[tilespmem:$0x1E400] =	vst v63  }
0x1b: {  	s3 =	stileid.u32;
	_ =	swait.ge [sflag:s19], $0x1400  }
0x1c: {  	s0 =	sshll.u32 s3, $0x6;
	[sflag:s19] =	ssyncset.done $0x0  }
0x1d: {  	s31 =	sor.u32 $0x1C03, s0;
	s0 =	sshrl.u32 s9, $0x3;
	[sflag:s19] =	ssyncadd.s32 $0xFFFFEC00  }
0x1e: {  	[spmem:s0], [sflag:s31] =	dma.local [hbm:s10], $0x2780  }
0x1f: {  	_ =	swait.ge [sflag:s19], $0x2780  }
0x20: {  	[sflag:s19] =	ssyncset.done $0x0  }
0x21: {  	[sflag:s19] =	ssyncadd.s32 $0xFFFFD880  }
0x22: {  	[bflag:$0x0] =	sbarrier.arrive $0xFFFF  }
0x23: {  	[tilespmem:s22], [sflag:$0x1] =	stream.indirect.gather [hbm4b:s1+s21], $0x80, s4, s21, $0xb8;
	[tilespmem:$0x1E400] =	vst v63  }
0x24: {  	_ = 	snop  }
0x25: {  	[tilespmem:s24], [sflag:$0x2] =	stream.indirect.gather [hbm4b:s1+s21], $0x80, s23, s21, $0xb8;
	[tilespmem:$0x1E400] =	vst v63  }
0x26: {  	_ =	swait.ge [sflag:s25], $0x3E80  }
0x27: {  	[sflag:s25] =	ssyncset.done $0x0  }
0x28: {  	s3 =	simm.s32 $0x1400;
	[sflag:s25] =	ssyncadd.s32 $0xFFFFC180  }
0x29: {  	[spmem:s2] =	stream.indirect.scatter.add.f32 [tilespmem:s22], [sflag:$0x3], $0x80, s3, s21, $0xb8;
	[tilespmem:$0x1E400] =	vst v63  }
0x2a: {  	_ =	swait.ge [sflag:s19], $0x3E80  }
0x2b: {  	[sflag:s19] =	ssyncset.done $0x0  }
0x2c: {  	s7 =	simm.s32 $0x100;
	[sflag:s19] =	ssyncadd.s32 $0xFFFFC180  }
0x2d: {  	[tilespmem:s22], [sflag:$0x1] =	stream.indirect.gather [hbm4b:s1+s21], $0x80, s7, s21, $0xb8;
	[tilespmem:$0x1E400] =	vst v63  }
0x2e: {  	_ =	swait.ge [sflag:s26], $0x3E80  }
0x2f: {  	[sflag:s26] =	ssyncset.done $0x0  }
0x30: {  	s8 =	simm.s32 $0x1480;
	[sflag:s26] =	ssyncadd.s32 $0xFFFFC180  }
0x31: {  	[spmem:s2] =	stream.indirect.scatter.add.f32 [tilespmem:s24], [sflag:$0x3], $0x80, s8, s21, $0xb8;
	[tilespmem:$0x1E400] =	vst v63  }
0x32: {  	_ =	swait.ge [sflag:s19], $0x3E80  }
0x33: {  	[sflag:s19] =	ssyncset.done $0x0  }
0x34: {  	s3 =	simm.s32 $0x400;
	s7 =	simm.s32 $0x180;
	[sflag:s19] =	ssyncadd.s32 $0xFFFFC180  }
.LBB2_2:
0x35: {  	[tilespmem:s24], [sflag:$0x2] =	stream.indirect.gather [hbm4b:s1+s21], $0x80, s7, s21, $0xb8;
	[tilespmem:$0x1E400] =	vst v63  }
0x36: {  	s7 =	smov.u32 s3  }
0x37: {  	p0 =	sne.s32 s3, $0x4800;
	s3 =	sadd.s32 $0x400, s3;
	_ =	swait.ge [sflag:s25], $0x3E80  }
0x38: {  	s7 =	sshra.s32 s7, $0x2;
	[sflag:s25] =	ssyncset.done $0x0  }
0x39: {  	s8 =	sadd.s32 $0x1400, s7;
	[sflag:s25] =	ssyncadd.s32 $0xFFFFC180  }
0x3a: {  	[spmem:s2] =	stream.indirect.scatter.add.f32 [tilespmem:s22], [sflag:$0x3], $0x80, s8, s21, $0xb8;
	[tilespmem:$0x1E400] =	vst v63  }
0x3b: {  	_ =	swait.ge [sflag:s19], $0x3E80  }
0x3c: {  	[sflag:s19] =	ssyncset.done $0x0  }
0x3d: {  	s8 =	sadd.s32 $0x100, s7;
	[sflag:s19] =	ssyncadd.s32 $0xFFFFC180  }
0x3e: {  	[tilespmem:s22], [sflag:$0x1] =	stream.indirect.gather [hbm4b:s1+s21], $0x80, s8, s21, $0xb8;
	[tilespmem:$0x1E400] =	vst v63  }
0x3f: {  	_ =	swait.ge [sflag:s26], $0x3E80  }
0x40: {  	[sflag:s26] =	ssyncset.done $0x0  }
.Ltmp0:
0x41: {  	s8 =	sadd.s32 $0x1480, s7;
	[sflag:s26] =	ssyncadd.s32 $0xFFFFC180;
	(pc) =	sbr.rel @p0 .LBB2_2-.Ltmp0, $4  }
0x42: {  	[spmem:s2] =	stream.indirect.scatter.add.f32 [tilespmem:s24], [sflag:$0x3], $0x80, s8, s21, $0xb8;
	[tilespmem:$0x1E400] =	vst v63  }
0x43: {  	_ =	swait.ge [sflag:s19], $0x3E80  }
0x44: {  	[sflag:s19] =	ssyncset.done $0x0  }
0x45: {  	s7 =	sadd.s32 $0x180, s7;
	[sflag:s19] =	ssyncadd.s32 $0xFFFFC180  }
0x46: {  	[tilespmem:s24], [sflag:$0x2] =	stream.indirect.gather [hbm4b:s1+s21], $0x80, s7, s21, $0xb8;
	[tilespmem:$0x1E400] =	vst v63  }
0x47: {  	_ =	swait.ge [sflag:s25], $0x3E80  }
0x48: {  	[sflag:s25] =	ssyncset.done $0x0  }
0x49: {  	[sflag:s25] =	ssyncadd.s32 $0xFFFFC180  }
0x4a: {  	[spmem:s2] =	stream.indirect.scatter.add.f32 [tilespmem:s22], [sflag:$0x3], $0x80, s28, s21, $0xb8;
	[tilespmem:$0x1E400] =	vst v63  }
0x4b: {  	_ =	swait.ge [sflag:s19], $0x3E80  }
0x4c: {  	[sflag:s19] =	ssyncset.done $0x0  }
0x4d: {  	[sflag:s19] =	ssyncadd.s32 $0xFFFFC180  }
0x4e: {  	_ =	swait.ge [sflag:s26], $0x3E80  }
0x4f: {  	[sflag:s26] =	ssyncset.done $0x0  }
0x50: {  	[sflag:s26] =	ssyncadd.s32 $0xFFFFC180  }
0x51: {  	[spmem:s2] =	stream.indirect.scatter.add.f32 [tilespmem:s24], [sflag:$0x3], $0x80, s29, s21, $0xb8;
	[tilespmem:$0x1E400] =	vst v63  }
0x52: {  	_ =	swait.ge [sflag:s19], $0x3E80  }
0x53: {  	[sflag:s19] =	ssyncset.done $0x0  }
0x54: {  	[sflag:s19] =	ssyncadd.s32 $0xFFFFC180  }
0x55: {  	[bflag:$0x0] =	sbarrier.arrive $0xFFFF  }
0x56: {  	[hbm:s11], [sflag:s31] =	dma.local [spmem:s0], $0x2780  }
0x57: {  	_ =	swait.ge [sflag:s19], $0x2780  }
0x58: {  	[sflag:s19] =	ssyncset.done $0x0  }
0x59: {  	s3 =	simm.s32 $0x0;
	[sflag:s19] =	ssyncadd.s32 $0xFFFFD880  }
0x5a: {  	[tilespmem:s3], [sflag:$0x3] =	stream.linear.gather [hbm4b:s12+s3], $0x1400, $0x38;
	[tilespmem:$0x1E400] =	vst v63  }
0x5b: {  	_ =	swait.ge [sflag:s19], $0x1400  }
0x5c: {  	[sflag:s19] =	ssyncset.done $0x0  }
0x5d: {  	[sflag:s19] =	ssyncadd.s32 $0xFFFFEC00  }
0x5e: {  	[tilespmem:s20], [sflag:$0x3] =	stream.linear.gather [hbm4b:s13+s3], $0x1400, $0x38;
	[tilespmem:$0x1E400] =	vst v63  }
0x5f: {  	_ =	swait.ge [sflag:s19], $0x1400  }
0x60: {  	[sflag:s19] =	ssyncset.done $0x0  }
0x61: {  	[sflag:s19] =	ssyncadd.s32 $0xFFFFEC00  }
0x62: {  	[spmem:s0], [sflag:s31] =	dma.local [hbm:s10], $0x2780  }
0x63: {  	_ =	swait.ge [sflag:s19], $0x2780  }
0x64: {  	[sflag:s19] =	ssyncset.done $0x0  }
0x65: {  	[sflag:s19] =	ssyncadd.s32 $0xFFFFD880  }
0x66: {  	[bflag:$0x0] =	sbarrier.arrive $0xFFFF  }
0x67: {  	[tilespmem:s22], [sflag:$0x1] =	stream.indirect.gather [hbm4b:s5+s21], $0x80, s3, s21, $0xb8;
	[tilespmem:$0x1E400] =	vst v63  }
0x68: {  	_ = 	snop  }
0x69: {  	[tilespmem:s24], [sflag:$0x2] =	stream.indirect.gather [hbm4b:s5+s21], $0x80, s23, s21, $0xb8;
	[tilespmem:$0x1E400] =	vst v63  }
0x6a: {  	_ =	swait.ge [sflag:s25], $0x3E80  }
0x6b: {  	[sflag:s25] =	ssyncset.done $0x0  }
0x6c: {  	s8 =	simm.s32 $0x1400;
	[sflag:s25] =	ssyncadd.s32 $0xFFFFC180  }
0x6d: {  	[spmem:s2] =	stream.indirect.scatter.add.f32 [tilespmem:s22], [sflag:$0x3], $0x80, s8, s21, $0xb8;
	[tilespmem:$0x1E400] =	vst v63  }
0x6e: {  	_ =	swait.ge [sflag:s19], $0x3E80  }
0x6f: {  	[sflag:s19] =	ssyncset.done $0x0  }
0x70: {  	s7 =	simm.s32 $0x100;
	[sflag:s19] =	ssyncadd.s32 $0xFFFFC180  }
0x71: {  	[tilespmem:s22], [sflag:$0x1] =	stream.indirect.gather [hbm4b:s5+s21], $0x80, s7, s21, $0xb8;
	[tilespmem:$0x1E400] =	vst v63  }
0x72: {  	_ =	swait.ge [sflag:s26], $0x3E80  }
0x73: {  	[sflag:s26] =	ssyncset.done $0x0  }
0x74: {  	s8 =	simm.s32 $0x1480;
	[sflag:s26] =	ssyncadd.s32 $0xFFFFC180  }
0x75: {  	[spmem:s2] =	stream.indirect.scatter.add.f32 [tilespmem:s24], [sflag:$0x3], $0x80, s8, s21, $0xb8;
	[tilespmem:$0x1E400] =	vst v63  }
0x76: {  	_ =	swait.ge [sflag:s19], $0x3E80  }
0x77: {  	[sflag:s19] =	ssyncset.done $0x0  }
0x78: {  	s3 =	simm.s32 $0x400;
	s7 =	simm.s32 $0x180;
	[sflag:s19] =	ssyncadd.s32 $0xFFFFC180  }
.LBB2_4:
0x79: {  	[tilespmem:s24], [sflag:$0x2] =	stream.indirect.gather [hbm4b:s5+s21], $0x80, s7, s21, $0xb8;
	[tilespmem:$0x1E400] =	vst v63  }
0x7a: {  	s7 =	smov.u32 s3  }
0x7b: {  	p0 =	sne.s32 s3, $0x4800;
	s3 =	sadd.s32 $0x400, s3;
	_ =	swait.ge [sflag:s25], $0x3E80  }
0x7c: {  	s7 =	sshra.s32 s7, $0x2;
	[sflag:s25] =	ssyncset.done $0x0  }
0x7d: {  	s8 =	sadd.s32 $0x1400, s7;
	[sflag:s25] =	ssyncadd.s32 $0xFFFFC180  }
0x7e: {  	[spmem:s2] =	stream.indirect.scatter.add.f32 [tilespmem:s22], [sflag:$0x3], $0x80, s8, s21, $0xb8;
	[tilespmem:$0x1E400] =	vst v63  }
0x7f: {  	_ =	swait.ge [sflag:s19], $0x3E80  }
0x80: {  	[sflag:s19] =	ssyncset.done $0x0  }
0x81: {  	s8 =	sadd.s32 $0x100, s7;
	[sflag:s19] =	ssyncadd.s32 $0xFFFFC180  }
0x82: {  	[tilespmem:s22], [sflag:$0x1] =	stream.indirect.gather [hbm4b:s5+s21], $0x80, s8, s21, $0xb8;
	[tilespmem:$0x1E400] =	vst v63  }
0x83: {  	_ =	swait.ge [sflag:s26], $0x3E80  }
0x84: {  	[sflag:s26] =	ssyncset.done $0x0  }
.Ltmp1:
0x85: {  	s8 =	sadd.s32 $0x1480, s7;
	[sflag:s26] =	ssyncadd.s32 $0xFFFFC180;
	(pc) =	sbr.rel @p0 .LBB2_4-.Ltmp1, $4  }
0x86: {  	[spmem:s2] =	stream.indirect.scatter.add.f32 [tilespmem:s24], [sflag:$0x3], $0x80, s8, s21, $0xb8;
	[tilespmem:$0x1E400] =	vst v63  }
0x87: {  	_ =	swait.ge [sflag:s19], $0x3E80  }
0x88: {  	[sflag:s19] =	ssyncset.done $0x0  }
0x89: {  	s7 =	sadd.s32 $0x180, s7;
	[sflag:s19] =	ssyncadd.s32 $0xFFFFC180  }
0x8a: {  	[tilespmem:s24], [sflag:$0x2] =	stream.indirect.gather [hbm4b:s5+s21], $0x80, s7, s21, $0xb8;
	[tilespmem:$0x1E400] =	vst v63  }
0x8b: {  	_ =	swait.ge [sflag:s25], $0x3E80  }
0x8c: {  	[sflag:s25] =	ssyncset.done $0x0  }
0x8d: {  	[sflag:s25] =	ssyncadd.s32 $0xFFFFC180  }
0x8e: {  	[spmem:s2] =	stream.indirect.scatter.add.f32 [tilespmem:s22], [sflag:$0x3], $0x80, s28, s21, $0xb8;
	[tilespmem:$0x1E400] =	vst v63  }
0x8f: {  	_ =	swait.ge [sflag:s19], $0x3E80  }
0x90: {  	[sflag:s19] =	ssyncset.done $0x0  }
0x91: {  	[sflag:s19] =	ssyncadd.s32 $0xFFFFC180  }
0x92: {  	_ =	swait.ge [sflag:s26], $0x3E80  }
0x93: {  	[sflag:s26] =	ssyncset.done $0x0  }
0x94: {  	[sflag:s26] =	ssyncadd.s32 $0xFFFFC180  }
0x95: {  	[spmem:s2] =	stream.indirect.scatter.add.f32 [tilespmem:s24], [sflag:$0x3], $0x80, s29, s21, $0xb8;
	[tilespmem:$0x1E400] =	vst v63  }
0x96: {  	_ =	swait.ge [sflag:s19], $0x3E80  }
0x97: {  	[sflag:s19] =	ssyncset.done $0x0  }
0x98: {  	[sflag:s19] =	ssyncadd.s32 $0xFFFFC180  }
0x99: {  	[bflag:$0x0] =	sbarrier.arrive $0xFFFF  }
0x9a: {  	[hbm:s14], [sflag:s31] =	dma.local [spmem:s0], $0x2780  }
0x9b: {  	_ =	swait.ge [sflag:s19], $0x2780  }
0x9c: {  	[sflag:s19] =	ssyncset.done $0x0  }
0x9d: {  	s3 =	simm.s32 $0x0;
	[sflag:s19] =	ssyncadd.s32 $0xFFFFD880  }
0x9e: {  	[tilespmem:s3], [sflag:$0x3] =	stream.linear.gather [hbm4b:s15+s3], $0x1400, $0x38;
	[tilespmem:$0x1E400] =	vst v63  }
0x9f: {  	_ =	swait.ge [sflag:s19], $0x1400  }
0xa0: {  	[sflag:s19] =	ssyncset.done $0x0  }
0xa1: {  	[sflag:s19] =	ssyncadd.s32 $0xFFFFEC00  }
0xa2: {  	[tilespmem:s20], [sflag:$0x3] =	stream.linear.gather [hbm4b:s16+s3], $0x1400, $0x38;
	[tilespmem:$0x1E400] =	vst v63  }
0xa3: {  	_ =	swait.ge [sflag:s19], $0x1400  }
0xa4: {  	[sflag:s19] =	ssyncset.done $0x0  }
0xa5: {  	[sflag:s19] =	ssyncadd.s32 $0xFFFFEC00  }
0xa6: {  	[spmem:s0], [sflag:s31] =	dma.local [hbm:s10], $0x2780  }
0xa7: {  	_ =	swait.ge [sflag:s19], $0x2780  }
0xa8: {  	[sflag:s19] =	ssyncset.done $0x0  }
0xa9: {  	[sflag:s19] =	ssyncadd.s32 $0xFFFFD880  }
0xaa: {  	[bflag:$0x0] =	sbarrier.arrive $0xFFFF  }
0xab: {  	[tilespmem:s22], [sflag:$0x1] =	stream.indirect.gather [hbm4b:s6+s21], $0x80, s3, s21, $0xb8;
	[tilespmem:$0x1E400] =	vst v63  }
0xac: {  	_ = 	snop  }
0xad: {  	[tilespmem:s24], [sflag:$0x2] =	stream.indirect.gather [hbm4b:s6+s21], $0x80, s23, s21, $0xb8;
	[tilespmem:$0x1E400] =	vst v63  }
0xae: {  	_ =	swait.ge [sflag:s25], $0x3E80  }
0xaf: {  	[sflag:s25] =	ssyncset.done $0x0  }
0xb0: {  	s8 =	simm.s32 $0x1400;
	[sflag:s25] =	ssyncadd.s32 $0xFFFFC180  }
0xb1: {  	[spmem:s2] =	stream.indirect.scatter.add.f32 [tilespmem:s22], [sflag:$0x3], $0x80, s8, s21, $0xb8;
	[tilespmem:$0x1E400] =	vst v63  }
0xb2: {  	_ =	swait.ge [sflag:s19], $0x3E80  }
0xb3: {  	[sflag:s19] =	ssyncset.done $0x0  }
0xb4: {  	s7 =	simm.s32 $0x100;
	[sflag:s19] =	ssyncadd.s32 $0xFFFFC180  }
0xb5: {  	[tilespmem:s22], [sflag:$0x1] =	stream.indirect.gather [hbm4b:s6+s21], $0x80, s7, s21, $0xb8;
	[tilespmem:$0x1E400] =	vst v63  }
0xb6: {  	_ =	swait.ge [sflag:s26], $0x3E80  }
0xb7: {  	[sflag:s26] =	ssyncset.done $0x0  }
0xb8: {  	s8 =	simm.s32 $0x1480;
	[sflag:s26] =	ssyncadd.s32 $0xFFFFC180  }
0xb9: {  	[spmem:s2] =	stream.indirect.scatter.add.f32 [tilespmem:s24], [sflag:$0x3], $0x80, s8, s21, $0xb8;
	[tilespmem:$0x1E400] =	vst v63  }
0xba: {  	_ =	swait.ge [sflag:s19], $0x3E80  }
0xbb: {  	[sflag:s19] =	ssyncset.done $0x0  }
0xbc: {  	s3 =	simm.s32 $0x400;
	s7 =	simm.s32 $0x180;
	[sflag:s19] =	ssyncadd.s32 $0xFFFFC180  }
.LBB2_6:
0xbd: {  	[tilespmem:s24], [sflag:$0x2] =	stream.indirect.gather [hbm4b:s6+s21], $0x80, s7, s21, $0xb8;
	[tilespmem:$0x1E400] =	vst v63  }
0xbe: {  	s7 =	smov.u32 s3  }
0xbf: {  	p0 =	sne.s32 s3, $0x4800;
	s3 =	sadd.s32 $0x400, s3;
	_ =	swait.ge [sflag:s25], $0x3E80  }
0xc0: {  	s7 =	sshra.s32 s7, $0x2;
	[sflag:s25] =	ssyncset.done $0x0  }
0xc1: {  	s8 =	sadd.s32 $0x1400, s7;
	[sflag:s25] =	ssyncadd.s32 $0xFFFFC180  }
0xc2: {  	[spmem:s2] =	stream.indirect.scatter.add.f32 [tilespmem:s22], [sflag:$0x3], $0x80, s8, s21, $0xb8;
	[tilespmem:$0x1E400] =	vst v63  }
0xc3: {  	_ =	swait.ge [sflag:s19], $0x3E80  }
0xc4: {  	[sflag:s19] =	ssyncset.done $0x0  }
0xc5: {  	s8 =	sadd.s32 $0x100, s7;
	[sflag:s19] =	ssyncadd.s32 $0xFFFFC180  }
0xc6: {  	[tilespmem:s22], [sflag:$0x1] =	stream.indirect.gather [hbm4b:s6+s21], $0x80, s8, s21, $0xb8;
	[tilespmem:$0x1E400] =	vst v63  }
0xc7: {  	_ =	swait.ge [sflag:s26], $0x3E80  }
0xc8: {  	[sflag:s26] =	ssyncset.done $0x0  }
.Ltmp2:
0xc9: {  	s8 =	sadd.s32 $0x1480, s7;
	[sflag:s26] =	ssyncadd.s32 $0xFFFFC180;
	(pc) =	sbr.rel @p0 .LBB2_6-.Ltmp2, $4  }
0xca: {  	[spmem:s2] =	stream.indirect.scatter.add.f32 [tilespmem:s24], [sflag:$0x3], $0x80, s8, s21, $0xb8;
	[tilespmem:$0x1E400] =	vst v63  }
0xcb: {  	_ =	swait.ge [sflag:s19], $0x3E80  }
0xcc: {  	[sflag:s19] =	ssyncset.done $0x0  }
0xcd: {  	s7 =	sadd.s32 $0x180, s7;
	[sflag:s19] =	ssyncadd.s32 $0xFFFFC180  }
0xce: {  	[tilespmem:s24], [sflag:$0x2] =	stream.indirect.gather [hbm4b:s6+s21], $0x80, s7, s21, $0xb8;
	[tilespmem:$0x1E400] =	vst v63  }
0xcf: {  	_ =	swait.ge [sflag:s25], $0x3E80  }
0xd0: {  	[sflag:s25] =	ssyncset.done $0x0  }
0xd1: {  	[sflag:s25] =	ssyncadd.s32 $0xFFFFC180  }
0xd2: {  	[spmem:s2] =	stream.indirect.scatter.add.f32 [tilespmem:s22], [sflag:$0x3], $0x80, s28, s21, $0xb8;
	[tilespmem:$0x1E400] =	vst v63  }
0xd3: {  	_ =	swait.ge [sflag:s19], $0x3E80  }
0xd4: {  	[sflag:s19] =	ssyncset.done $0x0  }
0xd5: {  	[sflag:s19] =	ssyncadd.s32 $0xFFFFC180  }
0xd6: {  	_ =	swait.ge [sflag:s26], $0x3E80  }
0xd7: {  	[sflag:s26] =	ssyncset.done $0x0  }
0xd8: {  	[sflag:s26] =	ssyncadd.s32 $0xFFFFC180  }
0xd9: {  	[spmem:s2] =	stream.indirect.scatter.add.f32 [tilespmem:s24], [sflag:$0x3], $0x80, s29, s21, $0xb8;
	[tilespmem:$0x1E400] =	vst v63  }
0xda: {  	_ =	swait.ge [sflag:s19], $0x3E80  }
0xdb: {  	s30 =	sadd.s32 $0x1, s30;
	[sflag:s19] =	ssyncset.done $0x0  }
0xdc: {  	p0 =	sne.s32 s30, s18;
	[sflag:s19] =	ssyncadd.s32 $0xFFFFC180  }
.Ltmp3:
0xdd: {  	[bflag:$0x0] =	sbarrier.arrive $0xFFFF;
	(pc) =	sbr.rel @p0 .LBB2_1-.Ltmp3, $4  }
0xde: {  	[hbm:s17], [sflag:s31] =	dma.local [spmem:s0], $0x2780  }
0xdf: {  	_ =	swait.ge [sflag:s19], $0x2780  }
0xe0: {  	[sflag:s19] =	ssyncset.done $0x0  }
0xe1: {  	[sflag:s19] =	ssyncadd.s32 $0xFFFFD880  }
0xe2: {  	_ =	sfence.sel $0x180000  }
0xe3: {  	[bflag:$0x0] =	sbarrier.arrive $0xFFFF  }
0xe4: {  	_ =	strace $0x9000004D  }
0xe5: {  	s0 =	stileid.u32;
	[bflag:$0x2] =	sbarrier.arrive $0xFFFF  }
0xe6: {  	p0 =	sne.s32 s0, $0x0;
	s0 =	rddreg [dreg:$0x3]  }
0xe7: {  	s0 =	sadd.s32 @!p0 $0x100000, s0  }
0xe8: {  	[sflag:s0] =	ssyncadd.tile.s32 @!p0 $0x1;
	_ =	shalt  }
.Lfunc_end2:
_tile_overlayer_lowered:
.L_overlay_start_2:
0xe9: {  	(tag) =	ssettag $0x2  }
0xea: {  	s0 =	rddreg [dreg:$0x0];
	s2 =	stileid.u32  }
0xeb: {  	s1 =	rddreg [dreg:$0x1];
	p0 =	sne.s32 s2, $0x0  }
0xec: {  	s3 =	rddreg [dreg:$0x2];
	[bflag:$0x3] =	sbarrier.arrive $0xFFFF;
	s2 =	simm.s32 @!p0 $0x1C03  }
0xed: {  	[timem:s3], [sflag:s2] =	dma.local @!p0 [hbm:s0], s1  }
0xee: {  	s0 =	simm.s32 @!p0 $0x3  }
0xef: {  	_ =	swait.ge @!p0 [sflag:s0], s1  }
0xf0: {  	s1 =	ssub.s32 @!p0 $0x0, s1;
	[sflag:s0] =	ssyncset.done @!p0 $0x0  }
0xf1: {  	[sflag:s0] =	ssyncadd.s32 @!p0 s1  }
0xf2: {  	[bflag:$0x3] =	sbarrier.arrive $0xFFFF  }
0xf3: {  	_ =	shalt  }

</sc_bundles>
